<compile_context>
chip_gen: v7x
topology: tpu7x:2x2x1
jax: 0.10.2.dev20260603
libtpu: 0.0.44.dev20260713+nightly
codegen_flags: <defaults>
</compile_context>

<pallas_src>
import functools
import math

import jax
import jax.numpy as jnp
from jax import lax
import jax.experimental.pallas as pl
from jax.experimental.pallas import tpu as pltpu
from jax.experimental.pallas import tpu_sc as plsc

B = 32
KV = 8192
HIDDEN = 2048
Q_LORA = 1536
N_HEAD = 32
HEAD_DIM = 128
ROPE_DIM = 64
TOPK = 2048
QDIM = N_HEAD * HEAD_DIM
CK = 8192
INV_SQRT_D = 1.0 / math.sqrt(float(HEAD_DIM))
NEG = -1e30

_P = jax.lax.Precision.DEFAULT


def _dot(a, b):
    return jax.lax.dot_general(a, b, (((1,), (0,)), ((), ())),
                               preferred_element_type=jnp.float32, precision=_P)


def _dot_t(a, b):
    return jax.lax.dot_general(a, b, (((1,), (1,)), ((), ())),
                               preferred_element_type=jnp.float32, precision=_P)


def _prologue_body(qr_ref, wqb_ref, hid_ref, wk_ref, g_ref, be_ref, ww_ref,
                   bw_ref, cq_ref, sq_ref, ck_ref, sk_ref, e_ref, s_ref,
                   q_out, k_out, w_out, fix_out):
    q2 = _dot(qr_ref[...], wqb_ref[...])
    lane_q = jax.lax.broadcasted_iota(jnp.int32, (B, QDIM), 1) % HEAD_DIM
    rot_q = jnp.where(lane_q < 32, -pltpu.roll(q2, QDIM - 32, 1),
                      pltpu.roll(q2, 32, 1))
    q2 = q2 * cq_ref[...] + rot_q * sq_ref[...]
    q_out[...] = q2

    kp = _dot(hid_ref[...], wk_ref[...])
    mu = jnp.mean(kp, axis=1, keepdims=True)
    var = jnp.mean((kp - mu) ** 2, axis=1, keepdims=True)
    kn = (kp - mu) / jnp.sqrt(var + 1e-6) * g_ref[...] + be_ref[...]
    lane_k = jax.lax.broadcasted_iota(jnp.int32, (B, HEAD_DIM), 1)
    rot_k = jnp.where(lane_k < 32, -pltpu.roll(kn, HEAD_DIM - 32, 1),
                      pltpu.roll(kn, 32, 1))
    kn = kn * ck_ref[...] + rot_k * sk_ref[...]
    k_out[...] = kn

    w = _dot(hid_ref[...], ww_ref[...]) + bw_ref[...]
    w_out[...] = w

    qsel = _dot(e_ref[...], q2)
    knb = kn.astype(jnp.bfloat16).astype(jnp.float32)
    ktile = jnp.tile(knb, (1, N_HEAD))
    l32 = jax.lax.dot_general(qsel * ktile, s_ref[...],
                              (((1,), (0,)), ((), ())),
                              preferred_element_type=jnp.float32,
                              precision=jax.lax.Precision.HIGHEST) * INV_SQRT_D
    wsel = _dot(e_ref[...], w)
    r32 = jnp.maximum(l32, 0.0).astype(jnp.bfloat16).astype(jnp.float32)
    fix_out[...] = jnp.sum(wsel * r32, axis=1, keepdims=True)


def _run_prologue(qr, Wq_b, hidden, Wk, gamma, beta, W_weights, b_weights,
                  cos, sin, slot_b):
    cq = jnp.tile(jnp.concatenate([cos, jnp.ones((B, ROPE_DIM), jnp.float32)],
                                  axis=1), (1, N_HEAD))
    sq = jnp.tile(jnp.concatenate([sin, jnp.zeros((B, ROPE_DIM), jnp.float32)],
                                  axis=1), (1, N_HEAD))
    ck = jnp.concatenate([cos, jnp.ones((B, ROPE_DIM), jnp.float32)], axis=1)
    sk = jnp.concatenate([sin, jnp.zeros((B, ROPE_DIM), jnp.float32)], axis=1)
    e = (slot_b[:, None] == jnp.arange(B, dtype=jnp.int32)[None, :])
    e = e.astype(jnp.float32)
    s = (jnp.arange(QDIM, dtype=jnp.int32)[:, None] // HEAD_DIM
         == jnp.arange(N_HEAD, dtype=jnp.int32)[None, :]).astype(jnp.float32)
    return pl.pallas_call(
        _prologue_body,
        out_shape=(
            jax.ShapeDtypeStruct((B, QDIM), jnp.float32),
            jax.ShapeDtypeStruct((B, HEAD_DIM), jnp.float32),
            jax.ShapeDtypeStruct((B, N_HEAD), jnp.float32),
            jax.ShapeDtypeStruct((B, 1), jnp.float32),
        ),
    )(qr, Wq_b, hidden, Wk, gamma.reshape(1, HEAD_DIM),
      beta.reshape(1, HEAD_DIM), W_weights, b_weights.reshape(1, N_HEAD),
      cq, sq, ck, sk, e, s)


def _score_body_off(b0, q_ref, cache_ref, w_ref, seq_ref, out_ref):
    b = pl.program_id(0)
    c = pl.program_id(1)
    l = _dot_t(q_ref[...], cache_ref[...]) * INV_SQRT_D
    r = jnp.maximum(l, 0.0)
    s = _dot(w_ref[0], r)
    pos = c * CK + jax.lax.broadcasted_iota(jnp.int32, (1, CK), 1)
    out_ref[0] = jnp.where(pos < seq_ref[b0 + b], s, NEG)


def _run_score(q_flat, kv_cache, w, seq_lens, b0, nb):
    nc = KV // CK
    out = pl.pallas_call(
        functools.partial(_score_body_off, b0),
        grid=(nb, nc),
        in_specs=[
            pl.BlockSpec((N_HEAD, HEAD_DIM), lambda b, c: (b0 + b, 0)),
            pl.BlockSpec((CK, HEAD_DIM),
                         lambda b, c: ((b0 + b) * (KV // CK) + c, 0)),
            pl.BlockSpec((1, 1, N_HEAD), lambda b, c: (b0 + b, 0, 0)),
            pl.BlockSpec((B,), lambda b, c: (0,),
                         memory_space=pltpu.SMEM),
        ],
        out_specs=pl.BlockSpec((1, 1, CK), lambda b, c: (b * (KV // CK) + c, 0, 0)),
        out_shape=jax.ShapeDtypeStruct((nb * nc, 1, CK), jnp.float32),
    )(q_flat, kv_cache, w.reshape(B, 1, N_HEAD), seq_lens)
    return out.reshape(nb, KV)


_NCHUNK = KV // 16
_OCHUNK = TOPK // 16
_NBIN = 256
_SELCAP = KV + 16

@functools.lru_cache(maxsize=4)
def _get_sc_topk(r0, nrows):
    mesh = plsc.VectorSubcoreMesh(core_axis_name="c", subcore_axis_name="s",
                                  num_cores=2, num_subcores=16)
    return functools.partial(
        pl.kernel,
        out_type=(jax.ShapeDtypeStruct((nrows, TOPK), jnp.float32),
                  jax.ShapeDtypeStruct((nrows, TOPK), jnp.int32)),
        mesh=mesh,
        scratch_types=[
        pltpu.VMEM((KV,), jnp.float32),
        pltpu.VMEM((KV,), jnp.int32),
        pltpu.VMEM((_SELCAP,), jnp.int32),
        pltpu.VMEM((_SELCAP,), jnp.int32),
        pltpu.VMEM((_SELCAP,), jnp.int32),
        pltpu.VMEM((_SELCAP,), jnp.int32),
        pltpu.VMEM((TOPK,), jnp.float32),
        pltpu.VMEM((_NBIN,), jnp.int32),
        pltpu.VMEM((_NBIN,), jnp.int32),
        pltpu.VMEM((16,), jnp.int32),
        pltpu.VMEM((B,), jnp.int32),
        pltpu.VMEM((B,), jnp.int32),
        pltpu.VMEM((B,), jnp.float32),
            pltpu.VMEM((B,), jnp.int32),
        ],
        compiler_params=pltpu.CompilerParams(needs_layout_passes=False),
    )(functools.partial(_sc_topk_body, r0, nrows))


def _sc_topk_body(r0, nrows, score_hbm, sb_hbm, sp_hbm, fix_hbm, seq_hbm,
             tv_hbm, ti_hbm,
             row, keys, sel_ka, sel_kb, sel_ia, sel_ib, vals, hist, pref,
             buf16, sbv, spv, fxv, sqv):
    wid = lax.axis_index("s") * 2 + lax.axis_index("c")

    @pl.when(wid < nrows)
    def _row_work():
        _sc_topk_row(r0, wid, score_hbm, sb_hbm, sp_hbm, fix_hbm, seq_hbm,
                     tv_hbm, ti_hbm, row, keys, sel_ka, sel_kb, sel_ia,
                     sel_ib, vals, hist, pref, buf16, sbv, spv, fxv, sqv)


def _sc_topk_row(r0, wid, score_hbm, sb_hbm, sp_hbm, fix_hbm, seq_hbm,
             tv_hbm, ti_hbm,
             row, keys, sel_ka, sel_kb, sel_ia, sel_ib, vals, hist, pref,
             buf16, sbv, spv, fxv, sqv):
    pltpu.sync_copy(score_hbm.at[wid], row)
    pltpu.sync_copy(sb_hbm, sbv)
    pltpu.sync_copy(sp_hbm, spv)
    pltpu.sync_copy(fix_hbm, fxv)
    pltpu.sync_copy(seq_hbm, sqv)

    iota16 = lax.iota(jnp.int32, 16)
    zeros16 = jnp.zeros((16,), jnp.int32)
    last16 = jnp.full((16,), 15, jnp.int32)
    grow_vec = jnp.full((16,), r0 + wid, jnp.int32)

    seq_r = plsc.load_gather(sqv, [grow_vec])
    for c2 in range(B // 16):
        sl = pl.ds(c2 * 16, 16)
        sp_c = spv[sl]
        m = (sbv[sl] == grow_vec) & (sp_c < seq_r)
        plsc.store_scatter(row, [sp_c], fxv[sl], mask=m)

    def _zero_hist():
        for t in range(_NBIN // 16):
            hist[pl.ds(t * 16, 16)] = zeros16

    def _prefix_hist():
        carry = zeros16
        for t in range(_NBIN // 16):
            sl = pl.ds(t * 16, 16)
            cs = plsc.cumsum(hist[sl]) + carry
            pref[sl] = cs
            buf16[...] = cs
            carry = plsc.load_gather(buf16, [last16])

    def _find_cut(target_vec):
        cut = jnp.int32(_NBIN - 1)
        for t in range(_NBIN // 16):
            sl = pl.ds(t * 16, 16)
            found = pref[sl] >= target_vec
            cand = jnp.where(found, t * 16 + iota16, _NBIN)
            cut = jnp.minimum(cut, jnp.min(cand))
        cut_vec = jnp.full((16,), cut, jnp.int32)
        below = plsc.load_gather(pref, [jnp.maximum(cut_vec - 1, 0)])
        below = jnp.where(cut_vec == 0, 0, below)
        return cut_vec, below

    _zero_hist()

    @plsc.parallel_loop(0, _NCHUNK, unroll=4)
    def _build(j):
        o = pl.multiple_of(j * 16, 16)
        sl = pl.ds(o, 16)
        u = plsc.bitcast(row[sl], jnp.uint32)
        neg = (u >> jnp.uint32(31)) == jnp.uint32(1)
        dk = jnp.where(neg, u, (~u) & jnp.uint32(0x7FFFFFFF))
        k = plsc.bitcast(dk, jnp.int32)
        keys[sl] = k
        d = lax.shift_right_logical(k, 24)
        cnt, lastm = plsc.scan_count(d)
        plsc.addupdate_scatter(hist, [d], cnt, mask=lastm)
    _prefix_hist()
    target = jnp.full((16,), TOPK, jnp.int32)
    cut1, below1 = _find_cut(target)

    _zero_hist()

    @plsc.parallel_loop(0, _NCHUNK, unroll=4)
    def _hist2(j):
        o = pl.multiple_of(j * 16, 16)
        k = keys[pl.ds(o, 16)]
        m = lax.shift_right_logical(k, 24) == cut1
        d = lax.shift_right_logical(k, 16) & 255
        cnt, lastm = plsc.scan_count(d, mask=m)
        plsc.addupdate_scatter(hist, [d], cnt, mask=lastm)
    _prefix_hist()
    cut2, _ = _find_cut(target - below1)
    sel16 = cut1 * 256 + cut2

    def _compact(j, ctr):
        o = pl.multiple_of(j * 16, 16)
        k = keys[pl.ds(o, 16)]
        m = lax.shift_right_logical(k, 16) <= sel16
        cs = plsc.cumsum(m.astype(jnp.int32))
        pos = ctr + cs - 1
        plsc.store_scatter(sel_kb, [pos], k, mask=m)
        plsc.store_scatter(sel_ib, [pos], j * 16 + iota16, mask=m)
        return ctr + plsc.all_reduce_population_count(m)

    s_vec = lax.fori_loop(0, _NCHUNK, _compact, zeros16)
    pad_pos = s_vec + iota16
    plsc.store_scatter(sel_kb, [pad_pos], jnp.full((16,), -1, jnp.int32),
                       mask=pad_pos < _SELCAP)
    s = jnp.max(s_vec)
    nch = lax.shift_right_logical(s + 15, 4)

    for p in range(4):
        src_k, dst_k = (sel_kb, sel_ka) if p % 2 == 0 else (sel_ka, sel_kb)
        src_i, dst_i = (sel_ib, sel_ia) if p % 2 == 0 else (sel_ia, sel_ib)
        shift = jnp.int32(8 * p)

        _zero_hist()

        @plsc.parallel_loop(0, nch, unroll=4)
        def _hist(j):
            o = pl.multiple_of(j * 16, 16)
            d = lax.shift_right_logical(src_k[pl.ds(o, 16)], shift) & 255
            cnt, lastm = plsc.scan_count(d)
            plsc.addupdate_scatter(hist, [d], cnt, mask=lastm)

        carry = zeros16
        for t in range(_NBIN // 16):
            sl = pl.ds(t * 16, 16)
            h = hist[sl]
            cs = plsc.cumsum(h)
            hist[sl] = cs - h + carry
            buf16[...] = cs
            carry = carry + plsc.load_gather(buf16, [last16])

        def _perm(j, _):
            o = pl.multiple_of(j * 16, 16)
            sl = pl.ds(o, 16)
            k = src_k[sl]
            v = src_i[sl]
            d = lax.shift_right_logical(k, shift) & 255
            cnt, lastm = plsc.scan_count(d)
            base = plsc.load_gather(hist, [d])
            pos = base + cnt - 1
            plsc.store_scatter(dst_k, [pos], k)
            plsc.store_scatter(dst_i, [pos], v)
            plsc.addupdate_scatter(hist, [d], cnt, mask=lastm)
            return 0

        lax.fori_loop(0, nch, _perm, 0)

    @plsc.parallel_loop(0, _OCHUNK, unroll=4)
    def _out(j):
        o = pl.multiple_of(j * 16, 16)
        sl = pl.ds(o, 16)
        vals[sl] = plsc.load_gather(row, [sel_ib[sl]])
    pltpu.sync_copy(vals, tv_hbm.at[wid])
    pltpu.sync_copy(sel_ib.at[pl.ds(0, TOPK)], ti_hbm.at[wid])


def kernel(hidden_states, qr, cos, sin, kv_cache, slot_mapping, seq_lens,
           Wq_b, Wk, k_norm_gamma, k_norm_beta, W_weights, b_weights):
    slot_b = (slot_mapping // KV).astype(jnp.int32)
    slot_p = (slot_mapping % KV).astype(jnp.int32)

    q2, k_new, w, fix = _run_prologue(qr, Wq_b, hidden_states, Wk,
                                      k_norm_gamma, k_norm_beta, W_weights,
                                      b_weights, cos, sin, slot_b)
    q_flat = q2.reshape(B, N_HEAD, HEAD_DIM).reshape(B * N_HEAD, HEAD_DIM)
    fixv = fix.reshape(B)
    score = _run_score(q_flat, kv_cache, w, seq_lens, 0, B)
    top_vals, top_idx = _get_sc_topk(0, B)(score, slot_b, slot_p, fixv,
                                           seq_lens)
    return top_vals, top_idx, k_new

# --- scband reference (transcript-rebuilt; emitter-appended) ---
"""Pipeline reference for scband-indexer-61890478735734 (READ-ONLY COPY).

The authoritative reference and input builder live on the scoring server;
editing this copy changes nothing except your own understanding.
"""

import jax, jax.numpy as jnp
import numpy as np

B = 32
KV = 8192
HIDDEN = 2048
Q_LORA = 1536
N_HEAD = 32
HEAD_DIM = 128
ROPE_DIM = 64
TOPK = 2048


def rotate_half(x):
    x1, x2 = jnp.split(x, 2, axis=-1)
    return jnp.concatenate([-x2, x1], axis=-1)


def setup_inputs(seed: int = 0) -> dict:
    key = jax.random.key(seed)
    ks = jax.random.split(key, 12)
    hidden_states = jax.random.normal(ks[0], (B, HIDDEN), dtype=jnp.float32)
    qr = jax.random.normal(ks[1], (B, Q_LORA), dtype=jnp.float32)
    cos = jax.random.uniform(ks[2], (B, ROPE_DIM), dtype=jnp.float32)
    sin = jax.random.uniform(ks[3], (B, ROPE_DIM), dtype=jnp.float32)
    kv_cache = jax.random.normal(ks[4], (B * KV, HEAD_DIM), dtype=jnp.float32)
    slot_mapping = jax.random.randint(ks[5], (B,), 0, B * KV, dtype=jnp.int32)
    seq_lens = jax.random.randint(ks[6], (B,), TOPK, KV, dtype=jnp.int32)
    Wq_b = jax.random.normal(ks[7], (Q_LORA, N_HEAD * HEAD_DIM), dtype=jnp.float32) * 0.02
    Wk = jax.random.normal(ks[8], (HIDDEN, HEAD_DIM), dtype=jnp.float32) * 0.02
    k_norm_gamma = jnp.ones((HEAD_DIM,), dtype=jnp.float32)
    k_norm_beta = jnp.zeros((HEAD_DIM,), dtype=jnp.float32)
    W_weights = jax.random.normal(ks[9], (HIDDEN, N_HEAD), dtype=jnp.float32) * 0.02
    b_weights = jnp.zeros((N_HEAD,), dtype=jnp.float32)
    return {
        'hidden_states': hidden_states, 'qr': qr, 'cos': cos, 'sin': sin,
        'kv_cache': kv_cache, 'slot_mapping': slot_mapping, 'seq_lens': seq_lens,
        'Wq_b': Wq_b, 'Wk': Wk, 'k_norm_gamma': k_norm_gamma, 'k_norm_beta': k_norm_beta,
        'W_weights': W_weights, 'b_weights': b_weights,
    }


def reference(hidden_states, qr, cos, sin, kv_cache, slot_mapping, seq_lens,
              Wq_b, Wk, k_norm_gamma, k_norm_beta, W_weights, b_weights):
    # q projection from low-rank query latent
    q = qr @ Wq_b
    q = q.reshape(-1, N_HEAD, HEAD_DIM)
    q_pe, q_nope = q[..., :ROPE_DIM], q[..., ROPE_DIM:]
    c = cos[:, None, :]
    s = sin[:, None, :]
    q_pe = q_pe * c + rotate_half(q_pe) * s
    q = jnp.concatenate([q_pe, q_nope], axis=-1)  # [T, n_head, head_dim]

    # k projection + layernorm
    k = hidden_states @ Wk
    mu = jnp.mean(k, axis=-1, keepdims=True)
    var = jnp.var(k, axis=-1, keepdims=True)
    k = (k - mu) / jnp.sqrt(var + 1e-6) * k_norm_gamma + k_norm_beta
    k_pe, k_nope = k[:, :ROPE_DIM], k[:, ROPE_DIM:]
    k_pe = k_pe * cos + rotate_half(k_pe) * sin
    k = jnp.concatenate([k_pe, k_nope], axis=-1)  # [T, head_dim]

    # scatter-overwrite new keys into paged cache (npu_scatter_nd_update_)
    cache = kv_cache.at[slot_mapping].set(k)

    # per-head indexer weights
    weights = hidden_states @ W_weights + b_weights  # [T, n_head]

    # lightning indexer: ReLU-weighted per-head dot products against full KV cache
    cache_b = cache.reshape(B, KV, HEAD_DIM)
    logits = jnp.einsum('bhd,bkd->bhk', q, cache_b) / jnp.sqrt(float(HEAD_DIM))
    score = jnp.einsum('bh,bhk->bk', weights, jax.nn.relu(logits))  # [B, KV]
    pos = jnp.arange(KV)[None, :]
    score = jnp.where(pos < seq_lens[:, None], score, -1e30)
    top_vals, top_idx = jax.lax.top_k(score, TOPK)
    return top_vals, top_idx, k

if __name__ == "__main__":
    import jax
    _d = setup_inputs()
    print(jax.jit(kernel)(*tuple(_d.values())))

</pallas_src>

<mosaic_0001>
#map = affine_map<(d0, d1) -> (0, 0)>
#map1 = affine_map<(d0, d1) -> (0)>
module attributes {stable_mosaic.version = 14 : i64} {
  func.func @_sc_topk_body(%arg0: i32, %arg1: i32, %arg2: memref<32x8192xf32, #tpu.memory_space<hbm>>, %arg3: memref<32xi32, #tpu.memory_space<hbm>>, %arg4: memref<32xi32, #tpu.memory_space<hbm>>, %arg5: memref<32xf32, #tpu.memory_space<hbm>>, %arg6: memref<32xi32, #tpu.memory_space<hbm>>, %arg7: memref<32x2048xf32, #tpu.memory_space<hbm>>, %arg8: memref<32x2048xi32, #tpu.memory_space<hbm>>, %arg9: memref<8192xf32, #tpu.memory_space<vmem>>, %arg10: memref<8192xi32, #tpu.memory_space<vmem>>, %arg11: memref<8208xi32, #tpu.memory_space<vmem>>, %arg12: memref<8208xi32, #tpu.memory_space<vmem>>, %arg13: memref<8208xi32, #tpu.memory_space<vmem>>, %arg14: memref<8208xi32, #tpu.memory_space<vmem>>, %arg15: memref<2048xf32, #tpu.memory_space<vmem>>, %arg16: memref<256xi32, #tpu.memory_space<vmem>>, %arg17: memref<256xi32, #tpu.memory_space<vmem>>, %arg18: memref<16xi32, #tpu.memory_space<vmem>>, %arg19: memref<32xi32, #tpu.memory_space<vmem>>, %arg20: memref<32xi32, #tpu.memory_space<vmem>>, %arg21: memref<32xf32, #tpu.memory_space<vmem>>, %arg22: memref<32xi32, #tpu.memory_space<vmem>>) attributes {dimension_semantics = [#tpu.dimension_semantics<core_parallel>, #tpu.dimension_semantics<subcore_parallel>], iteration_bounds = array<i64: 2, 16>, scalar_prefetch = 0 : i64, scratch_operands = 14 : i64, tpu.core_type = #tpu.core_type<sc_vector_subcore>, window_params = [{transform_indices = #map}, {transform_indices = #map1}, {transform_indices = #map1}, {transform_indices = #map1}, {transform_indices = #map1}, {transform_indices = #map}, {transform_indices = #map}]} {
    %mul3A = arith.constant 2 : i32
    %mul3A_0 = arith.muli %arg1, %mul3A : i32
    %add3A = arith.addi %mul3A_0, %arg0 : i32
    %lt3A = arith.constant 32 : i32
    %lt3A_1 = arith.cmpi slt, %add3A, %lt3A : i32
    %convert_element_type3A = arith.extui %lt3A_1 : i1 to i32
    %cond3A = arith.constant 0 : i32
    %cond3A_2 = arith.cmpi ne, %convert_element_type3A, %cond3A : i32
    scf.if %cond3A_2 {
      "tpu.region"() ({
        %run_scoped3A = tpu.sem_alloc : memref<!tpu.dma_semaphore, #tpu.memory_space<semaphore_mem>>
        %dma_start3A = arith.constant 0 : i32
        %dma_start3A_2096 = tpu.memref_slice %arg2[%add3A, %dma_start3A] : memref<32x8192xf32, #tpu.memory_space<hbm>> -> memref<1x8192xf32, #tpu.memory_space<hbm>>
        %dma_start3A_2097 = tpu.memref_squeeze %dma_start3A_2096 : memref<1x8192xf32, #tpu.memory_space<hbm>> -> memref<8192xf32, #tpu.memory_space<hbm>>
        %dma_start3A_2098 = arith.constant 0 : i32
        %dma_start3A_2099 = tpu.memref_slice %arg2[%add3A, %dma_start3A_2098] : memref<32x8192xf32, #tpu.memory_space<hbm>> -> memref<1x8192xf32, #tpu.memory_space<hbm>>
        %dma_start3A_2100 = tpu.memref_squeeze %dma_start3A_2099 : memref<1x8192xf32, #tpu.memory_space<hbm>> -> memref<8192xf32, #tpu.memory_space<hbm>>
        tpu.enqueue_dma source(%dma_start3A_2100 : memref<8192xf32, #tpu.memory_space<hbm>>) target(%arg9 : memref<8192xf32, #tpu.memory_space<vmem>>) target_semaphore(%run_scoped3A : memref<!tpu.dma_semaphore, #tpu.memory_space<semaphore_mem>>)
        %dma_wait3A = arith.constant 0 : i32
        %dma_wait3A_2101 = tpu.memref_slice %arg2[%add3A, %dma_wait3A] : memref<32x8192xf32, #tpu.memory_space<hbm>> -> memref<1x8192xf32, #tpu.memory_space<hbm>>
        %dma_wait3A_2102 = tpu.memref_squeeze %dma_wait3A_2101 : memref<1x8192xf32, #tpu.memory_space<hbm>> -> memref<8192xf32, #tpu.memory_space<hbm>>
        %dma_wait3A_2103 = arith.constant 0 : i32
        %dma_wait3A_2104 = tpu.memref_slice %arg2[%add3A, %dma_wait3A_2103] : memref<32x8192xf32, #tpu.memory_space<hbm>> -> memref<1x8192xf32, #tpu.memory_space<hbm>>
        %dma_wait3A_2105 = tpu.memref_squeeze %dma_wait3A_2104 : memref<1x8192xf32, #tpu.memory_space<hbm>> -> memref<8192xf32, #tpu.memory_space<hbm>>
        tpu.wait_dma2 semaphore(%run_scoped3A : memref<!tpu.dma_semaphore, #tpu.memory_space<semaphore_mem>>) src(%dma_wait3A_2105 : memref<8192xf32, #tpu.memory_space<hbm>>) dst(%arg9 : memref<8192xf32, #tpu.memory_space<vmem>>)
        tpu.yield
      }) : () -> ()
      "tpu.region"() ({
        %run_scoped3A = tpu.sem_alloc : memref<!tpu.dma_semaphore, #tpu.memory_space<semaphore_mem>>
        tpu.enqueue_dma source(%arg3 : memref<32xi32, #tpu.memory_space<hbm>>) target(%arg19 : memref<32xi32, #tpu.memory_space<vmem>>) target_semaphore(%run_scoped3A : memref<!tpu.dma_semaphore, #tpu.memory_space<semaphore_mem>>)
        tpu.wait_dma2 semaphore(%run_scoped3A : memref<!tpu.dma_semaphore, #tpu.memory_space<semaphore_mem>>) src(%arg3 : memref<32xi32, #tpu.memory_space<hbm>>) dst(%arg19 : memref<32xi32, #tpu.memory_space<vmem>>)
        tpu.yield
      }) : () -> ()
      "tpu.region"() ({
        %run_scoped3A = tpu.sem_alloc : memref<!tpu.dma_semaphore, #tpu.memory_space<semaphore_mem>>
        tpu.enqueue_dma source(%arg4 : memref<32xi32, #tpu.memory_space<hbm>>) target(%arg20 : memref<32xi32, #tpu.memory_space<vmem>>) target_semaphore(%run_scoped3A : memref<!tpu.dma_semaphore, #tpu.memory_space<semaphore_mem>>)
        tpu.wait_dma2 semaphore(%run_scoped3A : memref<!tpu.dma_semaphore, #tpu.memory_space<semaphore_mem>>) src(%arg4 : memref<32xi32, #tpu.memory_space<hbm>>) dst(%arg20 : memref<32xi32, #tpu.memory_space<vmem>>)
        tpu.yield
      }) : () -> ()
      "tpu.region"() ({
        %run_scoped3A = tpu.sem_alloc : memref<!tpu.dma_semaphore, #tpu.memory_space<semaphore_mem>>
        tpu.enqueue_dma source(%arg5 : memref<32xf32, #tpu.memory_space<hbm>>) target(%arg21 : memref<32xf32, #tpu.memory_space<vmem>>) target_semaphore(%run_scoped3A : memref<!tpu.dma_semaphore, #tpu.memory_space<semaphore_mem>>)
        tpu.wait_dma2 semaphore(%run_scoped3A : memref<!tpu.dma_semaphore, #tpu.memory_space<semaphore_mem>>) src(%arg5 : memref<32xf32, #tpu.memory_space<hbm>>) dst(%arg21 : memref<32xf32, #tpu.memory_space<vmem>>)
        tpu.yield
      }) : () -> ()
      "tpu.region"() ({
        %run_scoped3A = tpu.sem_alloc : memref<!tpu.dma_semaphore, #tpu.memory_space<semaphore_mem>>
        tpu.enqueue_dma source(%arg6 : memref<32xi32, #tpu.memory_space<hbm>>) target(%arg22 : memref<32xi32, #tpu.memory_space<vmem>>) target_semaphore(%run_scoped3A : memref<!tpu.dma_semaphore, #tpu.memory_space<semaphore_mem>>)
        tpu.wait_dma2 semaphore(%run_scoped3A : memref<!tpu.dma_semaphore, #tpu.memory_space<semaphore_mem>>) src(%arg6 : memref<32xi32, #tpu.memory_space<hbm>>) dst(%arg22 : memref<32xi32, #tpu.memory_space<vmem>>)
        tpu.yield
      }) : () -> ()
      %iota3A = tpu.iota {dimensions = array<i32: 0>} : vector<16xi32>
      %broadcast_in_dim3A = arith.constant 0 : i32
      %broadcast_in_dim3A_3 = vector.broadcast %broadcast_in_dim3A : i32 to vector<16xi32>
      %broadcast_in_dim3A_4 = arith.constant 15 : i32
      %broadcast_in_dim3A_5 = vector.broadcast %broadcast_in_dim3A_4 : i32 to vector<16xi32>
      %add3A_6 = arith.constant 0 : i32
      %add3A_7 = arith.addi %add3A_6, %add3A : i32
      %broadcast_in_dim3A_8 = vector.broadcast %add3A_7 : i32 to vector<16xi32>
      %gather3A = tpu.vector_load_idx %arg22[%broadcast_in_dim3A_8] : memref<32xi32, #tpu.memory_space<vmem>>[vector<16xi32>], vector<16xi32>,
      %get3A = arith.constant 0 : index
      %get3A_9 = tpu.vector_load %arg20[%get3A] {strides = array<i32>} : memref<32xi32, #tpu.memory_space<vmem>>, vector<16xi32>,
      %get3A_10 = arith.constant 0 : index
      %get3A_11 = tpu.vector_load %arg19[%get3A_10] {strides = array<i32>} : memref<32xi32, #tpu.memory_space<vmem>>, vector<16xi32>,
      %eq3A = arith.cmpi eq, %get3A_11, %broadcast_in_dim3A_8 : vector<16xi32>
      %lt3A_12 = arith.cmpi slt, %get3A_9, %gather3A : vector<16xi32>
      %and3A = arith.andi %eq3A, %lt3A_12 : vector<16xi1>
      %get3A_13 = arith.constant 0 : index
      %get3A_14 = tpu.vector_load %arg21[%get3A_13] {strides = array<i32>} : memref<32xf32, #tpu.memory_space<vmem>>, vector<16xf32>,
      tpu.vector_store_idx %arg9[%get3A_9], %get3A_14 masked %and3A : memref<8192xf32, #tpu.memory_space<vmem>>[vector<16xi32>], vector<16xf32>, vector<16xi1>
      %get3A_15 = arith.constant 16 : index
      %get3A_16 = tpu.vector_load %arg20[%get3A_15] {strides = array<i32>} : memref<32xi32, #tpu.memory_space<vmem>>, vector<16xi32>,
      %get3A_17 = arith.constant 16 : index
      %get3A_18 = tpu.vector_load %arg19[%get3A_17] {strides = array<i32>} : memref<32xi32, #tpu.memory_space<vmem>>, vector<16xi32>,
      %eq3A_19 = arith.cmpi eq, %get3A_18, %broadcast_in_dim3A_8 : vector<16xi32>
      %lt3A_20 = arith.cmpi slt, %get3A_16, %gather3A : vector<16xi32>
      %and3A_21 = arith.andi %eq3A_19, %lt3A_20 : vector<16xi1>
      %get3A_22 = arith.constant 16 : index
      %get3A_23 = tpu.vector_load %arg21[%get3A_22] {strides = array<i32>} : memref<32xf32, #tpu.memory_space<vmem>>, vector<16xf32>,
      tpu.vector_store_idx %arg9[%get3A_16], %get3A_23 masked %and3A_21 : memref<8192xf32, #tpu.memory_space<vmem>>[vector<16xi32>], vector<16xf32>, vector<16xi1>
      %swap3A = arith.constant 0 : index
      %swap3A_24 = tpu.vector_load %arg16[%swap3A] {strides = array<i32>} : memref<256xi32, #tpu.memory_space<vmem>>, vector<16xi32>,
      tpu.vector_store %arg16[%swap3A], %broadcast_in_dim3A_3 {strides = array<i32>} : memref<256xi32, #tpu.memory_space<vmem>>, vector<16xi32>,
      %swap3A_25 = arith.constant 16 : index
      %swap3A_26 = tpu.vector_load %arg16[%swap3A_25] {strides = array<i32>} : memref<256xi32, #tpu.memory_space<vmem>>, vector<16xi32>,
      tpu.vector_store %arg16[%swap3A_25], %broadcast_in_dim3A_3 {strides = array<i32>} : memref<256xi32, #tpu.memory_space<vmem>>, vector<16xi32>,
      %swap3A_27 = arith.constant 32 : index
      %swap3A_28 = tpu.vector_load %arg16[%swap3A_27] {strides = array<i32>} : memref<256xi32, #tpu.memory_space<vmem>>, vector<16xi32>,
      tpu.vector_store %arg16[%swap3A_27], %broadcast_in_dim3A_3 {strides = array<i32>} : memref<256xi32, #tpu.memory_space<vmem>>, vector<16xi32>,
      %swap3A_29 = arith.constant 48 : index
      %swap3A_30 = tpu.vector_load %arg16[%swap3A_29] {strides = array<i32>} : memref<256xi32, #tpu.memory_space<vmem>>, vector<16xi32>,
      tpu.vector_store %arg16[%swap3A_29], %broadcast_in_dim3A_3 {strides = array<i32>} : memref<256xi32, #tpu.memory_space<vmem>>, vector<16xi32>,
      %swap3A_31 = arith.constant 64 : index
      %swap3A_32 = tpu.vector_load %arg16[%swap3A_31] {strides = array<i32>} : memref<256xi32, #tpu.memory_space<vmem>>, vector<16xi32>,
      tpu.vector_store %arg16[%swap3A_31], %broadcast_in_dim3A_3 {strides = array<i32>} : memref<256xi32, #tpu.memory_space<vmem>>, vector<16xi32>,
      %swap3A_33 = arith.constant 80 : index
      %swap3A_34 = tpu.vector_load %arg16[%swap3A_33] {strides = array<i32>} : memref<256xi32, #tpu.memory_space<vmem>>, vector<16xi32>,
      tpu.vector_store %arg16[%swap3A_33], %broadcast_in_dim3A_3 {strides = array<i32>} : memref<256xi32, #tpu.memory_space<vmem>>, vector<16xi32>,
      %swap3A_35 = arith.constant 96 : index
      %swap3A_36 = tpu.vector_load %arg16[%swap3A_35] {strides = array<i32>} : memref<256xi32, #tpu.memory_space<vmem>>, vector<16xi32>,
      tpu.vector_store %arg16[%swap3A_35], %broadcast_in_dim3A_3 {strides = array<i32>} : memref<256xi32, #tpu.memory_space<vmem>>, vector<16xi32>,
      %swap3A_37 = arith.constant 112 : index
      %swap3A_38 = tpu.vector_load %arg16[%swap3A_37] {strides = array<i32>} : memref<256xi32, #tpu.memory_space<vmem>>, vector<16xi32>,
      tpu.vector_store %arg16[%swap3A_37], %broadcast_in_dim3A_3 {strides = array<i32>} : memref<256xi32, #tpu.memory_space<vmem>>, vector<16xi32>,
      %swap3A_39 = arith.constant 128 : index
      %swap3A_40 = tpu.vector_load %arg16[%swap3A_39] {strides = array<i32>} : memref<256xi32, #tpu.memory_space<vmem>>, vector<16xi32>,
      tpu.vector_store %arg16[%swap3A_39], %broadcast_in_dim3A_3 {strides = array<i32>} : memref<256xi32, #tpu.memory_space<vmem>>, vector<16xi32>,
      %swap3A_41 = arith.constant 144 : index
      %swap3A_42 = tpu.vector_load %arg16[%swap3A_41] {strides = array<i32>} : memref<256xi32, #tpu.memory_space<vmem>>, vector<16xi32>,
      tpu.vector_store %arg16[%swap3A_41], %broadcast_in_dim3A_3 {strides = array<i32>} : memref<256xi32, #tpu.memory_space<vmem>>, vector<16xi32>,
      %swap3A_43 = arith.constant 160 : index
      %swap3A_44 = tpu.vector_load %arg16[%swap3A_43] {strides = array<i32>} : memref<256xi32, #tpu.memory_space<vmem>>, vector<16xi32>,
      tpu.vector_store %arg16[%swap3A_43], %broadcast_in_dim3A_3 {strides = array<i32>} : memref<256xi32, #tpu.memory_space<vmem>>, vector<16xi32>,
      %swap3A_45 = arith.constant 176 : index
      %swap3A_46 = tpu.vector_load %arg16[%swap3A_45] {strides = array<i32>} : memref<256xi32, #tpu.memory_space<vmem>>, vector<16xi32>,
      tpu.vector_store %arg16[%swap3A_45], %broadcast_in_dim3A_3 {strides = array<i32>} : memref<256xi32, #tpu.memory_space<vmem>>, vector<16xi32>,
      %swap3A_47 = arith.constant 192 : index
      %swap3A_48 = tpu.vector_load %arg16[%swap3A_47] {strides = array<i32>} : memref<256xi32, #tpu.memory_space<vmem>>, vector<16xi32>,
      tpu.vector_store %arg16[%swap3A_47], %broadcast_in_dim3A_3 {strides = array<i32>} : memref<256xi32, #tpu.memory_space<vmem>>, vector<16xi32>,
      %swap3A_49 = arith.constant 208 : index
      %swap3A_50 = tpu.vector_load %arg16[%swap3A_49] {strides = array<i32>} : memref<256xi32, #tpu.memory_space<vmem>>, vector<16xi32>,
      tpu.vector_store %arg16[%swap3A_49], %broadcast_in_dim3A_3 {strides = array<i32>} : memref<256xi32, #tpu.memory_space<vmem>>, vector<16xi32>,
      %swap3A_51 = arith.constant 224 : index
      %swap3A_52 = tpu.vector_load %arg16[%swap3A_51] {strides = array<i32>} : memref<256xi32, #tpu.memory_space<vmem>>, vector<16xi32>,
      tpu.vector_store %arg16[%swap3A_51], %broadcast_in_dim3A_3 {strides = array<i32>} : memref<256xi32, #tpu.memory_space<vmem>>, vector<16xi32>,
      %swap3A_53 = arith.constant 240 : index
      %swap3A_54 = tpu.vector_load %arg16[%swap3A_53] {strides = array<i32>} : memref<256xi32, #tpu.memory_space<vmem>>, vector<16xi32>,
      tpu.vector_store %arg16[%swap3A_53], %broadcast_in_dim3A_3 {strides = array<i32>} : memref<256xi32, #tpu.memory_space<vmem>>, vector<16xi32>,
      %parallel_loop3A = arith.constant 0 : i32
      %parallel_loop3A_55 = arith.constant 512 : i32
      %parallel_loop3A_56 = arith.constant 1 : i32
      scf.for %parallel_loop3A_2096 = %parallel_loop3A to %parallel_loop3A_55 step %parallel_loop3A_56  : i32 {
        %parallel_loop3A_2097 = arith.constant 16 : i32
        %parallel_loop3A_2098 = arith.muli %parallel_loop3A_2096, %parallel_loop3A_2097 : i32
        %parallel_loop3A_2099 = tpu.assume_multiple %parallel_loop3A_2098, 16 : i32
        %parallel_loop3A_2100 = arith.index_cast %parallel_loop3A_2099 : i32 to index
        %parallel_loop3A_2101 = tpu.vector_load %arg9[%parallel_loop3A_2100] {strides = array<i32>} : memref<8192xf32, #tpu.memory_space<vmem>>, vector<16xf32>,
        %parallel_loop3A_2102 = vector.bitcast %parallel_loop3A_2101 : vector<16xf32> to vector<16xi32>
        %parallel_loop3A_2103 = arith.constant 31 : i32
        %parallel_loop3A_2104 = vector.broadcast %parallel_loop3A_2103 : i32 to vector<16xi32>
        %parallel_loop3A_2105 = arith.shrui %parallel_loop3A_2102, %parallel_loop3A_2104 : vector<16xi32>
        %parallel_loop3A_2106 = arith.constant 1 : i32
        %parallel_loop3A_2107 = vector.broadcast %parallel_loop3A_2106 : i32 to vector<16xi32>
        %parallel_loop3A_2108 = arith.cmpi eq, %parallel_loop3A_2105, %parallel_loop3A_2107 : vector<16xi32>
        %parallel_loop3A_2109 = arith.constant dense<-1> : vector<16xi32>
        %parallel_loop3A_2110 = arith.xori %parallel_loop3A_2102, %parallel_loop3A_2109 : vector<16xi32>
        %parallel_loop3A_2111 = arith.constant 2147483647 : i32
        %parallel_loop3A_2112 = vector.broadcast %parallel_loop3A_2111 : i32 to vector<16xi32>
        %parallel_loop3A_2113 = arith.andi %parallel_loop3A_2110, %parallel_loop3A_2112 : vector<16xi32>
        %parallel_loop3A_2114 = arith.select %parallel_loop3A_2108, %parallel_loop3A_2102, %parallel_loop3A_2113 : vector<16xi1>, vector<16xi32>
        %parallel_loop3A_2115 = vector.bitcast %parallel_loop3A_2114 : vector<16xi32> to vector<16xi32>
        %parallel_loop3A_2116 = arith.index_cast %parallel_loop3A_2099 : i32 to index
        %parallel_loop3A_2117 = tpu.vector_load %arg10[%parallel_loop3A_2116] {strides = array<i32>} : memref<8192xi32, #tpu.memory_space<vmem>>, vector<16xi32>,
        tpu.vector_store %arg10[%parallel_loop3A_2116], %parallel_loop3A_2115 {strides = array<i32>} : memref<8192xi32, #tpu.memory_space<vmem>>, vector<16xi32>,
        %parallel_loop3A_2118 = arith.constant 24 : i32
        %parallel_loop3A_2119 = vector.broadcast %parallel_loop3A_2118 : i32 to vector<16xi32>
        %parallel_loop3A_2120 = arith.shrui %parallel_loop3A_2115, %parallel_loop3A_2119 : vector<16xi32>
        %parallel_loop3A_2121 = arith.constant true
        %parallel_loop3A_2122 = vector.broadcast %parallel_loop3A_2121 : i1 to vector<16xi1>
        %parallel_loop3A_2123, %parallel_loop3A_2124 = tpu.scan_count mask(%parallel_loop3A_2122 : vector<16xi1>) value(%parallel_loop3A_2120 : vector<16xi32>) : vector<16xi1>, vector<16xi32>
        tpu.vector_store_idx %arg16[%parallel_loop3A_2120], %parallel_loop3A_2124 masked %parallel_loop3A_2123 {add = true} : memref<256xi32, #tpu.memory_space<vmem>>[vector<16xi32>], vector<16xi32>, vector<16xi1>
      } {sc.loop_unroll_factor = 4 : i64, sc.parallel_access}
      %get3A_57 = arith.constant 0 : index
      %get3A_58 = tpu.vector_load %arg16[%get3A_57] {strides = array<i32>} : memref<256xi32, #tpu.memory_space<vmem>>, vector<16xi32>,
      %broadcast_in_dim3A_59 = arith.constant true
      %broadcast_in_dim3A_60 = vector.broadcast %broadcast_in_dim3A_59 : i1 to vector<16xi1>
      %masked_cumsum3A = tpu.scan <sum>, %get3A_58 masked %broadcast_in_dim3A_60 : vector<16xi32>, vector<16xi1> -> vector<16xi32>
      %add3A_61 = arith.addi %masked_cumsum3A, %broadcast_in_dim3A_3 : vector<16xi32>
      %swap3A_62 = arith.constant 0 : index
      %swap3A_63 = tpu.vector_load %arg17[%swap3A_62] {strides = array<i32>} : memref<256xi32, #tpu.memory_space<vmem>>, vector<16xi32>,
      tpu.vector_store %arg17[%swap3A_62], %add3A_61 {strides = array<i32>} : memref<256xi32, #tpu.memory_space<vmem>>, vector<16xi32>,
      %swap3A_64 = arith.constant 0 : index
      %swap3A_65 = tpu.vector_load %arg18[%swap3A_64] {strides = array<i32>} : memref<16xi32, #tpu.memory_space<vmem>>, vector<16xi32>,
      tpu.vector_store %arg18[%swap3A_64], %add3A_61 {strides = array<i32>} : memref<16xi32, #tpu.memory_space<vmem>>, vector<16xi32>,
      %gather3A_66 = tpu.vector_load_idx %arg18[%broadcast_in_dim3A_5] : memref<16xi32, #tpu.memory_space<vmem>>[vector<16xi32>], vector<16xi32>,
      %get3A_67 = arith.constant 16 : index
      %get3A_68 = tpu.vector_load %arg16[%get3A_67] {strides = array<i32>} : memref<256xi32, #tpu.memory_space<vmem>>, vector<16xi32>,
      %broadcast_in_dim3A_69 = arith.constant true
      %broadcast_in_dim3A_70 = vector.broadcast %broadcast_in_dim3A_69 : i1 to vector<16xi1>
      %masked_cumsum3A_71 = tpu.scan <sum>, %get3A_68 masked %broadcast_in_dim3A_70 : vector<16xi32>, vector<16xi1> -> vector<16xi32>
      %add3A_72 = arith.addi %masked_cumsum3A_71, %gather3A_66 : vector<16xi32>
      %swap3A_73 = arith.constant 16 : index
      %swap3A_74 = tpu.vector_load %arg17[%swap3A_73] {strides = array<i32>} : memref<256xi32, #tpu.memory_space<vmem>>, vector<16xi32>,
      tpu.vector_store %arg17[%swap3A_73], %add3A_72 {strides = array<i32>} : memref<256xi32, #tpu.memory_space<vmem>>, vector<16xi32>,
      %swap3A_75 = arith.constant 0 : index
      %swap3A_76 = tpu.vector_load %arg18[%swap3A_75] {strides = array<i32>} : memref<16xi32, #tpu.memory_space<vmem>>, vector<16xi32>,
      tpu.vector_store %arg18[%swap3A_75], %add3A_72 {strides = array<i32>} : memref<16xi32, #tpu.memory_space<vmem>>, vector<16xi32>,
      %gather3A_77 = tpu.vector_load_idx %arg18[%broadcast_in_dim3A_5] : memref<16xi32, #tpu.memory_space<vmem>>[vector<16xi32>], vector<16xi32>,
      %get3A_78 = arith.constant 32 : index
      %get3A_79 = tpu.vector_load %arg16[%get3A_78] {strides = array<i32>} : memref<256xi32, #tpu.memory_space<vmem>>, vector<16xi32>,
      %broadcast_in_dim3A_80 = arith.constant true
      %broadcast_in_dim3A_81 = vector.broadcast %broadcast_in_dim3A_80 : i1 to vector<16xi1>
      %masked_cumsum3A_82 = tpu.scan <sum>, %get3A_79 masked %broadcast_in_dim3A_81 : vector<16xi32>, vector<16xi1> -> vector<16xi32>
      %add3A_83 = arith.addi %masked_cumsum3A_82, %gather3A_77 : vector<16xi32>
      %swap3A_84 = arith.constant 32 : index
      %swap3A_85 = tpu.vector_load %arg17[%swap3A_84] {strides = array<i32>} : memref<256xi32, #tpu.memory_space<vmem>>, vector<16xi32>,
      tpu.vector_store %arg17[%swap3A_84], %add3A_83 {strides = array<i32>} : memref<256xi32, #tpu.memory_space<vmem>>, vector<16xi32>,
      %swap3A_86 = arith.constant 0 : index
      %swap3A_87 = tpu.vector_load %arg18[%swap3A_86] {strides = array<i32>} : memref<16xi32, #tpu.memory_space<vmem>>, vector<16xi32>,
      tpu.vector_store %arg18[%swap3A_86], %add3A_83 {strides = array<i32>} : memref<16xi32, #tpu.memory_space<vmem>>, vector<16xi32>,
      %gather3A_88 = tpu.vector_load_idx %arg18[%broadcast_in_dim3A_5] : memref<16xi32, #tpu.memory_space<vmem>>[vector<16xi32>], vector<16xi32>,
      %get3A_89 = arith.constant 48 : index
      %get3A_90 = tpu.vector_load %arg16[%get3A_89] {strides = array<i32>} : memref<256xi32, #tpu.memory_space<vmem>>, vector<16xi32>,
      %broadcast_in_dim3A_91 = arith.constant true
      %broadcast_in_dim3A_92 = vector.broadcast %broadcast_in_dim3A_91 : i1 to vector<16xi1>
      %masked_cumsum3A_93 = tpu.scan <sum>, %get3A_90 masked %broadcast_in_dim3A_92 : vector<16xi32>, vector<16xi1> -> vector<16xi32>
      %add3A_94 = arith.addi %masked_cumsum3A_93, %gather3A_88 : vector<16xi32>
      %swap3A_95 = arith.constant 48 : index
      %swap3A_96 = tpu.vector_load %arg17[%swap3A_95] {strides = array<i32>} : memref<256xi32, #tpu.memory_space<vmem>>, vector<16xi32>,
      tpu.vector_store %arg17[%swap3A_95], %add3A_94 {strides = array<i32>} : memref<256xi32, #tpu.memory_space<vmem>>, vector<16xi32>,
      %swap3A_97 = arith.constant 0 : index
      %swap3A_98 = tpu.vector_load %arg18[%swap3A_97] {strides = array<i32>} : memref<16xi32, #tpu.memory_space<vmem>>, vector<16xi32>,
      tpu.vector_store %arg18[%swap3A_97], %add3A_94 {strides = array<i32>} : memref<16xi32, #tpu.memory_space<vmem>>, vector<16xi32>,
      %gather3A_99 = tpu.vector_load_idx %arg18[%broadcast_in_dim3A_5] : memref<16xi32, #tpu.memory_space<vmem>>[vector<16xi32>], vector<16xi32>,
      %get3A_100 = arith.constant 64 : index
      %get3A_101 = tpu.vector_load %arg16[%get3A_100] {strides = array<i32>} : memref<256xi32, #tpu.memory_space<vmem>>, vector<16xi32>,
      %broadcast_in_dim3A_102 = arith.constant true
      %broadcast_in_dim3A_103 = vector.broadcast %broadcast_in_dim3A_102 : i1 to vector<16xi1>
      %masked_cumsum3A_104 = tpu.scan <sum>, %get3A_101 masked %broadcast_in_dim3A_103 : vector<16xi32>, vector<16xi1> -> vector<16xi32>
      %add3A_105 = arith.addi %masked_cumsum3A_104, %gather3A_99 : vector<16xi32>
      %swap3A_106 = arith.constant 64 : index
      %swap3A_107 = tpu.vector_load %arg17[%swap3A_106] {strides = array<i32>} : memref<256xi32, #tpu.memory_space<vmem>>, vector<16xi32>,
      tpu.vector_store %arg17[%swap3A_106], %add3A_105 {strides = array<i32>} : memref<256xi32, #tpu.memory_space<vmem>>, vector<16xi32>,
      %swap3A_108 = arith.constant 0 : index
      %swap3A_109 = tpu.vector_load %arg18[%swap3A_108] {strides = array<i32>} : memref<16xi32, #tpu.memory_space<vmem>>, vector<16xi32>,
      tpu.vector_store %arg18[%swap3A_108], %add3A_105 {strides = array<i32>} : memref<16xi32, #tpu.memory_space<vmem>>, vector<16xi32>,
      %gather3A_110 = tpu.vector_load_idx %arg18[%broadcast_in_dim3A_5] : memref<16xi32, #tpu.memory_space<vmem>>[vector<16xi32>], vector<16xi32>,
      %get3A_111 = arith.constant 80 : index
      %get3A_112 = tpu.vector_load %arg16[%get3A_111] {strides = array<i32>} : memref<256xi32, #tpu.memory_space<vmem>>, vector<16xi32>,
      %broadcast_in_dim3A_113 = arith.constant true
      %broadcast_in_dim3A_114 = vector.broadcast %broadcast_in_dim3A_113 : i1 to vector<16xi1>
      %masked_cumsum3A_115 = tpu.scan <sum>, %get3A_112 masked %broadcast_in_dim3A_114 : vector<16xi32>, vector<16xi1> -> vector<16xi32>
      %add3A_116 = arith.addi %masked_cumsum3A_115, %gather3A_110 : vector<16xi32>
      %swap3A_117 = arith.constant 80 : index
      %swap3A_118 = tpu.vector_load %arg17[%swap3A_117] {strides = array<i32>} : memref<256xi32, #tpu.memory_space<vmem>>, vector<16xi32>,
      tpu.vector_store %arg17[%swap3A_117], %add3A_116 {strides = array<i32>} : memref<256xi32, #tpu.memory_space<vmem>>, vector<16xi32>,
      %swap3A_119 = arith.constant 0 : index
      %swap3A_120 = tpu.vector_load %arg18[%swap3A_119] {strides = array<i32>} : memref<16xi32, #tpu.memory_space<vmem>>, vector<16xi32>,
      tpu.vector_store %arg18[%swap3A_119], %add3A_116 {strides = array<i32>} : memref<16xi32, #tpu.memory_space<vmem>>, vector<16xi32>,
      %gather3A_121 = tpu.vector_load_idx %arg18[%broadcast_in_dim3A_5] : memref<16xi32, #tpu.memory_space<vmem>>[vector<16xi32>], vector<16xi32>,
      %get3A_122 = arith.constant 96 : index
      %get3A_123 = tpu.vector_load %arg16[%get3A_122] {strides = array<i32>} : memref<256xi32, #tpu.memory_space<vmem>>, vector<16xi32>,
      %broadcast_in_dim3A_124 = arith.constant true
      %broadcast_in_dim3A_125 = vector.broadcast %broadcast_in_dim3A_124 : i1 to vector<16xi1>
      %masked_cumsum3A_126 = tpu.scan <sum>, %get3A_123 masked %broadcast_in_dim3A_125 : vector<16xi32>, vector<16xi1> -> vector<16xi32>
      %add3A_127 = arith.addi %masked_cumsum3A_126, %gather3A_121 : vector<16xi32>
      %swap3A_128 = arith.constant 96 : index
      %swap3A_129 = tpu.vector_load %arg17[%swap3A_128] {strides = array<i32>} : memref<256xi32, #tpu.memory_space<vmem>>, vector<16xi32>,
      tpu.vector_store %arg17[%swap3A_128], %add3A_127 {strides = array<i32>} : memref<256xi32, #tpu.memory_space<vmem>>, vector<16xi32>,
      %swap3A_130 = arith.constant 0 : index
      %swap3A_131 = tpu.vector_load %arg18[%swap3A_130] {strides = array<i32>} : memref<16xi32, #tpu.memory_space<vmem>>, vector<16xi32>,
      tpu.vector_store %arg18[%swap3A_130], %add3A_127 {strides = array<i32>} : memref<16xi32, #tpu.memory_space<vmem>>, vector<16xi32>,
      %gather3A_132 = tpu.vector_load_idx %arg18[%broadcast_in_dim3A_5] : memref<16xi32, #tpu.memory_space<vmem>>[vector<16xi32>], vector<16xi32>,
      %get3A_133 = arith.constant 112 : index
      %get3A_134 = tpu.vector_load %arg16[%get3A_133] {strides = array<i32>} : memref<256xi32, #tpu.memory_space<vmem>>, vector<16xi32>,
      %broadcast_in_dim3A_135 = arith.constant true
      %broadcast_in_dim3A_136 = vector.broadcast %broadcast_in_dim3A_135 : i1 to vector<16xi1>
      %masked_cumsum3A_137 = tpu.scan <sum>, %get3A_134 masked %broadcast_in_dim3A_136 : vector<16xi32>, vector<16xi1> -> vector<16xi32>
      %add3A_138 = arith.addi %masked_cumsum3A_137, %gather3A_132 : vector<16xi32>
      %swap3A_139 = arith.constant 112 : index
      %swap3A_140 = tpu.vector_load %arg17[%swap3A_139] {strides = array<i32>} : memref<256xi32, #tpu.memory_space<vmem>>, vector<16xi32>,
      tpu.vector_store %arg17[%swap3A_139], %add3A_138 {strides = array<i32>} : memref<256xi32, #tpu.memory_space<vmem>>, vector<16xi32>,
      %swap3A_141 = arith.constant 0 : index
      %swap3A_142 = tpu.vector_load %arg18[%swap3A_141] {strides = array<i32>} : memref<16xi32, #tpu.memory_space<vmem>>, vector<16xi32>,
      tpu.vector_store %arg18[%swap3A_141], %add3A_138 {strides = array<i32>} : memref<16xi32, #tpu.memory_space<vmem>>, vector<16xi32>,
      %gather3A_143 = tpu.vector_load_idx %arg18[%broadcast_in_dim3A_5] : memref<16xi32, #tpu.memory_space<vmem>>[vector<16xi32>], vector<16xi32>,
      %get3A_144 = arith.constant 128 : index
      %get3A_145 = tpu.vector_load %arg16[%get3A_144] {strides = array<i32>} : memref<256xi32, #tpu.memory_space<vmem>>, vector<16xi32>,
      %broadcast_in_dim3A_146 = arith.constant true
      %broadcast_in_dim3A_147 = vector.broadcast %broadcast_in_dim3A_146 : i1 to vector<16xi1>
      %masked_cumsum3A_148 = tpu.scan <sum>, %get3A_145 masked %broadcast_in_dim3A_147 : vector<16xi32>, vector<16xi1> -> vector<16xi32>
      %add3A_149 = arith.addi %masked_cumsum3A_148, %gather3A_143 : vector<16xi32>
      %swap3A_150 = arith.constant 128 : index
      %swap3A_151 = tpu.vector_load %arg17[%swap3A_150] {strides = array<i32>} : memref<256xi32, #tpu.memory_space<vmem>>, vector<16xi32>,
      tpu.vector_store %arg17[%swap3A_150], %add3A_149 {strides = array<i32>} : memref<256xi32, #tpu.memory_space<vmem>>, vector<16xi32>,
      %swap3A_152 = arith.constant 0 : index
      %swap3A_153 = tpu.vector_load %arg18[%swap3A_152] {strides = array<i32>} : memref<16xi32, #tpu.memory_space<vmem>>, vector<16xi32>,
      tpu.vector_store %arg18[%swap3A_152], %add3A_149 {strides = array<i32>} : memref<16xi32, #tpu.memory_space<vmem>>, vector<16xi32>,
      %gather3A_154 = tpu.vector_load_idx %arg18[%broadcast_in_dim3A_5] : memref<16xi32, #tpu.memory_space<vmem>>[vector<16xi32>], vector<16xi32>,
      %get3A_155 = arith.constant 144 : index
      %get3A_156 = tpu.vector_load %arg16[%get3A_155] {strides = array<i32>} : memref<256xi32, #tpu.memory_space<vmem>>, vector<16xi32>,
      %broadcast_in_dim3A_157 = arith.constant true
      %broadcast_in_dim3A_158 = vector.broadcast %broadcast_in_dim3A_157 : i1 to vector<16xi1>
      %masked_cumsum3A_159 = tpu.scan <sum>, %get3A_156 masked %broadcast_in_dim3A_158 : vector<16xi32>, vector<16xi1> -> vector<16xi32>
      %add3A_160 = arith.addi %masked_cumsum3A_159, %gather3A_154 : vector<16xi32>
      %swap3A_161 = arith.constant 144 : index
      %swap3A_162 = tpu.vector_load %arg17[%swap3A_161] {strides = array<i32>} : memref<256xi32, #tpu.memory_space<vmem>>, vector<16xi32>,
      tpu.vector_store %arg17[%swap3A_161], %add3A_160 {strides = array<i32>} : memref<256xi32, #tpu.memory_space<vmem>>, vector<16xi32>,
      %swap3A_163 = arith.constant 0 : index
      %swap3A_164 = tpu.vector_load %arg18[%swap3A_163] {strides = array<i32>} : memref<16xi32, #tpu.memory_space<vmem>>, vector<16xi32>,
      tpu.vector_store %arg18[%swap3A_163], %add3A_160 {strides = array<i32>} : memref<16xi32, #tpu.memory_space<vmem>>, vector<16xi32>,
      %gather3A_165 = tpu.vector_load_idx %arg18[%broadcast_in_dim3A_5] : memref<16xi32, #tpu.memory_space<vmem>>[vector<16xi32>], vector<16xi32>,
      %get3A_166 = arith.constant 160 : index
      %get3A_167 = tpu.vector_load %arg16[%get3A_166] {strides = array<i32>} : memref<256xi32, #tpu.memory_space<vmem>>, vector<16xi32>,
      %broadcast_in_dim3A_168 = arith.constant true
      %broadcast_in_dim3A_169 = vector.broadcast %broadcast_in_dim3A_168 : i1 to vector<16xi1>
      %masked_cumsum3A_170 = tpu.scan <sum>, %get3A_167 masked %broadcast_in_dim3A_169 : vector<16xi32>, vector<16xi1> -> vector<16xi32>
      %add3A_171 = arith.addi %masked_cumsum3A_170, %gather3A_165 : vector<16xi32>
      %swap3A_172 = arith.constant 160 : index
      %swap3A_173 = tpu.vector_load %arg17[%swap3A_172] {strides = array<i32>} : memref<256xi32, #tpu.memory_space<vmem>>, vector<16xi32>,
      tpu.vector_store %arg17[%swap3A_172], %add3A_171 {strides = array<i32>} : memref<256xi32, #tpu.memory_space<vmem>>, vector<16xi32>,
      %swap3A_174 = arith.constant 0 : index
      %swap3A_175 = tpu.vector_load %arg18[%swap3A_174] {strides = array<i32>} : memref<16xi32, #tpu.memory_space<vmem>>, vector<16xi32>,
      tpu.vector_store %arg18[%swap3A_174], %add3A_171 {strides = array<i32>} : memref<16xi32, #tpu.memory_space<vmem>>, vector<16xi32>,
      %gather3A_176 = tpu.vector_load_idx %arg18[%broadcast_in_dim3A_5] : memref<16xi32, #tpu.memory_space<vmem>>[vector<16xi32>], vector<16xi32>,
      %get3A_177 = arith.constant 176 : index
      %get3A_178 = tpu.vector_load %arg16[%get3A_177] {strides = array<i32>} : memref<256xi32, #tpu.memory_space<vmem>>, vector<16xi32>,
      %broadcast_in_dim3A_179 = arith.constant true
      %broadcast_in_dim3A_180 = vector.broadcast %broadcast_in_dim3A_179 : i1 to vector<16xi1>
      %masked_cumsum3A_181 = tpu.scan <sum>, %get3A_178 masked %broadcast_in_dim3A_180 : vector<16xi32>, vector<16xi1> -> vector<16xi32>
      %add3A_182 = arith.addi %masked_cumsum3A_181, %gather3A_176 : vector<16xi32>
      %swap3A_183 = arith.constant 176 : index
      %swap3A_184 = tpu.vector_load %arg17[%swap3A_183] {strides = array<i32>} : memref<256xi32, #tpu.memory_space<vmem>>, vector<16xi32>,
      tpu.vector_store %arg17[%swap3A_183], %add3A_182 {strides = array<i32>} : memref<256xi32, #tpu.memory_space<vmem>>, vector<16xi32>,
      %swap3A_185 = arith.constant 0 : index
      %swap3A_186 = tpu.vector_load %arg18[%swap3A_185] {strides = array<i32>} : memref<16xi32, #tpu.memory_space<vmem>>, vector<16xi32>,
      tpu.vector_store %arg18[%swap3A_185], %add3A_182 {strides = array<i32>} : memref<16xi32, #tpu.memory_space<vmem>>, vector<16xi32>,
      %gather3A_187 = tpu.vector_load_idx %arg18[%broadcast_in_dim3A_5] : memref<16xi32, #tpu.memory_space<vmem>>[vector<16xi32>], vector<16xi32>,
      %get3A_188 = arith.constant 192 : index
      %get3A_189 = tpu.vector_load %arg16[%get3A_188] {strides = array<i32>} : memref<256xi32, #tpu.memory_space<vmem>>, vector<16xi32>,
      %broadcast_in_dim3A_190 = arith.constant true
      %broadcast_in_dim3A_191 = vector.broadcast %broadcast_in_dim3A_190 : i1 to vector<16xi1>
      %masked_cumsum3A_192 = tpu.scan <sum>, %get3A_189 masked %broadcast_in_dim3A_191 : vector<16xi32>, vector<16xi1> -> vector<16xi32>
      %add3A_193 = arith.addi %masked_cumsum3A_192, %gather3A_187 : vector<16xi32>
      %swap3A_194 = arith.constant 192 : index
      %swap3A_195 = tpu.vector_load %arg17[%swap3A_194] {strides = array<i32>} : memref<256xi32, #tpu.memory_space<vmem>>, vector<16xi32>,
      tpu.vector_store %arg17[%swap3A_194], %add3A_193 {strides = array<i32>} : memref<256xi32, #tpu.memory_space<vmem>>, vector<16xi32>,
      %swap3A_196 = arith.constant 0 : index
      %swap3A_197 = tpu.vector_load %arg18[%swap3A_196] {strides = array<i32>} : memref<16xi32, #tpu.memory_space<vmem>>, vector<16xi32>,
      tpu.vector_store %arg18[%swap3A_196], %add3A_193 {strides = array<i32>} : memref<16xi32, #tpu.memory_space<vmem>>, vector<16xi32>,
      %gather3A_198 = tpu.vector_load_idx %arg18[%broadcast_in_dim3A_5] : memref<16xi32, #tpu.memory_space<vmem>>[vector<16xi32>], vector<16xi32>,
      %get3A_199 = arith.constant 208 : index
      %get3A_200 = tpu.vector_load %arg16[%get3A_199] {strides = array<i32>} : memref<256xi32, #tpu.memory_space<vmem>>, vector<16xi32>,
      %broadcast_in_dim3A_201 = arith.constant true
      %broadcast_in_dim3A_202 = vector.broadcast %broadcast_in_dim3A_201 : i1 to vector<16xi1>
      %masked_cumsum3A_203 = tpu.scan <sum>, %get3A_200 masked %broadcast_in_dim3A_202 : vector<16xi32>, vector<16xi1> -> vector<16xi32>
      %add3A_204 = arith.addi %masked_cumsum3A_203, %gather3A_198 : vector<16xi32>
      %swap3A_205 = arith.constant 208 : index
      %swap3A_206 = tpu.vector_load %arg17[%swap3A_205] {strides = array<i32>} : memref<256xi32, #tpu.memory_space<vmem>>, vector<16xi32>,
      tpu.vector_store %arg17[%swap3A_205], %add3A_204 {strides = array<i32>} : memref<256xi32, #tpu.memory_space<vmem>>, vector<16xi32>,
      %swap3A_207 = arith.constant 0 : index
      %swap3A_208 = tpu.vector_load %arg18[%swap3A_207] {strides = array<i32>} : memref<16xi32, #tpu.memory_space<vmem>>, vector<16xi32>,
      tpu.vector_store %arg18[%swap3A_207], %add3A_204 {strides = array<i32>} : memref<16xi32, #tpu.memory_space<vmem>>, vector<16xi32>,
      %gather3A_209 = tpu.vector_load_idx %arg18[%broadcast_in_dim3A_5] : memref<16xi32, #tpu.memory_space<vmem>>[vector<16xi32>], vector<16xi32>,
      %get3A_210 = arith.constant 224 : index
      %get3A_211 = tpu.vector_load %arg16[%get3A_210] {strides = array<i32>} : memref<256xi32, #tpu.memory_space<vmem>>, vector<16xi32>,
      %broadcast_in_dim3A_212 = arith.constant true
      %broadcast_in_dim3A_213 = vector.broadcast %broadcast_in_dim3A_212 : i1 to vector<16xi1>
      %masked_cumsum3A_214 = tpu.scan <sum>, %get3A_211 masked %broadcast_in_dim3A_213 : vector<16xi32>, vector<16xi1> -> vector<16xi32>
      %add3A_215 = arith.addi %masked_cumsum3A_214, %gather3A_209 : vector<16xi32>
      %swap3A_216 = arith.constant 224 : index
      %swap3A_217 = tpu.vector_load %arg17[%swap3A_216] {strides = array<i32>} : memref<256xi32, #tpu.memory_space<vmem>>, vector<16xi32>,
      tpu.vector_store %arg17[%swap3A_216], %add3A_215 {strides = array<i32>} : memref<256xi32, #tpu.memory_space<vmem>>, vector<16xi32>,
      %swap3A_218 = arith.constant 0 : index
      %swap3A_219 = tpu.vector_load %arg18[%swap3A_218] {strides = array<i32>} : memref<16xi32, #tpu.memory_space<vmem>>, vector<16xi32>,
      tpu.vector_store %arg18[%swap3A_218], %add3A_215 {strides = array<i32>} : memref<16xi32, #tpu.memory_space<vmem>>, vector<16xi32>,
      %gather3A_220 = tpu.vector_load_idx %arg18[%broadcast_in_dim3A_5] : memref<16xi32, #tpu.memory_space<vmem>>[vector<16xi32>], vector<16xi32>,
      %get3A_221 = arith.constant 240 : index
      %get3A_222 = tpu.vector_load %arg16[%get3A_221] {strides = array<i32>} : memref<256xi32, #tpu.memory_space<vmem>>, vector<16xi32>,
      %broadcast_in_dim3A_223 = arith.constant true
      %broadcast_in_dim3A_224 = vector.broadcast %broadcast_in_dim3A_223 : i1 to vector<16xi1>
      %masked_cumsum3A_225 = tpu.scan <sum>, %get3A_222 masked %broadcast_in_dim3A_224 : vector<16xi32>, vector<16xi1> -> vector<16xi32>
      %add3A_226 = arith.addi %masked_cumsum3A_225, %gather3A_220 : vector<16xi32>
      %swap3A_227 = arith.constant 240 : index
      %swap3A_228 = tpu.vector_load %arg17[%swap3A_227] {strides = array<i32>} : memref<256xi32, #tpu.memory_space<vmem>>, vector<16xi32>,
      tpu.vector_store %arg17[%swap3A_227], %add3A_226 {strides = array<i32>} : memref<256xi32, #tpu.memory_space<vmem>>, vector<16xi32>,
      %swap3A_229 = arith.constant 0 : index
      %swap3A_230 = tpu.vector_load %arg18[%swap3A_229] {strides = array<i32>} : memref<16xi32, #tpu.memory_space<vmem>>, vector<16xi32>,
      tpu.vector_store %arg18[%swap3A_229], %add3A_226 {strides = array<i32>} : memref<16xi32, #tpu.memory_space<vmem>>, vector<16xi32>,
      %gather3A_231 = tpu.vector_load_idx %arg18[%broadcast_in_dim3A_5] : memref<16xi32, #tpu.memory_space<vmem>>[vector<16xi32>], vector<16xi32>,
      %broadcast_in_dim3A_232 = arith.constant 2048 : i32
      %broadcast_in_dim3A_233 = vector.broadcast %broadcast_in_dim3A_232 : i32 to vector<16xi32>
      %get3A_234 = arith.constant 0 : index
      %get3A_235 = tpu.vector_load %arg17[%get3A_234] {strides = array<i32>} : memref<256xi32, #tpu.memory_space<vmem>>, vector<16xi32>,
      %ge3A = arith.cmpi sge, %get3A_235, %broadcast_in_dim3A_233 : vector<16xi32>
      %add3A_236 = arith.constant 0 : i32
      %add3A_237 = vector.broadcast %add3A_236 : i32 to vector<16xi32>
      %add3A_238 = arith.addi %add3A_237, %iota3A : vector<16xi32>
      %jit3A = arith.constant 256 : i32
      %broadcast_in_dim3A_239 = vector.broadcast %jit3A : i32 to vector<16xi32>
      %select_n3A = arith.select %ge3A, %add3A_238, %broadcast_in_dim3A_239 : vector<16xi1>, vector<16xi32>
      %reduce_min3A = arith.constant true
      %reduce_min3A_240 = vector.broadcast %reduce_min3A : i1 to vector<16xi1>
      %reduce_min3A_241 = arith.constant -2147483648 : i32
      %reduce_min3A_242 = vector.broadcast %reduce_min3A_241 : i32 to vector<16xi32>
      %reduce_min3A_243 = arith.xori %select_n3A, %reduce_min3A_242 : vector<16xi32>
      %reduce_min3A_244 = tpu.scan <min>, %reduce_min3A_243 masked %reduce_min3A_240 : vector<16xi32>, vector<16xi1> -> vector<16xi32>
      %reduce_min3A_245 = arith.xori %reduce_min3A_244, %reduce_min3A_242 : vector<16xi32>
      %reduce_min3A_246 = vector.extract %reduce_min3A_245[15] : i32 from vector<16xi32>
      %min3A = arith.constant 255 : i32
      %min3A_247 = arith.minsi %min3A, %reduce_min3A_246 : i32
      %get3A_248 = arith.constant 16 : index
      %get3A_249 = tpu.vector_load %arg17[%get3A_248] {strides = array<i32>} : memref<256xi32, #tpu.memory_space<vmem>>, vector<16xi32>,
      %ge3A_250 = arith.cmpi sge, %get3A_249, %broadcast_in_dim3A_233 : vector<16xi32>
      %add3A_251 = arith.constant 16 : i32
      %add3A_252 = vector.broadcast %add3A_251 : i32 to vector<16xi32>
      %add3A_253 = arith.addi %add3A_252, %iota3A : vector<16xi32>
      %jit3A_254 = arith.constant 256 : i32
      %broadcast_in_dim3A_255 = vector.broadcast %jit3A_254 : i32 to vector<16xi32>
      %select_n3A_256 = arith.select %ge3A_250, %add3A_253, %broadcast_in_dim3A_255 : vector<16xi1>, vector<16xi32>
      %reduce_min3A_257 = arith.constant true
      %reduce_min3A_258 = vector.broadcast %reduce_min3A_257 : i1 to vector<16xi1>
      %reduce_min3A_259 = arith.constant -2147483648 : i32
      %reduce_min3A_260 = vector.broadcast %reduce_min3A_259 : i32 to vector<16xi32>
      %reduce_min3A_261 = arith.xori %select_n3A_256, %reduce_min3A_260 : vector<16xi32>
      %reduce_min3A_262 = tpu.scan <min>, %reduce_min3A_261 masked %reduce_min3A_258 : vector<16xi32>, vector<16xi1> -> vector<16xi32>
      %reduce_min3A_263 = arith.xori %reduce_min3A_262, %reduce_min3A_260 : vector<16xi32>
      %reduce_min3A_264 = vector.extract %reduce_min3A_263[15] : i32 from vector<16xi32>
      %min3A_265 = arith.minsi %min3A_247, %reduce_min3A_264 : i32
      %get3A_266 = arith.constant 32 : index
      %get3A_267 = tpu.vector_load %arg17[%get3A_266] {strides = array<i32>} : memref<256xi32, #tpu.memory_space<vmem>>, vector<16xi32>,
      %ge3A_268 = arith.cmpi sge, %get3A_267, %broadcast_in_dim3A_233 : vector<16xi32>
      %add3A_269 = arith.constant 32 : i32
      %add3A_270 = vector.broadcast %add3A_269 : i32 to vector<16xi32>
      %add3A_271 = arith.addi %add3A_270, %iota3A : vector<16xi32>
      %jit3A_272 = arith.constant 256 : i32
      %broadcast_in_dim3A_273 = vector.broadcast %jit3A_272 : i32 to vector<16xi32>
      %select_n3A_274 = arith.select %ge3A_268, %add3A_271, %broadcast_in_dim3A_273 : vector<16xi1>, vector<16xi32>
      %reduce_min3A_275 = arith.constant true
      %reduce_min3A_276 = vector.broadcast %reduce_min3A_275 : i1 to vector<16xi1>
      %reduce_min3A_277 = arith.constant -2147483648 : i32
      %reduce_min3A_278 = vector.broadcast %reduce_min3A_277 : i32 to vector<16xi32>
      %reduce_min3A_279 = arith.xori %select_n3A_274, %reduce_min3A_278 : vector<16xi32>
      %reduce_min3A_280 = tpu.scan <min>, %reduce_min3A_279 masked %reduce_min3A_276 : vector<16xi32>, vector<16xi1> -> vector<16xi32>
      %reduce_min3A_281 = arith.xori %reduce_min3A_280, %reduce_min3A_278 : vector<16xi32>
      %reduce_min3A_282 = vector.extract %reduce_min3A_281[15] : i32 from vector<16xi32>
      %min3A_283 = arith.minsi %min3A_265, %reduce_min3A_282 : i32
      %get3A_284 = arith.constant 48 : index
      %get3A_285 = tpu.vector_load %arg17[%get3A_284] {strides = array<i32>} : memref<256xi32, #tpu.memory_space<vmem>>, vector<16xi32>,
      %ge3A_286 = arith.cmpi sge, %get3A_285, %broadcast_in_dim3A_233 : vector<16xi32>
      %add3A_287 = arith.constant 48 : i32
      %add3A_288 = vector.broadcast %add3A_287 : i32 to vector<16xi32>
      %add3A_289 = arith.addi %add3A_288, %iota3A : vector<16xi32>
      %jit3A_290 = arith.constant 256 : i32
      %broadcast_in_dim3A_291 = vector.broadcast %jit3A_290 : i32 to vector<16xi32>
      %select_n3A_292 = arith.select %ge3A_286, %add3A_289, %broadcast_in_dim3A_291 : vector<16xi1>, vector<16xi32>
      %reduce_min3A_293 = arith.constant true
      %reduce_min3A_294 = vector.broadcast %reduce_min3A_293 : i1 to vector<16xi1>
      %reduce_min3A_295 = arith.constant -2147483648 : i32
      %reduce_min3A_296 = vector.broadcast %reduce_min3A_295 : i32 to vector<16xi32>
      %reduce_min3A_297 = arith.xori %select_n3A_292, %reduce_min3A_296 : vector<16xi32>
      %reduce_min3A_298 = tpu.scan <min>, %reduce_min3A_297 masked %reduce_min3A_294 : vector<16xi32>, vector<16xi1> -> vector<16xi32>
      %reduce_min3A_299 = arith.xori %reduce_min3A_298, %reduce_min3A_296 : vector<16xi32>
      %reduce_min3A_300 = vector.extract %reduce_min3A_299[15] : i32 from vector<16xi32>
      %min3A_301 = arith.minsi %min3A_283, %reduce_min3A_300 : i32
      %get3A_302 = arith.constant 64 : index
      %get3A_303 = tpu.vector_load %arg17[%get3A_302] {strides = array<i32>} : memref<256xi32, #tpu.memory_space<vmem>>, vector<16xi32>,
      %ge3A_304 = arith.cmpi sge, %get3A_303, %broadcast_in_dim3A_233 : vector<16xi32>
      %add3A_305 = arith.constant 64 : i32
      %add3A_306 = vector.broadcast %add3A_305 : i32 to vector<16xi32>
      %add3A_307 = arith.addi %add3A_306, %iota3A : vector<16xi32>
      %jit3A_308 = arith.constant 256 : i32
      %broadcast_in_dim3A_309 = vector.broadcast %jit3A_308 : i32 to vector<16xi32>
      %select_n3A_310 = arith.select %ge3A_304, %add3A_307, %broadcast_in_dim3A_309 : vector<16xi1>, vector<16xi32>
      %reduce_min3A_311 = arith.constant true
      %reduce_min3A_312 = vector.broadcast %reduce_min3A_311 : i1 to vector<16xi1>
      %reduce_min3A_313 = arith.constant -2147483648 : i32
      %reduce_min3A_314 = vector.broadcast %reduce_min3A_313 : i32 to vector<16xi32>
      %reduce_min3A_315 = arith.xori %select_n3A_310, %reduce_min3A_314 : vector<16xi32>
      %reduce_min3A_316 = tpu.scan <min>, %reduce_min3A_315 masked %reduce_min3A_312 : vector<16xi32>, vector<16xi1> -> vector<16xi32>
      %reduce_min3A_317 = arith.xori %reduce_min3A_316, %reduce_min3A_314 : vector<16xi32>
      %reduce_min3A_318 = vector.extract %reduce_min3A_317[15] : i32 from vector<16xi32>
      %min3A_319 = arith.minsi %min3A_301, %reduce_min3A_318 : i32
      %get3A_320 = arith.constant 80 : index
      %get3A_321 = tpu.vector_load %arg17[%get3A_320] {strides = array<i32>} : memref<256xi32, #tpu.memory_space<vmem>>, vector<16xi32>,
      %ge3A_322 = arith.cmpi sge, %get3A_321, %broadcast_in_dim3A_233 : vector<16xi32>
      %add3A_323 = arith.constant 80 : i32
      %add3A_324 = vector.broadcast %add3A_323 : i32 to vector<16xi32>
      %add3A_325 = arith.addi %add3A_324, %iota3A : vector<16xi32>
      %jit3A_326 = arith.constant 256 : i32
      %broadcast_in_dim3A_327 = vector.broadcast %jit3A_326 : i32 to vector<16xi32>
      %select_n3A_328 = arith.select %ge3A_322, %add3A_325, %broadcast_in_dim3A_327 : vector<16xi1>, vector<16xi32>
      %reduce_min3A_329 = arith.constant true
      %reduce_min3A_330 = vector.broadcast %reduce_min3A_329 : i1 to vector<16xi1>
      %reduce_min3A_331 = arith.constant -2147483648 : i32
      %reduce_min3A_332 = vector.broadcast %reduce_min3A_331 : i32 to vector<16xi32>
      %reduce_min3A_333 = arith.xori %select_n3A_328, %reduce_min3A_332 : vector<16xi32>
      %reduce_min3A_334 = tpu.scan <min>, %reduce_min3A_333 masked %reduce_min3A_330 : vector<16xi32>, vector<16xi1> -> vector<16xi32>
      %reduce_min3A_335 = arith.xori %reduce_min3A_334, %reduce_min3A_332 : vector<16xi32>
      %reduce_min3A_336 = vector.extract %reduce_min3A_335[15] : i32 from vector<16xi32>
      %min3A_337 = arith.minsi %min3A_319, %reduce_min3A_336 : i32
      %get3A_338 = arith.constant 96 : index
      %get3A_339 = tpu.vector_load %arg17[%get3A_338] {strides = array<i32>} : memref<256xi32, #tpu.memory_space<vmem>>, vector<16xi32>,
      %ge3A_340 = arith.cmpi sge, %get3A_339, %broadcast_in_dim3A_233 : vector<16xi32>
      %add3A_341 = arith.constant 96 : i32
      %add3A_342 = vector.broadcast %add3A_341 : i32 to vector<16xi32>
      %add3A_343 = arith.addi %add3A_342, %iota3A : vector<16xi32>
      %jit3A_344 = arith.constant 256 : i32
      %broadcast_in_dim3A_345 = vector.broadcast %jit3A_344 : i32 to vector<16xi32>
      %select_n3A_346 = arith.select %ge3A_340, %add3A_343, %broadcast_in_dim3A_345 : vector<16xi1>, vector<16xi32>
      %reduce_min3A_347 = arith.constant true
      %reduce_min3A_348 = vector.broadcast %reduce_min3A_347 : i1 to vector<16xi1>
      %reduce_min3A_349 = arith.constant -2147483648 : i32
      %reduce_min3A_350 = vector.broadcast %reduce_min3A_349 : i32 to vector<16xi32>
      %reduce_min3A_351 = arith.xori %select_n3A_346, %reduce_min3A_350 : vector<16xi32>
      %reduce_min3A_352 = tpu.scan <min>, %reduce_min3A_351 masked %reduce_min3A_348 : vector<16xi32>, vector<16xi1> -> vector<16xi32>
      %reduce_min3A_353 = arith.xori %reduce_min3A_352, %reduce_min3A_350 : vector<16xi32>
      %reduce_min3A_354 = vector.extract %reduce_min3A_353[15] : i32 from vector<16xi32>
      %min3A_355 = arith.minsi %min3A_337, %reduce_min3A_354 : i32
      %get3A_356 = arith.constant 112 : index
      %get3A_357 = tpu.vector_load %arg17[%get3A_356] {strides = array<i32>} : memref<256xi32, #tpu.memory_space<vmem>>, vector<16xi32>,
      %ge3A_358 = arith.cmpi sge, %get3A_357, %broadcast_in_dim3A_233 : vector<16xi32>
      %add3A_359 = arith.constant 112 : i32
      %add3A_360 = vector.broadcast %add3A_359 : i32 to vector<16xi32>
      %add3A_361 = arith.addi %add3A_360, %iota3A : vector<16xi32>
      %jit3A_362 = arith.constant 256 : i32
      %broadcast_in_dim3A_363 = vector.broadcast %jit3A_362 : i32 to vector<16xi32>
      %select_n3A_364 = arith.select %ge3A_358, %add3A_361, %broadcast_in_dim3A_363 : vector<16xi1>, vector<16xi32>
      %reduce_min3A_365 = arith.constant true
      %reduce_min3A_366 = vector.broadcast %reduce_min3A_365 : i1 to vector<16xi1>
      %reduce_min3A_367 = arith.constant -2147483648 : i32
      %reduce_min3A_368 = vector.broadcast %reduce_min3A_367 : i32 to vector<16xi32>
      %reduce_min3A_369 = arith.xori %select_n3A_364, %reduce_min3A_368 : vector<16xi32>
      %reduce_min3A_370 = tpu.scan <min>, %reduce_min3A_369 masked %reduce_min3A_366 : vector<16xi32>, vector<16xi1> -> vector<16xi32>
      %reduce_min3A_371 = arith.xori %reduce_min3A_370, %reduce_min3A_368 : vector<16xi32>
      %reduce_min3A_372 = vector.extract %reduce_min3A_371[15] : i32 from vector<16xi32>
      %min3A_373 = arith.minsi %min3A_355, %reduce_min3A_372 : i32
      %get3A_374 = arith.constant 128 : index
      %get3A_375 = tpu.vector_load %arg17[%get3A_374] {strides = array<i32>} : memref<256xi32, #tpu.memory_space<vmem>>, vector<16xi32>,
      %ge3A_376 = arith.cmpi sge, %get3A_375, %broadcast_in_dim3A_233 : vector<16xi32>
      %add3A_377 = arith.constant 128 : i32
      %add3A_378 = vector.broadcast %add3A_377 : i32 to vector<16xi32>
      %add3A_379 = arith.addi %add3A_378, %iota3A : vector<16xi32>
      %jit3A_380 = arith.constant 256 : i32
      %broadcast_in_dim3A_381 = vector.broadcast %jit3A_380 : i32 to vector<16xi32>
      %select_n3A_382 = arith.select %ge3A_376, %add3A_379, %broadcast_in_dim3A_381 : vector<16xi1>, vector<16xi32>
      %reduce_min3A_383 = arith.constant true
      %reduce_min3A_384 = vector.broadcast %reduce_min3A_383 : i1 to vector<16xi1>
      %reduce_min3A_385 = arith.constant -2147483648 : i32
      %reduce_min3A_386 = vector.broadcast %reduce_min3A_385 : i32 to vector<16xi32>
      %reduce_min3A_387 = arith.xori %select_n3A_382, %reduce_min3A_386 : vector<16xi32>
      %reduce_min3A_388 = tpu.scan <min>, %reduce_min3A_387 masked %reduce_min3A_384 : vector<16xi32>, vector<16xi1> -> vector<16xi32>
      %reduce_min3A_389 = arith.xori %reduce_min3A_388, %reduce_min3A_386 : vector<16xi32>
      %reduce_min3A_390 = vector.extract %reduce_min3A_389[15] : i32 from vector<16xi32>
      %min3A_391 = arith.minsi %min3A_373, %reduce_min3A_390 : i32
      %get3A_392 = arith.constant 144 : index
      %get3A_393 = tpu.vector_load %arg17[%get3A_392] {strides = array<i32>} : memref<256xi32, #tpu.memory_space<vmem>>, vector<16xi32>,
      %ge3A_394 = arith.cmpi sge, %get3A_393, %broadcast_in_dim3A_233 : vector<16xi32>
      %add3A_395 = arith.constant 144 : i32
      %add3A_396 = vector.broadcast %add3A_395 : i32 to vector<16xi32>
      %add3A_397 = arith.addi %add3A_396, %iota3A : vector<16xi32>
      %jit3A_398 = arith.constant 256 : i32
      %broadcast_in_dim3A_399 = vector.broadcast %jit3A_398 : i32 to vector<16xi32>
      %select_n3A_400 = arith.select %ge3A_394, %add3A_397, %broadcast_in_dim3A_399 : vector<16xi1>, vector<16xi32>
      %reduce_min3A_401 = arith.constant true
      %reduce_min3A_402 = vector.broadcast %reduce_min3A_401 : i1 to vector<16xi1>
      %reduce_min3A_403 = arith.constant -2147483648 : i32
      %reduce_min3A_404 = vector.broadcast %reduce_min3A_403 : i32 to vector<16xi32>
      %reduce_min3A_405 = arith.xori %select_n3A_400, %reduce_min3A_404 : vector<16xi32>
      %reduce_min3A_406 = tpu.scan <min>, %reduce_min3A_405 masked %reduce_min3A_402 : vector<16xi32>, vector<16xi1> -> vector<16xi32>
      %reduce_min3A_407 = arith.xori %reduce_min3A_406, %reduce_min3A_404 : vector<16xi32>
      %reduce_min3A_408 = vector.extract %reduce_min3A_407[15] : i32 from vector<16xi32>
      %min3A_409 = arith.minsi %min3A_391, %reduce_min3A_408 : i32
      %get3A_410 = arith.constant 160 : index
      %get3A_411 = tpu.vector_load %arg17[%get3A_410] {strides = array<i32>} : memref<256xi32, #tpu.memory_space<vmem>>, vector<16xi32>,
      %ge3A_412 = arith.cmpi sge, %get3A_411, %broadcast_in_dim3A_233 : vector<16xi32>
      %add3A_413 = arith.constant 160 : i32
      %add3A_414 = vector.broadcast %add3A_413 : i32 to vector<16xi32>
      %add3A_415 = arith.addi %add3A_414, %iota3A : vector<16xi32>
      %jit3A_416 = arith.constant 256 : i32
      %broadcast_in_dim3A_417 = vector.broadcast %jit3A_416 : i32 to vector<16xi32>
      %select_n3A_418 = arith.select %ge3A_412, %add3A_415, %broadcast_in_dim3A_417 : vector<16xi1>, vector<16xi32>
      %reduce_min3A_419 = arith.constant true
      %reduce_min3A_420 = vector.broadcast %reduce_min3A_419 : i1 to vector<16xi1>
      %reduce_min3A_421 = arith.constant -2147483648 : i32
      %reduce_min3A_422 = vector.broadcast %reduce_min3A_421 : i32 to vector<16xi32>
      %reduce_min3A_423 = arith.xori %select_n3A_418, %reduce_min3A_422 : vector<16xi32>
      %reduce_min3A_424 = tpu.scan <min>, %reduce_min3A_423 masked %reduce_min3A_420 : vector<16xi32>, vector<16xi1> -> vector<16xi32>
      %reduce_min3A_425 = arith.xori %reduce_min3A_424, %reduce_min3A_422 : vector<16xi32>
      %reduce_min3A_426 = vector.extract %reduce_min3A_425[15] : i32 from vector<16xi32>
      %min3A_427 = arith.minsi %min3A_409, %reduce_min3A_426 : i32
      %get3A_428 = arith.constant 176 : index
      %get3A_429 = tpu.vector_load %arg17[%get3A_428] {strides = array<i32>} : memref<256xi32, #tpu.memory_space<vmem>>, vector<16xi32>,
      %ge3A_430 = arith.cmpi sge, %get3A_429, %broadcast_in_dim3A_233 : vector<16xi32>
      %add3A_431 = arith.constant 176 : i32
      %add3A_432 = vector.broadcast %add3A_431 : i32 to vector<16xi32>
      %add3A_433 = arith.addi %add3A_432, %iota3A : vector<16xi32>
      %jit3A_434 = arith.constant 256 : i32
      %broadcast_in_dim3A_435 = vector.broadcast %jit3A_434 : i32 to vector<16xi32>
      %select_n3A_436 = arith.select %ge3A_430, %add3A_433, %broadcast_in_dim3A_435 : vector<16xi1>, vector<16xi32>
      %reduce_min3A_437 = arith.constant true
      %reduce_min3A_438 = vector.broadcast %reduce_min3A_437 : i1 to vector<16xi1>
      %reduce_min3A_439 = arith.constant -2147483648 : i32
      %reduce_min3A_440 = vector.broadcast %reduce_min3A_439 : i32 to vector<16xi32>
      %reduce_min3A_441 = arith.xori %select_n3A_436, %reduce_min3A_440 : vector<16xi32>
      %reduce_min3A_442 = tpu.scan <min>, %reduce_min3A_441 masked %reduce_min3A_438 : vector<16xi32>, vector<16xi1> -> vector<16xi32>
      %reduce_min3A_443 = arith.xori %reduce_min3A_442, %reduce_min3A_440 : vector<16xi32>
      %reduce_min3A_444 = vector.extract %reduce_min3A_443[15] : i32 from vector<16xi32>
      %min3A_445 = arith.minsi %min3A_427, %reduce_min3A_444 : i32
      %get3A_446 = arith.constant 192 : index
      %get3A_447 = tpu.vector_load %arg17[%get3A_446] {strides = array<i32>} : memref<256xi32, #tpu.memory_space<vmem>>, vector<16xi32>,
      %ge3A_448 = arith.cmpi sge, %get3A_447, %broadcast_in_dim3A_233 : vector<16xi32>
      %add3A_449 = arith.constant 192 : i32
      %add3A_450 = vector.broadcast %add3A_449 : i32 to vector<16xi32>
      %add3A_451 = arith.addi %add3A_450, %iota3A : vector<16xi32>
      %jit3A_452 = arith.constant 256 : i32
      %broadcast_in_dim3A_453 = vector.broadcast %jit3A_452 : i32 to vector<16xi32>
      %select_n3A_454 = arith.select %ge3A_448, %add3A_451, %broadcast_in_dim3A_453 : vector<16xi1>, vector<16xi32>
      %reduce_min3A_455 = arith.constant true
      %reduce_min3A_456 = vector.broadcast %reduce_min3A_455 : i1 to vector<16xi1>
      %reduce_min3A_457 = arith.constant -2147483648 : i32
      %reduce_min3A_458 = vector.broadcast %reduce_min3A_457 : i32 to vector<16xi32>
      %reduce_min3A_459 = arith.xori %select_n3A_454, %reduce_min3A_458 : vector<16xi32>
      %reduce_min3A_460 = tpu.scan <min>, %reduce_min3A_459 masked %reduce_min3A_456 : vector<16xi32>, vector<16xi1> -> vector<16xi32>
      %reduce_min3A_461 = arith.xori %reduce_min3A_460, %reduce_min3A_458 : vector<16xi32>
      %reduce_min3A_462 = vector.extract %reduce_min3A_461[15] : i32 from vector<16xi32>
      %min3A_463 = arith.minsi %min3A_445, %reduce_min3A_462 : i32
      %get3A_464 = arith.constant 208 : index
      %get3A_465 = tpu.vector_load %arg17[%get3A_464] {strides = array<i32>} : memref<256xi32, #tpu.memory_space<vmem>>, vector<16xi32>,
      %ge3A_466 = arith.cmpi sge, %get3A_465, %broadcast_in_dim3A_233 : vector<16xi32>
      %add3A_467 = arith.constant 208 : i32
      %add3A_468 = vector.broadcast %add3A_467 : i32 to vector<16xi32>
      %add3A_469 = arith.addi %add3A_468, %iota3A : vector<16xi32>
      %jit3A_470 = arith.constant 256 : i32
      %broadcast_in_dim3A_471 = vector.broadcast %jit3A_470 : i32 to vector<16xi32>
      %select_n3A_472 = arith.select %ge3A_466, %add3A_469, %broadcast_in_dim3A_471 : vector<16xi1>, vector<16xi32>
      %reduce_min3A_473 = arith.constant true
      %reduce_min3A_474 = vector.broadcast %reduce_min3A_473 : i1 to vector<16xi1>
      %reduce_min3A_475 = arith.constant -2147483648 : i32
      %reduce_min3A_476 = vector.broadcast %reduce_min3A_475 : i32 to vector<16xi32>
      %reduce_min3A_477 = arith.xori %select_n3A_472, %reduce_min3A_476 : vector<16xi32>
      %reduce_min3A_478 = tpu.scan <min>, %reduce_min3A_477 masked %reduce_min3A_474 : vector<16xi32>, vector<16xi1> -> vector<16xi32>
      %reduce_min3A_479 = arith.xori %reduce_min3A_478, %reduce_min3A_476 : vector<16xi32>
      %reduce_min3A_480 = vector.extract %reduce_min3A_479[15] : i32 from vector<16xi32>
      %min3A_481 = arith.minsi %min3A_463, %reduce_min3A_480 : i32
      %get3A_482 = arith.constant 224 : index
      %get3A_483 = tpu.vector_load %arg17[%get3A_482] {strides = array<i32>} : memref<256xi32, #tpu.memory_space<vmem>>, vector<16xi32>,
      %ge3A_484 = arith.cmpi sge, %get3A_483, %broadcast_in_dim3A_233 : vector<16xi32>
      %add3A_485 = arith.constant 224 : i32
      %add3A_486 = vector.broadcast %add3A_485 : i32 to vector<16xi32>
      %add3A_487 = arith.addi %add3A_486, %iota3A : vector<16xi32>
      %jit3A_488 = arith.constant 256 : i32
      %broadcast_in_dim3A_489 = vector.broadcast %jit3A_488 : i32 to vector<16xi32>
      %select_n3A_490 = arith.select %ge3A_484, %add3A_487, %broadcast_in_dim3A_489 : vector<16xi1>, vector<16xi32>
      %reduce_min3A_491 = arith.constant true
      %reduce_min3A_492 = vector.broadcast %reduce_min3A_491 : i1 to vector<16xi1>
      %reduce_min3A_493 = arith.constant -2147483648 : i32
      %reduce_min3A_494 = vector.broadcast %reduce_min3A_493 : i32 to vector<16xi32>
      %reduce_min3A_495 = arith.xori %select_n3A_490, %reduce_min3A_494 : vector<16xi32>
      %reduce_min3A_496 = tpu.scan <min>, %reduce_min3A_495 masked %reduce_min3A_492 : vector<16xi32>, vector<16xi1> -> vector<16xi32>
      %reduce_min3A_497 = arith.xori %reduce_min3A_496, %reduce_min3A_494 : vector<16xi32>
      %reduce_min3A_498 = vector.extract %reduce_min3A_497[15] : i32 from vector<16xi32>
      %min3A_499 = arith.minsi %min3A_481, %reduce_min3A_498 : i32
      %get3A_500 = arith.constant 240 : index
      %get3A_501 = tpu.vector_load %arg17[%get3A_500] {strides = array<i32>} : memref<256xi32, #tpu.memory_space<vmem>>, vector<16xi32>,
      %ge3A_502 = arith.cmpi sge, %get3A_501, %broadcast_in_dim3A_233 : vector<16xi32>
      %add3A_503 = arith.constant 240 : i32
      %add3A_504 = vector.broadcast %add3A_503 : i32 to vector<16xi32>
      %add3A_505 = arith.addi %add3A_504, %iota3A : vector<16xi32>
      %jit3A_506 = arith.constant 256 : i32
      %broadcast_in_dim3A_507 = vector.broadcast %jit3A_506 : i32 to vector<16xi32>
      %select_n3A_508 = arith.select %ge3A_502, %add3A_505, %broadcast_in_dim3A_507 : vector<16xi1>, vector<16xi32>
      %reduce_min3A_509 = arith.constant true
      %reduce_min3A_510 = vector.broadcast %reduce_min3A_509 : i1 to vector<16xi1>
      %reduce_min3A_511 = arith.constant -2147483648 : i32
      %reduce_min3A_512 = vector.broadcast %reduce_min3A_511 : i32 to vector<16xi32>
      %reduce_min3A_513 = arith.xori %select_n3A_508, %reduce_min3A_512 : vector<16xi32>
      %reduce_min3A_514 = tpu.scan <min>, %reduce_min3A_513 masked %reduce_min3A_510 : vector<16xi32>, vector<16xi1> -> vector<16xi32>
      %reduce_min3A_515 = arith.xori %reduce_min3A_514, %reduce_min3A_512 : vector<16xi32>
      %reduce_min3A_516 = vector.extract %reduce_min3A_515[15] : i32 from vector<16xi32>
      %min3A_517 = arith.minsi %min3A_499, %reduce_min3A_516 : i32
      %broadcast_in_dim3A_518 = vector.broadcast %min3A_517 : i32 to vector<16xi32>
      %sub3A = arith.constant 1 : i32
      %sub3A_519 = vector.broadcast %sub3A : i32 to vector<16xi32>
      %sub3A_520 = arith.subi %broadcast_in_dim3A_518, %sub3A_519 : vector<16xi32>
      %max3A = arith.constant 0 : i32
      %max3A_521 = vector.broadcast %max3A : i32 to vector<16xi32>
      %max3A_522 = arith.maxsi %sub3A_520, %max3A_521 : vector<16xi32>
      %gather3A_523 = tpu.vector_load_idx %arg17[%max3A_522] : memref<256xi32, #tpu.memory_space<vmem>>[vector<16xi32>], vector<16xi32>,
      %eq3A_524 = arith.constant 0 : i32
      %eq3A_525 = vector.broadcast %eq3A_524 : i32 to vector<16xi32>
      %eq3A_526 = arith.cmpi eq, %broadcast_in_dim3A_518, %eq3A_525 : vector<16xi32>
      %jit3A_527 = arith.constant 0 : i32
      %broadcast_in_dim3A_528 = vector.broadcast %jit3A_527 : i32 to vector<16xi32>
      %select_n3A_529 = arith.select %eq3A_526, %broadcast_in_dim3A_528, %gather3A_523 : vector<16xi1>, vector<16xi32>
      %swap3A_530 = arith.constant 0 : index
      %swap3A_531 = tpu.vector_load %arg16[%swap3A_530] {strides = array<i32>} : memref<256xi32, #tpu.memory_space<vmem>>, vector<16xi32>,
      tpu.vector_store %arg16[%swap3A_530], %broadcast_in_dim3A_3 {strides = array<i32>} : memref<256xi32, #tpu.memory_space<vmem>>, vector<16xi32>,
      %swap3A_532 = arith.constant 16 : index
      %swap3A_533 = tpu.vector_load %arg16[%swap3A_532] {strides = array<i32>} : memref<256xi32, #tpu.memory_space<vmem>>, vector<16xi32>,
      tpu.vector_store %arg16[%swap3A_532], %broadcast_in_dim3A_3 {strides = array<i32>} : memref<256xi32, #tpu.memory_space<vmem>>, vector<16xi32>,
      %swap3A_534 = arith.constant 32 : index
      %swap3A_535 = tpu.vector_load %arg16[%swap3A_534] {strides = array<i32>} : memref<256xi32, #tpu.memory_space<vmem>>, vector<16xi32>,
      tpu.vector_store %arg16[%swap3A_534], %broadcast_in_dim3A_3 {strides = array<i32>} : memref<256xi32, #tpu.memory_space<vmem>>, vector<16xi32>,
      %swap3A_536 = arith.constant 48 : index
      %swap3A_537 = tpu.vector_load %arg16[%swap3A_536] {strides = array<i32>} : memref<256xi32, #tpu.memory_space<vmem>>, vector<16xi32>,
      tpu.vector_store %arg16[%swap3A_536], %broadcast_in_dim3A_3 {strides = array<i32>} : memref<256xi32, #tpu.memory_space<vmem>>, vector<16xi32>,
      %swap3A_538 = arith.constant 64 : index
      %swap3A_539 = tpu.vector_load %arg16[%swap3A_538] {strides = array<i32>} : memref<256xi32, #tpu.memory_space<vmem>>, vector<16xi32>,
      tpu.vector_store %arg16[%swap3A_538], %broadcast_in_dim3A_3 {strides = array<i32>} : memref<256xi32, #tpu.memory_space<vmem>>, vector<16xi32>,
      %swap3A_540 = arith.constant 80 : index
      %swap3A_541 = tpu.vector_load %arg16[%swap3A_540] {strides = array<i32>} : memref<256xi32, #tpu.memory_space<vmem>>, vector<16xi32>,
      tpu.vector_store %arg16[%swap3A_540], %broadcast_in_dim3A_3 {strides = array<i32>} : memref<256xi32, #tpu.memory_space<vmem>>, vector<16xi32>,
      %swap3A_542 = arith.constant 96 : index
      %swap3A_543 = tpu.vector_load %arg16[%swap3A_542] {strides = array<i32>} : memref<256xi32, #tpu.memory_space<vmem>>, vector<16xi32>,
      tpu.vector_store %arg16[%swap3A_542], %broadcast_in_dim3A_3 {strides = array<i32>} : memref<256xi32, #tpu.memory_space<vmem>>, vector<16xi32>,
      %swap3A_544 = arith.constant 112 : index
      %swap3A_545 = tpu.vector_load %arg16[%swap3A_544] {strides = array<i32>} : memref<256xi32, #tpu.memory_space<vmem>>, vector<16xi32>,
      tpu.vector_store %arg16[%swap3A_544], %broadcast_in_dim3A_3 {strides = array<i32>} : memref<256xi32, #tpu.memory_space<vmem>>, vector<16xi32>,
      %swap3A_546 = arith.constant 128 : index
      %swap3A_547 = tpu.vector_load %arg16[%swap3A_546] {strides = array<i32>} : memref<256xi32, #tpu.memory_space<vmem>>, vector<16xi32>,
      tpu.vector_store %arg16[%swap3A_546], %broadcast_in_dim3A_3 {strides = array<i32>} : memref<256xi32, #tpu.memory_space<vmem>>, vector<16xi32>,
      %swap3A_548 = arith.constant 144 : index
      %swap3A_549 = tpu.vector_load %arg16[%swap3A_548] {strides = array<i32>} : memref<256xi32, #tpu.memory_space<vmem>>, vector<16xi32>,
      tpu.vector_store %arg16[%swap3A_548], %broadcast_in_dim3A_3 {strides = array<i32>} : memref<256xi32, #tpu.memory_space<vmem>>, vector<16xi32>,
      %swap3A_550 = arith.constant 160 : index
      %swap3A_551 = tpu.vector_load %arg16[%swap3A_550] {strides = array<i32>} : memref<256xi32, #tpu.memory_space<vmem>>, vector<16xi32>,
      tpu.vector_store %arg16[%swap3A_550], %broadcast_in_dim3A_3 {strides = array<i32>} : memref<256xi32, #tpu.memory_space<vmem>>, vector<16xi32>,
      %swap3A_552 = arith.constant 176 : index
      %swap3A_553 = tpu.vector_load %arg16[%swap3A_552] {strides = array<i32>} : memref<256xi32, #tpu.memory_space<vmem>>, vector<16xi32>,
      tpu.vector_store %arg16[%swap3A_552], %broadcast_in_dim3A_3 {strides = array<i32>} : memref<256xi32, #tpu.memory_space<vmem>>, vector<16xi32>,
      %swap3A_554 = arith.constant 192 : index
      %swap3A_555 = tpu.vector_load %arg16[%swap3A_554] {strides = array<i32>} : memref<256xi32, #tpu.memory_space<vmem>>, vector<16xi32>,
      tpu.vector_store %arg16[%swap3A_554], %broadcast_in_dim3A_3 {strides = array<i32>} : memref<256xi32, #tpu.memory_space<vmem>>, vector<16xi32>,
      %swap3A_556 = arith.constant 208 : index
      %swap3A_557 = tpu.vector_load %arg16[%swap3A_556] {strides = array<i32>} : memref<256xi32, #tpu.memory_space<vmem>>, vector<16xi32>,
      tpu.vector_store %arg16[%swap3A_556], %broadcast_in_dim3A_3 {strides = array<i32>} : memref<256xi32, #tpu.memory_space<vmem>>, vector<16xi32>,
      %swap3A_558 = arith.constant 224 : index
      %swap3A_559 = tpu.vector_load %arg16[%swap3A_558] {strides = array<i32>} : memref<256xi32, #tpu.memory_space<vmem>>, vector<16xi32>,
      tpu.vector_store %arg16[%swap3A_558], %broadcast_in_dim3A_3 {strides = array<i32>} : memref<256xi32, #tpu.memory_space<vmem>>, vector<16xi32>,
      %swap3A_560 = arith.constant 240 : index
      %swap3A_561 = tpu.vector_load %arg16[%swap3A_560] {strides = array<i32>} : memref<256xi32, #tpu.memory_space<vmem>>, vector<16xi32>,
      tpu.vector_store %arg16[%swap3A_560], %broadcast_in_dim3A_3 {strides = array<i32>} : memref<256xi32, #tpu.memory_space<vmem>>, vector<16xi32>,
      %parallel_loop3A_562 = arith.constant 0 : i32
      %parallel_loop3A_563 = arith.constant 512 : i32
      %parallel_loop3A_564 = arith.constant 1 : i32
      scf.for %parallel_loop3A_2096 = %parallel_loop3A_562 to %parallel_loop3A_563 step %parallel_loop3A_564  : i32 {
        %parallel_loop3A_2097 = arith.constant 16 : i32
        %parallel_loop3A_2098 = arith.muli %parallel_loop3A_2096, %parallel_loop3A_2097 : i32
        %parallel_loop3A_2099 = tpu.assume_multiple %parallel_loop3A_2098, 16 : i32
        %parallel_loop3A_2100 = arith.index_cast %parallel_loop3A_2099 : i32 to index
        %parallel_loop3A_2101 = tpu.vector_load %arg10[%parallel_loop3A_2100] {strides = array<i32>} : memref<8192xi32, #tpu.memory_space<vmem>>, vector<16xi32>,
        %parallel_loop3A_2102 = arith.constant 24 : i32
        %parallel_loop3A_2103 = vector.broadcast %parallel_loop3A_2102 : i32 to vector<16xi32>
        %parallel_loop3A_2104 = arith.shrui %parallel_loop3A_2101, %parallel_loop3A_2103 : vector<16xi32>
        %parallel_loop3A_2105 = arith.cmpi eq, %parallel_loop3A_2104, %broadcast_in_dim3A_518 : vector<16xi32>
        %parallel_loop3A_2106 = arith.constant 16 : i32
        %parallel_loop3A_2107 = vector.broadcast %parallel_loop3A_2106 : i32 to vector<16xi32>
        %parallel_loop3A_2108 = arith.shrui %parallel_loop3A_2101, %parallel_loop3A_2107 : vector<16xi32>
        %parallel_loop3A_2109 = arith.constant 255 : i32
        %parallel_loop3A_2110 = vector.broadcast %parallel_loop3A_2109 : i32 to vector<16xi32>
        %parallel_loop3A_2111 = arith.andi %parallel_loop3A_2108, %parallel_loop3A_2110 : vector<16xi32>
        %parallel_loop3A_2112, %parallel_loop3A_2113 = tpu.scan_count mask(%parallel_loop3A_2105 : vector<16xi1>) value(%parallel_loop3A_2111 : vector<16xi32>) : vector<16xi1>, vector<16xi32>
        tpu.vector_store_idx %arg16[%parallel_loop3A_2111], %parallel_loop3A_2113 masked %parallel_loop3A_2112 {add = true} : memref<256xi32, #tpu.memory_space<vmem>>[vector<16xi32>], vector<16xi32>, vector<16xi1>
      } {sc.loop_unroll_factor = 4 : i64, sc.parallel_access}
      %get3A_565 = arith.constant 0 : index
      %get3A_566 = tpu.vector_load %arg16[%get3A_565] {strides = array<i32>} : memref<256xi32, #tpu.memory_space<vmem>>, vector<16xi32>,
      %broadcast_in_dim3A_567 = arith.constant true
      %broadcast_in_dim3A_568 = vector.broadcast %broadcast_in_dim3A_567 : i1 to vector<16xi1>
      %masked_cumsum3A_569 = tpu.scan <sum>, %get3A_566 masked %broadcast_in_dim3A_568 : vector<16xi32>, vector<16xi1> -> vector<16xi32>
      %add3A_570 = arith.addi %masked_cumsum3A_569, %broadcast_in_dim3A_3 : vector<16xi32>
      %swap3A_571 = arith.constant 0 : index
      %swap3A_572 = tpu.vector_load %arg17[%swap3A_571] {strides = array<i32>} : memref<256xi32, #tpu.memory_space<vmem>>, vector<16xi32>,
      tpu.vector_store %arg17[%swap3A_571], %add3A_570 {strides = array<i32>} : memref<256xi32, #tpu.memory_space<vmem>>, vector<16xi32>,
      %swap3A_573 = arith.constant 0 : index
      %swap3A_574 = tpu.vector_load %arg18[%swap3A_573] {strides = array<i32>} : memref<16xi32, #tpu.memory_space<vmem>>, vector<16xi32>,
      tpu.vector_store %arg18[%swap3A_573], %add3A_570 {strides = array<i32>} : memref<16xi32, #tpu.memory_space<vmem>>, vector<16xi32>,
      %gather3A_575 = tpu.vector_load_idx %arg18[%broadcast_in_dim3A_5] : memref<16xi32, #tpu.memory_space<vmem>>[vector<16xi32>], vector<16xi32>,
      %get3A_576 = arith.constant 16 : index
      %get3A_577 = tpu.vector_load %arg16[%get3A_576] {strides = array<i32>} : memref<256xi32, #tpu.memory_space<vmem>>, vector<16xi32>,
      %broadcast_in_dim3A_578 = arith.constant true
      %broadcast_in_dim3A_579 = vector.broadcast %broadcast_in_dim3A_578 : i1 to vector<16xi1>
      %masked_cumsum3A_580 = tpu.scan <sum>, %get3A_577 masked %broadcast_in_dim3A_579 : vector<16xi32>, vector<16xi1> -> vector<16xi32>
      %add3A_581 = arith.addi %masked_cumsum3A_580, %gather3A_575 : vector<16xi32>
      %swap3A_582 = arith.constant 16 : index
      %swap3A_583 = tpu.vector_load %arg17[%swap3A_582] {strides = array<i32>} : memref<256xi32, #tpu.memory_space<vmem>>, vector<16xi32>,
      tpu.vector_store %arg17[%swap3A_582], %add3A_581 {strides = array<i32>} : memref<256xi32, #tpu.memory_space<vmem>>, vector<16xi32>,
      %swap3A_584 = arith.constant 0 : index
      %swap3A_585 = tpu.vector_load %arg18[%swap3A_584] {strides = array<i32>} : memref<16xi32, #tpu.memory_space<vmem>>, vector<16xi32>,
      tpu.vector_store %arg18[%swap3A_584], %add3A_581 {strides = array<i32>} : memref<16xi32, #tpu.memory_space<vmem>>, vector<16xi32>,
      %gather3A_586 = tpu.vector_load_idx %arg18[%broadcast_in_dim3A_5] : memref<16xi32, #tpu.memory_space<vmem>>[vector<16xi32>], vector<16xi32>,
      %get3A_587 = arith.constant 32 : index
      %get3A_588 = tpu.vector_load %arg16[%get3A_587] {strides = array<i32>} : memref<256xi32, #tpu.memory_space<vmem>>, vector<16xi32>,
      %broadcast_in_dim3A_589 = arith.constant true
      %broadcast_in_dim3A_590 = vector.broadcast %broadcast_in_dim3A_589 : i1 to vector<16xi1>
      %masked_cumsum3A_591 = tpu.scan <sum>, %get3A_588 masked %broadcast_in_dim3A_590 : vector<16xi32>, vector<16xi1> -> vector<16xi32>
      %add3A_592 = arith.addi %masked_cumsum3A_591, %gather3A_586 : vector<16xi32>
      %swap3A_593 = arith.constant 32 : index
      %swap3A_594 = tpu.vector_load %arg17[%swap3A_593] {strides = array<i32>} : memref<256xi32, #tpu.memory_space<vmem>>, vector<16xi32>,
      tpu.vector_store %arg17[%swap3A_593], %add3A_592 {strides = array<i32>} : memref<256xi32, #tpu.memory_space<vmem>>, vector<16xi32>,
      %swap3A_595 = arith.constant 0 : index
      %swap3A_596 = tpu.vector_load %arg18[%swap3A_595] {strides = array<i32>} : memref<16xi32, #tpu.memory_space<vmem>>, vector<16xi32>,
      tpu.vector_store %arg18[%swap3A_595], %add3A_592 {strides = array<i32>} : memref<16xi32, #tpu.memory_space<vmem>>, vector<16xi32>,
      %gather3A_597 = tpu.vector_load_idx %arg18[%broadcast_in_dim3A_5] : memref<16xi32, #tpu.memory_space<vmem>>[vector<16xi32>], vector<16xi32>,
      %get3A_598 = arith.constant 48 : index
      %get3A_599 = tpu.vector_load %arg16[%get3A_598] {strides = array<i32>} : memref<256xi32, #tpu.memory_space<vmem>>, vector<16xi32>,
      %broadcast_in_dim3A_600 = arith.constant true
      %broadcast_in_dim3A_601 = vector.broadcast %broadcast_in_dim3A_600 : i1 to vector<16xi1>
      %masked_cumsum3A_602 = tpu.scan <sum>, %get3A_599 masked %broadcast_in_dim3A_601 : vector<16xi32>, vector<16xi1> -> vector<16xi32>
      %add3A_603 = arith.addi %masked_cumsum3A_602, %gather3A_597 : vector<16xi32>
      %swap3A_604 = arith.constant 48 : index
      %swap3A_605 = tpu.vector_load %arg17[%swap3A_604] {strides = array<i32>} : memref<256xi32, #tpu.memory_space<vmem>>, vector<16xi32>,
      tpu.vector_store %arg17[%swap3A_604], %add3A_603 {strides = array<i32>} : memref<256xi32, #tpu.memory_space<vmem>>, vector<16xi32>,
      %swap3A_606 = arith.constant 0 : index
      %swap3A_607 = tpu.vector_load %arg18[%swap3A_606] {strides = array<i32>} : memref<16xi32, #tpu.memory_space<vmem>>, vector<16xi32>,
      tpu.vector_store %arg18[%swap3A_606], %add3A_603 {strides = array<i32>} : memref<16xi32, #tpu.memory_space<vmem>>, vector<16xi32>,
      %gather3A_608 = tpu.vector_load_idx %arg18[%broadcast_in_dim3A_5] : memref<16xi32, #tpu.memory_space<vmem>>[vector<16xi32>], vector<16xi32>,
      %get3A_609 = arith.constant 64 : index
      %get3A_610 = tpu.vector_load %arg16[%get3A_609] {strides = array<i32>} : memref<256xi32, #tpu.memory_space<vmem>>, vector<16xi32>,
      %broadcast_in_dim3A_611 = arith.constant true
      %broadcast_in_dim3A_612 = vector.broadcast %broadcast_in_dim3A_611 : i1 to vector<16xi1>
      %masked_cumsum3A_613 = tpu.scan <sum>, %get3A_610 masked %broadcast_in_dim3A_612 : vector<16xi32>, vector<16xi1> -> vector<16xi32>
      %add3A_614 = arith.addi %masked_cumsum3A_613, %gather3A_608 : vector<16xi32>
      %swap3A_615 = arith.constant 64 : index
      %swap3A_616 = tpu.vector_load %arg17[%swap3A_615] {strides = array<i32>} : memref<256xi32, #tpu.memory_space<vmem>>, vector<16xi32>,
      tpu.vector_store %arg17[%swap3A_615], %add3A_614 {strides = array<i32>} : memref<256xi32, #tpu.memory_space<vmem>>, vector<16xi32>,
      %swap3A_617 = arith.constant 0 : index
      %swap3A_618 = tpu.vector_load %arg18[%swap3A_617] {strides = array<i32>} : memref<16xi32, #tpu.memory_space<vmem>>, vector<16xi32>,
      tpu.vector_store %arg18[%swap3A_617], %add3A_614 {strides = array<i32>} : memref<16xi32, #tpu.memory_space<vmem>>, vector<16xi32>,
      %gather3A_619 = tpu.vector_load_idx %arg18[%broadcast_in_dim3A_5] : memref<16xi32, #tpu.memory_space<vmem>>[vector<16xi32>], vector<16xi32>,
      %get3A_620 = arith.constant 80 : index
      %get3A_621 = tpu.vector_load %arg16[%get3A_620] {strides = array<i32>} : memref<256xi32, #tpu.memory_space<vmem>>, vector<16xi32>,
      %broadcast_in_dim3A_622 = arith.constant true
      %broadcast_in_dim3A_623 = vector.broadcast %broadcast_in_dim3A_622 : i1 to vector<16xi1>
      %masked_cumsum3A_624 = tpu.scan <sum>, %get3A_621 masked %broadcast_in_dim3A_623 : vector<16xi32>, vector<16xi1> -> vector<16xi32>
      %add3A_625 = arith.addi %masked_cumsum3A_624, %gather3A_619 : vector<16xi32>
      %swap3A_626 = arith.constant 80 : index
      %swap3A_627 = tpu.vector_load %arg17[%swap3A_626] {strides = array<i32>} : memref<256xi32, #tpu.memory_space<vmem>>, vector<16xi32>,
      tpu.vector_store %arg17[%swap3A_626], %add3A_625 {strides = array<i32>} : memref<256xi32, #tpu.memory_space<vmem>>, vector<16xi32>,
      %swap3A_628 = arith.constant 0 : index
      %swap3A_629 = tpu.vector_load %arg18[%swap3A_628] {strides = array<i32>} : memref<16xi32, #tpu.memory_space<vmem>>, vector<16xi32>,
      tpu.vector_store %arg18[%swap3A_628], %add3A_625 {strides = array<i32>} : memref<16xi32, #tpu.memory_space<vmem>>, vector<16xi32>,
      %gather3A_630 = tpu.vector_load_idx %arg18[%broadcast_in_dim3A_5] : memref<16xi32, #tpu.memory_space<vmem>>[vector<16xi32>], vector<16xi32>,
      %get3A_631 = arith.constant 96 : index
      %get3A_632 = tpu.vector_load %arg16[%get3A_631] {strides = array<i32>} : memref<256xi32, #tpu.memory_space<vmem>>, vector<16xi32>,
      %broadcast_in_dim3A_633 = arith.constant true
      %broadcast_in_dim3A_634 = vector.broadcast %broadcast_in_dim3A_633 : i1 to vector<16xi1>
      %masked_cumsum3A_635 = tpu.scan <sum>, %get3A_632 masked %broadcast_in_dim3A_634 : vector<16xi32>, vector<16xi1> -> vector<16xi32>
      %add3A_636 = arith.addi %masked_cumsum3A_635, %gather3A_630 : vector<16xi32>
      %swap3A_637 = arith.constant 96 : index
      %swap3A_638 = tpu.vector_load %arg17[%swap3A_637] {strides = array<i32>} : memref<256xi32, #tpu.memory_space<vmem>>, vector<16xi32>,
      tpu.vector_store %arg17[%swap3A_637], %add3A_636 {strides = array<i32>} : memref<256xi32, #tpu.memory_space<vmem>>, vector<16xi32>,
      %swap3A_639 = arith.constant 0 : index
      %swap3A_640 = tpu.vector_load %arg18[%swap3A_639] {strides = array<i32>} : memref<16xi32, #tpu.memory_space<vmem>>, vector<16xi32>,
      tpu.vector_store %arg18[%swap3A_639], %add3A_636 {strides = array<i32>} : memref<16xi32, #tpu.memory_space<vmem>>, vector<16xi32>,
      %gather3A_641 = tpu.vector_load_idx %arg18[%broadcast_in_dim3A_5] : memref<16xi32, #tpu.memory_space<vmem>>[vector<16xi32>], vector<16xi32>,
      %get3A_642 = arith.constant 112 : index
      %get3A_643 = tpu.vector_load %arg16[%get3A_642] {strides = array<i32>} : memref<256xi32, #tpu.memory_space<vmem>>, vector<16xi32>,
      %broadcast_in_dim3A_644 = arith.constant true
      %broadcast_in_dim3A_645 = vector.broadcast %broadcast_in_dim3A_644 : i1 to vector<16xi1>
      %masked_cumsum3A_646 = tpu.scan <sum>, %get3A_643 masked %broadcast_in_dim3A_645 : vector<16xi32>, vector<16xi1> -> vector<16xi32>
      %add3A_647 = arith.addi %masked_cumsum3A_646, %gather3A_641 : vector<16xi32>
      %swap3A_648 = arith.constant 112 : index
      %swap3A_649 = tpu.vector_load %arg17[%swap3A_648] {strides = array<i32>} : memref<256xi32, #tpu.memory_space<vmem>>, vector<16xi32>,
      tpu.vector_store %arg17[%swap3A_648], %add3A_647 {strides = array<i32>} : memref<256xi32, #tpu.memory_space<vmem>>, vector<16xi32>,
      %swap3A_650 = arith.constant 0 : index
      %swap3A_651 = tpu.vector_load %arg18[%swap3A_650] {strides = array<i32>} : memref<16xi32, #tpu.memory_space<vmem>>, vector<16xi32>,
      tpu.vector_store %arg18[%swap3A_650], %add3A_647 {strides = array<i32>} : memref<16xi32, #tpu.memory_space<vmem>>, vector<16xi32>,
      %gather3A_652 = tpu.vector_load_idx %arg18[%broadcast_in_dim3A_5] : memref<16xi32, #tpu.memory_space<vmem>>[vector<16xi32>], vector<16xi32>,
      %get3A_653 = arith.constant 128 : index
      %get3A_654 = tpu.vector_load %arg16[%get3A_653] {strides = array<i32>} : memref<256xi32, #tpu.memory_space<vmem>>, vector<16xi32>,
      %broadcast_in_dim3A_655 = arith.constant true
      %broadcast_in_dim3A_656 = vector.broadcast %broadcast_in_dim3A_655 : i1 to vector<16xi1>
      %masked_cumsum3A_657 = tpu.scan <sum>, %get3A_654 masked %broadcast_in_dim3A_656 : vector<16xi32>, vector<16xi1> -> vector<16xi32>
      %add3A_658 = arith.addi %masked_cumsum3A_657, %gather3A_652 : vector<16xi32>
      %swap3A_659 = arith.constant 128 : index
      %swap3A_660 = tpu.vector_load %arg17[%swap3A_659] {strides = array<i32>} : memref<256xi32, #tpu.memory_space<vmem>>, vector<16xi32>,
      tpu.vector_store %arg17[%swap3A_659], %add3A_658 {strides = array<i32>} : memref<256xi32, #tpu.memory_space<vmem>>, vector<16xi32>,
      %swap3A_661 = arith.constant 0 : index
      %swap3A_662 = tpu.vector_load %arg18[%swap3A_661] {strides = array<i32>} : memref<16xi32, #tpu.memory_space<vmem>>, vector<16xi32>,
      tpu.vector_store %arg18[%swap3A_661], %add3A_658 {strides = array<i32>} : memref<16xi32, #tpu.memory_space<vmem>>, vector<16xi32>,
      %gather3A_663 = tpu.vector_load_idx %arg18[%broadcast_in_dim3A_5] : memref<16xi32, #tpu.memory_space<vmem>>[vector<16xi32>], vector<16xi32>,
      %get3A_664 = arith.constant 144 : index
      %get3A_665 = tpu.vector_load %arg16[%get3A_664] {strides = array<i32>} : memref<256xi32, #tpu.memory_space<vmem>>, vector<16xi32>,
      %broadcast_in_dim3A_666 = arith.constant true
      %broadcast_in_dim3A_667 = vector.broadcast %broadcast_in_dim3A_666 : i1 to vector<16xi1>
      %masked_cumsum3A_668 = tpu.scan <sum>, %get3A_665 masked %broadcast_in_dim3A_667 : vector<16xi32>, vector<16xi1> -> vector<16xi32>
      %add3A_669 = arith.addi %masked_cumsum3A_668, %gather3A_663 : vector<16xi32>
      %swap3A_670 = arith.constant 144 : index
      %swap3A_671 = tpu.vector_load %arg17[%swap3A_670] {strides = array<i32>} : memref<256xi32, #tpu.memory_space<vmem>>, vector<16xi32>,
      tpu.vector_store %arg17[%swap3A_670], %add3A_669 {strides = array<i32>} : memref<256xi32, #tpu.memory_space<vmem>>, vector<16xi32>,
      %swap3A_672 = arith.constant 0 : index
      %swap3A_673 = tpu.vector_load %arg18[%swap3A_672] {strides = array<i32>} : memref<16xi32, #tpu.memory_space<vmem>>, vector<16xi32>,
      tpu.vector_store %arg18[%swap3A_672], %add3A_669 {strides = array<i32>} : memref<16xi32, #tpu.memory_space<vmem>>, vector<16xi32>,
      %gather3A_674 = tpu.vector_load_idx %arg18[%broadcast_in_dim3A_5] : memref<16xi32, #tpu.memory_space<vmem>>[vector<16xi32>], vector<16xi32>,
      %get3A_675 = arith.constant 160 : index
      %get3A_676 = tpu.vector_load %arg16[%get3A_675] {strides = array<i32>} : memref<256xi32, #tpu.memory_space<vmem>>, vector<16xi32>,
      %broadcast_in_dim3A_677 = arith.constant true
      %broadcast_in_dim3A_678 = vector.broadcast %broadcast_in_dim3A_677 : i1 to vector<16xi1>
      %masked_cumsum3A_679 = tpu.scan <sum>, %get3A_676 masked %broadcast_in_dim3A_678 : vector<16xi32>, vector<16xi1> -> vector<16xi32>
      %add3A_680 = arith.addi %masked_cumsum3A_679, %gather3A_674 : vector<16xi32>
      %swap3A_681 = arith.constant 160 : index
      %swap3A_682 = tpu.vector_load %arg17[%swap3A_681] {strides = array<i32>} : memref<256xi32, #tpu.memory_space<vmem>>, vector<16xi32>,
      tpu.vector_store %arg17[%swap3A_681], %add3A_680 {strides = array<i32>} : memref<256xi32, #tpu.memory_space<vmem>>, vector<16xi32>,
      %swap3A_683 = arith.constant 0 : index
      %swap3A_684 = tpu.vector_load %arg18[%swap3A_683] {strides = array<i32>} : memref<16xi32, #tpu.memory_space<vmem>>, vector<16xi32>,
      tpu.vector_store %arg18[%swap3A_683], %add3A_680 {strides = array<i32>} : memref<16xi32, #tpu.memory_space<vmem>>, vector<16xi32>,
      %gather3A_685 = tpu.vector_load_idx %arg18[%broadcast_in_dim3A_5] : memref<16xi32, #tpu.memory_space<vmem>>[vector<16xi32>], vector<16xi32>,
      %get3A_686 = arith.constant 176 : index
      %get3A_687 = tpu.vector_load %arg16[%get3A_686] {strides = array<i32>} : memref<256xi32, #tpu.memory_space<vmem>>, vector<16xi32>,
      %broadcast_in_dim3A_688 = arith.constant true
      %broadcast_in_dim3A_689 = vector.broadcast %broadcast_in_dim3A_688 : i1 to vector<16xi1>
      %masked_cumsum3A_690 = tpu.scan <sum>, %get3A_687 masked %broadcast_in_dim3A_689 : vector<16xi32>, vector<16xi1> -> vector<16xi32>
      %add3A_691 = arith.addi %masked_cumsum3A_690, %gather3A_685 : vector<16xi32>
      %swap3A_692 = arith.constant 176 : index
      %swap3A_693 = tpu.vector_load %arg17[%swap3A_692] {strides = array<i32>} : memref<256xi32, #tpu.memory_space<vmem>>, vector<16xi32>,
      tpu.vector_store %arg17[%swap3A_692], %add3A_691 {strides = array<i32>} : memref<256xi32, #tpu.memory_space<vmem>>, vector<16xi32>,
      %swap3A_694 = arith.constant 0 : index
      %swap3A_695 = tpu.vector_load %arg18[%swap3A_694] {strides = array<i32>} : memref<16xi32, #tpu.memory_space<vmem>>, vector<16xi32>,
      tpu.vector_store %arg18[%swap3A_694], %add3A_691 {strides = array<i32>} : memref<16xi32, #tpu.memory_space<vmem>>, vector<16xi32>,
      %gather3A_696 = tpu.vector_load_idx %arg18[%broadcast_in_dim3A_5] : memref<16xi32, #tpu.memory_space<vmem>>[vector<16xi32>], vector<16xi32>,
      %get3A_697 = arith.constant 192 : index
      %get3A_698 = tpu.vector_load %arg16[%get3A_697] {strides = array<i32>} : memref<256xi32, #tpu.memory_space<vmem>>, vector<16xi32>,
      %broadcast_in_dim3A_699 = arith.constant true
      %broadcast_in_dim3A_700 = vector.broadcast %broadcast_in_dim3A_699 : i1 to vector<16xi1>
      %masked_cumsum3A_701 = tpu.scan <sum>, %get3A_698 masked %broadcast_in_dim3A_700 : vector<16xi32>, vector<16xi1> -> vector<16xi32>
      %add3A_702 = arith.addi %masked_cumsum3A_701, %gather3A_696 : vector<16xi32>
      %swap3A_703 = arith.constant 192 : index
      %swap3A_704 = tpu.vector_load %arg17[%swap3A_703] {strides = array<i32>} : memref<256xi32, #tpu.memory_space<vmem>>, vector<16xi32>,
      tpu.vector_store %arg17[%swap3A_703], %add3A_702 {strides = array<i32>} : memref<256xi32, #tpu.memory_space<vmem>>, vector<16xi32>,
      %swap3A_705 = arith.constant 0 : index
      %swap3A_706 = tpu.vector_load %arg18[%swap3A_705] {strides = array<i32>} : memref<16xi32, #tpu.memory_space<vmem>>, vector<16xi32>,
      tpu.vector_store %arg18[%swap3A_705], %add3A_702 {strides = array<i32>} : memref<16xi32, #tpu.memory_space<vmem>>, vector<16xi32>,
      %gather3A_707 = tpu.vector_load_idx %arg18[%broadcast_in_dim3A_5] : memref<16xi32, #tpu.memory_space<vmem>>[vector<16xi32>], vector<16xi32>,
      %get3A_708 = arith.constant 208 : index
      %get3A_709 = tpu.vector_load %arg16[%get3A_708] {strides = array<i32>} : memref<256xi32, #tpu.memory_space<vmem>>, vector<16xi32>,
      %broadcast_in_dim3A_710 = arith.constant true
      %broadcast_in_dim3A_711 = vector.broadcast %broadcast_in_dim3A_710 : i1 to vector<16xi1>
      %masked_cumsum3A_712 = tpu.scan <sum>, %get3A_709 masked %broadcast_in_dim3A_711 : vector<16xi32>, vector<16xi1> -> vector<16xi32>
      %add3A_713 = arith.addi %masked_cumsum3A_712, %gather3A_707 : vector<16xi32>
      %swap3A_714 = arith.constant 208 : index
      %swap3A_715 = tpu.vector_load %arg17[%swap3A_714] {strides = array<i32>} : memref<256xi32, #tpu.memory_space<vmem>>, vector<16xi32>,
      tpu.vector_store %arg17[%swap3A_714], %add3A_713 {strides = array<i32>} : memref<256xi32, #tpu.memory_space<vmem>>, vector<16xi32>,
      %swap3A_716 = arith.constant 0 : index
      %swap3A_717 = tpu.vector_load %arg18[%swap3A_716] {strides = array<i32>} : memref<16xi32, #tpu.memory_space<vmem>>, vector<16xi32>,
      tpu.vector_store %arg18[%swap3A_716], %add3A_713 {strides = array<i32>} : memref<16xi32, #tpu.memory_space<vmem>>, vector<16xi32>,
      %gather3A_718 = tpu.vector_load_idx %arg18[%broadcast_in_dim3A_5] : memref<16xi32, #tpu.memory_space<vmem>>[vector<16xi32>], vector<16xi32>,
      %get3A_719 = arith.constant 224 : index
      %get3A_720 = tpu.vector_load %arg16[%get3A_719] {strides = array<i32>} : memref<256xi32, #tpu.memory_space<vmem>>, vector<16xi32>,
      %broadcast_in_dim3A_721 = arith.constant true
      %broadcast_in_dim3A_722 = vector.broadcast %broadcast_in_dim3A_721 : i1 to vector<16xi1>
      %masked_cumsum3A_723 = tpu.scan <sum>, %get3A_720 masked %broadcast_in_dim3A_722 : vector<16xi32>, vector<16xi1> -> vector<16xi32>
      %add3A_724 = arith.addi %masked_cumsum3A_723, %gather3A_718 : vector<16xi32>
      %swap3A_725 = arith.constant 224 : index
      %swap3A_726 = tpu.vector_load %arg17[%swap3A_725] {strides = array<i32>} : memref<256xi32, #tpu.memory_space<vmem>>, vector<16xi32>,
      tpu.vector_store %arg17[%swap3A_725], %add3A_724 {strides = array<i32>} : memref<256xi32, #tpu.memory_space<vmem>>, vector<16xi32>,
      %swap3A_727 = arith.constant 0 : index
      %swap3A_728 = tpu.vector_load %arg18[%swap3A_727] {strides = array<i32>} : memref<16xi32, #tpu.memory_space<vmem>>, vector<16xi32>,
      tpu.vector_store %arg18[%swap3A_727], %add3A_724 {strides = array<i32>} : memref<16xi32, #tpu.memory_space<vmem>>, vector<16xi32>,
      %gather3A_729 = tpu.vector_load_idx %arg18[%broadcast_in_dim3A_5] : memref<16xi32, #tpu.memory_space<vmem>>[vector<16xi32>], vector<16xi32>,
      %get3A_730 = arith.constant 240 : index
      %get3A_731 = tpu.vector_load %arg16[%get3A_730] {strides = array<i32>} : memref<256xi32, #tpu.memory_space<vmem>>, vector<16xi32>,
      %broadcast_in_dim3A_732 = arith.constant true
      %broadcast_in_dim3A_733 = vector.broadcast %broadcast_in_dim3A_732 : i1 to vector<16xi1>
      %masked_cumsum3A_734 = tpu.scan <sum>, %get3A_731 masked %broadcast_in_dim3A_733 : vector<16xi32>, vector<16xi1> -> vector<16xi32>
      %add3A_735 = arith.addi %masked_cumsum3A_734, %gather3A_729 : vector<16xi32>
      %swap3A_736 = arith.constant 240 : index
      %swap3A_737 = tpu.vector_load %arg17[%swap3A_736] {strides = array<i32>} : memref<256xi32, #tpu.memory_space<vmem>>, vector<16xi32>,
      tpu.vector_store %arg17[%swap3A_736], %add3A_735 {strides = array<i32>} : memref<256xi32, #tpu.memory_space<vmem>>, vector<16xi32>,
      %swap3A_738 = arith.constant 0 : index
      %swap3A_739 = tpu.vector_load %arg18[%swap3A_738] {strides = array<i32>} : memref<16xi32, #tpu.memory_space<vmem>>, vector<16xi32>,
      tpu.vector_store %arg18[%swap3A_738], %add3A_735 {strides = array<i32>} : memref<16xi32, #tpu.memory_space<vmem>>, vector<16xi32>,
      %gather3A_740 = tpu.vector_load_idx %arg18[%broadcast_in_dim3A_5] : memref<16xi32, #tpu.memory_space<vmem>>[vector<16xi32>], vector<16xi32>,
      %sub3A_741 = arith.subi %broadcast_in_dim3A_233, %select_n3A_529 : vector<16xi32>
      %get3A_742 = arith.constant 0 : index
      %get3A_743 = tpu.vector_load %arg17[%get3A_742] {strides = array<i32>} : memref<256xi32, #tpu.memory_space<vmem>>, vector<16xi32>,
      %ge3A_744 = arith.cmpi sge, %get3A_743, %sub3A_741 : vector<16xi32>
      %add3A_745 = arith.constant 0 : i32
      %add3A_746 = vector.broadcast %add3A_745 : i32 to vector<16xi32>
      %add3A_747 = arith.addi %add3A_746, %iota3A : vector<16xi32>
      %jit3A_748 = arith.constant 256 : i32
      %broadcast_in_dim3A_749 = vector.broadcast %jit3A_748 : i32 to vector<16xi32>
      %select_n3A_750 = arith.select %ge3A_744, %add3A_747, %broadcast_in_dim3A_749 : vector<16xi1>, vector<16xi32>
      %reduce_min3A_751 = arith.constant true
      %reduce_min3A_752 = vector.broadcast %reduce_min3A_751 : i1 to vector<16xi1>
      %reduce_min3A_753 = arith.constant -2147483648 : i32
      %reduce_min3A_754 = vector.broadcast %reduce_min3A_753 : i32 to vector<16xi32>
      %reduce_min3A_755 = arith.xori %select_n3A_750, %reduce_min3A_754 : vector<16xi32>
      %reduce_min3A_756 = tpu.scan <min>, %reduce_min3A_755 masked %reduce_min3A_752 : vector<16xi32>, vector<16xi1> -> vector<16xi32>
      %reduce_min3A_757 = arith.xori %reduce_min3A_756, %reduce_min3A_754 : vector<16xi32>
      %reduce_min3A_758 = vector.extract %reduce_min3A_757[15] : i32 from vector<16xi32>
      %min3A_759 = arith.constant 255 : i32
      %min3A_760 = arith.minsi %min3A_759, %reduce_min3A_758 : i32
      %get3A_761 = arith.constant 16 : index
      %get3A_762 = tpu.vector_load %arg17[%get3A_761] {strides = array<i32>} : memref<256xi32, #tpu.memory_space<vmem>>, vector<16xi32>,
      %ge3A_763 = arith.cmpi sge, %get3A_762, %sub3A_741 : vector<16xi32>
      %add3A_764 = arith.constant 16 : i32
      %add3A_765 = vector.broadcast %add3A_764 : i32 to vector<16xi32>
      %add3A_766 = arith.addi %add3A_765, %iota3A : vector<16xi32>
      %jit3A_767 = arith.constant 256 : i32
      %broadcast_in_dim3A_768 = vector.broadcast %jit3A_767 : i32 to vector<16xi32>
      %select_n3A_769 = arith.select %ge3A_763, %add3A_766, %broadcast_in_dim3A_768 : vector<16xi1>, vector<16xi32>
      %reduce_min3A_770 = arith.constant true
      %reduce_min3A_771 = vector.broadcast %reduce_min3A_770 : i1 to vector<16xi1>
      %reduce_min3A_772 = arith.constant -2147483648 : i32
      %reduce_min3A_773 = vector.broadcast %reduce_min3A_772 : i32 to vector<16xi32>
      %reduce_min3A_774 = arith.xori %select_n3A_769, %reduce_min3A_773 : vector<16xi32>
      %reduce_min3A_775 = tpu.scan <min>, %reduce_min3A_774 masked %reduce_min3A_771 : vector<16xi32>, vector<16xi1> -> vector<16xi32>
      %reduce_min3A_776 = arith.xori %reduce_min3A_775, %reduce_min3A_773 : vector<16xi32>
      %reduce_min3A_777 = vector.extract %reduce_min3A_776[15] : i32 from vector<16xi32>
      %min3A_778 = arith.minsi %min3A_760, %reduce_min3A_777 : i32
      %get3A_779 = arith.constant 32 : index
      %get3A_780 = tpu.vector_load %arg17[%get3A_779] {strides = array<i32>} : memref<256xi32, #tpu.memory_space<vmem>>, vector<16xi32>,
      %ge3A_781 = arith.cmpi sge, %get3A_780, %sub3A_741 : vector<16xi32>
      %add3A_782 = arith.constant 32 : i32
      %add3A_783 = vector.broadcast %add3A_782 : i32 to vector<16xi32>
      %add3A_784 = arith.addi %add3A_783, %iota3A : vector<16xi32>
      %jit3A_785 = arith.constant 256 : i32
      %broadcast_in_dim3A_786 = vector.broadcast %jit3A_785 : i32 to vector<16xi32>
      %select_n3A_787 = arith.select %ge3A_781, %add3A_784, %broadcast_in_dim3A_786 : vector<16xi1>, vector<16xi32>
      %reduce_min3A_788 = arith.constant true
      %reduce_min3A_789 = vector.broadcast %reduce_min3A_788 : i1 to vector<16xi1>
      %reduce_min3A_790 = arith.constant -2147483648 : i32
      %reduce_min3A_791 = vector.broadcast %reduce_min3A_790 : i32 to vector<16xi32>
      %reduce_min3A_792 = arith.xori %select_n3A_787, %reduce_min3A_791 : vector<16xi32>
      %reduce_min3A_793 = tpu.scan <min>, %reduce_min3A_792 masked %reduce_min3A_789 : vector<16xi32>, vector<16xi1> -> vector<16xi32>
      %reduce_min3A_794 = arith.xori %reduce_min3A_793, %reduce_min3A_791 : vector<16xi32>
      %reduce_min3A_795 = vector.extract %reduce_min3A_794[15] : i32 from vector<16xi32>
      %min3A_796 = arith.minsi %min3A_778, %reduce_min3A_795 : i32
      %get3A_797 = arith.constant 48 : index
      %get3A_798 = tpu.vector_load %arg17[%get3A_797] {strides = array<i32>} : memref<256xi32, #tpu.memory_space<vmem>>, vector<16xi32>,
      %ge3A_799 = arith.cmpi sge, %get3A_798, %sub3A_741 : vector<16xi32>
      %add3A_800 = arith.constant 48 : i32
      %add3A_801 = vector.broadcast %add3A_800 : i32 to vector<16xi32>
      %add3A_802 = arith.addi %add3A_801, %iota3A : vector<16xi32>
      %jit3A_803 = arith.constant 256 : i32
      %broadcast_in_dim3A_804 = vector.broadcast %jit3A_803 : i32 to vector<16xi32>
      %select_n3A_805 = arith.select %ge3A_799, %add3A_802, %broadcast_in_dim3A_804 : vector<16xi1>, vector<16xi32>
      %reduce_min3A_806 = arith.constant true
      %reduce_min3A_807 = vector.broadcast %reduce_min3A_806 : i1 to vector<16xi1>
      %reduce_min3A_808 = arith.constant -2147483648 : i32
      %reduce_min3A_809 = vector.broadcast %reduce_min3A_808 : i32 to vector<16xi32>
      %reduce_min3A_810 = arith.xori %select_n3A_805, %reduce_min3A_809 : vector<16xi32>
      %reduce_min3A_811 = tpu.scan <min>, %reduce_min3A_810 masked %reduce_min3A_807 : vector<16xi32>, vector<16xi1> -> vector<16xi32>
      %reduce_min3A_812 = arith.xori %reduce_min3A_811, %reduce_min3A_809 : vector<16xi32>
      %reduce_min3A_813 = vector.extract %reduce_min3A_812[15] : i32 from vector<16xi32>
      %min3A_814 = arith.minsi %min3A_796, %reduce_min3A_813 : i32
      %get3A_815 = arith.constant 64 : index
      %get3A_816 = tpu.vector_load %arg17[%get3A_815] {strides = array<i32>} : memref<256xi32, #tpu.memory_space<vmem>>, vector<16xi32>,
      %ge3A_817 = arith.cmpi sge, %get3A_816, %sub3A_741 : vector<16xi32>
      %add3A_818 = arith.constant 64 : i32
      %add3A_819 = vector.broadcast %add3A_818 : i32 to vector<16xi32>
      %add3A_820 = arith.addi %add3A_819, %iota3A : vector<16xi32>
      %jit3A_821 = arith.constant 256 : i32
      %broadcast_in_dim3A_822 = vector.broadcast %jit3A_821 : i32 to vector<16xi32>
      %select_n3A_823 = arith.select %ge3A_817, %add3A_820, %broadcast_in_dim3A_822 : vector<16xi1>, vector<16xi32>
      %reduce_min3A_824 = arith.constant true
      %reduce_min3A_825 = vector.broadcast %reduce_min3A_824 : i1 to vector<16xi1>
      %reduce_min3A_826 = arith.constant -2147483648 : i32
      %reduce_min3A_827 = vector.broadcast %reduce_min3A_826 : i32 to vector<16xi32>
      %reduce_min3A_828 = arith.xori %select_n3A_823, %reduce_min3A_827 : vector<16xi32>
      %reduce_min3A_829 = tpu.scan <min>, %reduce_min3A_828 masked %reduce_min3A_825 : vector<16xi32>, vector<16xi1> -> vector<16xi32>
      %reduce_min3A_830 = arith.xori %reduce_min3A_829, %reduce_min3A_827 : vector<16xi32>
      %reduce_min3A_831 = vector.extract %reduce_min3A_830[15] : i32 from vector<16xi32>
      %min3A_832 = arith.minsi %min3A_814, %reduce_min3A_831 : i32
      %get3A_833 = arith.constant 80 : index
      %get3A_834 = tpu.vector_load %arg17[%get3A_833] {strides = array<i32>} : memref<256xi32, #tpu.memory_space<vmem>>, vector<16xi32>,
      %ge3A_835 = arith.cmpi sge, %get3A_834, %sub3A_741 : vector<16xi32>
      %add3A_836 = arith.constant 80 : i32
      %add3A_837 = vector.broadcast %add3A_836 : i32 to vector<16xi32>
      %add3A_838 = arith.addi %add3A_837, %iota3A : vector<16xi32>
      %jit3A_839 = arith.constant 256 : i32
      %broadcast_in_dim3A_840 = vector.broadcast %jit3A_839 : i32 to vector<16xi32>
      %select_n3A_841 = arith.select %ge3A_835, %add3A_838, %broadcast_in_dim3A_840 : vector<16xi1>, vector<16xi32>
      %reduce_min3A_842 = arith.constant true
      %reduce_min3A_843 = vector.broadcast %reduce_min3A_842 : i1 to vector<16xi1>
      %reduce_min3A_844 = arith.constant -2147483648 : i32
      %reduce_min3A_845 = vector.broadcast %reduce_min3A_844 : i32 to vector<16xi32>
      %reduce_min3A_846 = arith.xori %select_n3A_841, %reduce_min3A_845 : vector<16xi32>
      %reduce_min3A_847 = tpu.scan <min>, %reduce_min3A_846 masked %reduce_min3A_843 : vector<16xi32>, vector<16xi1> -> vector<16xi32>
      %reduce_min3A_848 = arith.xori %reduce_min3A_847, %reduce_min3A_845 : vector<16xi32>
      %reduce_min3A_849 = vector.extract %reduce_min3A_848[15] : i32 from vector<16xi32>
      %min3A_850 = arith.minsi %min3A_832, %reduce_min3A_849 : i32
      %get3A_851 = arith.constant 96 : index
      %get3A_852 = tpu.vector_load %arg17[%get3A_851] {strides = array<i32>} : memref<256xi32, #tpu.memory_space<vmem>>, vector<16xi32>,
      %ge3A_853 = arith.cmpi sge, %get3A_852, %sub3A_741 : vector<16xi32>
      %add3A_854 = arith.constant 96 : i32
      %add3A_855 = vector.broadcast %add3A_854 : i32 to vector<16xi32>
      %add3A_856 = arith.addi %add3A_855, %iota3A : vector<16xi32>
      %jit3A_857 = arith.constant 256 : i32
      %broadcast_in_dim3A_858 = vector.broadcast %jit3A_857 : i32 to vector<16xi32>
      %select_n3A_859 = arith.select %ge3A_853, %add3A_856, %broadcast_in_dim3A_858 : vector<16xi1>, vector<16xi32>
      %reduce_min3A_860 = arith.constant true
      %reduce_min3A_861 = vector.broadcast %reduce_min3A_860 : i1 to vector<16xi1>
      %reduce_min3A_862 = arith.constant -2147483648 : i32
      %reduce_min3A_863 = vector.broadcast %reduce_min3A_862 : i32 to vector<16xi32>
      %reduce_min3A_864 = arith.xori %select_n3A_859, %reduce_min3A_863 : vector<16xi32>
      %reduce_min3A_865 = tpu.scan <min>, %reduce_min3A_864 masked %reduce_min3A_861 : vector<16xi32>, vector<16xi1> -> vector<16xi32>
      %reduce_min3A_866 = arith.xori %reduce_min3A_865, %reduce_min3A_863 : vector<16xi32>
      %reduce_min3A_867 = vector.extract %reduce_min3A_866[15] : i32 from vector<16xi32>
      %min3A_868 = arith.minsi %min3A_850, %reduce_min3A_867 : i32
      %get3A_869 = arith.constant 112 : index
      %get3A_870 = tpu.vector_load %arg17[%get3A_869] {strides = array<i32>} : memref<256xi32, #tpu.memory_space<vmem>>, vector<16xi32>,
      %ge3A_871 = arith.cmpi sge, %get3A_870, %sub3A_741 : vector<16xi32>
      %add3A_872 = arith.constant 112 : i32
      %add3A_873 = vector.broadcast %add3A_872 : i32 to vector<16xi32>
      %add3A_874 = arith.addi %add3A_873, %iota3A : vector<16xi32>
      %jit3A_875 = arith.constant 256 : i32
      %broadcast_in_dim3A_876 = vector.broadcast %jit3A_875 : i32 to vector<16xi32>
      %select_n3A_877 = arith.select %ge3A_871, %add3A_874, %broadcast_in_dim3A_876 : vector<16xi1>, vector<16xi32>
      %reduce_min3A_878 = arith.constant true
      %reduce_min3A_879 = vector.broadcast %reduce_min3A_878 : i1 to vector<16xi1>
      %reduce_min3A_880 = arith.constant -2147483648 : i32
      %reduce_min3A_881 = vector.broadcast %reduce_min3A_880 : i32 to vector<16xi32>
      %reduce_min3A_882 = arith.xori %select_n3A_877, %reduce_min3A_881 : vector<16xi32>
      %reduce_min3A_883 = tpu.scan <min>, %reduce_min3A_882 masked %reduce_min3A_879 : vector<16xi32>, vector<16xi1> -> vector<16xi32>
      %reduce_min3A_884 = arith.xori %reduce_min3A_883, %reduce_min3A_881 : vector<16xi32>
      %reduce_min3A_885 = vector.extract %reduce_min3A_884[15] : i32 from vector<16xi32>
      %min3A_886 = arith.minsi %min3A_868, %reduce_min3A_885 : i32
      %get3A_887 = arith.constant 128 : index
      %get3A_888 = tpu.vector_load %arg17[%get3A_887] {strides = array<i32>} : memref<256xi32, #tpu.memory_space<vmem>>, vector<16xi32>,
      %ge3A_889 = arith.cmpi sge, %get3A_888, %sub3A_741 : vector<16xi32>
      %add3A_890 = arith.constant 128 : i32
      %add3A_891 = vector.broadcast %add3A_890 : i32 to vector<16xi32>
      %add3A_892 = arith.addi %add3A_891, %iota3A : vector<16xi32>
      %jit3A_893 = arith.constant 256 : i32
      %broadcast_in_dim3A_894 = vector.broadcast %jit3A_893 : i32 to vector<16xi32>
      %select_n3A_895 = arith.select %ge3A_889, %add3A_892, %broadcast_in_dim3A_894 : vector<16xi1>, vector<16xi32>
      %reduce_min3A_896 = arith.constant true
      %reduce_min3A_897 = vector.broadcast %reduce_min3A_896 : i1 to vector<16xi1>
      %reduce_min3A_898 = arith.constant -2147483648 : i32
      %reduce_min3A_899 = vector.broadcast %reduce_min3A_898 : i32 to vector<16xi32>
      %reduce_min3A_900 = arith.xori %select_n3A_895, %reduce_min3A_899 : vector<16xi32>
      %reduce_min3A_901 = tpu.scan <min>, %reduce_min3A_900 masked %reduce_min3A_897 : vector<16xi32>, vector<16xi1> -> vector<16xi32>
      %reduce_min3A_902 = arith.xori %reduce_min3A_901, %reduce_min3A_899 : vector<16xi32>
      %reduce_min3A_903 = vector.extract %reduce_min3A_902[15] : i32 from vector<16xi32>
      %min3A_904 = arith.minsi %min3A_886, %reduce_min3A_903 : i32
      %get3A_905 = arith.constant 144 : index
      %get3A_906 = tpu.vector_load %arg17[%get3A_905] {strides = array<i32>} : memref<256xi32, #tpu.memory_space<vmem>>, vector<16xi32>,
      %ge3A_907 = arith.cmpi sge, %get3A_906, %sub3A_741 : vector<16xi32>
      %add3A_908 = arith.constant 144 : i32
      %add3A_909 = vector.broadcast %add3A_908 : i32 to vector<16xi32>
      %add3A_910 = arith.addi %add3A_909, %iota3A : vector<16xi32>
      %jit3A_911 = arith.constant 256 : i32
      %broadcast_in_dim3A_912 = vector.broadcast %jit3A_911 : i32 to vector<16xi32>
      %select_n3A_913 = arith.select %ge3A_907, %add3A_910, %broadcast_in_dim3A_912 : vector<16xi1>, vector<16xi32>
      %reduce_min3A_914 = arith.constant true
      %reduce_min3A_915 = vector.broadcast %reduce_min3A_914 : i1 to vector<16xi1>
      %reduce_min3A_916 = arith.constant -2147483648 : i32
      %reduce_min3A_917 = vector.broadcast %reduce_min3A_916 : i32 to vector<16xi32>
      %reduce_min3A_918 = arith.xori %select_n3A_913, %reduce_min3A_917 : vector<16xi32>
      %reduce_min3A_919 = tpu.scan <min>, %reduce_min3A_918 masked %reduce_min3A_915 : vector<16xi32>, vector<16xi1> -> vector<16xi32>
      %reduce_min3A_920 = arith.xori %reduce_min3A_919, %reduce_min3A_917 : vector<16xi32>
      %reduce_min3A_921 = vector.extract %reduce_min3A_920[15] : i32 from vector<16xi32>
      %min3A_922 = arith.minsi %min3A_904, %reduce_min3A_921 : i32
      %get3A_923 = arith.constant 160 : index
      %get3A_924 = tpu.vector_load %arg17[%get3A_923] {strides = array<i32>} : memref<256xi32, #tpu.memory_space<vmem>>, vector<16xi32>,
      %ge3A_925 = arith.cmpi sge, %get3A_924, %sub3A_741 : vector<16xi32>
      %add3A_926 = arith.constant 160 : i32
      %add3A_927 = vector.broadcast %add3A_926 : i32 to vector<16xi32>
      %add3A_928 = arith.addi %add3A_927, %iota3A : vector<16xi32>
      %jit3A_929 = arith.constant 256 : i32
      %broadcast_in_dim3A_930 = vector.broadcast %jit3A_929 : i32 to vector<16xi32>
      %select_n3A_931 = arith.select %ge3A_925, %add3A_928, %broadcast_in_dim3A_930 : vector<16xi1>, vector<16xi32>
      %reduce_min3A_932 = arith.constant true
      %reduce_min3A_933 = vector.broadcast %reduce_min3A_932 : i1 to vector<16xi1>
      %reduce_min3A_934 = arith.constant -2147483648 : i32
      %reduce_min3A_935 = vector.broadcast %reduce_min3A_934 : i32 to vector<16xi32>
      %reduce_min3A_936 = arith.xori %select_n3A_931, %reduce_min3A_935 : vector<16xi32>
      %reduce_min3A_937 = tpu.scan <min>, %reduce_min3A_936 masked %reduce_min3A_933 : vector<16xi32>, vector<16xi1> -> vector<16xi32>
      %reduce_min3A_938 = arith.xori %reduce_min3A_937, %reduce_min3A_935 : vector<16xi32>
      %reduce_min3A_939 = vector.extract %reduce_min3A_938[15] : i32 from vector<16xi32>
      %min3A_940 = arith.minsi %min3A_922, %reduce_min3A_939 : i32
      %get3A_941 = arith.constant 176 : index
      %get3A_942 = tpu.vector_load %arg17[%get3A_941] {strides = array<i32>} : memref<256xi32, #tpu.memory_space<vmem>>, vector<16xi32>,
      %ge3A_943 = arith.cmpi sge, %get3A_942, %sub3A_741 : vector<16xi32>
      %add3A_944 = arith.constant 176 : i32
      %add3A_945 = vector.broadcast %add3A_944 : i32 to vector<16xi32>
      %add3A_946 = arith.addi %add3A_945, %iota3A : vector<16xi32>
      %jit3A_947 = arith.constant 256 : i32
      %broadcast_in_dim3A_948 = vector.broadcast %jit3A_947 : i32 to vector<16xi32>
      %select_n3A_949 = arith.select %ge3A_943, %add3A_946, %broadcast_in_dim3A_948 : vector<16xi1>, vector<16xi32>
      %reduce_min3A_950 = arith.constant true
      %reduce_min3A_951 = vector.broadcast %reduce_min3A_950 : i1 to vector<16xi1>
      %reduce_min3A_952 = arith.constant -2147483648 : i32
      %reduce_min3A_953 = vector.broadcast %reduce_min3A_952 : i32 to vector<16xi32>
      %reduce_min3A_954 = arith.xori %select_n3A_949, %reduce_min3A_953 : vector<16xi32>
      %reduce_min3A_955 = tpu.scan <min>, %reduce_min3A_954 masked %reduce_min3A_951 : vector<16xi32>, vector<16xi1> -> vector<16xi32>
      %reduce_min3A_956 = arith.xori %reduce_min3A_955, %reduce_min3A_953 : vector<16xi32>
      %reduce_min3A_957 = vector.extract %reduce_min3A_956[15] : i32 from vector<16xi32>
      %min3A_958 = arith.minsi %min3A_940, %reduce_min3A_957 : i32
      %get3A_959 = arith.constant 192 : index
      %get3A_960 = tpu.vector_load %arg17[%get3A_959] {strides = array<i32>} : memref<256xi32, #tpu.memory_space<vmem>>, vector<16xi32>,
      %ge3A_961 = arith.cmpi sge, %get3A_960, %sub3A_741 : vector<16xi32>
      %add3A_962 = arith.constant 192 : i32
      %add3A_963 = vector.broadcast %add3A_962 : i32 to vector<16xi32>
      %add3A_964 = arith.addi %add3A_963, %iota3A : vector<16xi32>
      %jit3A_965 = arith.constant 256 : i32
      %broadcast_in_dim3A_966 = vector.broadcast %jit3A_965 : i32 to vector<16xi32>
      %select_n3A_967 = arith.select %ge3A_961, %add3A_964, %broadcast_in_dim3A_966 : vector<16xi1>, vector<16xi32>
      %reduce_min3A_968 = arith.constant true
      %reduce_min3A_969 = vector.broadcast %reduce_min3A_968 : i1 to vector<16xi1>
      %reduce_min3A_970 = arith.constant -2147483648 : i32
      %reduce_min3A_971 = vector.broadcast %reduce_min3A_970 : i32 to vector<16xi32>
      %reduce_min3A_972 = arith.xori %select_n3A_967, %reduce_min3A_971 : vector<16xi32>
      %reduce_min3A_973 = tpu.scan <min>, %reduce_min3A_972 masked %reduce_min3A_969 : vector<16xi32>, vector<16xi1> -> vector<16xi32>
      %reduce_min3A_974 = arith.xori %reduce_min3A_973, %reduce_min3A_971 : vector<16xi32>
      %reduce_min3A_975 = vector.extract %reduce_min3A_974[15] : i32 from vector<16xi32>
      %min3A_976 = arith.minsi %min3A_958, %reduce_min3A_975 : i32
      %get3A_977 = arith.constant 208 : index
      %get3A_978 = tpu.vector_load %arg17[%get3A_977] {strides = array<i32>} : memref<256xi32, #tpu.memory_space<vmem>>, vector<16xi32>,
      %ge3A_979 = arith.cmpi sge, %get3A_978, %sub3A_741 : vector<16xi32>
      %add3A_980 = arith.constant 208 : i32
      %add3A_981 = vector.broadcast %add3A_980 : i32 to vector<16xi32>
      %add3A_982 = arith.addi %add3A_981, %iota3A : vector<16xi32>
      %jit3A_983 = arith.constant 256 : i32
      %broadcast_in_dim3A_984 = vector.broadcast %jit3A_983 : i32 to vector<16xi32>
      %select_n3A_985 = arith.select %ge3A_979, %add3A_982, %broadcast_in_dim3A_984 : vector<16xi1>, vector<16xi32>
      %reduce_min3A_986 = arith.constant true
      %reduce_min3A_987 = vector.broadcast %reduce_min3A_986 : i1 to vector<16xi1>
      %reduce_min3A_988 = arith.constant -2147483648 : i32
      %reduce_min3A_989 = vector.broadcast %reduce_min3A_988 : i32 to vector<16xi32>
      %reduce_min3A_990 = arith.xori %select_n3A_985, %reduce_min3A_989 : vector<16xi32>
      %reduce_min3A_991 = tpu.scan <min>, %reduce_min3A_990 masked %reduce_min3A_987 : vector<16xi32>, vector<16xi1> -> vector<16xi32>
      %reduce_min3A_992 = arith.xori %reduce_min3A_991, %reduce_min3A_989 : vector<16xi32>
      %reduce_min3A_993 = vector.extract %reduce_min3A_992[15] : i32 from vector<16xi32>
      %min3A_994 = arith.minsi %min3A_976, %reduce_min3A_993 : i32
      %get3A_995 = arith.constant 224 : index
      %get3A_996 = tpu.vector_load %arg17[%get3A_995] {strides = array<i32>} : memref<256xi32, #tpu.memory_space<vmem>>, vector<16xi32>,
      %ge3A_997 = arith.cmpi sge, %get3A_996, %sub3A_741 : vector<16xi32>
      %add3A_998 = arith.constant 224 : i32
      %add3A_999 = vector.broadcast %add3A_998 : i32 to vector<16xi32>
      %add3A_1000 = arith.addi %add3A_999, %iota3A : vector<16xi32>
      %jit3A_1001 = arith.constant 256 : i32
      %broadcast_in_dim3A_1002 = vector.broadcast %jit3A_1001 : i32 to vector<16xi32>
      %select_n3A_1003 = arith.select %ge3A_997, %add3A_1000, %broadcast_in_dim3A_1002 : vector<16xi1>, vector<16xi32>
      %reduce_min3A_1004 = arith.constant true
      %reduce_min3A_1005 = vector.broadcast %reduce_min3A_1004 : i1 to vector<16xi1>
      %reduce_min3A_1006 = arith.constant -2147483648 : i32
      %reduce_min3A_1007 = vector.broadcast %reduce_min3A_1006 : i32 to vector<16xi32>
      %reduce_min3A_1008 = arith.xori %select_n3A_1003, %reduce_min3A_1007 : vector<16xi32>
      %reduce_min3A_1009 = tpu.scan <min>, %reduce_min3A_1008 masked %reduce_min3A_1005 : vector<16xi32>, vector<16xi1> -> vector<16xi32>
      %reduce_min3A_1010 = arith.xori %reduce_min3A_1009, %reduce_min3A_1007 : vector<16xi32>
      %reduce_min3A_1011 = vector.extract %reduce_min3A_1010[15] : i32 from vector<16xi32>
      %min3A_1012 = arith.minsi %min3A_994, %reduce_min3A_1011 : i32
      %get3A_1013 = arith.constant 240 : index
      %get3A_1014 = tpu.vector_load %arg17[%get3A_1013] {strides = array<i32>} : memref<256xi32, #tpu.memory_space<vmem>>, vector<16xi32>,
      %ge3A_1015 = arith.cmpi sge, %get3A_1014, %sub3A_741 : vector<16xi32>
      %add3A_1016 = arith.constant 240 : i32
      %add3A_1017 = vector.broadcast %add3A_1016 : i32 to vector<16xi32>
      %add3A_1018 = arith.addi %add3A_1017, %iota3A : vector<16xi32>
      %jit3A_1019 = arith.constant 256 : i32
      %broadcast_in_dim3A_1020 = vector.broadcast %jit3A_1019 : i32 to vector<16xi32>
      %select_n3A_1021 = arith.select %ge3A_1015, %add3A_1018, %broadcast_in_dim3A_1020 : vector<16xi1>, vector<16xi32>
      %reduce_min3A_1022 = arith.constant true
      %reduce_min3A_1023 = vector.broadcast %reduce_min3A_1022 : i1 to vector<16xi1>
      %reduce_min3A_1024 = arith.constant -2147483648 : i32
      %reduce_min3A_1025 = vector.broadcast %reduce_min3A_1024 : i32 to vector<16xi32>
      %reduce_min3A_1026 = arith.xori %select_n3A_1021, %reduce_min3A_1025 : vector<16xi32>
      %reduce_min3A_1027 = tpu.scan <min>, %reduce_min3A_1026 masked %reduce_min3A_1023 : vector<16xi32>, vector<16xi1> -> vector<16xi32>
      %reduce_min3A_1028 = arith.xori %reduce_min3A_1027, %reduce_min3A_1025 : vector<16xi32>
      %reduce_min3A_1029 = vector.extract %reduce_min3A_1028[15] : i32 from vector<16xi32>
      %min3A_1030 = arith.minsi %min3A_1012, %reduce_min3A_1029 : i32
      %broadcast_in_dim3A_1031 = vector.broadcast %min3A_1030 : i32 to vector<16xi32>
      %sub3A_1032 = arith.constant 1 : i32
      %sub3A_1033 = vector.broadcast %sub3A_1032 : i32 to vector<16xi32>
      %sub3A_1034 = arith.subi %broadcast_in_dim3A_1031, %sub3A_1033 : vector<16xi32>
      %max3A_1035 = arith.constant 0 : i32
      %max3A_1036 = vector.broadcast %max3A_1035 : i32 to vector<16xi32>
      %max3A_1037 = arith.maxsi %sub3A_1034, %max3A_1036 : vector<16xi32>
      %gather3A_1038 = tpu.vector_load_idx %arg17[%max3A_1037] : memref<256xi32, #tpu.memory_space<vmem>>[vector<16xi32>], vector<16xi32>,
      %eq3A_1039 = arith.constant 0 : i32
      %eq3A_1040 = vector.broadcast %eq3A_1039 : i32 to vector<16xi32>
      %eq3A_1041 = arith.cmpi eq, %broadcast_in_dim3A_1031, %eq3A_1040 : vector<16xi32>
      %jit3A_1042 = arith.constant 0 : i32
      %broadcast_in_dim3A_1043 = vector.broadcast %jit3A_1042 : i32 to vector<16xi32>
      %select_n3A_1044 = arith.select %eq3A_1041, %broadcast_in_dim3A_1043, %gather3A_1038 : vector<16xi1>, vector<16xi32>
      %mul3A_1045 = arith.constant 256 : i32
      %mul3A_1046 = vector.broadcast %mul3A_1045 : i32 to vector<16xi32>
      %mul3A_1047 = arith.muli %broadcast_in_dim3A_518, %mul3A_1046 : vector<16xi32>
      %add3A_1048 = arith.addi %mul3A_1047, %broadcast_in_dim3A_1031 : vector<16xi32>
      %scan3A = arith.constant 0 : i32
      %scan3A_1049 = arith.constant 512 : i32
      %scan3A_1050 = arith.addi %scan3A, %scan3A_1049 : i32
      %scan3A_1051 = arith.constant 1 : i32
      %scan3A_1052 = scf.for %scan3A_2096 = %scan3A to %scan3A_1050 step %scan3A_1051 iter_args(%scan3A_2097 = %broadcast_in_dim3A_3) -> (vector<16xi32>)  : i32 {
        %mul3A_2098 = arith.constant 16 : i32
        %mul3A_2099 = arith.muli %scan3A_2096, %mul3A_2098 : i32
        %multiple_of3A = tpu.assume_multiple %mul3A_2099, 16 : i32
        %get3A_2100 = arith.index_cast %multiple_of3A : i32 to index
        %get3A_2101 = tpu.vector_load %arg10[%get3A_2100] {strides = array<i32>} : memref<8192xi32, #tpu.memory_space<vmem>>, vector<16xi32>,
        %shift_right_logical3A_2102 = arith.constant 16 : i32
        %shift_right_logical3A_2103 = vector.broadcast %shift_right_logical3A_2102 : i32 to vector<16xi32>
        %shift_right_logical3A_2104 = arith.shrui %get3A_2101, %shift_right_logical3A_2103 : vector<16xi32>
        %le3A = arith.cmpi sle, %shift_right_logical3A_2104, %add3A_1048 : vector<16xi32>
        %convert_element_type3A_2105 = arith.extui %le3A : vector<16xi1> to vector<16xi32>
        %broadcast_in_dim3A_2106 = arith.constant true
        %broadcast_in_dim3A_2107 = vector.broadcast %broadcast_in_dim3A_2106 : i1 to vector<16xi1>
        %masked_cumsum3A_2108 = tpu.scan <sum>, %convert_element_type3A_2105 masked %broadcast_in_dim3A_2107 : vector<16xi32>, vector<16xi1> -> vector<16xi32>
        %add3A_2109 = arith.addi %scan3A_2097, %masked_cumsum3A_2108 : vector<16xi32>
        %sub3A_2110 = arith.constant 1 : i32
        %sub3A_2111 = vector.broadcast %sub3A_2110 : i32 to vector<16xi32>
        %sub3A_2112 = arith.subi %add3A_2109, %sub3A_2111 : vector<16xi32>
        tpu.vector_store_idx %arg12[%sub3A_2112], %get3A_2101 masked %le3A : memref<8208xi32, #tpu.memory_space<vmem>>[vector<16xi32>], vector<16xi32>, vector<16xi1>
        %mul3A_2113 = arith.constant 16 : i32
        %mul3A_2114 = arith.muli %scan3A_2096, %mul3A_2113 : i32
        %add3A_2115 = vector.broadcast %mul3A_2114 : i32 to vector<16xi32>
        %add3A_2116 = arith.addi %add3A_2115, %iota3A : vector<16xi32>
        tpu.vector_store_idx %arg14[%sub3A_2112], %add3A_2116 masked %le3A : memref<8208xi32, #tpu.memory_space<vmem>>[vector<16xi32>], vector<16xi32>, vector<16xi1>
        %all_reduce_population_count3A = tpu.all_reduce %le3A {dim = 0 : i64, kind = #tpu.reduction_kind<sum>} : vector<16xi1> -> vector<16xi32>
        %add3A_2117 = arith.addi %scan3A_2097, %all_reduce_population_count3A : vector<16xi32>
        scf.yield %add3A_2117 : vector<16xi32>
      }
      %scan3A_1053 = arith.constant 512 : i32
      %add3A_1054 = arith.addi %scan3A_1052, %iota3A : vector<16xi32>
      %broadcast_in_dim3A_1055 = arith.constant -1 : i32
      %broadcast_in_dim3A_1056 = vector.broadcast %broadcast_in_dim3A_1055 : i32 to vector<16xi32>
      %lt3A_1057 = arith.constant 8208 : i32
      %lt3A_1058 = vector.broadcast %lt3A_1057 : i32 to vector<16xi32>
      %lt3A_1059 = arith.cmpi slt, %add3A_1054, %lt3A_1058 : vector<16xi32>
      tpu.vector_store_idx %arg12[%add3A_1054], %broadcast_in_dim3A_1056 masked %lt3A_1059 : memref<8208xi32, #tpu.memory_space<vmem>>[vector<16xi32>], vector<16xi32>, vector<16xi1>
      %reduce_max3A = arith.constant true
      %reduce_max3A_1060 = vector.broadcast %reduce_max3A : i1 to vector<16xi1>
      %reduce_max3A_1061 = arith.constant -2147483648 : i32
      %reduce_max3A_1062 = vector.broadcast %reduce_max3A_1061 : i32 to vector<16xi32>
      %reduce_max3A_1063 = arith.xori %scan3A_1052, %reduce_max3A_1062 : vector<16xi32>
      %reduce_max3A_1064 = tpu.scan <max>, %reduce_max3A_1063 masked %reduce_max3A_1060 : vector<16xi32>, vector<16xi1> -> vector<16xi32>
      %reduce_max3A_1065 = arith.xori %reduce_max3A_1064, %reduce_max3A_1062 : vector<16xi32>
      %reduce_max3A_1066 = vector.extract %reduce_max3A_1065[15] : i32 from vector<16xi32>
      %add3A_1067 = arith.constant 15 : i32
      %add3A_1068 = arith.addi %reduce_max3A_1066, %add3A_1067 : i32
      %shift_right_logical3A = arith.constant 4 : i32
      %shift_right_logical3A_1069 = arith.shrui %add3A_1068, %shift_right_logical3A : i32
      %swap3A_1070 = arith.constant 0 : index
      %swap3A_1071 = tpu.vector_load %arg16[%swap3A_1070] {strides = array<i32>} : memref<256xi32, #tpu.memory_space<vmem>>, vector<16xi32>,
      tpu.vector_store %arg16[%swap3A_1070], %broadcast_in_dim3A_3 {strides = array<i32>} : memref<256xi32, #tpu.memory_space<vmem>>, vector<16xi32>,
      %swap3A_1072 = arith.constant 16 : index
      %swap3A_1073 = tpu.vector_load %arg16[%swap3A_1072] {strides = array<i32>} : memref<256xi32, #tpu.memory_space<vmem>>, vector<16xi32>,
      tpu.vector_store %arg16[%swap3A_1072], %broadcast_in_dim3A_3 {strides = array<i32>} : memref<256xi32, #tpu.memory_space<vmem>>, vector<16xi32>,
      %swap3A_1074 = arith.constant 32 : index
      %swap3A_1075 = tpu.vector_load %arg16[%swap3A_1074] {strides = array<i32>} : memref<256xi32, #tpu.memory_space<vmem>>, vector<16xi32>,
      tpu.vector_store %arg16[%swap3A_1074], %broadcast_in_dim3A_3 {strides = array<i32>} : memref<256xi32, #tpu.memory_space<vmem>>, vector<16xi32>,
      %swap3A_1076 = arith.constant 48 : index
      %swap3A_1077 = tpu.vector_load %arg16[%swap3A_1076] {strides = array<i32>} : memref<256xi32, #tpu.memory_space<vmem>>, vector<16xi32>,
      tpu.vector_store %arg16[%swap3A_1076], %broadcast_in_dim3A_3 {strides = array<i32>} : memref<256xi32, #tpu.memory_space<vmem>>, vector<16xi32>,
      %swap3A_1078 = arith.constant 64 : index
      %swap3A_1079 = tpu.vector_load %arg16[%swap3A_1078] {strides = array<i32>} : memref<256xi32, #tpu.memory_space<vmem>>, vector<16xi32>,
      tpu.vector_store %arg16[%swap3A_1078], %broadcast_in_dim3A_3 {strides = array<i32>} : memref<256xi32, #tpu.memory_space<vmem>>, vector<16xi32>,
      %swap3A_1080 = arith.constant 80 : index
      %swap3A_1081 = tpu.vector_load %arg16[%swap3A_1080] {strides = array<i32>} : memref<256xi32, #tpu.memory_space<vmem>>, vector<16xi32>,
      tpu.vector_store %arg16[%swap3A_1080], %broadcast_in_dim3A_3 {strides = array<i32>} : memref<256xi32, #tpu.memory_space<vmem>>, vector<16xi32>,
      %swap3A_1082 = arith.constant 96 : index
      %swap3A_1083 = tpu.vector_load %arg16[%swap3A_1082] {strides = array<i32>} : memref<256xi32, #tpu.memory_space<vmem>>, vector<16xi32>,
      tpu.vector_store %arg16[%swap3A_1082], %broadcast_in_dim3A_3 {strides = array<i32>} : memref<256xi32, #tpu.memory_space<vmem>>, vector<16xi32>,
      %swap3A_1084 = arith.constant 112 : index
      %swap3A_1085 = tpu.vector_load %arg16[%swap3A_1084] {strides = array<i32>} : memref<256xi32, #tpu.memory_space<vmem>>, vector<16xi32>,
      tpu.vector_store %arg16[%swap3A_1084], %broadcast_in_dim3A_3 {strides = array<i32>} : memref<256xi32, #tpu.memory_space<vmem>>, vector<16xi32>,
      %swap3A_1086 = arith.constant 128 : index
      %swap3A_1087 = tpu.vector_load %arg16[%swap3A_1086] {strides = array<i32>} : memref<256xi32, #tpu.memory_space<vmem>>, vector<16xi32>,
      tpu.vector_store %arg16[%swap3A_1086], %broadcast_in_dim3A_3 {strides = array<i32>} : memref<256xi32, #tpu.memory_space<vmem>>, vector<16xi32>,
      %swap3A_1088 = arith.constant 144 : index
      %swap3A_1089 = tpu.vector_load %arg16[%swap3A_1088] {strides = array<i32>} : memref<256xi32, #tpu.memory_space<vmem>>, vector<16xi32>,
      tpu.vector_store %arg16[%swap3A_1088], %broadcast_in_dim3A_3 {strides = array<i32>} : memref<256xi32, #tpu.memory_space<vmem>>, vector<16xi32>,
      %swap3A_1090 = arith.constant 160 : index
      %swap3A_1091 = tpu.vector_load %arg16[%swap3A_1090] {strides = array<i32>} : memref<256xi32, #tpu.memory_space<vmem>>, vector<16xi32>,
      tpu.vector_store %arg16[%swap3A_1090], %broadcast_in_dim3A_3 {strides = array<i32>} : memref<256xi32, #tpu.memory_space<vmem>>, vector<16xi32>,
      %swap3A_1092 = arith.constant 176 : index
      %swap3A_1093 = tpu.vector_load %arg16[%swap3A_1092] {strides = array<i32>} : memref<256xi32, #tpu.memory_space<vmem>>, vector<16xi32>,
      tpu.vector_store %arg16[%swap3A_1092], %broadcast_in_dim3A_3 {strides = array<i32>} : memref<256xi32, #tpu.memory_space<vmem>>, vector<16xi32>,
      %swap3A_1094 = arith.constant 192 : index
      %swap3A_1095 = tpu.vector_load %arg16[%swap3A_1094] {strides = array<i32>} : memref<256xi32, #tpu.memory_space<vmem>>, vector<16xi32>,
      tpu.vector_store %arg16[%swap3A_1094], %broadcast_in_dim3A_3 {strides = array<i32>} : memref<256xi32, #tpu.memory_space<vmem>>, vector<16xi32>,
      %swap3A_1096 = arith.constant 208 : index
      %swap3A_1097 = tpu.vector_load %arg16[%swap3A_1096] {strides = array<i32>} : memref<256xi32, #tpu.memory_space<vmem>>, vector<16xi32>,
      tpu.vector_store %arg16[%swap3A_1096], %broadcast_in_dim3A_3 {strides = array<i32>} : memref<256xi32, #tpu.memory_space<vmem>>, vector<16xi32>,
      %swap3A_1098 = arith.constant 224 : index
      %swap3A_1099 = tpu.vector_load %arg16[%swap3A_1098] {strides = array<i32>} : memref<256xi32, #tpu.memory_space<vmem>>, vector<16xi32>,
      tpu.vector_store %arg16[%swap3A_1098], %broadcast_in_dim3A_3 {strides = array<i32>} : memref<256xi32, #tpu.memory_space<vmem>>, vector<16xi32>,
      %swap3A_1100 = arith.constant 240 : index
      %swap3A_1101 = tpu.vector_load %arg16[%swap3A_1100] {strides = array<i32>} : memref<256xi32, #tpu.memory_space<vmem>>, vector<16xi32>,
      tpu.vector_store %arg16[%swap3A_1100], %broadcast_in_dim3A_3 {strides = array<i32>} : memref<256xi32, #tpu.memory_space<vmem>>, vector<16xi32>,
      %parallel_loop3A_1102 = arith.constant 0 : i32
      %parallel_loop3A_1103 = arith.constant 1 : i32
      %parallel_loop3A_1104 = arith.constant 0 : i32
      scf.for %parallel_loop3A_2096 = %parallel_loop3A_1102 to %shift_right_logical3A_1069 step %parallel_loop3A_1103  : i32 {
        %parallel_loop3A_2097 = arith.constant 16 : i32
        %parallel_loop3A_2098 = arith.muli %parallel_loop3A_2096, %parallel_loop3A_2097 : i32
        %parallel_loop3A_2099 = tpu.assume_multiple %parallel_loop3A_2098, 16 : i32
        %parallel_loop3A_2100 = arith.index_cast %parallel_loop3A_2099 : i32 to index
        %parallel_loop3A_2101 = tpu.vector_load %arg12[%parallel_loop3A_2100] {strides = array<i32>} : memref<8208xi32, #tpu.memory_space<vmem>>, vector<16xi32>,
        %parallel_loop3A_2102 = vector.broadcast %parallel_loop3A_1104 : i32 to vector<16xi32>
        %parallel_loop3A_2103 = arith.shrui %parallel_loop3A_2101, %parallel_loop3A_2102 : vector<16xi32>
        %parallel_loop3A_2104 = arith.constant 255 : i32
        %parallel_loop3A_2105 = vector.broadcast %parallel_loop3A_2104 : i32 to vector<16xi32>
        %parallel_loop3A_2106 = arith.andi %parallel_loop3A_2103, %parallel_loop3A_2105 : vector<16xi32>
        %parallel_loop3A_2107 = arith.constant true
        %parallel_loop3A_2108 = vector.broadcast %parallel_loop3A_2107 : i1 to vector<16xi1>
        %parallel_loop3A_2109, %parallel_loop3A_2110 = tpu.scan_count mask(%parallel_loop3A_2108 : vector<16xi1>) value(%parallel_loop3A_2106 : vector<16xi32>) : vector<16xi1>, vector<16xi32>
        tpu.vector_store_idx %arg16[%parallel_loop3A_2106], %parallel_loop3A_2110 masked %parallel_loop3A_2109 {add = true} : memref<256xi32, #tpu.memory_space<vmem>>[vector<16xi32>], vector<16xi32>, vector<16xi1>
      } {sc.loop_unroll_factor = 4 : i64, sc.parallel_access}
      %get3A_1105 = arith.constant 0 : index
      %get3A_1106 = tpu.vector_load %arg16[%get3A_1105] {strides = array<i32>} : memref<256xi32, #tpu.memory_space<vmem>>, vector<16xi32>,
      %broadcast_in_dim3A_1107 = arith.constant true
      %broadcast_in_dim3A_1108 = vector.broadcast %broadcast_in_dim3A_1107 : i1 to vector<16xi1>
      %masked_cumsum3A_1109 = tpu.scan <sum>, %get3A_1106 masked %broadcast_in_dim3A_1108 : vector<16xi32>, vector<16xi1> -> vector<16xi32>
      %sub3A_1110 = arith.subi %masked_cumsum3A_1109, %get3A_1106 : vector<16xi32>
      %add3A_1111 = arith.addi %sub3A_1110, %broadcast_in_dim3A_3 : vector<16xi32>
      %swap3A_1112 = arith.constant 0 : index
      %swap3A_1113 = tpu.vector_load %arg16[%swap3A_1112] {strides = array<i32>} : memref<256xi32, #tpu.memory_space<vmem>>, vector<16xi32>,
      tpu.vector_store %arg16[%swap3A_1112], %add3A_1111 {strides = array<i32>} : memref<256xi32, #tpu.memory_space<vmem>>, vector<16xi32>,
      %swap3A_1114 = arith.constant 0 : index
      %swap3A_1115 = tpu.vector_load %arg18[%swap3A_1114] {strides = array<i32>} : memref<16xi32, #tpu.memory_space<vmem>>, vector<16xi32>,
      tpu.vector_store %arg18[%swap3A_1114], %masked_cumsum3A_1109 {strides = array<i32>} : memref<16xi32, #tpu.memory_space<vmem>>, vector<16xi32>,
      %gather3A_1116 = tpu.vector_load_idx %arg18[%broadcast_in_dim3A_5] : memref<16xi32, #tpu.memory_space<vmem>>[vector<16xi32>], vector<16xi32>,
      %add3A_1117 = arith.addi %broadcast_in_dim3A_3, %gather3A_1116 : vector<16xi32>
      %get3A_1118 = arith.constant 16 : index
      %get3A_1119 = tpu.vector_load %arg16[%get3A_1118] {strides = array<i32>} : memref<256xi32, #tpu.memory_space<vmem>>, vector<16xi32>,
      %broadcast_in_dim3A_1120 = arith.constant true
      %broadcast_in_dim3A_1121 = vector.broadcast %broadcast_in_dim3A_1120 : i1 to vector<16xi1>
      %masked_cumsum3A_1122 = tpu.scan <sum>, %get3A_1119 masked %broadcast_in_dim3A_1121 : vector<16xi32>, vector<16xi1> -> vector<16xi32>
      %sub3A_1123 = arith.subi %masked_cumsum3A_1122, %get3A_1119 : vector<16xi32>
      %add3A_1124 = arith.addi %sub3A_1123, %add3A_1117 : vector<16xi32>
      %swap3A_1125 = arith.constant 16 : index
      %swap3A_1126 = tpu.vector_load %arg16[%swap3A_1125] {strides = array<i32>} : memref<256xi32, #tpu.memory_space<vmem>>, vector<16xi32>,
      tpu.vector_store %arg16[%swap3A_1125], %add3A_1124 {strides = array<i32>} : memref<256xi32, #tpu.memory_space<vmem>>, vector<16xi32>,
      %swap3A_1127 = arith.constant 0 : index
      %swap3A_1128 = tpu.vector_load %arg18[%swap3A_1127] {strides = array<i32>} : memref<16xi32, #tpu.memory_space<vmem>>, vector<16xi32>,
      tpu.vector_store %arg18[%swap3A_1127], %masked_cumsum3A_1122 {strides = array<i32>} : memref<16xi32, #tpu.memory_space<vmem>>, vector<16xi32>,
      %gather3A_1129 = tpu.vector_load_idx %arg18[%broadcast_in_dim3A_5] : memref<16xi32, #tpu.memory_space<vmem>>[vector<16xi32>], vector<16xi32>,
      %add3A_1130 = arith.addi %add3A_1117, %gather3A_1129 : vector<16xi32>
      %get3A_1131 = arith.constant 32 : index
      %get3A_1132 = tpu.vector_load %arg16[%get3A_1131] {strides = array<i32>} : memref<256xi32, #tpu.memory_space<vmem>>, vector<16xi32>,
      %broadcast_in_dim3A_1133 = arith.constant true
      %broadcast_in_dim3A_1134 = vector.broadcast %broadcast_in_dim3A_1133 : i1 to vector<16xi1>
      %masked_cumsum3A_1135 = tpu.scan <sum>, %get3A_1132 masked %broadcast_in_dim3A_1134 : vector<16xi32>, vector<16xi1> -> vector<16xi32>
      %sub3A_1136 = arith.subi %masked_cumsum3A_1135, %get3A_1132 : vector<16xi32>
      %add3A_1137 = arith.addi %sub3A_1136, %add3A_1130 : vector<16xi32>
      %swap3A_1138 = arith.constant 32 : index
      %swap3A_1139 = tpu.vector_load %arg16[%swap3A_1138] {strides = array<i32>} : memref<256xi32, #tpu.memory_space<vmem>>, vector<16xi32>,
      tpu.vector_store %arg16[%swap3A_1138], %add3A_1137 {strides = array<i32>} : memref<256xi32, #tpu.memory_space<vmem>>, vector<16xi32>,
      %swap3A_1140 = arith.constant 0 : index
      %swap3A_1141 = tpu.vector_load %arg18[%swap3A_1140] {strides = array<i32>} : memref<16xi32, #tpu.memory_space<vmem>>, vector<16xi32>,
      tpu.vector_store %arg18[%swap3A_1140], %masked_cumsum3A_1135 {strides = array<i32>} : memref<16xi32, #tpu.memory_space<vmem>>, vector<16xi32>,
      %gather3A_1142 = tpu.vector_load_idx %arg18[%broadcast_in_dim3A_5] : memref<16xi32, #tpu.memory_space<vmem>>[vector<16xi32>], vector<16xi32>,
      %add3A_1143 = arith.addi %add3A_1130, %gather3A_1142 : vector<16xi32>
      %get3A_1144 = arith.constant 48 : index
      %get3A_1145 = tpu.vector_load %arg16[%get3A_1144] {strides = array<i32>} : memref<256xi32, #tpu.memory_space<vmem>>, vector<16xi32>,
      %broadcast_in_dim3A_1146 = arith.constant true
      %broadcast_in_dim3A_1147 = vector.broadcast %broadcast_in_dim3A_1146 : i1 to vector<16xi1>
      %masked_cumsum3A_1148 = tpu.scan <sum>, %get3A_1145 masked %broadcast_in_dim3A_1147 : vector<16xi32>, vector<16xi1> -> vector<16xi32>
      %sub3A_1149 = arith.subi %masked_cumsum3A_1148, %get3A_1145 : vector<16xi32>
      %add3A_1150 = arith.addi %sub3A_1149, %add3A_1143 : vector<16xi32>
      %swap3A_1151 = arith.constant 48 : index
      %swap3A_1152 = tpu.vector_load %arg16[%swap3A_1151] {strides = array<i32>} : memref<256xi32, #tpu.memory_space<vmem>>, vector<16xi32>,
      tpu.vector_store %arg16[%swap3A_1151], %add3A_1150 {strides = array<i32>} : memref<256xi32, #tpu.memory_space<vmem>>, vector<16xi32>,
      %swap3A_1153 = arith.constant 0 : index
      %swap3A_1154 = tpu.vector_load %arg18[%swap3A_1153] {strides = array<i32>} : memref<16xi32, #tpu.memory_space<vmem>>, vector<16xi32>,
      tpu.vector_store %arg18[%swap3A_1153], %masked_cumsum3A_1148 {strides = array<i32>} : memref<16xi32, #tpu.memory_space<vmem>>, vector<16xi32>,
      %gather3A_1155 = tpu.vector_load_idx %arg18[%broadcast_in_dim3A_5] : memref<16xi32, #tpu.memory_space<vmem>>[vector<16xi32>], vector<16xi32>,
      %add3A_1156 = arith.addi %add3A_1143, %gather3A_1155 : vector<16xi32>
      %get3A_1157 = arith.constant 64 : index
      %get3A_1158 = tpu.vector_load %arg16[%get3A_1157] {strides = array<i32>} : memref<256xi32, #tpu.memory_space<vmem>>, vector<16xi32>,
      %broadcast_in_dim3A_1159 = arith.constant true
      %broadcast_in_dim3A_1160 = vector.broadcast %broadcast_in_dim3A_1159 : i1 to vector<16xi1>
      %masked_cumsum3A_1161 = tpu.scan <sum>, %get3A_1158 masked %broadcast_in_dim3A_1160 : vector<16xi32>, vector<16xi1> -> vector<16xi32>
      %sub3A_1162 = arith.subi %masked_cumsum3A_1161, %get3A_1158 : vector<16xi32>
      %add3A_1163 = arith.addi %sub3A_1162, %add3A_1156 : vector<16xi32>
      %swap3A_1164 = arith.constant 64 : index
      %swap3A_1165 = tpu.vector_load %arg16[%swap3A_1164] {strides = array<i32>} : memref<256xi32, #tpu.memory_space<vmem>>, vector<16xi32>,
      tpu.vector_store %arg16[%swap3A_1164], %add3A_1163 {strides = array<i32>} : memref<256xi32, #tpu.memory_space<vmem>>, vector<16xi32>,
      %swap3A_1166 = arith.constant 0 : index
      %swap3A_1167 = tpu.vector_load %arg18[%swap3A_1166] {strides = array<i32>} : memref<16xi32, #tpu.memory_space<vmem>>, vector<16xi32>,
      tpu.vector_store %arg18[%swap3A_1166], %masked_cumsum3A_1161 {strides = array<i32>} : memref<16xi32, #tpu.memory_space<vmem>>, vector<16xi32>,
      %gather3A_1168 = tpu.vector_load_idx %arg18[%broadcast_in_dim3A_5] : memref<16xi32, #tpu.memory_space<vmem>>[vector<16xi32>], vector<16xi32>,
      %add3A_1169 = arith.addi %add3A_1156, %gather3A_1168 : vector<16xi32>
      %get3A_1170 = arith.constant 80 : index
      %get3A_1171 = tpu.vector_load %arg16[%get3A_1170] {strides = array<i32>} : memref<256xi32, #tpu.memory_space<vmem>>, vector<16xi32>,
      %broadcast_in_dim3A_1172 = arith.constant true
      %broadcast_in_dim3A_1173 = vector.broadcast %broadcast_in_dim3A_1172 : i1 to vector<16xi1>
      %masked_cumsum3A_1174 = tpu.scan <sum>, %get3A_1171 masked %broadcast_in_dim3A_1173 : vector<16xi32>, vector<16xi1> -> vector<16xi32>
      %sub3A_1175 = arith.subi %masked_cumsum3A_1174, %get3A_1171 : vector<16xi32>
      %add3A_1176 = arith.addi %sub3A_1175, %add3A_1169 : vector<16xi32>
      %swap3A_1177 = arith.constant 80 : index
      %swap3A_1178 = tpu.vector_load %arg16[%swap3A_1177] {strides = array<i32>} : memref<256xi32, #tpu.memory_space<vmem>>, vector<16xi32>,
      tpu.vector_store %arg16[%swap3A_1177], %add3A_1176 {strides = array<i32>} : memref<256xi32, #tpu.memory_space<vmem>>, vector<16xi32>,
      %swap3A_1179 = arith.constant 0 : index
      %swap3A_1180 = tpu.vector_load %arg18[%swap3A_1179] {strides = array<i32>} : memref<16xi32, #tpu.memory_space<vmem>>, vector<16xi32>,
      tpu.vector_store %arg18[%swap3A_1179], %masked_cumsum3A_1174 {strides = array<i32>} : memref<16xi32, #tpu.memory_space<vmem>>, vector<16xi32>,
      %gather3A_1181 = tpu.vector_load_idx %arg18[%broadcast_in_dim3A_5] : memref<16xi32, #tpu.memory_space<vmem>>[vector<16xi32>], vector<16xi32>,
      %add3A_1182 = arith.addi %add3A_1169, %gather3A_1181 : vector<16xi32>
      %get3A_1183 = arith.constant 96 : index
      %get3A_1184 = tpu.vector_load %arg16[%get3A_1183] {strides = array<i32>} : memref<256xi32, #tpu.memory_space<vmem>>, vector<16xi32>,
      %broadcast_in_dim3A_1185 = arith.constant true
      %broadcast_in_dim3A_1186 = vector.broadcast %broadcast_in_dim3A_1185 : i1 to vector<16xi1>
      %masked_cumsum3A_1187 = tpu.scan <sum>, %get3A_1184 masked %broadcast_in_dim3A_1186 : vector<16xi32>, vector<16xi1> -> vector<16xi32>
      %sub3A_1188 = arith.subi %masked_cumsum3A_1187, %get3A_1184 : vector<16xi32>
      %add3A_1189 = arith.addi %sub3A_1188, %add3A_1182 : vector<16xi32>
      %swap3A_1190 = arith.constant 96 : index
      %swap3A_1191 = tpu.vector_load %arg16[%swap3A_1190] {strides = array<i32>} : memref<256xi32, #tpu.memory_space<vmem>>, vector<16xi32>,
      tpu.vector_store %arg16[%swap3A_1190], %add3A_1189 {strides = array<i32>} : memref<256xi32, #tpu.memory_space<vmem>>, vector<16xi32>,
      %swap3A_1192 = arith.constant 0 : index
      %swap3A_1193 = tpu.vector_load %arg18[%swap3A_1192] {strides = array<i32>} : memref<16xi32, #tpu.memory_space<vmem>>, vector<16xi32>,
      tpu.vector_store %arg18[%swap3A_1192], %masked_cumsum3A_1187 {strides = array<i32>} : memref<16xi32, #tpu.memory_space<vmem>>, vector<16xi32>,
      %gather3A_1194 = tpu.vector_load_idx %arg18[%broadcast_in_dim3A_5] : memref<16xi32, #tpu.memory_space<vmem>>[vector<16xi32>], vector<16xi32>,
      %add3A_1195 = arith.addi %add3A_1182, %gather3A_1194 : vector<16xi32>
      %get3A_1196 = arith.constant 112 : index
      %get3A_1197 = tpu.vector_load %arg16[%get3A_1196] {strides = array<i32>} : memref<256xi32, #tpu.memory_space<vmem>>, vector<16xi32>,
      %broadcast_in_dim3A_1198 = arith.constant true
      %broadcast_in_dim3A_1199 = vector.broadcast %broadcast_in_dim3A_1198 : i1 to vector<16xi1>
      %masked_cumsum3A_1200 = tpu.scan <sum>, %get3A_1197 masked %broadcast_in_dim3A_1199 : vector<16xi32>, vector<16xi1> -> vector<16xi32>
      %sub3A_1201 = arith.subi %masked_cumsum3A_1200, %get3A_1197 : vector<16xi32>
      %add3A_1202 = arith.addi %sub3A_1201, %add3A_1195 : vector<16xi32>
      %swap3A_1203 = arith.constant 112 : index
      %swap3A_1204 = tpu.vector_load %arg16[%swap3A_1203] {strides = array<i32>} : memref<256xi32, #tpu.memory_space<vmem>>, vector<16xi32>,
      tpu.vector_store %arg16[%swap3A_1203], %add3A_1202 {strides = array<i32>} : memref<256xi32, #tpu.memory_space<vmem>>, vector<16xi32>,
      %swap3A_1205 = arith.constant 0 : index
      %swap3A_1206 = tpu.vector_load %arg18[%swap3A_1205] {strides = array<i32>} : memref<16xi32, #tpu.memory_space<vmem>>, vector<16xi32>,
      tpu.vector_store %arg18[%swap3A_1205], %masked_cumsum3A_1200 {strides = array<i32>} : memref<16xi32, #tpu.memory_space<vmem>>, vector<16xi32>,
      %gather3A_1207 = tpu.vector_load_idx %arg18[%broadcast_in_dim3A_5] : memref<16xi32, #tpu.memory_space<vmem>>[vector<16xi32>], vector<16xi32>,
      %add3A_1208 = arith.addi %add3A_1195, %gather3A_1207 : vector<16xi32>
      %get3A_1209 = arith.constant 128 : index
      %get3A_1210 = tpu.vector_load %arg16[%get3A_1209] {strides = array<i32>} : memref<256xi32, #tpu.memory_space<vmem>>, vector<16xi32>,
      %broadcast_in_dim3A_1211 = arith.constant true
      %broadcast_in_dim3A_1212 = vector.broadcast %broadcast_in_dim3A_1211 : i1 to vector<16xi1>
      %masked_cumsum3A_1213 = tpu.scan <sum>, %get3A_1210 masked %broadcast_in_dim3A_1212 : vector<16xi32>, vector<16xi1> -> vector<16xi32>
      %sub3A_1214 = arith.subi %masked_cumsum3A_1213, %get3A_1210 : vector<16xi32>
      %add3A_1215 = arith.addi %sub3A_1214, %add3A_1208 : vector<16xi32>
      %swap3A_1216 = arith.constant 128 : index
      %swap3A_1217 = tpu.vector_load %arg16[%swap3A_1216] {strides = array<i32>} : memref<256xi32, #tpu.memory_space<vmem>>, vector<16xi32>,
      tpu.vector_store %arg16[%swap3A_1216], %add3A_1215 {strides = array<i32>} : memref<256xi32, #tpu.memory_space<vmem>>, vector<16xi32>,
      %swap3A_1218 = arith.constant 0 : index
      %swap3A_1219 = tpu.vector_load %arg18[%swap3A_1218] {strides = array<i32>} : memref<16xi32, #tpu.memory_space<vmem>>, vector<16xi32>,
      tpu.vector_store %arg18[%swap3A_1218], %masked_cumsum3A_1213 {strides = array<i32>} : memref<16xi32, #tpu.memory_space<vmem>>, vector<16xi32>,
      %gather3A_1220 = tpu.vector_load_idx %arg18[%broadcast_in_dim3A_5] : memref<16xi32, #tpu.memory_space<vmem>>[vector<16xi32>], vector<16xi32>,
      %add3A_1221 = arith.addi %add3A_1208, %gather3A_1220 : vector<16xi32>
      %get3A_1222 = arith.constant 144 : index
      %get3A_1223 = tpu.vector_load %arg16[%get3A_1222] {strides = array<i32>} : memref<256xi32, #tpu.memory_space<vmem>>, vector<16xi32>,
      %broadcast_in_dim3A_1224 = arith.constant true
      %broadcast_in_dim3A_1225 = vector.broadcast %broadcast_in_dim3A_1224 : i1 to vector<16xi1>
      %masked_cumsum3A_1226 = tpu.scan <sum>, %get3A_1223 masked %broadcast_in_dim3A_1225 : vector<16xi32>, vector<16xi1> -> vector<16xi32>
      %sub3A_1227 = arith.subi %masked_cumsum3A_1226, %get3A_1223 : vector<16xi32>
      %add3A_1228 = arith.addi %sub3A_1227, %add3A_1221 : vector<16xi32>
      %swap3A_1229 = arith.constant 144 : index
      %swap3A_1230 = tpu.vector_load %arg16[%swap3A_1229] {strides = array<i32>} : memref<256xi32, #tpu.memory_space<vmem>>, vector<16xi32>,
      tpu.vector_store %arg16[%swap3A_1229], %add3A_1228 {strides = array<i32>} : memref<256xi32, #tpu.memory_space<vmem>>, vector<16xi32>,
      %swap3A_1231 = arith.constant 0 : index
      %swap3A_1232 = tpu.vector_load %arg18[%swap3A_1231] {strides = array<i32>} : memref<16xi32, #tpu.memory_space<vmem>>, vector<16xi32>,
      tpu.vector_store %arg18[%swap3A_1231], %masked_cumsum3A_1226 {strides = array<i32>} : memref<16xi32, #tpu.memory_space<vmem>>, vector<16xi32>,
      %gather3A_1233 = tpu.vector_load_idx %arg18[%broadcast_in_dim3A_5] : memref<16xi32, #tpu.memory_space<vmem>>[vector<16xi32>], vector<16xi32>,
      %add3A_1234 = arith.addi %add3A_1221, %gather3A_1233 : vector<16xi32>
      %get3A_1235 = arith.constant 160 : index
      %get3A_1236 = tpu.vector_load %arg16[%get3A_1235] {strides = array<i32>} : memref<256xi32, #tpu.memory_space<vmem>>, vector<16xi32>,
      %broadcast_in_dim3A_1237 = arith.constant true
      %broadcast_in_dim3A_1238 = vector.broadcast %broadcast_in_dim3A_1237 : i1 to vector<16xi1>
      %masked_cumsum3A_1239 = tpu.scan <sum>, %get3A_1236 masked %broadcast_in_dim3A_1238 : vector<16xi32>, vector<16xi1> -> vector<16xi32>
      %sub3A_1240 = arith.subi %masked_cumsum3A_1239, %get3A_1236 : vector<16xi32>
      %add3A_1241 = arith.addi %sub3A_1240, %add3A_1234 : vector<16xi32>
      %swap3A_1242 = arith.constant 160 : index
      %swap3A_1243 = tpu.vector_load %arg16[%swap3A_1242] {strides = array<i32>} : memref<256xi32, #tpu.memory_space<vmem>>, vector<16xi32>,
      tpu.vector_store %arg16[%swap3A_1242], %add3A_1241 {strides = array<i32>} : memref<256xi32, #tpu.memory_space<vmem>>, vector<16xi32>,
      %swap3A_1244 = arith.constant 0 : index
      %swap3A_1245 = tpu.vector_load %arg18[%swap3A_1244] {strides = array<i32>} : memref<16xi32, #tpu.memory_space<vmem>>, vector<16xi32>,
      tpu.vector_store %arg18[%swap3A_1244], %masked_cumsum3A_1239 {strides = array<i32>} : memref<16xi32, #tpu.memory_space<vmem>>, vector<16xi32>,
      %gather3A_1246 = tpu.vector_load_idx %arg18[%broadcast_in_dim3A_5] : memref<16xi32, #tpu.memory_space<vmem>>[vector<16xi32>], vector<16xi32>,
      %add3A_1247 = arith.addi %add3A_1234, %gather3A_1246 : vector<16xi32>
      %get3A_1248 = arith.constant 176 : index
      %get3A_1249 = tpu.vector_load %arg16[%get3A_1248] {strides = array<i32>} : memref<256xi32, #tpu.memory_space<vmem>>, vector<16xi32>,
      %broadcast_in_dim3A_1250 = arith.constant true
      %broadcast_in_dim3A_1251 = vector.broadcast %broadcast_in_dim3A_1250 : i1 to vector<16xi1>
      %masked_cumsum3A_1252 = tpu.scan <sum>, %get3A_1249 masked %broadcast_in_dim3A_1251 : vector<16xi32>, vector<16xi1> -> vector<16xi32>
      %sub3A_1253 = arith.subi %masked_cumsum3A_1252, %get3A_1249 : vector<16xi32>
      %add3A_1254 = arith.addi %sub3A_1253, %add3A_1247 : vector<16xi32>
      %swap3A_1255 = arith.constant 176 : index
      %swap3A_1256 = tpu.vector_load %arg16[%swap3A_1255] {strides = array<i32>} : memref<256xi32, #tpu.memory_space<vmem>>, vector<16xi32>,
      tpu.vector_store %arg16[%swap3A_1255], %add3A_1254 {strides = array<i32>} : memref<256xi32, #tpu.memory_space<vmem>>, vector<16xi32>,
      %swap3A_1257 = arith.constant 0 : index
      %swap3A_1258 = tpu.vector_load %arg18[%swap3A_1257] {strides = array<i32>} : memref<16xi32, #tpu.memory_space<vmem>>, vector<16xi32>,
      tpu.vector_store %arg18[%swap3A_1257], %masked_cumsum3A_1252 {strides = array<i32>} : memref<16xi32, #tpu.memory_space<vmem>>, vector<16xi32>,
      %gather3A_1259 = tpu.vector_load_idx %arg18[%broadcast_in_dim3A_5] : memref<16xi32, #tpu.memory_space<vmem>>[vector<16xi32>], vector<16xi32>,
      %add3A_1260 = arith.addi %add3A_1247, %gather3A_1259 : vector<16xi32>
      %get3A_1261 = arith.constant 192 : index
      %get3A_1262 = tpu.vector_load %arg16[%get3A_1261] {strides = array<i32>} : memref<256xi32, #tpu.memory_space<vmem>>, vector<16xi32>,
      %broadcast_in_dim3A_1263 = arith.constant true
      %broadcast_in_dim3A_1264 = vector.broadcast %broadcast_in_dim3A_1263 : i1 to vector<16xi1>
      %masked_cumsum3A_1265 = tpu.scan <sum>, %get3A_1262 masked %broadcast_in_dim3A_1264 : vector<16xi32>, vector<16xi1> -> vector<16xi32>
      %sub3A_1266 = arith.subi %masked_cumsum3A_1265, %get3A_1262 : vector<16xi32>
      %add3A_1267 = arith.addi %sub3A_1266, %add3A_1260 : vector<16xi32>
      %swap3A_1268 = arith.constant 192 : index
      %swap3A_1269 = tpu.vector_load %arg16[%swap3A_1268] {strides = array<i32>} : memref<256xi32, #tpu.memory_space<vmem>>, vector<16xi32>,
      tpu.vector_store %arg16[%swap3A_1268], %add3A_1267 {strides = array<i32>} : memref<256xi32, #tpu.memory_space<vmem>>, vector<16xi32>,
      %swap3A_1270 = arith.constant 0 : index
      %swap3A_1271 = tpu.vector_load %arg18[%swap3A_1270] {strides = array<i32>} : memref<16xi32, #tpu.memory_space<vmem>>, vector<16xi32>,
      tpu.vector_store %arg18[%swap3A_1270], %masked_cumsum3A_1265 {strides = array<i32>} : memref<16xi32, #tpu.memory_space<vmem>>, vector<16xi32>,
      %gather3A_1272 = tpu.vector_load_idx %arg18[%broadcast_in_dim3A_5] : memref<16xi32, #tpu.memory_space<vmem>>[vector<16xi32>], vector<16xi32>,
      %add3A_1273 = arith.addi %add3A_1260, %gather3A_1272 : vector<16xi32>
      %get3A_1274 = arith.constant 208 : index
      %get3A_1275 = tpu.vector_load %arg16[%get3A_1274] {strides = array<i32>} : memref<256xi32, #tpu.memory_space<vmem>>, vector<16xi32>,
      %broadcast_in_dim3A_1276 = arith.constant true
      %broadcast_in_dim3A_1277 = vector.broadcast %broadcast_in_dim3A_1276 : i1 to vector<16xi1>
      %masked_cumsum3A_1278 = tpu.scan <sum>, %get3A_1275 masked %broadcast_in_dim3A_1277 : vector<16xi32>, vector<16xi1> -> vector<16xi32>
      %sub3A_1279 = arith.subi %masked_cumsum3A_1278, %get3A_1275 : vector<16xi32>
      %add3A_1280 = arith.addi %sub3A_1279, %add3A_1273 : vector<16xi32>
      %swap3A_1281 = arith.constant 208 : index
      %swap3A_1282 = tpu.vector_load %arg16[%swap3A_1281] {strides = array<i32>} : memref<256xi32, #tpu.memory_space<vmem>>, vector<16xi32>,
      tpu.vector_store %arg16[%swap3A_1281], %add3A_1280 {strides = array<i32>} : memref<256xi32, #tpu.memory_space<vmem>>, vector<16xi32>,
      %swap3A_1283 = arith.constant 0 : index
      %swap3A_1284 = tpu.vector_load %arg18[%swap3A_1283] {strides = array<i32>} : memref<16xi32, #tpu.memory_space<vmem>>, vector<16xi32>,
      tpu.vector_store %arg18[%swap3A_1283], %masked_cumsum3A_1278 {strides = array<i32>} : memref<16xi32, #tpu.memory_space<vmem>>, vector<16xi32>,
      %gather3A_1285 = tpu.vector_load_idx %arg18[%broadcast_in_dim3A_5] : memref<16xi32, #tpu.memory_space<vmem>>[vector<16xi32>], vector<16xi32>,
      %add3A_1286 = arith.addi %add3A_1273, %gather3A_1285 : vector<16xi32>
      %get3A_1287 = arith.constant 224 : index
      %get3A_1288 = tpu.vector_load %arg16[%get3A_1287] {strides = array<i32>} : memref<256xi32, #tpu.memory_space<vmem>>, vector<16xi32>,
      %broadcast_in_dim3A_1289 = arith.constant true
      %broadcast_in_dim3A_1290 = vector.broadcast %broadcast_in_dim3A_1289 : i1 to vector<16xi1>
      %masked_cumsum3A_1291 = tpu.scan <sum>, %get3A_1288 masked %broadcast_in_dim3A_1290 : vector<16xi32>, vector<16xi1> -> vector<16xi32>
      %sub3A_1292 = arith.subi %masked_cumsum3A_1291, %get3A_1288 : vector<16xi32>
      %add3A_1293 = arith.addi %sub3A_1292, %add3A_1286 : vector<16xi32>
      %swap3A_1294 = arith.constant 224 : index
      %swap3A_1295 = tpu.vector_load %arg16[%swap3A_1294] {strides = array<i32>} : memref<256xi32, #tpu.memory_space<vmem>>, vector<16xi32>,
      tpu.vector_store %arg16[%swap3A_1294], %add3A_1293 {strides = array<i32>} : memref<256xi32, #tpu.memory_space<vmem>>, vector<16xi32>,
      %swap3A_1296 = arith.constant 0 : index
      %swap3A_1297 = tpu.vector_load %arg18[%swap3A_1296] {strides = array<i32>} : memref<16xi32, #tpu.memory_space<vmem>>, vector<16xi32>,
      tpu.vector_store %arg18[%swap3A_1296], %masked_cumsum3A_1291 {strides = array<i32>} : memref<16xi32, #tpu.memory_space<vmem>>, vector<16xi32>,
      %gather3A_1298 = tpu.vector_load_idx %arg18[%broadcast_in_dim3A_5] : memref<16xi32, #tpu.memory_space<vmem>>[vector<16xi32>], vector<16xi32>,
      %add3A_1299 = arith.addi %add3A_1286, %gather3A_1298 : vector<16xi32>
      %get3A_1300 = arith.constant 240 : index
      %get3A_1301 = tpu.vector_load %arg16[%get3A_1300] {strides = array<i32>} : memref<256xi32, #tpu.memory_space<vmem>>, vector<16xi32>,
      %broadcast_in_dim3A_1302 = arith.constant true
      %broadcast_in_dim3A_1303 = vector.broadcast %broadcast_in_dim3A_1302 : i1 to vector<16xi1>
      %masked_cumsum3A_1304 = tpu.scan <sum>, %get3A_1301 masked %broadcast_in_dim3A_1303 : vector<16xi32>, vector<16xi1> -> vector<16xi32>
      %sub3A_1305 = arith.subi %masked_cumsum3A_1304, %get3A_1301 : vector<16xi32>
      %add3A_1306 = arith.addi %sub3A_1305, %add3A_1299 : vector<16xi32>
      %swap3A_1307 = arith.constant 240 : index
      %swap3A_1308 = tpu.vector_load %arg16[%swap3A_1307] {strides = array<i32>} : memref<256xi32, #tpu.memory_space<vmem>>, vector<16xi32>,
      tpu.vector_store %arg16[%swap3A_1307], %add3A_1306 {strides = array<i32>} : memref<256xi32, #tpu.memory_space<vmem>>, vector<16xi32>,
      %swap3A_1309 = arith.constant 0 : index
      %swap3A_1310 = tpu.vector_load %arg18[%swap3A_1309] {strides = array<i32>} : memref<16xi32, #tpu.memory_space<vmem>>, vector<16xi32>,
      tpu.vector_store %arg18[%swap3A_1309], %masked_cumsum3A_1304 {strides = array<i32>} : memref<16xi32, #tpu.memory_space<vmem>>, vector<16xi32>,
      %gather3A_1311 = tpu.vector_load_idx %arg18[%broadcast_in_dim3A_5] : memref<16xi32, #tpu.memory_space<vmem>>[vector<16xi32>], vector<16xi32>,
      %add3A_1312 = arith.addi %add3A_1299, %gather3A_1311 : vector<16xi32>
      %while3A = arith.constant 0 : i32
      %while3A_1313 = arith.constant 0 : i32
      %while3A_1314 = arith.constant 0 : i32
      %while3A_1315 = arith.subi %shift_right_logical3A_1069, %while3A_1313 : i32
      %while3A_1316 = arith.addi %while3A_1313, %while3A_1315 : i32
      %while3A_1317 = arith.constant 1 : i32
      %while3A_1318 = arith.divsi %while3A_1315, %while3A_1317 : i32
      %while3A_1319 = arith.muli %while3A_1318, %while3A_1317 : i32
      %while3A_1320 = arith.addi %while3A_1313, %while3A_1319 : i32
      %while3A_1321 = arith.constant 1 : i32
      %while3A_1322 = scf.for %while3A_2096 = %while3A_1313 to %while3A_1320 step %while3A_1321 iter_args(%while3A_2097 = %while3A_1314) -> (i32)  : i32 {
        %mul3A_2098 = arith.constant 16 : i32
        %mul3A_2099 = arith.muli %while3A_2096, %mul3A_2098 : i32
        %multiple_of3A = tpu.assume_multiple %mul3A_2099, 16 : i32
        %get3A_2100 = arith.index_cast %multiple_of3A : i32 to index
        %get3A_2101 = tpu.vector_load %arg12[%get3A_2100] {strides = array<i32>} : memref<8208xi32, #tpu.memory_space<vmem>>, vector<16xi32>,
        %get3A_2102 = arith.index_cast %multiple_of3A : i32 to index
        %get3A_2103 = tpu.vector_load %arg14[%get3A_2102] {strides = array<i32>} : memref<8208xi32, #tpu.memory_space<vmem>>, vector<16xi32>,
        %shift_right_logical3A_2104 = vector.broadcast %while3A : i32 to vector<16xi32>
        %shift_right_logical3A_2105 = arith.shrui %get3A_2101, %shift_right_logical3A_2104 : vector<16xi32>
        %and3A_2106 = arith.constant 255 : i32
        %and3A_2107 = vector.broadcast %and3A_2106 : i32 to vector<16xi32>
        %and3A_2108 = arith.andi %shift_right_logical3A_2105, %and3A_2107 : vector<16xi32>
        %broadcast_in_dim3A_2109 = arith.constant true
        %broadcast_in_dim3A_2110 = vector.broadcast %broadcast_in_dim3A_2109 : i1 to vector<16xi1>
        %unique3A, %unique3A_2111 = tpu.scan_count mask(%broadcast_in_dim3A_2110 : vector<16xi1>) value(%and3A_2108 : vector<16xi32>) : vector<16xi1>, vector<16xi32>
        %gather3A_2112 = tpu.vector_load_idx %arg16[%and3A_2108] : memref<256xi32, #tpu.memory_space<vmem>>[vector<16xi32>], vector<16xi32>,
        %add3A_2113 = arith.addi %gather3A_2112, %unique3A_2111 : vector<16xi32>
        %sub3A_2114 = arith.constant 1 : i32
        %sub3A_2115 = vector.broadcast %sub3A_2114 : i32 to vector<16xi32>
        %sub3A_2116 = arith.subi %add3A_2113, %sub3A_2115 : vector<16xi32>
        tpu.vector_store_idx %arg11[%sub3A_2116], %get3A_2101 : memref<8208xi32, #tpu.memory_space<vmem>>[vector<16xi32>], vector<16xi32>,
        tpu.vector_store_idx %arg13[%sub3A_2116], %get3A_2103 : memref<8208xi32, #tpu.memory_space<vmem>>[vector<16xi32>], vector<16xi32>,
        tpu.vector_store_idx %arg16[%and3A_2108], %unique3A_2111 masked %unique3A {add = true} : memref<256xi32, #tpu.memory_space<vmem>>[vector<16xi32>], vector<16xi32>, vector<16xi1>
        %while3A_2117 = arith.constant 0 : i32
        scf.yield %while3A_2117 : i32
      }
      %while3A_1323 = arith.constant 1 : i32
      %while3A_1324 = scf.for %while3A_2096 = %while3A_1320 to %while3A_1316 step %while3A_1323 iter_args(%while3A_2097 = %while3A_1322) -> (i32)  : i32 {
        %mul3A_2098 = arith.constant 16 : i32
        %mul3A_2099 = arith.muli %while3A_2096, %mul3A_2098 : i32
        %multiple_of3A = tpu.assume_multiple %mul3A_2099, 16 : i32
        %get3A_2100 = arith.index_cast %multiple_of3A : i32 to index
        %get3A_2101 = tpu.vector_load %arg12[%get3A_2100] {strides = array<i32>} : memref<8208xi32, #tpu.memory_space<vmem>>, vector<16xi32>,
        %get3A_2102 = arith.index_cast %multiple_of3A : i32 to index
        %get3A_2103 = tpu.vector_load %arg14[%get3A_2102] {strides = array<i32>} : memref<8208xi32, #tpu.memory_space<vmem>>, vector<16xi32>,
        %shift_right_logical3A_2104 = vector.broadcast %while3A : i32 to vector<16xi32>
        %shift_right_logical3A_2105 = arith.shrui %get3A_2101, %shift_right_logical3A_2104 : vector<16xi32>
        %and3A_2106 = arith.constant 255 : i32
        %and3A_2107 = vector.broadcast %and3A_2106 : i32 to vector<16xi32>
        %and3A_2108 = arith.andi %shift_right_logical3A_2105, %and3A_2107 : vector<16xi32>
        %broadcast_in_dim3A_2109 = arith.constant true
        %broadcast_in_dim3A_2110 = vector.broadcast %broadcast_in_dim3A_2109 : i1 to vector<16xi1>
        %unique3A, %unique3A_2111 = tpu.scan_count mask(%broadcast_in_dim3A_2110 : vector<16xi1>) value(%and3A_2108 : vector<16xi32>) : vector<16xi1>, vector<16xi32>
        %gather3A_2112 = tpu.vector_load_idx %arg16[%and3A_2108] : memref<256xi32, #tpu.memory_space<vmem>>[vector<16xi32>], vector<16xi32>,
        %add3A_2113 = arith.addi %gather3A_2112, %unique3A_2111 : vector<16xi32>
        %sub3A_2114 = arith.constant 1 : i32
        %sub3A_2115 = vector.broadcast %sub3A_2114 : i32 to vector<16xi32>
        %sub3A_2116 = arith.subi %add3A_2113, %sub3A_2115 : vector<16xi32>
        tpu.vector_store_idx %arg11[%sub3A_2116], %get3A_2101 : memref<8208xi32, #tpu.memory_space<vmem>>[vector<16xi32>], vector<16xi32>,
        tpu.vector_store_idx %arg13[%sub3A_2116], %get3A_2103 : memref<8208xi32, #tpu.memory_space<vmem>>[vector<16xi32>], vector<16xi32>,
        tpu.vector_store_idx %arg16[%and3A_2108], %unique3A_2111 masked %unique3A {add = true} : memref<256xi32, #tpu.memory_space<vmem>>[vector<16xi32>], vector<16xi32>, vector<16xi1>
        %while3A_2117 = arith.constant 0 : i32
        scf.yield %while3A_2117 : i32
      }
      %swap3A_1325 = arith.constant 0 : index
      %swap3A_1326 = tpu.vector_load %arg16[%swap3A_1325] {strides = array<i32>} : memref<256xi32, #tpu.memory_space<vmem>>, vector<16xi32>,
      tpu.vector_store %arg16[%swap3A_1325], %broadcast_in_dim3A_3 {strides = array<i32>} : memref<256xi32, #tpu.memory_space<vmem>>, vector<16xi32>,
      %swap3A_1327 = arith.constant 16 : index
      %swap3A_1328 = tpu.vector_load %arg16[%swap3A_1327] {strides = array<i32>} : memref<256xi32, #tpu.memory_space<vmem>>, vector<16xi32>,
      tpu.vector_store %arg16[%swap3A_1327], %broadcast_in_dim3A_3 {strides = array<i32>} : memref<256xi32, #tpu.memory_space<vmem>>, vector<16xi32>,
      %swap3A_1329 = arith.constant 32 : index
      %swap3A_1330 = tpu.vector_load %arg16[%swap3A_1329] {strides = array<i32>} : memref<256xi32, #tpu.memory_space<vmem>>, vector<16xi32>,
      tpu.vector_store %arg16[%swap3A_1329], %broadcast_in_dim3A_3 {strides = array<i32>} : memref<256xi32, #tpu.memory_space<vmem>>, vector<16xi32>,
      %swap3A_1331 = arith.constant 48 : index
      %swap3A_1332 = tpu.vector_load %arg16[%swap3A_1331] {strides = array<i32>} : memref<256xi32, #tpu.memory_space<vmem>>, vector<16xi32>,
      tpu.vector_store %arg16[%swap3A_1331], %broadcast_in_dim3A_3 {strides = array<i32>} : memref<256xi32, #tpu.memory_space<vmem>>, vector<16xi32>,
      %swap3A_1333 = arith.constant 64 : index
      %swap3A_1334 = tpu.vector_load %arg16[%swap3A_1333] {strides = array<i32>} : memref<256xi32, #tpu.memory_space<vmem>>, vector<16xi32>,
      tpu.vector_store %arg16[%swap3A_1333], %broadcast_in_dim3A_3 {strides = array<i32>} : memref<256xi32, #tpu.memory_space<vmem>>, vector<16xi32>,
      %swap3A_1335 = arith.constant 80 : index
      %swap3A_1336 = tpu.vector_load %arg16[%swap3A_1335] {strides = array<i32>} : memref<256xi32, #tpu.memory_space<vmem>>, vector<16xi32>,
      tpu.vector_store %arg16[%swap3A_1335], %broadcast_in_dim3A_3 {strides = array<i32>} : memref<256xi32, #tpu.memory_space<vmem>>, vector<16xi32>,
      %swap3A_1337 = arith.constant 96 : index
      %swap3A_1338 = tpu.vector_load %arg16[%swap3A_1337] {strides = array<i32>} : memref<256xi32, #tpu.memory_space<vmem>>, vector<16xi32>,
      tpu.vector_store %arg16[%swap3A_1337], %broadcast_in_dim3A_3 {strides = array<i32>} : memref<256xi32, #tpu.memory_space<vmem>>, vector<16xi32>,
      %swap3A_1339 = arith.constant 112 : index
      %swap3A_1340 = tpu.vector_load %arg16[%swap3A_1339] {strides = array<i32>} : memref<256xi32, #tpu.memory_space<vmem>>, vector<16xi32>,
      tpu.vector_store %arg16[%swap3A_1339], %broadcast_in_dim3A_3 {strides = array<i32>} : memref<256xi32, #tpu.memory_space<vmem>>, vector<16xi32>,
      %swap3A_1341 = arith.constant 128 : index
      %swap3A_1342 = tpu.vector_load %arg16[%swap3A_1341] {strides = array<i32>} : memref<256xi32, #tpu.memory_space<vmem>>, vector<16xi32>,
      tpu.vector_store %arg16[%swap3A_1341], %broadcast_in_dim3A_3 {strides = array<i32>} : memref<256xi32, #tpu.memory_space<vmem>>, vector<16xi32>,
      %swap3A_1343 = arith.constant 144 : index
      %swap3A_1344 = tpu.vector_load %arg16[%swap3A_1343] {strides = array<i32>} : memref<256xi32, #tpu.memory_space<vmem>>, vector<16xi32>,
      tpu.vector_store %arg16[%swap3A_1343], %broadcast_in_dim3A_3 {strides = array<i32>} : memref<256xi32, #tpu.memory_space<vmem>>, vector<16xi32>,
      %swap3A_1345 = arith.constant 160 : index
      %swap3A_1346 = tpu.vector_load %arg16[%swap3A_1345] {strides = array<i32>} : memref<256xi32, #tpu.memory_space<vmem>>, vector<16xi32>,
      tpu.vector_store %arg16[%swap3A_1345], %broadcast_in_dim3A_3 {strides = array<i32>} : memref<256xi32, #tpu.memory_space<vmem>>, vector<16xi32>,
      %swap3A_1347 = arith.constant 176 : index
      %swap3A_1348 = tpu.vector_load %arg16[%swap3A_1347] {strides = array<i32>} : memref<256xi32, #tpu.memory_space<vmem>>, vector<16xi32>,
      tpu.vector_store %arg16[%swap3A_1347], %broadcast_in_dim3A_3 {strides = array<i32>} : memref<256xi32, #tpu.memory_space<vmem>>, vector<16xi32>,
      %swap3A_1349 = arith.constant 192 : index
      %swap3A_1350 = tpu.vector_load %arg16[%swap3A_1349] {strides = array<i32>} : memref<256xi32, #tpu.memory_space<vmem>>, vector<16xi32>,
      tpu.vector_store %arg16[%swap3A_1349], %broadcast_in_dim3A_3 {strides = array<i32>} : memref<256xi32, #tpu.memory_space<vmem>>, vector<16xi32>,
      %swap3A_1351 = arith.constant 208 : index
      %swap3A_1352 = tpu.vector_load %arg16[%swap3A_1351] {strides = array<i32>} : memref<256xi32, #tpu.memory_space<vmem>>, vector<16xi32>,
      tpu.vector_store %arg16[%swap3A_1351], %broadcast_in_dim3A_3 {strides = array<i32>} : memref<256xi32, #tpu.memory_space<vmem>>, vector<16xi32>,
      %swap3A_1353 = arith.constant 224 : index
      %swap3A_1354 = tpu.vector_load %arg16[%swap3A_1353] {strides = array<i32>} : memref<256xi32, #tpu.memory_space<vmem>>, vector<16xi32>,
      tpu.vector_store %arg16[%swap3A_1353], %broadcast_in_dim3A_3 {strides = array<i32>} : memref<256xi32, #tpu.memory_space<vmem>>, vector<16xi32>,
      %swap3A_1355 = arith.constant 240 : index
      %swap3A_1356 = tpu.vector_load %arg16[%swap3A_1355] {strides = array<i32>} : memref<256xi32, #tpu.memory_space<vmem>>, vector<16xi32>,
      tpu.vector_store %arg16[%swap3A_1355], %broadcast_in_dim3A_3 {strides = array<i32>} : memref<256xi32, #tpu.memory_space<vmem>>, vector<16xi32>,
      %parallel_loop3A_1357 = arith.constant 0 : i32
      %parallel_loop3A_1358 = arith.constant 1 : i32
      %parallel_loop3A_1359 = arith.constant 8 : i32
      scf.for %parallel_loop3A_2096 = %parallel_loop3A_1357 to %shift_right_logical3A_1069 step %parallel_loop3A_1358  : i32 {
        %parallel_loop3A_2097 = arith.constant 16 : i32
        %parallel_loop3A_2098 = arith.muli %parallel_loop3A_2096, %parallel_loop3A_2097 : i32
        %parallel_loop3A_2099 = tpu.assume_multiple %parallel_loop3A_2098, 16 : i32
        %parallel_loop3A_2100 = arith.index_cast %parallel_loop3A_2099 : i32 to index
        %parallel_loop3A_2101 = tpu.vector_load %arg11[%parallel_loop3A_2100] {strides = array<i32>} : memref<8208xi32, #tpu.memory_space<vmem>>, vector<16xi32>,
        %parallel_loop3A_2102 = vector.broadcast %parallel_loop3A_1359 : i32 to vector<16xi32>
        %parallel_loop3A_2103 = arith.shrui %parallel_loop3A_2101, %parallel_loop3A_2102 : vector<16xi32>
        %parallel_loop3A_2104 = arith.constant 255 : i32
        %parallel_loop3A_2105 = vector.broadcast %parallel_loop3A_2104 : i32 to vector<16xi32>
        %parallel_loop3A_2106 = arith.andi %parallel_loop3A_2103, %parallel_loop3A_2105 : vector<16xi32>
        %parallel_loop3A_2107 = arith.constant true
        %parallel_loop3A_2108 = vector.broadcast %parallel_loop3A_2107 : i1 to vector<16xi1>
        %parallel_loop3A_2109, %parallel_loop3A_2110 = tpu.scan_count mask(%parallel_loop3A_2108 : vector<16xi1>) value(%parallel_loop3A_2106 : vector<16xi32>) : vector<16xi1>, vector<16xi32>
        tpu.vector_store_idx %arg16[%parallel_loop3A_2106], %parallel_loop3A_2110 masked %parallel_loop3A_2109 {add = true} : memref<256xi32, #tpu.memory_space<vmem>>[vector<16xi32>], vector<16xi32>, vector<16xi1>
      } {sc.loop_unroll_factor = 4 : i64, sc.parallel_access}
      %get3A_1360 = arith.constant 0 : index
      %get3A_1361 = tpu.vector_load %arg16[%get3A_1360] {strides = array<i32>} : memref<256xi32, #tpu.memory_space<vmem>>, vector<16xi32>,
      %broadcast_in_dim3A_1362 = arith.constant true
      %broadcast_in_dim3A_1363 = vector.broadcast %broadcast_in_dim3A_1362 : i1 to vector<16xi1>
      %masked_cumsum3A_1364 = tpu.scan <sum>, %get3A_1361 masked %broadcast_in_dim3A_1363 : vector<16xi32>, vector<16xi1> -> vector<16xi32>
      %sub3A_1365 = arith.subi %masked_cumsum3A_1364, %get3A_1361 : vector<16xi32>
      %add3A_1366 = arith.addi %sub3A_1365, %broadcast_in_dim3A_3 : vector<16xi32>
      %swap3A_1367 = arith.constant 0 : index
      %swap3A_1368 = tpu.vector_load %arg16[%swap3A_1367] {strides = array<i32>} : memref<256xi32, #tpu.memory_space<vmem>>, vector<16xi32>,
      tpu.vector_store %arg16[%swap3A_1367], %add3A_1366 {strides = array<i32>} : memref<256xi32, #tpu.memory_space<vmem>>, vector<16xi32>,
      %swap3A_1369 = arith.constant 0 : index
      %swap3A_1370 = tpu.vector_load %arg18[%swap3A_1369] {strides = array<i32>} : memref<16xi32, #tpu.memory_space<vmem>>, vector<16xi32>,
      tpu.vector_store %arg18[%swap3A_1369], %masked_cumsum3A_1364 {strides = array<i32>} : memref<16xi32, #tpu.memory_space<vmem>>, vector<16xi32>,
      %gather3A_1371 = tpu.vector_load_idx %arg18[%broadcast_in_dim3A_5] : memref<16xi32, #tpu.memory_space<vmem>>[vector<16xi32>], vector<16xi32>,
      %add3A_1372 = arith.addi %broadcast_in_dim3A_3, %gather3A_1371 : vector<16xi32>
      %get3A_1373 = arith.constant 16 : index
      %get3A_1374 = tpu.vector_load %arg16[%get3A_1373] {strides = array<i32>} : memref<256xi32, #tpu.memory_space<vmem>>, vector<16xi32>,
      %broadcast_in_dim3A_1375 = arith.constant true
      %broadcast_in_dim3A_1376 = vector.broadcast %broadcast_in_dim3A_1375 : i1 to vector<16xi1>
      %masked_cumsum3A_1377 = tpu.scan <sum>, %get3A_1374 masked %broadcast_in_dim3A_1376 : vector<16xi32>, vector<16xi1> -> vector<16xi32>
      %sub3A_1378 = arith.subi %masked_cumsum3A_1377, %get3A_1374 : vector<16xi32>
      %add3A_1379 = arith.addi %sub3A_1378, %add3A_1372 : vector<16xi32>
      %swap3A_1380 = arith.constant 16 : index
      %swap3A_1381 = tpu.vector_load %arg16[%swap3A_1380] {strides = array<i32>} : memref<256xi32, #tpu.memory_space<vmem>>, vector<16xi32>,
      tpu.vector_store %arg16[%swap3A_1380], %add3A_1379 {strides = array<i32>} : memref<256xi32, #tpu.memory_space<vmem>>, vector<16xi32>,
      %swap3A_1382 = arith.constant 0 : index
      %swap3A_1383 = tpu.vector_load %arg18[%swap3A_1382] {strides = array<i32>} : memref<16xi32, #tpu.memory_space<vmem>>, vector<16xi32>,
      tpu.vector_store %arg18[%swap3A_1382], %masked_cumsum3A_1377 {strides = array<i32>} : memref<16xi32, #tpu.memory_space<vmem>>, vector<16xi32>,
      %gather3A_1384 = tpu.vector_load_idx %arg18[%broadcast_in_dim3A_5] : memref<16xi32, #tpu.memory_space<vmem>>[vector<16xi32>], vector<16xi32>,
      %add3A_1385 = arith.addi %add3A_1372, %gather3A_1384 : vector<16xi32>
      %get3A_1386 = arith.constant 32 : index
      %get3A_1387 = tpu.vector_load %arg16[%get3A_1386] {strides = array<i32>} : memref<256xi32, #tpu.memory_space<vmem>>, vector<16xi32>,
      %broadcast_in_dim3A_1388 = arith.constant true
      %broadcast_in_dim3A_1389 = vector.broadcast %broadcast_in_dim3A_1388 : i1 to vector<16xi1>
      %masked_cumsum3A_1390 = tpu.scan <sum>, %get3A_1387 masked %broadcast_in_dim3A_1389 : vector<16xi32>, vector<16xi1> -> vector<16xi32>
      %sub3A_1391 = arith.subi %masked_cumsum3A_1390, %get3A_1387 : vector<16xi32>
      %add3A_1392 = arith.addi %sub3A_1391, %add3A_1385 : vector<16xi32>
      %swap3A_1393 = arith.constant 32 : index
      %swap3A_1394 = tpu.vector_load %arg16[%swap3A_1393] {strides = array<i32>} : memref<256xi32, #tpu.memory_space<vmem>>, vector<16xi32>,
      tpu.vector_store %arg16[%swap3A_1393], %add3A_1392 {strides = array<i32>} : memref<256xi32, #tpu.memory_space<vmem>>, vector<16xi32>,
      %swap3A_1395 = arith.constant 0 : index
      %swap3A_1396 = tpu.vector_load %arg18[%swap3A_1395] {strides = array<i32>} : memref<16xi32, #tpu.memory_space<vmem>>, vector<16xi32>,
      tpu.vector_store %arg18[%swap3A_1395], %masked_cumsum3A_1390 {strides = array<i32>} : memref<16xi32, #tpu.memory_space<vmem>>, vector<16xi32>,
      %gather3A_1397 = tpu.vector_load_idx %arg18[%broadcast_in_dim3A_5] : memref<16xi32, #tpu.memory_space<vmem>>[vector<16xi32>], vector<16xi32>,
      %add3A_1398 = arith.addi %add3A_1385, %gather3A_1397 : vector<16xi32>
      %get3A_1399 = arith.constant 48 : index
      %get3A_1400 = tpu.vector_load %arg16[%get3A_1399] {strides = array<i32>} : memref<256xi32, #tpu.memory_space<vmem>>, vector<16xi32>,
      %broadcast_in_dim3A_1401 = arith.constant true
      %broadcast_in_dim3A_1402 = vector.broadcast %broadcast_in_dim3A_1401 : i1 to vector<16xi1>
      %masked_cumsum3A_1403 = tpu.scan <sum>, %get3A_1400 masked %broadcast_in_dim3A_1402 : vector<16xi32>, vector<16xi1> -> vector<16xi32>
      %sub3A_1404 = arith.subi %masked_cumsum3A_1403, %get3A_1400 : vector<16xi32>
      %add3A_1405 = arith.addi %sub3A_1404, %add3A_1398 : vector<16xi32>
      %swap3A_1406 = arith.constant 48 : index
      %swap3A_1407 = tpu.vector_load %arg16[%swap3A_1406] {strides = array<i32>} : memref<256xi32, #tpu.memory_space<vmem>>, vector<16xi32>,
      tpu.vector_store %arg16[%swap3A_1406], %add3A_1405 {strides = array<i32>} : memref<256xi32, #tpu.memory_space<vmem>>, vector<16xi32>,
      %swap3A_1408 = arith.constant 0 : index
      %swap3A_1409 = tpu.vector_load %arg18[%swap3A_1408] {strides = array<i32>} : memref<16xi32, #tpu.memory_space<vmem>>, vector<16xi32>,
      tpu.vector_store %arg18[%swap3A_1408], %masked_cumsum3A_1403 {strides = array<i32>} : memref<16xi32, #tpu.memory_space<vmem>>, vector<16xi32>,
      %gather3A_1410 = tpu.vector_load_idx %arg18[%broadcast_in_dim3A_5] : memref<16xi32, #tpu.memory_space<vmem>>[vector<16xi32>], vector<16xi32>,
      %add3A_1411 = arith.addi %add3A_1398, %gather3A_1410 : vector<16xi32>
      %get3A_1412 = arith.constant 64 : index
      %get3A_1413 = tpu.vector_load %arg16[%get3A_1412] {strides = array<i32>} : memref<256xi32, #tpu.memory_space<vmem>>, vector<16xi32>,
      %broadcast_in_dim3A_1414 = arith.constant true
      %broadcast_in_dim3A_1415 = vector.broadcast %broadcast_in_dim3A_1414 : i1 to vector<16xi1>
      %masked_cumsum3A_1416 = tpu.scan <sum>, %get3A_1413 masked %broadcast_in_dim3A_1415 : vector<16xi32>, vector<16xi1> -> vector<16xi32>
      %sub3A_1417 = arith.subi %masked_cumsum3A_1416, %get3A_1413 : vector<16xi32>
      %add3A_1418 = arith.addi %sub3A_1417, %add3A_1411 : vector<16xi32>
      %swap3A_1419 = arith.constant 64 : index
      %swap3A_1420 = tpu.vector_load %arg16[%swap3A_1419] {strides = array<i32>} : memref<256xi32, #tpu.memory_space<vmem>>, vector<16xi32>,
      tpu.vector_store %arg16[%swap3A_1419], %add3A_1418 {strides = array<i32>} : memref<256xi32, #tpu.memory_space<vmem>>, vector<16xi32>,
      %swap3A_1421 = arith.constant 0 : index
      %swap3A_1422 = tpu.vector_load %arg18[%swap3A_1421] {strides = array<i32>} : memref<16xi32, #tpu.memory_space<vmem>>, vector<16xi32>,
      tpu.vector_store %arg18[%swap3A_1421], %masked_cumsum3A_1416 {strides = array<i32>} : memref<16xi32, #tpu.memory_space<vmem>>, vector<16xi32>,
      %gather3A_1423 = tpu.vector_load_idx %arg18[%broadcast_in_dim3A_5] : memref<16xi32, #tpu.memory_space<vmem>>[vector<16xi32>], vector<16xi32>,
      %add3A_1424 = arith.addi %add3A_1411, %gather3A_1423 : vector<16xi32>
      %get3A_1425 = arith.constant 80 : index
      %get3A_1426 = tpu.vector_load %arg16[%get3A_1425] {strides = array<i32>} : memref<256xi32, #tpu.memory_space<vmem>>, vector<16xi32>,
      %broadcast_in_dim3A_1427 = arith.constant true
      %broadcast_in_dim3A_1428 = vector.broadcast %broadcast_in_dim3A_1427 : i1 to vector<16xi1>
      %masked_cumsum3A_1429 = tpu.scan <sum>, %get3A_1426 masked %broadcast_in_dim3A_1428 : vector<16xi32>, vector<16xi1> -> vector<16xi32>
      %sub3A_1430 = arith.subi %masked_cumsum3A_1429, %get3A_1426 : vector<16xi32>
      %add3A_1431 = arith.addi %sub3A_1430, %add3A_1424 : vector<16xi32>
      %swap3A_1432 = arith.constant 80 : index
      %swap3A_1433 = tpu.vector_load %arg16[%swap3A_1432] {strides = array<i32>} : memref<256xi32, #tpu.memory_space<vmem>>, vector<16xi32>,
      tpu.vector_store %arg16[%swap3A_1432], %add3A_1431 {strides = array<i32>} : memref<256xi32, #tpu.memory_space<vmem>>, vector<16xi32>,
      %swap3A_1434 = arith.constant 0 : index
      %swap3A_1435 = tpu.vector_load %arg18[%swap3A_1434] {strides = array<i32>} : memref<16xi32, #tpu.memory_space<vmem>>, vector<16xi32>,
      tpu.vector_store %arg18[%swap3A_1434], %masked_cumsum3A_1429 {strides = array<i32>} : memref<16xi32, #tpu.memory_space<vmem>>, vector<16xi32>,
      %gather3A_1436 = tpu.vector_load_idx %arg18[%broadcast_in_dim3A_5] : memref<16xi32, #tpu.memory_space<vmem>>[vector<16xi32>], vector<16xi32>,
      %add3A_1437 = arith.addi %add3A_1424, %gather3A_1436 : vector<16xi32>
      %get3A_1438 = arith.constant 96 : index
      %get3A_1439 = tpu.vector_load %arg16[%get3A_1438] {strides = array<i32>} : memref<256xi32, #tpu.memory_space<vmem>>, vector<16xi32>,
      %broadcast_in_dim3A_1440 = arith.constant true
      %broadcast_in_dim3A_1441 = vector.broadcast %broadcast_in_dim3A_1440 : i1 to vector<16xi1>
      %masked_cumsum3A_1442 = tpu.scan <sum>, %get3A_1439 masked %broadcast_in_dim3A_1441 : vector<16xi32>, vector<16xi1> -> vector<16xi32>
      %sub3A_1443 = arith.subi %masked_cumsum3A_1442, %get3A_1439 : vector<16xi32>
      %add3A_1444 = arith.addi %sub3A_1443, %add3A_1437 : vector<16xi32>
      %swap3A_1445 = arith.constant 96 : index
      %swap3A_1446 = tpu.vector_load %arg16[%swap3A_1445] {strides = array<i32>} : memref<256xi32, #tpu.memory_space<vmem>>, vector<16xi32>,
      tpu.vector_store %arg16[%swap3A_1445], %add3A_1444 {strides = array<i32>} : memref<256xi32, #tpu.memory_space<vmem>>, vector<16xi32>,
      %swap3A_1447 = arith.constant 0 : index
      %swap3A_1448 = tpu.vector_load %arg18[%swap3A_1447] {strides = array<i32>} : memref<16xi32, #tpu.memory_space<vmem>>, vector<16xi32>,
      tpu.vector_store %arg18[%swap3A_1447], %masked_cumsum3A_1442 {strides = array<i32>} : memref<16xi32, #tpu.memory_space<vmem>>, vector<16xi32>,
      %gather3A_1449 = tpu.vector_load_idx %arg18[%broadcast_in_dim3A_5] : memref<16xi32, #tpu.memory_space<vmem>>[vector<16xi32>], vector<16xi32>,
      %add3A_1450 = arith.addi %add3A_1437, %gather3A_1449 : vector<16xi32>
      %get3A_1451 = arith.constant 112 : index
      %get3A_1452 = tpu.vector_load %arg16[%get3A_1451] {strides = array<i32>} : memref<256xi32, #tpu.memory_space<vmem>>, vector<16xi32>,
      %broadcast_in_dim3A_1453 = arith.constant true
      %broadcast_in_dim3A_1454 = vector.broadcast %broadcast_in_dim3A_1453 : i1 to vector<16xi1>
      %masked_cumsum3A_1455 = tpu.scan <sum>, %get3A_1452 masked %broadcast_in_dim3A_1454 : vector<16xi32>, vector<16xi1> -> vector<16xi32>
      %sub3A_1456 = arith.subi %masked_cumsum3A_1455, %get3A_1452 : vector<16xi32>
      %add3A_1457 = arith.addi %sub3A_1456, %add3A_1450 : vector<16xi32>
      %swap3A_1458 = arith.constant 112 : index
      %swap3A_1459 = tpu.vector_load %arg16[%swap3A_1458] {strides = array<i32>} : memref<256xi32, #tpu.memory_space<vmem>>, vector<16xi32>,
      tpu.vector_store %arg16[%swap3A_1458], %add3A_1457 {strides = array<i32>} : memref<256xi32, #tpu.memory_space<vmem>>, vector<16xi32>,
      %swap3A_1460 = arith.constant 0 : index
      %swap3A_1461 = tpu.vector_load %arg18[%swap3A_1460] {strides = array<i32>} : memref<16xi32, #tpu.memory_space<vmem>>, vector<16xi32>,
      tpu.vector_store %arg18[%swap3A_1460], %masked_cumsum3A_1455 {strides = array<i32>} : memref<16xi32, #tpu.memory_space<vmem>>, vector<16xi32>,
      %gather3A_1462 = tpu.vector_load_idx %arg18[%broadcast_in_dim3A_5] : memref<16xi32, #tpu.memory_space<vmem>>[vector<16xi32>], vector<16xi32>,
      %add3A_1463 = arith.addi %add3A_1450, %gather3A_1462 : vector<16xi32>
      %get3A_1464 = arith.constant 128 : index
      %get3A_1465 = tpu.vector_load %arg16[%get3A_1464] {strides = array<i32>} : memref<256xi32, #tpu.memory_space<vmem>>, vector<16xi32>,
      %broadcast_in_dim3A_1466 = arith.constant true
      %broadcast_in_dim3A_1467 = vector.broadcast %broadcast_in_dim3A_1466 : i1 to vector<16xi1>
      %masked_cumsum3A_1468 = tpu.scan <sum>, %get3A_1465 masked %broadcast_in_dim3A_1467 : vector<16xi32>, vector<16xi1> -> vector<16xi32>
      %sub3A_1469 = arith.subi %masked_cumsum3A_1468, %get3A_1465 : vector<16xi32>
      %add3A_1470 = arith.addi %sub3A_1469, %add3A_1463 : vector<16xi32>
      %swap3A_1471 = arith.constant 128 : index
      %swap3A_1472 = tpu.vector_load %arg16[%swap3A_1471] {strides = array<i32>} : memref<256xi32, #tpu.memory_space<vmem>>, vector<16xi32>,
      tpu.vector_store %arg16[%swap3A_1471], %add3A_1470 {strides = array<i32>} : memref<256xi32, #tpu.memory_space<vmem>>, vector<16xi32>,
      %swap3A_1473 = arith.constant 0 : index
      %swap3A_1474 = tpu.vector_load %arg18[%swap3A_1473] {strides = array<i32>} : memref<16xi32, #tpu.memory_space<vmem>>, vector<16xi32>,
      tpu.vector_store %arg18[%swap3A_1473], %masked_cumsum3A_1468 {strides = array<i32>} : memref<16xi32, #tpu.memory_space<vmem>>, vector<16xi32>,
      %gather3A_1475 = tpu.vector_load_idx %arg18[%broadcast_in_dim3A_5] : memref<16xi32, #tpu.memory_space<vmem>>[vector<16xi32>], vector<16xi32>,
      %add3A_1476 = arith.addi %add3A_1463, %gather3A_1475 : vector<16xi32>
      %get3A_1477 = arith.constant 144 : index
      %get3A_1478 = tpu.vector_load %arg16[%get3A_1477] {strides = array<i32>} : memref<256xi32, #tpu.memory_space<vmem>>, vector<16xi32>,
      %broadcast_in_dim3A_1479 = arith.constant true
      %broadcast_in_dim3A_1480 = vector.broadcast %broadcast_in_dim3A_1479 : i1 to vector<16xi1>
      %masked_cumsum3A_1481 = tpu.scan <sum>, %get3A_1478 masked %broadcast_in_dim3A_1480 : vector<16xi32>, vector<16xi1> -> vector<16xi32>
      %sub3A_1482 = arith.subi %masked_cumsum3A_1481, %get3A_1478 : vector<16xi32>
      %add3A_1483 = arith.addi %sub3A_1482, %add3A_1476 : vector<16xi32>
      %swap3A_1484 = arith.constant 144 : index
      %swap3A_1485 = tpu.vector_load %arg16[%swap3A_1484] {strides = array<i32>} : memref<256xi32, #tpu.memory_space<vmem>>, vector<16xi32>,
      tpu.vector_store %arg16[%swap3A_1484], %add3A_1483 {strides = array<i32>} : memref<256xi32, #tpu.memory_space<vmem>>, vector<16xi32>,
      %swap3A_1486 = arith.constant 0 : index
      %swap3A_1487 = tpu.vector_load %arg18[%swap3A_1486] {strides = array<i32>} : memref<16xi32, #tpu.memory_space<vmem>>, vector<16xi32>,
      tpu.vector_store %arg18[%swap3A_1486], %masked_cumsum3A_1481 {strides = array<i32>} : memref<16xi32, #tpu.memory_space<vmem>>, vector<16xi32>,
      %gather3A_1488 = tpu.vector_load_idx %arg18[%broadcast_in_dim3A_5] : memref<16xi32, #tpu.memory_space<vmem>>[vector<16xi32>], vector<16xi32>,
      %add3A_1489 = arith.addi %add3A_1476, %gather3A_1488 : vector<16xi32>
      %get3A_1490 = arith.constant 160 : index
      %get3A_1491 = tpu.vector_load %arg16[%get3A_1490] {strides = array<i32>} : memref<256xi32, #tpu.memory_space<vmem>>, vector<16xi32>,
      %broadcast_in_dim3A_1492 = arith.constant true
      %broadcast_in_dim3A_1493 = vector.broadcast %broadcast_in_dim3A_1492 : i1 to vector<16xi1>
      %masked_cumsum3A_1494 = tpu.scan <sum>, %get3A_1491 masked %broadcast_in_dim3A_1493 : vector<16xi32>, vector<16xi1> -> vector<16xi32>
      %sub3A_1495 = arith.subi %masked_cumsum3A_1494, %get3A_1491 : vector<16xi32>
      %add3A_1496 = arith.addi %sub3A_1495, %add3A_1489 : vector<16xi32>
      %swap3A_1497 = arith.constant 160 : index
      %swap3A_1498 = tpu.vector_load %arg16[%swap3A_1497] {strides = array<i32>} : memref<256xi32, #tpu.memory_space<vmem>>, vector<16xi32>,
      tpu.vector_store %arg16[%swap3A_1497], %add3A_1496 {strides = array<i32>} : memref<256xi32, #tpu.memory_space<vmem>>, vector<16xi32>,
      %swap3A_1499 = arith.constant 0 : index
      %swap3A_1500 = tpu.vector_load %arg18[%swap3A_1499] {strides = array<i32>} : memref<16xi32, #tpu.memory_space<vmem>>, vector<16xi32>,
      tpu.vector_store %arg18[%swap3A_1499], %masked_cumsum3A_1494 {strides = array<i32>} : memref<16xi32, #tpu.memory_space<vmem>>, vector<16xi32>,
      %gather3A_1501 = tpu.vector_load_idx %arg18[%broadcast_in_dim3A_5] : memref<16xi32, #tpu.memory_space<vmem>>[vector<16xi32>], vector<16xi32>,
      %add3A_1502 = arith.addi %add3A_1489, %gather3A_1501 : vector<16xi32>
      %get3A_1503 = arith.constant 176 : index
      %get3A_1504 = tpu.vector_load %arg16[%get3A_1503] {strides = array<i32>} : memref<256xi32, #tpu.memory_space<vmem>>, vector<16xi32>,
      %broadcast_in_dim3A_1505 = arith.constant true
      %broadcast_in_dim3A_1506 = vector.broadcast %broadcast_in_dim3A_1505 : i1 to vector<16xi1>
      %masked_cumsum3A_1507 = tpu.scan <sum>, %get3A_1504 masked %broadcast_in_dim3A_1506 : vector<16xi32>, vector<16xi1> -> vector<16xi32>
      %sub3A_1508 = arith.subi %masked_cumsum3A_1507, %get3A_1504 : vector<16xi32>
      %add3A_1509 = arith.addi %sub3A_1508, %add3A_1502 : vector<16xi32>
      %swap3A_1510 = arith.constant 176 : index
      %swap3A_1511 = tpu.vector_load %arg16[%swap3A_1510] {strides = array<i32>} : memref<256xi32, #tpu.memory_space<vmem>>, vector<16xi32>,
      tpu.vector_store %arg16[%swap3A_1510], %add3A_1509 {strides = array<i32>} : memref<256xi32, #tpu.memory_space<vmem>>, vector<16xi32>,
      %swap3A_1512 = arith.constant 0 : index
      %swap3A_1513 = tpu.vector_load %arg18[%swap3A_1512] {strides = array<i32>} : memref<16xi32, #tpu.memory_space<vmem>>, vector<16xi32>,
      tpu.vector_store %arg18[%swap3A_1512], %masked_cumsum3A_1507 {strides = array<i32>} : memref<16xi32, #tpu.memory_space<vmem>>, vector<16xi32>,
      %gather3A_1514 = tpu.vector_load_idx %arg18[%broadcast_in_dim3A_5] : memref<16xi32, #tpu.memory_space<vmem>>[vector<16xi32>], vector<16xi32>,
      %add3A_1515 = arith.addi %add3A_1502, %gather3A_1514 : vector<16xi32>
      %get3A_1516 = arith.constant 192 : index
      %get3A_1517 = tpu.vector_load %arg16[%get3A_1516] {strides = array<i32>} : memref<256xi32, #tpu.memory_space<vmem>>, vector<16xi32>,
      %broadcast_in_dim3A_1518 = arith.constant true
      %broadcast_in_dim3A_1519 = vector.broadcast %broadcast_in_dim3A_1518 : i1 to vector<16xi1>
      %masked_cumsum3A_1520 = tpu.scan <sum>, %get3A_1517 masked %broadcast_in_dim3A_1519 : vector<16xi32>, vector<16xi1> -> vector<16xi32>
      %sub3A_1521 = arith.subi %masked_cumsum3A_1520, %get3A_1517 : vector<16xi32>
      %add3A_1522 = arith.addi %sub3A_1521, %add3A_1515 : vector<16xi32>
      %swap3A_1523 = arith.constant 192 : index
      %swap3A_1524 = tpu.vector_load %arg16[%swap3A_1523] {strides = array<i32>} : memref<256xi32, #tpu.memory_space<vmem>>, vector<16xi32>,
      tpu.vector_store %arg16[%swap3A_1523], %add3A_1522 {strides = array<i32>} : memref<256xi32, #tpu.memory_space<vmem>>, vector<16xi32>,
      %swap3A_1525 = arith.constant 0 : index
      %swap3A_1526 = tpu.vector_load %arg18[%swap3A_1525] {strides = array<i32>} : memref<16xi32, #tpu.memory_space<vmem>>, vector<16xi32>,
      tpu.vector_store %arg18[%swap3A_1525], %masked_cumsum3A_1520 {strides = array<i32>} : memref<16xi32, #tpu.memory_space<vmem>>, vector<16xi32>,
      %gather3A_1527 = tpu.vector_load_idx %arg18[%broadcast_in_dim3A_5] : memref<16xi32, #tpu.memory_space<vmem>>[vector<16xi32>], vector<16xi32>,
      %add3A_1528 = arith.addi %add3A_1515, %gather3A_1527 : vector<16xi32>
      %get3A_1529 = arith.constant 208 : index
      %get3A_1530 = tpu.vector_load %arg16[%get3A_1529] {strides = array<i32>} : memref<256xi32, #tpu.memory_space<vmem>>, vector<16xi32>,
      %broadcast_in_dim3A_1531 = arith.constant true
      %broadcast_in_dim3A_1532 = vector.broadcast %broadcast_in_dim3A_1531 : i1 to vector<16xi1>
      %masked_cumsum3A_1533 = tpu.scan <sum>, %get3A_1530 masked %broadcast_in_dim3A_1532 : vector<16xi32>, vector<16xi1> -> vector<16xi32>
      %sub3A_1534 = arith.subi %masked_cumsum3A_1533, %get3A_1530 : vector<16xi32>
      %add3A_1535 = arith.addi %sub3A_1534, %add3A_1528 : vector<16xi32>
      %swap3A_1536 = arith.constant 208 : index
      %swap3A_1537 = tpu.vector_load %arg16[%swap3A_1536] {strides = array<i32>} : memref<256xi32, #tpu.memory_space<vmem>>, vector<16xi32>,
      tpu.vector_store %arg16[%swap3A_1536], %add3A_1535 {strides = array<i32>} : memref<256xi32, #tpu.memory_space<vmem>>, vector<16xi32>,
      %swap3A_1538 = arith.constant 0 : index
      %swap3A_1539 = tpu.vector_load %arg18[%swap3A_1538] {strides = array<i32>} : memref<16xi32, #tpu.memory_space<vmem>>, vector<16xi32>,
      tpu.vector_store %arg18[%swap3A_1538], %masked_cumsum3A_1533 {strides = array<i32>} : memref<16xi32, #tpu.memory_space<vmem>>, vector<16xi32>,
      %gather3A_1540 = tpu.vector_load_idx %arg18[%broadcast_in_dim3A_5] : memref<16xi32, #tpu.memory_space<vmem>>[vector<16xi32>], vector<16xi32>,
      %add3A_1541 = arith.addi %add3A_1528, %gather3A_1540 : vector<16xi32>
      %get3A_1542 = arith.constant 224 : index
      %get3A_1543 = tpu.vector_load %arg16[%get3A_1542] {strides = array<i32>} : memref<256xi32, #tpu.memory_space<vmem>>, vector<16xi32>,
      %broadcast_in_dim3A_1544 = arith.constant true
      %broadcast_in_dim3A_1545 = vector.broadcast %broadcast_in_dim3A_1544 : i1 to vector<16xi1>
      %masked_cumsum3A_1546 = tpu.scan <sum>, %get3A_1543 masked %broadcast_in_dim3A_1545 : vector<16xi32>, vector<16xi1> -> vector<16xi32>
      %sub3A_1547 = arith.subi %masked_cumsum3A_1546, %get3A_1543 : vector<16xi32>
      %add3A_1548 = arith.addi %sub3A_1547, %add3A_1541 : vector<16xi32>
      %swap3A_1549 = arith.constant 224 : index
      %swap3A_1550 = tpu.vector_load %arg16[%swap3A_1549] {strides = array<i32>} : memref<256xi32, #tpu.memory_space<vmem>>, vector<16xi32>,
      tpu.vector_store %arg16[%swap3A_1549], %add3A_1548 {strides = array<i32>} : memref<256xi32, #tpu.memory_space<vmem>>, vector<16xi32>,
      %swap3A_1551 = arith.constant 0 : index
      %swap3A_1552 = tpu.vector_load %arg18[%swap3A_1551] {strides = array<i32>} : memref<16xi32, #tpu.memory_space<vmem>>, vector<16xi32>,
      tpu.vector_store %arg18[%swap3A_1551], %masked_cumsum3A_1546 {strides = array<i32>} : memref<16xi32, #tpu.memory_space<vmem>>, vector<16xi32>,
      %gather3A_1553 = tpu.vector_load_idx %arg18[%broadcast_in_dim3A_5] : memref<16xi32, #tpu.memory_space<vmem>>[vector<16xi32>], vector<16xi32>,
      %add3A_1554 = arith.addi %add3A_1541, %gather3A_1553 : vector<16xi32>
      %get3A_1555 = arith.constant 240 : index
      %get3A_1556 = tpu.vector_load %arg16[%get3A_1555] {strides = array<i32>} : memref<256xi32, #tpu.memory_space<vmem>>, vector<16xi32>,
      %broadcast_in_dim3A_1557 = arith.constant true
      %broadcast_in_dim3A_1558 = vector.broadcast %broadcast_in_dim3A_1557 : i1 to vector<16xi1>
      %masked_cumsum3A_1559 = tpu.scan <sum>, %get3A_1556 masked %broadcast_in_dim3A_1558 : vector<16xi32>, vector<16xi1> -> vector<16xi32>
      %sub3A_1560 = arith.subi %masked_cumsum3A_1559, %get3A_1556 : vector<16xi32>
      %add3A_1561 = arith.addi %sub3A_1560, %add3A_1554 : vector<16xi32>
      %swap3A_1562 = arith.constant 240 : index
      %swap3A_1563 = tpu.vector_load %arg16[%swap3A_1562] {strides = array<i32>} : memref<256xi32, #tpu.memory_space<vmem>>, vector<16xi32>,
      tpu.vector_store %arg16[%swap3A_1562], %add3A_1561 {strides = array<i32>} : memref<256xi32, #tpu.memory_space<vmem>>, vector<16xi32>,
      %swap3A_1564 = arith.constant 0 : index
      %swap3A_1565 = tpu.vector_load %arg18[%swap3A_1564] {strides = array<i32>} : memref<16xi32, #tpu.memory_space<vmem>>, vector<16xi32>,
      tpu.vector_store %arg18[%swap3A_1564], %masked_cumsum3A_1559 {strides = array<i32>} : memref<16xi32, #tpu.memory_space<vmem>>, vector<16xi32>,
      %gather3A_1566 = tpu.vector_load_idx %arg18[%broadcast_in_dim3A_5] : memref<16xi32, #tpu.memory_space<vmem>>[vector<16xi32>], vector<16xi32>,
      %add3A_1567 = arith.addi %add3A_1554, %gather3A_1566 : vector<16xi32>
      %while3A_1568 = arith.constant 8 : i32
      %while3A_1569 = arith.constant 0 : i32
      %while3A_1570 = arith.constant 0 : i32
      %while3A_1571 = arith.subi %shift_right_logical3A_1069, %while3A_1569 : i32
      %while3A_1572 = arith.addi %while3A_1569, %while3A_1571 : i32
      %while3A_1573 = arith.constant 1 : i32
      %while3A_1574 = arith.divsi %while3A_1571, %while3A_1573 : i32
      %while3A_1575 = arith.muli %while3A_1574, %while3A_1573 : i32
      %while3A_1576 = arith.addi %while3A_1569, %while3A_1575 : i32
      %while3A_1577 = arith.constant 1 : i32
      %while3A_1578 = scf.for %while3A_2096 = %while3A_1569 to %while3A_1576 step %while3A_1577 iter_args(%while3A_2097 = %while3A_1570) -> (i32)  : i32 {
        %mul3A_2098 = arith.constant 16 : i32
        %mul3A_2099 = arith.muli %while3A_2096, %mul3A_2098 : i32
        %multiple_of3A = tpu.assume_multiple %mul3A_2099, 16 : i32
        %get3A_2100 = arith.index_cast %multiple_of3A : i32 to index
        %get3A_2101 = tpu.vector_load %arg11[%get3A_2100] {strides = array<i32>} : memref<8208xi32, #tpu.memory_space<vmem>>, vector<16xi32>,
        %get3A_2102 = arith.index_cast %multiple_of3A : i32 to index
        %get3A_2103 = tpu.vector_load %arg13[%get3A_2102] {strides = array<i32>} : memref<8208xi32, #tpu.memory_space<vmem>>, vector<16xi32>,
        %shift_right_logical3A_2104 = vector.broadcast %while3A_1568 : i32 to vector<16xi32>
        %shift_right_logical3A_2105 = arith.shrui %get3A_2101, %shift_right_logical3A_2104 : vector<16xi32>
        %and3A_2106 = arith.constant 255 : i32
        %and3A_2107 = vector.broadcast %and3A_2106 : i32 to vector<16xi32>
        %and3A_2108 = arith.andi %shift_right_logical3A_2105, %and3A_2107 : vector<16xi32>
        %broadcast_in_dim3A_2109 = arith.constant true
        %broadcast_in_dim3A_2110 = vector.broadcast %broadcast_in_dim3A_2109 : i1 to vector<16xi1>
        %unique3A, %unique3A_2111 = tpu.scan_count mask(%broadcast_in_dim3A_2110 : vector<16xi1>) value(%and3A_2108 : vector<16xi32>) : vector<16xi1>, vector<16xi32>
        %gather3A_2112 = tpu.vector_load_idx %arg16[%and3A_2108] : memref<256xi32, #tpu.memory_space<vmem>>[vector<16xi32>], vector<16xi32>,
        %add3A_2113 = arith.addi %gather3A_2112, %unique3A_2111 : vector<16xi32>
        %sub3A_2114 = arith.constant 1 : i32
        %sub3A_2115 = vector.broadcast %sub3A_2114 : i32 to vector<16xi32>
        %sub3A_2116 = arith.subi %add3A_2113, %sub3A_2115 : vector<16xi32>
        tpu.vector_store_idx %arg12[%sub3A_2116], %get3A_2101 : memref<8208xi32, #tpu.memory_space<vmem>>[vector<16xi32>], vector<16xi32>,
        tpu.vector_store_idx %arg14[%sub3A_2116], %get3A_2103 : memref<8208xi32, #tpu.memory_space<vmem>>[vector<16xi32>], vector<16xi32>,
        tpu.vector_store_idx %arg16[%and3A_2108], %unique3A_2111 masked %unique3A {add = true} : memref<256xi32, #tpu.memory_space<vmem>>[vector<16xi32>], vector<16xi32>, vector<16xi1>
        %while3A_2117 = arith.constant 0 : i32
        scf.yield %while3A_2117 : i32
      }
      %while3A_1579 = arith.constant 1 : i32
      %while3A_1580 = scf.for %while3A_2096 = %while3A_1576 to %while3A_1572 step %while3A_1579 iter_args(%while3A_2097 = %while3A_1578) -> (i32)  : i32 {
        %mul3A_2098 = arith.constant 16 : i32
        %mul3A_2099 = arith.muli %while3A_2096, %mul3A_2098 : i32
        %multiple_of3A = tpu.assume_multiple %mul3A_2099, 16 : i32
        %get3A_2100 = arith.index_cast %multiple_of3A : i32 to index
        %get3A_2101 = tpu.vector_load %arg11[%get3A_2100] {strides = array<i32>} : memref<8208xi32, #tpu.memory_space<vmem>>, vector<16xi32>,
        %get3A_2102 = arith.index_cast %multiple_of3A : i32 to index
        %get3A_2103 = tpu.vector_load %arg13[%get3A_2102] {strides = array<i32>} : memref<8208xi32, #tpu.memory_space<vmem>>, vector<16xi32>,
        %shift_right_logical3A_2104 = vector.broadcast %while3A_1568 : i32 to vector<16xi32>
        %shift_right_logical3A_2105 = arith.shrui %get3A_2101, %shift_right_logical3A_2104 : vector<16xi32>
        %and3A_2106 = arith.constant 255 : i32
        %and3A_2107 = vector.broadcast %and3A_2106 : i32 to vector<16xi32>
        %and3A_2108 = arith.andi %shift_right_logical3A_2105, %and3A_2107 : vector<16xi32>
        %broadcast_in_dim3A_2109 = arith.constant true
        %broadcast_in_dim3A_2110 = vector.broadcast %broadcast_in_dim3A_2109 : i1 to vector<16xi1>
        %unique3A, %unique3A_2111 = tpu.scan_count mask(%broadcast_in_dim3A_2110 : vector<16xi1>) value(%and3A_2108 : vector<16xi32>) : vector<16xi1>, vector<16xi32>
        %gather3A_2112 = tpu.vector_load_idx %arg16[%and3A_2108] : memref<256xi32, #tpu.memory_space<vmem>>[vector<16xi32>], vector<16xi32>,
        %add3A_2113 = arith.addi %gather3A_2112, %unique3A_2111 : vector<16xi32>
        %sub3A_2114 = arith.constant 1 : i32
        %sub3A_2115 = vector.broadcast %sub3A_2114 : i32 to vector<16xi32>
        %sub3A_2116 = arith.subi %add3A_2113, %sub3A_2115 : vector<16xi32>
        tpu.vector_store_idx %arg12[%sub3A_2116], %get3A_2101 : memref<8208xi32, #tpu.memory_space<vmem>>[vector<16xi32>], vector<16xi32>,
        tpu.vector_store_idx %arg14[%sub3A_2116], %get3A_2103 : memref<8208xi32, #tpu.memory_space<vmem>>[vector<16xi32>], vector<16xi32>,
        tpu.vector_store_idx %arg16[%and3A_2108], %unique3A_2111 masked %unique3A {add = true} : memref<256xi32, #tpu.memory_space<vmem>>[vector<16xi32>], vector<16xi32>, vector<16xi1>
        %while3A_2117 = arith.constant 0 : i32
        scf.yield %while3A_2117 : i32
      }
      %swap3A_1581 = arith.constant 0 : index
      %swap3A_1582 = tpu.vector_load %arg16[%swap3A_1581] {strides = array<i32>} : memref<256xi32, #tpu.memory_space<vmem>>, vector<16xi32>,
      tpu.vector_store %arg16[%swap3A_1581], %broadcast_in_dim3A_3 {strides = array<i32>} : memref<256xi32, #tpu.memory_space<vmem>>, vector<16xi32>,
      %swap3A_1583 = arith.constant 16 : index
      %swap3A_1584 = tpu.vector_load %arg16[%swap3A_1583] {strides = array<i32>} : memref<256xi32, #tpu.memory_space<vmem>>, vector<16xi32>,
      tpu.vector_store %arg16[%swap3A_1583], %broadcast_in_dim3A_3 {strides = array<i32>} : memref<256xi32, #tpu.memory_space<vmem>>, vector<16xi32>,
      %swap3A_1585 = arith.constant 32 : index
      %swap3A_1586 = tpu.vector_load %arg16[%swap3A_1585] {strides = array<i32>} : memref<256xi32, #tpu.memory_space<vmem>>, vector<16xi32>,
      tpu.vector_store %arg16[%swap3A_1585], %broadcast_in_dim3A_3 {strides = array<i32>} : memref<256xi32, #tpu.memory_space<vmem>>, vector<16xi32>,
      %swap3A_1587 = arith.constant 48 : index
      %swap3A_1588 = tpu.vector_load %arg16[%swap3A_1587] {strides = array<i32>} : memref<256xi32, #tpu.memory_space<vmem>>, vector<16xi32>,
      tpu.vector_store %arg16[%swap3A_1587], %broadcast_in_dim3A_3 {strides = array<i32>} : memref<256xi32, #tpu.memory_space<vmem>>, vector<16xi32>,
      %swap3A_1589 = arith.constant 64 : index
      %swap3A_1590 = tpu.vector_load %arg16[%swap3A_1589] {strides = array<i32>} : memref<256xi32, #tpu.memory_space<vmem>>, vector<16xi32>,
      tpu.vector_store %arg16[%swap3A_1589], %broadcast_in_dim3A_3 {strides = array<i32>} : memref<256xi32, #tpu.memory_space<vmem>>, vector<16xi32>,
      %swap3A_1591 = arith.constant 80 : index
      %swap3A_1592 = tpu.vector_load %arg16[%swap3A_1591] {strides = array<i32>} : memref<256xi32, #tpu.memory_space<vmem>>, vector<16xi32>,
      tpu.vector_store %arg16[%swap3A_1591], %broadcast_in_dim3A_3 {strides = array<i32>} : memref<256xi32, #tpu.memory_space<vmem>>, vector<16xi32>,
      %swap3A_1593 = arith.constant 96 : index
      %swap3A_1594 = tpu.vector_load %arg16[%swap3A_1593] {strides = array<i32>} : memref<256xi32, #tpu.memory_space<vmem>>, vector<16xi32>,
      tpu.vector_store %arg16[%swap3A_1593], %broadcast_in_dim3A_3 {strides = array<i32>} : memref<256xi32, #tpu.memory_space<vmem>>, vector<16xi32>,
      %swap3A_1595 = arith.constant 112 : index
      %swap3A_1596 = tpu.vector_load %arg16[%swap3A_1595] {strides = array<i32>} : memref<256xi32, #tpu.memory_space<vmem>>, vector<16xi32>,
      tpu.vector_store %arg16[%swap3A_1595], %broadcast_in_dim3A_3 {strides = array<i32>} : memref<256xi32, #tpu.memory_space<vmem>>, vector<16xi32>,
      %swap3A_1597 = arith.constant 128 : index
      %swap3A_1598 = tpu.vector_load %arg16[%swap3A_1597] {strides = array<i32>} : memref<256xi32, #tpu.memory_space<vmem>>, vector<16xi32>,
      tpu.vector_store %arg16[%swap3A_1597], %broadcast_in_dim3A_3 {strides = array<i32>} : memref<256xi32, #tpu.memory_space<vmem>>, vector<16xi32>,
      %swap3A_1599 = arith.constant 144 : index
      %swap3A_1600 = tpu.vector_load %arg16[%swap3A_1599] {strides = array<i32>} : memref<256xi32, #tpu.memory_space<vmem>>, vector<16xi32>,
      tpu.vector_store %arg16[%swap3A_1599], %broadcast_in_dim3A_3 {strides = array<i32>} : memref<256xi32, #tpu.memory_space<vmem>>, vector<16xi32>,
      %swap3A_1601 = arith.constant 160 : index
      %swap3A_1602 = tpu.vector_load %arg16[%swap3A_1601] {strides = array<i32>} : memref<256xi32, #tpu.memory_space<vmem>>, vector<16xi32>,
      tpu.vector_store %arg16[%swap3A_1601], %broadcast_in_dim3A_3 {strides = array<i32>} : memref<256xi32, #tpu.memory_space<vmem>>, vector<16xi32>,
      %swap3A_1603 = arith.constant 176 : index
      %swap3A_1604 = tpu.vector_load %arg16[%swap3A_1603] {strides = array<i32>} : memref<256xi32, #tpu.memory_space<vmem>>, vector<16xi32>,
      tpu.vector_store %arg16[%swap3A_1603], %broadcast_in_dim3A_3 {strides = array<i32>} : memref<256xi32, #tpu.memory_space<vmem>>, vector<16xi32>,
      %swap3A_1605 = arith.constant 192 : index
      %swap3A_1606 = tpu.vector_load %arg16[%swap3A_1605] {strides = array<i32>} : memref<256xi32, #tpu.memory_space<vmem>>, vector<16xi32>,
      tpu.vector_store %arg16[%swap3A_1605], %broadcast_in_dim3A_3 {strides = array<i32>} : memref<256xi32, #tpu.memory_space<vmem>>, vector<16xi32>,
      %swap3A_1607 = arith.constant 208 : index
      %swap3A_1608 = tpu.vector_load %arg16[%swap3A_1607] {strides = array<i32>} : memref<256xi32, #tpu.memory_space<vmem>>, vector<16xi32>,
      tpu.vector_store %arg16[%swap3A_1607], %broadcast_in_dim3A_3 {strides = array<i32>} : memref<256xi32, #tpu.memory_space<vmem>>, vector<16xi32>,
      %swap3A_1609 = arith.constant 224 : index
      %swap3A_1610 = tpu.vector_load %arg16[%swap3A_1609] {strides = array<i32>} : memref<256xi32, #tpu.memory_space<vmem>>, vector<16xi32>,
      tpu.vector_store %arg16[%swap3A_1609], %broadcast_in_dim3A_3 {strides = array<i32>} : memref<256xi32, #tpu.memory_space<vmem>>, vector<16xi32>,
      %swap3A_1611 = arith.constant 240 : index
      %swap3A_1612 = tpu.vector_load %arg16[%swap3A_1611] {strides = array<i32>} : memref<256xi32, #tpu.memory_space<vmem>>, vector<16xi32>,
      tpu.vector_store %arg16[%swap3A_1611], %broadcast_in_dim3A_3 {strides = array<i32>} : memref<256xi32, #tpu.memory_space<vmem>>, vector<16xi32>,
      %parallel_loop3A_1613 = arith.constant 0 : i32
      %parallel_loop3A_1614 = arith.constant 1 : i32
      %parallel_loop3A_1615 = arith.constant 16 : i32
      scf.for %parallel_loop3A_2096 = %parallel_loop3A_1613 to %shift_right_logical3A_1069 step %parallel_loop3A_1614  : i32 {
        %parallel_loop3A_2097 = arith.constant 16 : i32
        %parallel_loop3A_2098 = arith.muli %parallel_loop3A_2096, %parallel_loop3A_2097 : i32
        %parallel_loop3A_2099 = tpu.assume_multiple %parallel_loop3A_2098, 16 : i32
        %parallel_loop3A_2100 = arith.index_cast %parallel_loop3A_2099 : i32 to index
        %parallel_loop3A_2101 = tpu.vector_load %arg12[%parallel_loop3A_2100] {strides = array<i32>} : memref<8208xi32, #tpu.memory_space<vmem>>, vector<16xi32>,
        %parallel_loop3A_2102 = vector.broadcast %parallel_loop3A_1615 : i32 to vector<16xi32>
        %parallel_loop3A_2103 = arith.shrui %parallel_loop3A_2101, %parallel_loop3A_2102 : vector<16xi32>
        %parallel_loop3A_2104 = arith.constant 255 : i32
        %parallel_loop3A_2105 = vector.broadcast %parallel_loop3A_2104 : i32 to vector<16xi32>
        %parallel_loop3A_2106 = arith.andi %parallel_loop3A_2103, %parallel_loop3A_2105 : vector<16xi32>
        %parallel_loop3A_2107 = arith.constant true
        %parallel_loop3A_2108 = vector.broadcast %parallel_loop3A_2107 : i1 to vector<16xi1>
        %parallel_loop3A_2109, %parallel_loop3A_2110 = tpu.scan_count mask(%parallel_loop3A_2108 : vector<16xi1>) value(%parallel_loop3A_2106 : vector<16xi32>) : vector<16xi1>, vector<16xi32>
        tpu.vector_store_idx %arg16[%parallel_loop3A_2106], %parallel_loop3A_2110 masked %parallel_loop3A_2109 {add = true} : memref<256xi32, #tpu.memory_space<vmem>>[vector<16xi32>], vector<16xi32>, vector<16xi1>
      } {sc.loop_unroll_factor = 4 : i64, sc.parallel_access}
      %get3A_1616 = arith.constant 0 : index
      %get3A_1617 = tpu.vector_load %arg16[%get3A_1616] {strides = array<i32>} : memref<256xi32, #tpu.memory_space<vmem>>, vector<16xi32>,
      %broadcast_in_dim3A_1618 = arith.constant true
      %broadcast_in_dim3A_1619 = vector.broadcast %broadcast_in_dim3A_1618 : i1 to vector<16xi1>
      %masked_cumsum3A_1620 = tpu.scan <sum>, %get3A_1617 masked %broadcast_in_dim3A_1619 : vector<16xi32>, vector<16xi1> -> vector<16xi32>
      %sub3A_1621 = arith.subi %masked_cumsum3A_1620, %get3A_1617 : vector<16xi32>
      %add3A_1622 = arith.addi %sub3A_1621, %broadcast_in_dim3A_3 : vector<16xi32>
      %swap3A_1623 = arith.constant 0 : index
      %swap3A_1624 = tpu.vector_load %arg16[%swap3A_1623] {strides = array<i32>} : memref<256xi32, #tpu.memory_space<vmem>>, vector<16xi32>,
      tpu.vector_store %arg16[%swap3A_1623], %add3A_1622 {strides = array<i32>} : memref<256xi32, #tpu.memory_space<vmem>>, vector<16xi32>,
      %swap3A_1625 = arith.constant 0 : index
      %swap3A_1626 = tpu.vector_load %arg18[%swap3A_1625] {strides = array<i32>} : memref<16xi32, #tpu.memory_space<vmem>>, vector<16xi32>,
      tpu.vector_store %arg18[%swap3A_1625], %masked_cumsum3A_1620 {strides = array<i32>} : memref<16xi32, #tpu.memory_space<vmem>>, vector<16xi32>,
      %gather3A_1627 = tpu.vector_load_idx %arg18[%broadcast_in_dim3A_5] : memref<16xi32, #tpu.memory_space<vmem>>[vector<16xi32>], vector<16xi32>,
      %add3A_1628 = arith.addi %broadcast_in_dim3A_3, %gather3A_1627 : vector<16xi32>
      %get3A_1629 = arith.constant 16 : index
      %get3A_1630 = tpu.vector_load %arg16[%get3A_1629] {strides = array<i32>} : memref<256xi32, #tpu.memory_space<vmem>>, vector<16xi32>,
      %broadcast_in_dim3A_1631 = arith.constant true
      %broadcast_in_dim3A_1632 = vector.broadcast %broadcast_in_dim3A_1631 : i1 to vector<16xi1>
      %masked_cumsum3A_1633 = tpu.scan <sum>, %get3A_1630 masked %broadcast_in_dim3A_1632 : vector<16xi32>, vector<16xi1> -> vector<16xi32>
      %sub3A_1634 = arith.subi %masked_cumsum3A_1633, %get3A_1630 : vector<16xi32>
      %add3A_1635 = arith.addi %sub3A_1634, %add3A_1628 : vector<16xi32>
      %swap3A_1636 = arith.constant 16 : index
      %swap3A_1637 = tpu.vector_load %arg16[%swap3A_1636] {strides = array<i32>} : memref<256xi32, #tpu.memory_space<vmem>>, vector<16xi32>,
      tpu.vector_store %arg16[%swap3A_1636], %add3A_1635 {strides = array<i32>} : memref<256xi32, #tpu.memory_space<vmem>>, vector<16xi32>,
      %swap3A_1638 = arith.constant 0 : index
      %swap3A_1639 = tpu.vector_load %arg18[%swap3A_1638] {strides = array<i32>} : memref<16xi32, #tpu.memory_space<vmem>>, vector<16xi32>,
      tpu.vector_store %arg18[%swap3A_1638], %masked_cumsum3A_1633 {strides = array<i32>} : memref<16xi32, #tpu.memory_space<vmem>>, vector<16xi32>,
      %gather3A_1640 = tpu.vector_load_idx %arg18[%broadcast_in_dim3A_5] : memref<16xi32, #tpu.memory_space<vmem>>[vector<16xi32>], vector<16xi32>,
      %add3A_1641 = arith.addi %add3A_1628, %gather3A_1640 : vector<16xi32>
      %get3A_1642 = arith.constant 32 : index
      %get3A_1643 = tpu.vector_load %arg16[%get3A_1642] {strides = array<i32>} : memref<256xi32, #tpu.memory_space<vmem>>, vector<16xi32>,
      %broadcast_in_dim3A_1644 = arith.constant true
      %broadcast_in_dim3A_1645 = vector.broadcast %broadcast_in_dim3A_1644 : i1 to vector<16xi1>
      %masked_cumsum3A_1646 = tpu.scan <sum>, %get3A_1643 masked %broadcast_in_dim3A_1645 : vector<16xi32>, vector<16xi1> -> vector<16xi32>
      %sub3A_1647 = arith.subi %masked_cumsum3A_1646, %get3A_1643 : vector<16xi32>
      %add3A_1648 = arith.addi %sub3A_1647, %add3A_1641 : vector<16xi32>
      %swap3A_1649 = arith.constant 32 : index
      %swap3A_1650 = tpu.vector_load %arg16[%swap3A_1649] {strides = array<i32>} : memref<256xi32, #tpu.memory_space<vmem>>, vector<16xi32>,
      tpu.vector_store %arg16[%swap3A_1649], %add3A_1648 {strides = array<i32>} : memref<256xi32, #tpu.memory_space<vmem>>, vector<16xi32>,
      %swap3A_1651 = arith.constant 0 : index
      %swap3A_1652 = tpu.vector_load %arg18[%swap3A_1651] {strides = array<i32>} : memref<16xi32, #tpu.memory_space<vmem>>, vector<16xi32>,
      tpu.vector_store %arg18[%swap3A_1651], %masked_cumsum3A_1646 {strides = array<i32>} : memref<16xi32, #tpu.memory_space<vmem>>, vector<16xi32>,
      %gather3A_1653 = tpu.vector_load_idx %arg18[%broadcast_in_dim3A_5] : memref<16xi32, #tpu.memory_space<vmem>>[vector<16xi32>], vector<16xi32>,
      %add3A_1654 = arith.addi %add3A_1641, %gather3A_1653 : vector<16xi32>
      %get3A_1655 = arith.constant 48 : index
      %get3A_1656 = tpu.vector_load %arg16[%get3A_1655] {strides = array<i32>} : memref<256xi32, #tpu.memory_space<vmem>>, vector<16xi32>,
      %broadcast_in_dim3A_1657 = arith.constant true
      %broadcast_in_dim3A_1658 = vector.broadcast %broadcast_in_dim3A_1657 : i1 to vector<16xi1>
      %masked_cumsum3A_1659 = tpu.scan <sum>, %get3A_1656 masked %broadcast_in_dim3A_1658 : vector<16xi32>, vector<16xi1> -> vector<16xi32>
      %sub3A_1660 = arith.subi %masked_cumsum3A_1659, %get3A_1656 : vector<16xi32>
      %add3A_1661 = arith.addi %sub3A_1660, %add3A_1654 : vector<16xi32>
      %swap3A_1662 = arith.constant 48 : index
      %swap3A_1663 = tpu.vector_load %arg16[%swap3A_1662] {strides = array<i32>} : memref<256xi32, #tpu.memory_space<vmem>>, vector<16xi32>,
      tpu.vector_store %arg16[%swap3A_1662], %add3A_1661 {strides = array<i32>} : memref<256xi32, #tpu.memory_space<vmem>>, vector<16xi32>,
      %swap3A_1664 = arith.constant 0 : index
      %swap3A_1665 = tpu.vector_load %arg18[%swap3A_1664] {strides = array<i32>} : memref<16xi32, #tpu.memory_space<vmem>>, vector<16xi32>,
      tpu.vector_store %arg18[%swap3A_1664], %masked_cumsum3A_1659 {strides = array<i32>} : memref<16xi32, #tpu.memory_space<vmem>>, vector<16xi32>,
      %gather3A_1666 = tpu.vector_load_idx %arg18[%broadcast_in_dim3A_5] : memref<16xi32, #tpu.memory_space<vmem>>[vector<16xi32>], vector<16xi32>,
      %add3A_1667 = arith.addi %add3A_1654, %gather3A_1666 : vector<16xi32>
      %get3A_1668 = arith.constant 64 : index
      %get3A_1669 = tpu.vector_load %arg16[%get3A_1668] {strides = array<i32>} : memref<256xi32, #tpu.memory_space<vmem>>, vector<16xi32>,
      %broadcast_in_dim3A_1670 = arith.constant true
      %broadcast_in_dim3A_1671 = vector.broadcast %broadcast_in_dim3A_1670 : i1 to vector<16xi1>
      %masked_cumsum3A_1672 = tpu.scan <sum>, %get3A_1669 masked %broadcast_in_dim3A_1671 : vector<16xi32>, vector<16xi1> -> vector<16xi32>
      %sub3A_1673 = arith.subi %masked_cumsum3A_1672, %get3A_1669 : vector<16xi32>
      %add3A_1674 = arith.addi %sub3A_1673, %add3A_1667 : vector<16xi32>
      %swap3A_1675 = arith.constant 64 : index
      %swap3A_1676 = tpu.vector_load %arg16[%swap3A_1675] {strides = array<i32>} : memref<256xi32, #tpu.memory_space<vmem>>, vector<16xi32>,
      tpu.vector_store %arg16[%swap3A_1675], %add3A_1674 {strides = array<i32>} : memref<256xi32, #tpu.memory_space<vmem>>, vector<16xi32>,
      %swap3A_1677 = arith.constant 0 : index
      %swap3A_1678 = tpu.vector_load %arg18[%swap3A_1677] {strides = array<i32>} : memref<16xi32, #tpu.memory_space<vmem>>, vector<16xi32>,
      tpu.vector_store %arg18[%swap3A_1677], %masked_cumsum3A_1672 {strides = array<i32>} : memref<16xi32, #tpu.memory_space<vmem>>, vector<16xi32>,
      %gather3A_1679 = tpu.vector_load_idx %arg18[%broadcast_in_dim3A_5] : memref<16xi32, #tpu.memory_space<vmem>>[vector<16xi32>], vector<16xi32>,
      %add3A_1680 = arith.addi %add3A_1667, %gather3A_1679 : vector<16xi32>
      %get3A_1681 = arith.constant 80 : index
      %get3A_1682 = tpu.vector_load %arg16[%get3A_1681] {strides = array<i32>} : memref<256xi32, #tpu.memory_space<vmem>>, vector<16xi32>,
      %broadcast_in_dim3A_1683 = arith.constant true
      %broadcast_in_dim3A_1684 = vector.broadcast %broadcast_in_dim3A_1683 : i1 to vector<16xi1>
      %masked_cumsum3A_1685 = tpu.scan <sum>, %get3A_1682 masked %broadcast_in_dim3A_1684 : vector<16xi32>, vector<16xi1> -> vector<16xi32>
      %sub3A_1686 = arith.subi %masked_cumsum3A_1685, %get3A_1682 : vector<16xi32>
      %add3A_1687 = arith.addi %sub3A_1686, %add3A_1680 : vector<16xi32>
      %swap3A_1688 = arith.constant 80 : index
      %swap3A_1689 = tpu.vector_load %arg16[%swap3A_1688] {strides = array<i32>} : memref<256xi32, #tpu.memory_space<vmem>>, vector<16xi32>,
      tpu.vector_store %arg16[%swap3A_1688], %add3A_1687 {strides = array<i32>} : memref<256xi32, #tpu.memory_space<vmem>>, vector<16xi32>,
      %swap3A_1690 = arith.constant 0 : index
      %swap3A_1691 = tpu.vector_load %arg18[%swap3A_1690] {strides = array<i32>} : memref<16xi32, #tpu.memory_space<vmem>>, vector<16xi32>,
      tpu.vector_store %arg18[%swap3A_1690], %masked_cumsum3A_1685 {strides = array<i32>} : memref<16xi32, #tpu.memory_space<vmem>>, vector<16xi32>,
      %gather3A_1692 = tpu.vector_load_idx %arg18[%broadcast_in_dim3A_5] : memref<16xi32, #tpu.memory_space<vmem>>[vector<16xi32>], vector<16xi32>,
      %add3A_1693 = arith.addi %add3A_1680, %gather3A_1692 : vector<16xi32>
      %get3A_1694 = arith.constant 96 : index
      %get3A_1695 = tpu.vector_load %arg16[%get3A_1694] {strides = array<i32>} : memref<256xi32, #tpu.memory_space<vmem>>, vector<16xi32>,
      %broadcast_in_dim3A_1696 = arith.constant true
      %broadcast_in_dim3A_1697 = vector.broadcast %broadcast_in_dim3A_1696 : i1 to vector<16xi1>
      %masked_cumsum3A_1698 = tpu.scan <sum>, %get3A_1695 masked %broadcast_in_dim3A_1697 : vector<16xi32>, vector<16xi1> -> vector<16xi32>
      %sub3A_1699 = arith.subi %masked_cumsum3A_1698, %get3A_1695 : vector<16xi32>
      %add3A_1700 = arith.addi %sub3A_1699, %add3A_1693 : vector<16xi32>
      %swap3A_1701 = arith.constant 96 : index
      %swap3A_1702 = tpu.vector_load %arg16[%swap3A_1701] {strides = array<i32>} : memref<256xi32, #tpu.memory_space<vmem>>, vector<16xi32>,
      tpu.vector_store %arg16[%swap3A_1701], %add3A_1700 {strides = array<i32>} : memref<256xi32, #tpu.memory_space<vmem>>, vector<16xi32>,
      %swap3A_1703 = arith.constant 0 : index
      %swap3A_1704 = tpu.vector_load %arg18[%swap3A_1703] {strides = array<i32>} : memref<16xi32, #tpu.memory_space<vmem>>, vector<16xi32>,
      tpu.vector_store %arg18[%swap3A_1703], %masked_cumsum3A_1698 {strides = array<i32>} : memref<16xi32, #tpu.memory_space<vmem>>, vector<16xi32>,
      %gather3A_1705 = tpu.vector_load_idx %arg18[%broadcast_in_dim3A_5] : memref<16xi32, #tpu.memory_space<vmem>>[vector<16xi32>], vector<16xi32>,
      %add3A_1706 = arith.addi %add3A_1693, %gather3A_1705 : vector<16xi32>
      %get3A_1707 = arith.constant 112 : index
      %get3A_1708 = tpu.vector_load %arg16[%get3A_1707] {strides = array<i32>} : memref<256xi32, #tpu.memory_space<vmem>>, vector<16xi32>,
      %broadcast_in_dim3A_1709 = arith.constant true
      %broadcast_in_dim3A_1710 = vector.broadcast %broadcast_in_dim3A_1709 : i1 to vector<16xi1>
      %masked_cumsum3A_1711 = tpu.scan <sum>, %get3A_1708 masked %broadcast_in_dim3A_1710 : vector<16xi32>, vector<16xi1> -> vector<16xi32>
      %sub3A_1712 = arith.subi %masked_cumsum3A_1711, %get3A_1708 : vector<16xi32>
      %add3A_1713 = arith.addi %sub3A_1712, %add3A_1706 : vector<16xi32>
      %swap3A_1714 = arith.constant 112 : index
      %swap3A_1715 = tpu.vector_load %arg16[%swap3A_1714] {strides = array<i32>} : memref<256xi32, #tpu.memory_space<vmem>>, vector<16xi32>,
      tpu.vector_store %arg16[%swap3A_1714], %add3A_1713 {strides = array<i32>} : memref<256xi32, #tpu.memory_space<vmem>>, vector<16xi32>,
      %swap3A_1716 = arith.constant 0 : index
      %swap3A_1717 = tpu.vector_load %arg18[%swap3A_1716] {strides = array<i32>} : memref<16xi32, #tpu.memory_space<vmem>>, vector<16xi32>,
      tpu.vector_store %arg18[%swap3A_1716], %masked_cumsum3A_1711 {strides = array<i32>} : memref<16xi32, #tpu.memory_space<vmem>>, vector<16xi32>,
      %gather3A_1718 = tpu.vector_load_idx %arg18[%broadcast_in_dim3A_5] : memref<16xi32, #tpu.memory_space<vmem>>[vector<16xi32>], vector<16xi32>,
      %add3A_1719 = arith.addi %add3A_1706, %gather3A_1718 : vector<16xi32>
      %get3A_1720 = arith.constant 128 : index
      %get3A_1721 = tpu.vector_load %arg16[%get3A_1720] {strides = array<i32>} : memref<256xi32, #tpu.memory_space<vmem>>, vector<16xi32>,
      %broadcast_in_dim3A_1722 = arith.constant true
      %broadcast_in_dim3A_1723 = vector.broadcast %broadcast_in_dim3A_1722 : i1 to vector<16xi1>
      %masked_cumsum3A_1724 = tpu.scan <sum>, %get3A_1721 masked %broadcast_in_dim3A_1723 : vector<16xi32>, vector<16xi1> -> vector<16xi32>
      %sub3A_1725 = arith.subi %masked_cumsum3A_1724, %get3A_1721 : vector<16xi32>
      %add3A_1726 = arith.addi %sub3A_1725, %add3A_1719 : vector<16xi32>
      %swap3A_1727 = arith.constant 128 : index
      %swap3A_1728 = tpu.vector_load %arg16[%swap3A_1727] {strides = array<i32>} : memref<256xi32, #tpu.memory_space<vmem>>, vector<16xi32>,
      tpu.vector_store %arg16[%swap3A_1727], %add3A_1726 {strides = array<i32>} : memref<256xi32, #tpu.memory_space<vmem>>, vector<16xi32>,
      %swap3A_1729 = arith.constant 0 : index
      %swap3A_1730 = tpu.vector_load %arg18[%swap3A_1729] {strides = array<i32>} : memref<16xi32, #tpu.memory_space<vmem>>, vector<16xi32>,
      tpu.vector_store %arg18[%swap3A_1729], %masked_cumsum3A_1724 {strides = array<i32>} : memref<16xi32, #tpu.memory_space<vmem>>, vector<16xi32>,
      %gather3A_1731 = tpu.vector_load_idx %arg18[%broadcast_in_dim3A_5] : memref<16xi32, #tpu.memory_space<vmem>>[vector<16xi32>], vector<16xi32>,
      %add3A_1732 = arith.addi %add3A_1719, %gather3A_1731 : vector<16xi32>
      %get3A_1733 = arith.constant 144 : index
      %get3A_1734 = tpu.vector_load %arg16[%get3A_1733] {strides = array<i32>} : memref<256xi32, #tpu.memory_space<vmem>>, vector<16xi32>,
      %broadcast_in_dim3A_1735 = arith.constant true
      %broadcast_in_dim3A_1736 = vector.broadcast %broadcast_in_dim3A_1735 : i1 to vector<16xi1>
      %masked_cumsum3A_1737 = tpu.scan <sum>, %get3A_1734 masked %broadcast_in_dim3A_1736 : vector<16xi32>, vector<16xi1> -> vector<16xi32>
      %sub3A_1738 = arith.subi %masked_cumsum3A_1737, %get3A_1734 : vector<16xi32>
      %add3A_1739 = arith.addi %sub3A_1738, %add3A_1732 : vector<16xi32>
      %swap3A_1740 = arith.constant 144 : index
      %swap3A_1741 = tpu.vector_load %arg16[%swap3A_1740] {strides = array<i32>} : memref<256xi32, #tpu.memory_space<vmem>>, vector<16xi32>,
      tpu.vector_store %arg16[%swap3A_1740], %add3A_1739 {strides = array<i32>} : memref<256xi32, #tpu.memory_space<vmem>>, vector<16xi32>,
      %swap3A_1742 = arith.constant 0 : index
      %swap3A_1743 = tpu.vector_load %arg18[%swap3A_1742] {strides = array<i32>} : memref<16xi32, #tpu.memory_space<vmem>>, vector<16xi32>,
      tpu.vector_store %arg18[%swap3A_1742], %masked_cumsum3A_1737 {strides = array<i32>} : memref<16xi32, #tpu.memory_space<vmem>>, vector<16xi32>,
      %gather3A_1744 = tpu.vector_load_idx %arg18[%broadcast_in_dim3A_5] : memref<16xi32, #tpu.memory_space<vmem>>[vector<16xi32>], vector<16xi32>,
      %add3A_1745 = arith.addi %add3A_1732, %gather3A_1744 : vector<16xi32>
      %get3A_1746 = arith.constant 160 : index
      %get3A_1747 = tpu.vector_load %arg16[%get3A_1746] {strides = array<i32>} : memref<256xi32, #tpu.memory_space<vmem>>, vector<16xi32>,
      %broadcast_in_dim3A_1748 = arith.constant true
      %broadcast_in_dim3A_1749 = vector.broadcast %broadcast_in_dim3A_1748 : i1 to vector<16xi1>
      %masked_cumsum3A_1750 = tpu.scan <sum>, %get3A_1747 masked %broadcast_in_dim3A_1749 : vector<16xi32>, vector<16xi1> -> vector<16xi32>
      %sub3A_1751 = arith.subi %masked_cumsum3A_1750, %get3A_1747 : vector<16xi32>
      %add3A_1752 = arith.addi %sub3A_1751, %add3A_1745 : vector<16xi32>
      %swap3A_1753 = arith.constant 160 : index
      %swap3A_1754 = tpu.vector_load %arg16[%swap3A_1753] {strides = array<i32>} : memref<256xi32, #tpu.memory_space<vmem>>, vector<16xi32>,
      tpu.vector_store %arg16[%swap3A_1753], %add3A_1752 {strides = array<i32>} : memref<256xi32, #tpu.memory_space<vmem>>, vector<16xi32>,
      %swap3A_1755 = arith.constant 0 : index
      %swap3A_1756 = tpu.vector_load %arg18[%swap3A_1755] {strides = array<i32>} : memref<16xi32, #tpu.memory_space<vmem>>, vector<16xi32>,
      tpu.vector_store %arg18[%swap3A_1755], %masked_cumsum3A_1750 {strides = array<i32>} : memref<16xi32, #tpu.memory_space<vmem>>, vector<16xi32>,
      %gather3A_1757 = tpu.vector_load_idx %arg18[%broadcast_in_dim3A_5] : memref<16xi32, #tpu.memory_space<vmem>>[vector<16xi32>], vector<16xi32>,
      %add3A_1758 = arith.addi %add3A_1745, %gather3A_1757 : vector<16xi32>
      %get3A_1759 = arith.constant 176 : index
      %get3A_1760 = tpu.vector_load %arg16[%get3A_1759] {strides = array<i32>} : memref<256xi32, #tpu.memory_space<vmem>>, vector<16xi32>,
      %broadcast_in_dim3A_1761 = arith.constant true
      %broadcast_in_dim3A_1762 = vector.broadcast %broadcast_in_dim3A_1761 : i1 to vector<16xi1>
      %masked_cumsum3A_1763 = tpu.scan <sum>, %get3A_1760 masked %broadcast_in_dim3A_1762 : vector<16xi32>, vector<16xi1> -> vector<16xi32>
      %sub3A_1764 = arith.subi %masked_cumsum3A_1763, %get3A_1760 : vector<16xi32>
      %add3A_1765 = arith.addi %sub3A_1764, %add3A_1758 : vector<16xi32>
      %swap3A_1766 = arith.constant 176 : index
      %swap3A_1767 = tpu.vector_load %arg16[%swap3A_1766] {strides = array<i32>} : memref<256xi32, #tpu.memory_space<vmem>>, vector<16xi32>,
      tpu.vector_store %arg16[%swap3A_1766], %add3A_1765 {strides = array<i32>} : memref<256xi32, #tpu.memory_space<vmem>>, vector<16xi32>,
      %swap3A_1768 = arith.constant 0 : index
      %swap3A_1769 = tpu.vector_load %arg18[%swap3A_1768] {strides = array<i32>} : memref<16xi32, #tpu.memory_space<vmem>>, vector<16xi32>,
      tpu.vector_store %arg18[%swap3A_1768], %masked_cumsum3A_1763 {strides = array<i32>} : memref<16xi32, #tpu.memory_space<vmem>>, vector<16xi32>,
      %gather3A_1770 = tpu.vector_load_idx %arg18[%broadcast_in_dim3A_5] : memref<16xi32, #tpu.memory_space<vmem>>[vector<16xi32>], vector<16xi32>,
      %add3A_1771 = arith.addi %add3A_1758, %gather3A_1770 : vector<16xi32>
      %get3A_1772 = arith.constant 192 : index
      %get3A_1773 = tpu.vector_load %arg16[%get3A_1772] {strides = array<i32>} : memref<256xi32, #tpu.memory_space<vmem>>, vector<16xi32>,
      %broadcast_in_dim3A_1774 = arith.constant true
      %broadcast_in_dim3A_1775 = vector.broadcast %broadcast_in_dim3A_1774 : i1 to vector<16xi1>
      %masked_cumsum3A_1776 = tpu.scan <sum>, %get3A_1773 masked %broadcast_in_dim3A_1775 : vector<16xi32>, vector<16xi1> -> vector<16xi32>
      %sub3A_1777 = arith.subi %masked_cumsum3A_1776, %get3A_1773 : vector<16xi32>
      %add3A_1778 = arith.addi %sub3A_1777, %add3A_1771 : vector<16xi32>
      %swap3A_1779 = arith.constant 192 : index
      %swap3A_1780 = tpu.vector_load %arg16[%swap3A_1779] {strides = array<i32>} : memref<256xi32, #tpu.memory_space<vmem>>, vector<16xi32>,
      tpu.vector_store %arg16[%swap3A_1779], %add3A_1778 {strides = array<i32>} : memref<256xi32, #tpu.memory_space<vmem>>, vector<16xi32>,
      %swap3A_1781 = arith.constant 0 : index
      %swap3A_1782 = tpu.vector_load %arg18[%swap3A_1781] {strides = array<i32>} : memref<16xi32, #tpu.memory_space<vmem>>, vector<16xi32>,
      tpu.vector_store %arg18[%swap3A_1781], %masked_cumsum3A_1776 {strides = array<i32>} : memref<16xi32, #tpu.memory_space<vmem>>, vector<16xi32>,
      %gather3A_1783 = tpu.vector_load_idx %arg18[%broadcast_in_dim3A_5] : memref<16xi32, #tpu.memory_space<vmem>>[vector<16xi32>], vector<16xi32>,
      %add3A_1784 = arith.addi %add3A_1771, %gather3A_1783 : vector<16xi32>
      %get3A_1785 = arith.constant 208 : index
      %get3A_1786 = tpu.vector_load %arg16[%get3A_1785] {strides = array<i32>} : memref<256xi32, #tpu.memory_space<vmem>>, vector<16xi32>,
      %broadcast_in_dim3A_1787 = arith.constant true
      %broadcast_in_dim3A_1788 = vector.broadcast %broadcast_in_dim3A_1787 : i1 to vector<16xi1>
      %masked_cumsum3A_1789 = tpu.scan <sum>, %get3A_1786 masked %broadcast_in_dim3A_1788 : vector<16xi32>, vector<16xi1> -> vector<16xi32>
      %sub3A_1790 = arith.subi %masked_cumsum3A_1789, %get3A_1786 : vector<16xi32>
      %add3A_1791 = arith.addi %sub3A_1790, %add3A_1784 : vector<16xi32>
      %swap3A_1792 = arith.constant 208 : index
      %swap3A_1793 = tpu.vector_load %arg16[%swap3A_1792] {strides = array<i32>} : memref<256xi32, #tpu.memory_space<vmem>>, vector<16xi32>,
      tpu.vector_store %arg16[%swap3A_1792], %add3A_1791 {strides = array<i32>} : memref<256xi32, #tpu.memory_space<vmem>>, vector<16xi32>,
      %swap3A_1794 = arith.constant 0 : index
      %swap3A_1795 = tpu.vector_load %arg18[%swap3A_1794] {strides = array<i32>} : memref<16xi32, #tpu.memory_space<vmem>>, vector<16xi32>,
      tpu.vector_store %arg18[%swap3A_1794], %masked_cumsum3A_1789 {strides = array<i32>} : memref<16xi32, #tpu.memory_space<vmem>>, vector<16xi32>,
      %gather3A_1796 = tpu.vector_load_idx %arg18[%broadcast_in_dim3A_5] : memref<16xi32, #tpu.memory_space<vmem>>[vector<16xi32>], vector<16xi32>,
      %add3A_1797 = arith.addi %add3A_1784, %gather3A_1796 : vector<16xi32>
      %get3A_1798 = arith.constant 224 : index
      %get3A_1799 = tpu.vector_load %arg16[%get3A_1798] {strides = array<i32>} : memref<256xi32, #tpu.memory_space<vmem>>, vector<16xi32>,
      %broadcast_in_dim3A_1800 = arith.constant true
      %broadcast_in_dim3A_1801 = vector.broadcast %broadcast_in_dim3A_1800 : i1 to vector<16xi1>
      %masked_cumsum3A_1802 = tpu.scan <sum>, %get3A_1799 masked %broadcast_in_dim3A_1801 : vector<16xi32>, vector<16xi1> -> vector<16xi32>
      %sub3A_1803 = arith.subi %masked_cumsum3A_1802, %get3A_1799 : vector<16xi32>
      %add3A_1804 = arith.addi %sub3A_1803, %add3A_1797 : vector<16xi32>
      %swap3A_1805 = arith.constant 224 : index
      %swap3A_1806 = tpu.vector_load %arg16[%swap3A_1805] {strides = array<i32>} : memref<256xi32, #tpu.memory_space<vmem>>, vector<16xi32>,
      tpu.vector_store %arg16[%swap3A_1805], %add3A_1804 {strides = array<i32>} : memref<256xi32, #tpu.memory_space<vmem>>, vector<16xi32>,
      %swap3A_1807 = arith.constant 0 : index
      %swap3A_1808 = tpu.vector_load %arg18[%swap3A_1807] {strides = array<i32>} : memref<16xi32, #tpu.memory_space<vmem>>, vector<16xi32>,
      tpu.vector_store %arg18[%swap3A_1807], %masked_cumsum3A_1802 {strides = array<i32>} : memref<16xi32, #tpu.memory_space<vmem>>, vector<16xi32>,
      %gather3A_1809 = tpu.vector_load_idx %arg18[%broadcast_in_dim3A_5] : memref<16xi32, #tpu.memory_space<vmem>>[vector<16xi32>], vector<16xi32>,
      %add3A_1810 = arith.addi %add3A_1797, %gather3A_1809 : vector<16xi32>
      %get3A_1811 = arith.constant 240 : index
      %get3A_1812 = tpu.vector_load %arg16[%get3A_1811] {strides = array<i32>} : memref<256xi32, #tpu.memory_space<vmem>>, vector<16xi32>,
      %broadcast_in_dim3A_1813 = arith.constant true
      %broadcast_in_dim3A_1814 = vector.broadcast %broadcast_in_dim3A_1813 : i1 to vector<16xi1>
      %masked_cumsum3A_1815 = tpu.scan <sum>, %get3A_1812 masked %broadcast_in_dim3A_1814 : vector<16xi32>, vector<16xi1> -> vector<16xi32>
      %sub3A_1816 = arith.subi %masked_cumsum3A_1815, %get3A_1812 : vector<16xi32>
      %add3A_1817 = arith.addi %sub3A_1816, %add3A_1810 : vector<16xi32>
      %swap3A_1818 = arith.constant 240 : index
      %swap3A_1819 = tpu.vector_load %arg16[%swap3A_1818] {strides = array<i32>} : memref<256xi32, #tpu.memory_space<vmem>>, vector<16xi32>,
      tpu.vector_store %arg16[%swap3A_1818], %add3A_1817 {strides = array<i32>} : memref<256xi32, #tpu.memory_space<vmem>>, vector<16xi32>,
      %swap3A_1820 = arith.constant 0 : index
      %swap3A_1821 = tpu.vector_load %arg18[%swap3A_1820] {strides = array<i32>} : memref<16xi32, #tpu.memory_space<vmem>>, vector<16xi32>,
      tpu.vector_store %arg18[%swap3A_1820], %masked_cumsum3A_1815 {strides = array<i32>} : memref<16xi32, #tpu.memory_space<vmem>>, vector<16xi32>,
      %gather3A_1822 = tpu.vector_load_idx %arg18[%broadcast_in_dim3A_5] : memref<16xi32, #tpu.memory_space<vmem>>[vector<16xi32>], vector<16xi32>,
      %add3A_1823 = arith.addi %add3A_1810, %gather3A_1822 : vector<16xi32>
      %while3A_1824 = arith.constant 16 : i32
      %while3A_1825 = arith.constant 0 : i32
      %while3A_1826 = arith.constant 0 : i32
      %while3A_1827 = arith.subi %shift_right_logical3A_1069, %while3A_1825 : i32
      %while3A_1828 = arith.addi %while3A_1825, %while3A_1827 : i32
      %while3A_1829 = arith.constant 1 : i32
      %while3A_1830 = arith.divsi %while3A_1827, %while3A_1829 : i32
      %while3A_1831 = arith.muli %while3A_1830, %while3A_1829 : i32
      %while3A_1832 = arith.addi %while3A_1825, %while3A_1831 : i32
      %while3A_1833 = arith.constant 1 : i32
      %while3A_1834 = scf.for %while3A_2096 = %while3A_1825 to %while3A_1832 step %while3A_1833 iter_args(%while3A_2097 = %while3A_1826) -> (i32)  : i32 {
        %mul3A_2098 = arith.constant 16 : i32
        %mul3A_2099 = arith.muli %while3A_2096, %mul3A_2098 : i32
        %multiple_of3A = tpu.assume_multiple %mul3A_2099, 16 : i32
        %get3A_2100 = arith.index_cast %multiple_of3A : i32 to index
        %get3A_2101 = tpu.vector_load %arg12[%get3A_2100] {strides = array<i32>} : memref<8208xi32, #tpu.memory_space<vmem>>, vector<16xi32>,
        %get3A_2102 = arith.index_cast %multiple_of3A : i32 to index
        %get3A_2103 = tpu.vector_load %arg14[%get3A_2102] {strides = array<i32>} : memref<8208xi32, #tpu.memory_space<vmem>>, vector<16xi32>,
        %shift_right_logical3A_2104 = vector.broadcast %while3A_1824 : i32 to vector<16xi32>
        %shift_right_logical3A_2105 = arith.shrui %get3A_2101, %shift_right_logical3A_2104 : vector<16xi32>
        %and3A_2106 = arith.constant 255 : i32
        %and3A_2107 = vector.broadcast %and3A_2106 : i32 to vector<16xi32>
        %and3A_2108 = arith.andi %shift_right_logical3A_2105, %and3A_2107 : vector<16xi32>
        %broadcast_in_dim3A_2109 = arith.constant true
        %broadcast_in_dim3A_2110 = vector.broadcast %broadcast_in_dim3A_2109 : i1 to vector<16xi1>
        %unique3A, %unique3A_2111 = tpu.scan_count mask(%broadcast_in_dim3A_2110 : vector<16xi1>) value(%and3A_2108 : vector<16xi32>) : vector<16xi1>, vector<16xi32>
        %gather3A_2112 = tpu.vector_load_idx %arg16[%and3A_2108] : memref<256xi32, #tpu.memory_space<vmem>>[vector<16xi32>], vector<16xi32>,
        %add3A_2113 = arith.addi %gather3A_2112, %unique3A_2111 : vector<16xi32>
        %sub3A_2114 = arith.constant 1 : i32
        %sub3A_2115 = vector.broadcast %sub3A_2114 : i32 to vector<16xi32>
        %sub3A_2116 = arith.subi %add3A_2113, %sub3A_2115 : vector<16xi32>
        tpu.vector_store_idx %arg11[%sub3A_2116], %get3A_2101 : memref<8208xi32, #tpu.memory_space<vmem>>[vector<16xi32>], vector<16xi32>,
        tpu.vector_store_idx %arg13[%sub3A_2116], %get3A_2103 : memref<8208xi32, #tpu.memory_space<vmem>>[vector<16xi32>], vector<16xi32>,
        tpu.vector_store_idx %arg16[%and3A_2108], %unique3A_2111 masked %unique3A {add = true} : memref<256xi32, #tpu.memory_space<vmem>>[vector<16xi32>], vector<16xi32>, vector<16xi1>
        %while3A_2117 = arith.constant 0 : i32
        scf.yield %while3A_2117 : i32
      }
      %while3A_1835 = arith.constant 1 : i32
      %while3A_1836 = scf.for %while3A_2096 = %while3A_1832 to %while3A_1828 step %while3A_1835 iter_args(%while3A_2097 = %while3A_1834) -> (i32)  : i32 {
        %mul3A_2098 = arith.constant 16 : i32
        %mul3A_2099 = arith.muli %while3A_2096, %mul3A_2098 : i32
        %multiple_of3A = tpu.assume_multiple %mul3A_2099, 16 : i32
        %get3A_2100 = arith.index_cast %multiple_of3A : i32 to index
        %get3A_2101 = tpu.vector_load %arg12[%get3A_2100] {strides = array<i32>} : memref<8208xi32, #tpu.memory_space<vmem>>, vector<16xi32>,
        %get3A_2102 = arith.index_cast %multiple_of3A : i32 to index
        %get3A_2103 = tpu.vector_load %arg14[%get3A_2102] {strides = array<i32>} : memref<8208xi32, #tpu.memory_space<vmem>>, vector<16xi32>,
        %shift_right_logical3A_2104 = vector.broadcast %while3A_1824 : i32 to vector<16xi32>
        %shift_right_logical3A_2105 = arith.shrui %get3A_2101, %shift_right_logical3A_2104 : vector<16xi32>
        %and3A_2106 = arith.constant 255 : i32
        %and3A_2107 = vector.broadcast %and3A_2106 : i32 to vector<16xi32>
        %and3A_2108 = arith.andi %shift_right_logical3A_2105, %and3A_2107 : vector<16xi32>
        %broadcast_in_dim3A_2109 = arith.constant true
        %broadcast_in_dim3A_2110 = vector.broadcast %broadcast_in_dim3A_2109 : i1 to vector<16xi1>
        %unique3A, %unique3A_2111 = tpu.scan_count mask(%broadcast_in_dim3A_2110 : vector<16xi1>) value(%and3A_2108 : vector<16xi32>) : vector<16xi1>, vector<16xi32>
        %gather3A_2112 = tpu.vector_load_idx %arg16[%and3A_2108] : memref<256xi32, #tpu.memory_space<vmem>>[vector<16xi32>], vector<16xi32>,
        %add3A_2113 = arith.addi %gather3A_2112, %unique3A_2111 : vector<16xi32>
        %sub3A_2114 = arith.constant 1 : i32
        %sub3A_2115 = vector.broadcast %sub3A_2114 : i32 to vector<16xi32>
        %sub3A_2116 = arith.subi %add3A_2113, %sub3A_2115 : vector<16xi32>
        tpu.vector_store_idx %arg11[%sub3A_2116], %get3A_2101 : memref<8208xi32, #tpu.memory_space<vmem>>[vector<16xi32>], vector<16xi32>,
        tpu.vector_store_idx %arg13[%sub3A_2116], %get3A_2103 : memref<8208xi32, #tpu.memory_space<vmem>>[vector<16xi32>], vector<16xi32>,
        tpu.vector_store_idx %arg16[%and3A_2108], %unique3A_2111 masked %unique3A {add = true} : memref<256xi32, #tpu.memory_space<vmem>>[vector<16xi32>], vector<16xi32>, vector<16xi1>
        %while3A_2117 = arith.constant 0 : i32
        scf.yield %while3A_2117 : i32
      }
      %swap3A_1837 = arith.constant 0 : index
      %swap3A_1838 = tpu.vector_load %arg16[%swap3A_1837] {strides = array<i32>} : memref<256xi32, #tpu.memory_space<vmem>>, vector<16xi32>,
      tpu.vector_store %arg16[%swap3A_1837], %broadcast_in_dim3A_3 {strides = array<i32>} : memref<256xi32, #tpu.memory_space<vmem>>, vector<16xi32>,
      %swap3A_1839 = arith.constant 16 : index
      %swap3A_1840 = tpu.vector_load %arg16[%swap3A_1839] {strides = array<i32>} : memref<256xi32, #tpu.memory_space<vmem>>, vector<16xi32>,
      tpu.vector_store %arg16[%swap3A_1839], %broadcast_in_dim3A_3 {strides = array<i32>} : memref<256xi32, #tpu.memory_space<vmem>>, vector<16xi32>,
      %swap3A_1841 = arith.constant 32 : index
      %swap3A_1842 = tpu.vector_load %arg16[%swap3A_1841] {strides = array<i32>} : memref<256xi32, #tpu.memory_space<vmem>>, vector<16xi32>,
      tpu.vector_store %arg16[%swap3A_1841], %broadcast_in_dim3A_3 {strides = array<i32>} : memref<256xi32, #tpu.memory_space<vmem>>, vector<16xi32>,
      %swap3A_1843 = arith.constant 48 : index
      %swap3A_1844 = tpu.vector_load %arg16[%swap3A_1843] {strides = array<i32>} : memref<256xi32, #tpu.memory_space<vmem>>, vector<16xi32>,
      tpu.vector_store %arg16[%swap3A_1843], %broadcast_in_dim3A_3 {strides = array<i32>} : memref<256xi32, #tpu.memory_space<vmem>>, vector<16xi32>,
      %swap3A_1845 = arith.constant 64 : index
      %swap3A_1846 = tpu.vector_load %arg16[%swap3A_1845] {strides = array<i32>} : memref<256xi32, #tpu.memory_space<vmem>>, vector<16xi32>,
      tpu.vector_store %arg16[%swap3A_1845], %broadcast_in_dim3A_3 {strides = array<i32>} : memref<256xi32, #tpu.memory_space<vmem>>, vector<16xi32>,
      %swap3A_1847 = arith.constant 80 : index
      %swap3A_1848 = tpu.vector_load %arg16[%swap3A_1847] {strides = array<i32>} : memref<256xi32, #tpu.memory_space<vmem>>, vector<16xi32>,
      tpu.vector_store %arg16[%swap3A_1847], %broadcast_in_dim3A_3 {strides = array<i32>} : memref<256xi32, #tpu.memory_space<vmem>>, vector<16xi32>,
      %swap3A_1849 = arith.constant 96 : index
      %swap3A_1850 = tpu.vector_load %arg16[%swap3A_1849] {strides = array<i32>} : memref<256xi32, #tpu.memory_space<vmem>>, vector<16xi32>,
      tpu.vector_store %arg16[%swap3A_1849], %broadcast_in_dim3A_3 {strides = array<i32>} : memref<256xi32, #tpu.memory_space<vmem>>, vector<16xi32>,
      %swap3A_1851 = arith.constant 112 : index
      %swap3A_1852 = tpu.vector_load %arg16[%swap3A_1851] {strides = array<i32>} : memref<256xi32, #tpu.memory_space<vmem>>, vector<16xi32>,
      tpu.vector_store %arg16[%swap3A_1851], %broadcast_in_dim3A_3 {strides = array<i32>} : memref<256xi32, #tpu.memory_space<vmem>>, vector<16xi32>,
      %swap3A_1853 = arith.constant 128 : index
      %swap3A_1854 = tpu.vector_load %arg16[%swap3A_1853] {strides = array<i32>} : memref<256xi32, #tpu.memory_space<vmem>>, vector<16xi32>,
      tpu.vector_store %arg16[%swap3A_1853], %broadcast_in_dim3A_3 {strides = array<i32>} : memref<256xi32, #tpu.memory_space<vmem>>, vector<16xi32>,
      %swap3A_1855 = arith.constant 144 : index
      %swap3A_1856 = tpu.vector_load %arg16[%swap3A_1855] {strides = array<i32>} : memref<256xi32, #tpu.memory_space<vmem>>, vector<16xi32>,
      tpu.vector_store %arg16[%swap3A_1855], %broadcast_in_dim3A_3 {strides = array<i32>} : memref<256xi32, #tpu.memory_space<vmem>>, vector<16xi32>,
      %swap3A_1857 = arith.constant 160 : index
      %swap3A_1858 = tpu.vector_load %arg16[%swap3A_1857] {strides = array<i32>} : memref<256xi32, #tpu.memory_space<vmem>>, vector<16xi32>,
      tpu.vector_store %arg16[%swap3A_1857], %broadcast_in_dim3A_3 {strides = array<i32>} : memref<256xi32, #tpu.memory_space<vmem>>, vector<16xi32>,
      %swap3A_1859 = arith.constant 176 : index
      %swap3A_1860 = tpu.vector_load %arg16[%swap3A_1859] {strides = array<i32>} : memref<256xi32, #tpu.memory_space<vmem>>, vector<16xi32>,
      tpu.vector_store %arg16[%swap3A_1859], %broadcast_in_dim3A_3 {strides = array<i32>} : memref<256xi32, #tpu.memory_space<vmem>>, vector<16xi32>,
      %swap3A_1861 = arith.constant 192 : index
      %swap3A_1862 = tpu.vector_load %arg16[%swap3A_1861] {strides = array<i32>} : memref<256xi32, #tpu.memory_space<vmem>>, vector<16xi32>,
      tpu.vector_store %arg16[%swap3A_1861], %broadcast_in_dim3A_3 {strides = array<i32>} : memref<256xi32, #tpu.memory_space<vmem>>, vector<16xi32>,
      %swap3A_1863 = arith.constant 208 : index
      %swap3A_1864 = tpu.vector_load %arg16[%swap3A_1863] {strides = array<i32>} : memref<256xi32, #tpu.memory_space<vmem>>, vector<16xi32>,
      tpu.vector_store %arg16[%swap3A_1863], %broadcast_in_dim3A_3 {strides = array<i32>} : memref<256xi32, #tpu.memory_space<vmem>>, vector<16xi32>,
      %swap3A_1865 = arith.constant 224 : index
      %swap3A_1866 = tpu.vector_load %arg16[%swap3A_1865] {strides = array<i32>} : memref<256xi32, #tpu.memory_space<vmem>>, vector<16xi32>,
      tpu.vector_store %arg16[%swap3A_1865], %broadcast_in_dim3A_3 {strides = array<i32>} : memref<256xi32, #tpu.memory_space<vmem>>, vector<16xi32>,
      %swap3A_1867 = arith.constant 240 : index
      %swap3A_1868 = tpu.vector_load %arg16[%swap3A_1867] {strides = array<i32>} : memref<256xi32, #tpu.memory_space<vmem>>, vector<16xi32>,
      tpu.vector_store %arg16[%swap3A_1867], %broadcast_in_dim3A_3 {strides = array<i32>} : memref<256xi32, #tpu.memory_space<vmem>>, vector<16xi32>,
      %parallel_loop3A_1869 = arith.constant 0 : i32
      %parallel_loop3A_1870 = arith.constant 1 : i32
      %parallel_loop3A_1871 = arith.constant 24 : i32
      scf.for %parallel_loop3A_2096 = %parallel_loop3A_1869 to %shift_right_logical3A_1069 step %parallel_loop3A_1870  : i32 {
        %parallel_loop3A_2097 = arith.constant 16 : i32
        %parallel_loop3A_2098 = arith.muli %parallel_loop3A_2096, %parallel_loop3A_2097 : i32
        %parallel_loop3A_2099 = tpu.assume_multiple %parallel_loop3A_2098, 16 : i32
        %parallel_loop3A_2100 = arith.index_cast %parallel_loop3A_2099 : i32 to index
        %parallel_loop3A_2101 = tpu.vector_load %arg11[%parallel_loop3A_2100] {strides = array<i32>} : memref<8208xi32, #tpu.memory_space<vmem>>, vector<16xi32>,
        %parallel_loop3A_2102 = vector.broadcast %parallel_loop3A_1871 : i32 to vector<16xi32>
        %parallel_loop3A_2103 = arith.shrui %parallel_loop3A_2101, %parallel_loop3A_2102 : vector<16xi32>
        %parallel_loop3A_2104 = arith.constant 255 : i32
        %parallel_loop3A_2105 = vector.broadcast %parallel_loop3A_2104 : i32 to vector<16xi32>
        %parallel_loop3A_2106 = arith.andi %parallel_loop3A_2103, %parallel_loop3A_2105 : vector<16xi32>
        %parallel_loop3A_2107 = arith.constant true
        %parallel_loop3A_2108 = vector.broadcast %parallel_loop3A_2107 : i1 to vector<16xi1>
        %parallel_loop3A_2109, %parallel_loop3A_2110 = tpu.scan_count mask(%parallel_loop3A_2108 : vector<16xi1>) value(%parallel_loop3A_2106 : vector<16xi32>) : vector<16xi1>, vector<16xi32>
        tpu.vector_store_idx %arg16[%parallel_loop3A_2106], %parallel_loop3A_2110 masked %parallel_loop3A_2109 {add = true} : memref<256xi32, #tpu.memory_space<vmem>>[vector<16xi32>], vector<16xi32>, vector<16xi1>
      } {sc.loop_unroll_factor = 4 : i64, sc.parallel_access}
      %get3A_1872 = arith.constant 0 : index
      %get3A_1873 = tpu.vector_load %arg16[%get3A_1872] {strides = array<i32>} : memref<256xi32, #tpu.memory_space<vmem>>, vector<16xi32>,
      %broadcast_in_dim3A_1874 = arith.constant true
      %broadcast_in_dim3A_1875 = vector.broadcast %broadcast_in_dim3A_1874 : i1 to vector<16xi1>
      %masked_cumsum3A_1876 = tpu.scan <sum>, %get3A_1873 masked %broadcast_in_dim3A_1875 : vector<16xi32>, vector<16xi1> -> vector<16xi32>
      %sub3A_1877 = arith.subi %masked_cumsum3A_1876, %get3A_1873 : vector<16xi32>
      %add3A_1878 = arith.addi %sub3A_1877, %broadcast_in_dim3A_3 : vector<16xi32>
      %swap3A_1879 = arith.constant 0 : index
      %swap3A_1880 = tpu.vector_load %arg16[%swap3A_1879] {strides = array<i32>} : memref<256xi32, #tpu.memory_space<vmem>>, vector<16xi32>,
      tpu.vector_store %arg16[%swap3A_1879], %add3A_1878 {strides = array<i32>} : memref<256xi32, #tpu.memory_space<vmem>>, vector<16xi32>,
      %swap3A_1881 = arith.constant 0 : index
      %swap3A_1882 = tpu.vector_load %arg18[%swap3A_1881] {strides = array<i32>} : memref<16xi32, #tpu.memory_space<vmem>>, vector<16xi32>,
      tpu.vector_store %arg18[%swap3A_1881], %masked_cumsum3A_1876 {strides = array<i32>} : memref<16xi32, #tpu.memory_space<vmem>>, vector<16xi32>,
      %gather3A_1883 = tpu.vector_load_idx %arg18[%broadcast_in_dim3A_5] : memref<16xi32, #tpu.memory_space<vmem>>[vector<16xi32>], vector<16xi32>,
      %add3A_1884 = arith.addi %broadcast_in_dim3A_3, %gather3A_1883 : vector<16xi32>
      %get3A_1885 = arith.constant 16 : index
      %get3A_1886 = tpu.vector_load %arg16[%get3A_1885] {strides = array<i32>} : memref<256xi32, #tpu.memory_space<vmem>>, vector<16xi32>,
      %broadcast_in_dim3A_1887 = arith.constant true
      %broadcast_in_dim3A_1888 = vector.broadcast %broadcast_in_dim3A_1887 : i1 to vector<16xi1>
      %masked_cumsum3A_1889 = tpu.scan <sum>, %get3A_1886 masked %broadcast_in_dim3A_1888 : vector<16xi32>, vector<16xi1> -> vector<16xi32>
      %sub3A_1890 = arith.subi %masked_cumsum3A_1889, %get3A_1886 : vector<16xi32>
      %add3A_1891 = arith.addi %sub3A_1890, %add3A_1884 : vector<16xi32>
      %swap3A_1892 = arith.constant 16 : index
      %swap3A_1893 = tpu.vector_load %arg16[%swap3A_1892] {strides = array<i32>} : memref<256xi32, #tpu.memory_space<vmem>>, vector<16xi32>,
      tpu.vector_store %arg16[%swap3A_1892], %add3A_1891 {strides = array<i32>} : memref<256xi32, #tpu.memory_space<vmem>>, vector<16xi32>,
      %swap3A_1894 = arith.constant 0 : index
      %swap3A_1895 = tpu.vector_load %arg18[%swap3A_1894] {strides = array<i32>} : memref<16xi32, #tpu.memory_space<vmem>>, vector<16xi32>,
      tpu.vector_store %arg18[%swap3A_1894], %masked_cumsum3A_1889 {strides = array<i32>} : memref<16xi32, #tpu.memory_space<vmem>>, vector<16xi32>,
      %gather3A_1896 = tpu.vector_load_idx %arg18[%broadcast_in_dim3A_5] : memref<16xi32, #tpu.memory_space<vmem>>[vector<16xi32>], vector<16xi32>,
      %add3A_1897 = arith.addi %add3A_1884, %gather3A_1896 : vector<16xi32>
      %get3A_1898 = arith.constant 32 : index
      %get3A_1899 = tpu.vector_load %arg16[%get3A_1898] {strides = array<i32>} : memref<256xi32, #tpu.memory_space<vmem>>, vector<16xi32>,
      %broadcast_in_dim3A_1900 = arith.constant true
      %broadcast_in_dim3A_1901 = vector.broadcast %broadcast_in_dim3A_1900 : i1 to vector<16xi1>
      %masked_cumsum3A_1902 = tpu.scan <sum>, %get3A_1899 masked %broadcast_in_dim3A_1901 : vector<16xi32>, vector<16xi1> -> vector<16xi32>
      %sub3A_1903 = arith.subi %masked_cumsum3A_1902, %get3A_1899 : vector<16xi32>
      %add3A_1904 = arith.addi %sub3A_1903, %add3A_1897 : vector<16xi32>
      %swap3A_1905 = arith.constant 32 : index
      %swap3A_1906 = tpu.vector_load %arg16[%swap3A_1905] {strides = array<i32>} : memref<256xi32, #tpu.memory_space<vmem>>, vector<16xi32>,
      tpu.vector_store %arg16[%swap3A_1905], %add3A_1904 {strides = array<i32>} : memref<256xi32, #tpu.memory_space<vmem>>, vector<16xi32>,
      %swap3A_1907 = arith.constant 0 : index
      %swap3A_1908 = tpu.vector_load %arg18[%swap3A_1907] {strides = array<i32>} : memref<16xi32, #tpu.memory_space<vmem>>, vector<16xi32>,
      tpu.vector_store %arg18[%swap3A_1907], %masked_cumsum3A_1902 {strides = array<i32>} : memref<16xi32, #tpu.memory_space<vmem>>, vector<16xi32>,
      %gather3A_1909 = tpu.vector_load_idx %arg18[%broadcast_in_dim3A_5] : memref<16xi32, #tpu.memory_space<vmem>>[vector<16xi32>], vector<16xi32>,
      %add3A_1910 = arith.addi %add3A_1897, %gather3A_1909 : vector<16xi32>
      %get3A_1911 = arith.constant 48 : index
      %get3A_1912 = tpu.vector_load %arg16[%get3A_1911] {strides = array<i32>} : memref<256xi32, #tpu.memory_space<vmem>>, vector<16xi32>,
      %broadcast_in_dim3A_1913 = arith.constant true
      %broadcast_in_dim3A_1914 = vector.broadcast %broadcast_in_dim3A_1913 : i1 to vector<16xi1>
      %masked_cumsum3A_1915 = tpu.scan <sum>, %get3A_1912 masked %broadcast_in_dim3A_1914 : vector<16xi32>, vector<16xi1> -> vector<16xi32>
      %sub3A_1916 = arith.subi %masked_cumsum3A_1915, %get3A_1912 : vector<16xi32>
      %add3A_1917 = arith.addi %sub3A_1916, %add3A_1910 : vector<16xi32>
      %swap3A_1918 = arith.constant 48 : index
      %swap3A_1919 = tpu.vector_load %arg16[%swap3A_1918] {strides = array<i32>} : memref<256xi32, #tpu.memory_space<vmem>>, vector<16xi32>,
      tpu.vector_store %arg16[%swap3A_1918], %add3A_1917 {strides = array<i32>} : memref<256xi32, #tpu.memory_space<vmem>>, vector<16xi32>,
      %swap3A_1920 = arith.constant 0 : index
      %swap3A_1921 = tpu.vector_load %arg18[%swap3A_1920] {strides = array<i32>} : memref<16xi32, #tpu.memory_space<vmem>>, vector<16xi32>,
      tpu.vector_store %arg18[%swap3A_1920], %masked_cumsum3A_1915 {strides = array<i32>} : memref<16xi32, #tpu.memory_space<vmem>>, vector<16xi32>,
      %gather3A_1922 = tpu.vector_load_idx %arg18[%broadcast_in_dim3A_5] : memref<16xi32, #tpu.memory_space<vmem>>[vector<16xi32>], vector<16xi32>,
      %add3A_1923 = arith.addi %add3A_1910, %gather3A_1922 : vector<16xi32>
      %get3A_1924 = arith.constant 64 : index
      %get3A_1925 = tpu.vector_load %arg16[%get3A_1924] {strides = array<i32>} : memref<256xi32, #tpu.memory_space<vmem>>, vector<16xi32>,
      %broadcast_in_dim3A_1926 = arith.constant true
      %broadcast_in_dim3A_1927 = vector.broadcast %broadcast_in_dim3A_1926 : i1 to vector<16xi1>
      %masked_cumsum3A_1928 = tpu.scan <sum>, %get3A_1925 masked %broadcast_in_dim3A_1927 : vector<16xi32>, vector<16xi1> -> vector<16xi32>
      %sub3A_1929 = arith.subi %masked_cumsum3A_1928, %get3A_1925 : vector<16xi32>
      %add3A_1930 = arith.addi %sub3A_1929, %add3A_1923 : vector<16xi32>
      %swap3A_1931 = arith.constant 64 : index
      %swap3A_1932 = tpu.vector_load %arg16[%swap3A_1931] {strides = array<i32>} : memref<256xi32, #tpu.memory_space<vmem>>, vector<16xi32>,
      tpu.vector_store %arg16[%swap3A_1931], %add3A_1930 {strides = array<i32>} : memref<256xi32, #tpu.memory_space<vmem>>, vector<16xi32>,
      %swap3A_1933 = arith.constant 0 : index
      %swap3A_1934 = tpu.vector_load %arg18[%swap3A_1933] {strides = array<i32>} : memref<16xi32, #tpu.memory_space<vmem>>, vector<16xi32>,
      tpu.vector_store %arg18[%swap3A_1933], %masked_cumsum3A_1928 {strides = array<i32>} : memref<16xi32, #tpu.memory_space<vmem>>, vector<16xi32>,
      %gather3A_1935 = tpu.vector_load_idx %arg18[%broadcast_in_dim3A_5] : memref<16xi32, #tpu.memory_space<vmem>>[vector<16xi32>], vector<16xi32>,
      %add3A_1936 = arith.addi %add3A_1923, %gather3A_1935 : vector<16xi32>
      %get3A_1937 = arith.constant 80 : index
      %get3A_1938 = tpu.vector_load %arg16[%get3A_1937] {strides = array<i32>} : memref<256xi32, #tpu.memory_space<vmem>>, vector<16xi32>,
      %broadcast_in_dim3A_1939 = arith.constant true
      %broadcast_in_dim3A_1940 = vector.broadcast %broadcast_in_dim3A_1939 : i1 to vector<16xi1>
      %masked_cumsum3A_1941 = tpu.scan <sum>, %get3A_1938 masked %broadcast_in_dim3A_1940 : vector<16xi32>, vector<16xi1> -> vector<16xi32>
      %sub3A_1942 = arith.subi %masked_cumsum3A_1941, %get3A_1938 : vector<16xi32>
      %add3A_1943 = arith.addi %sub3A_1942, %add3A_1936 : vector<16xi32>
      %swap3A_1944 = arith.constant 80 : index
      %swap3A_1945 = tpu.vector_load %arg16[%swap3A_1944] {strides = array<i32>} : memref<256xi32, #tpu.memory_space<vmem>>, vector<16xi32>,
      tpu.vector_store %arg16[%swap3A_1944], %add3A_1943 {strides = array<i32>} : memref<256xi32, #tpu.memory_space<vmem>>, vector<16xi32>,
      %swap3A_1946 = arith.constant 0 : index
      %swap3A_1947 = tpu.vector_load %arg18[%swap3A_1946] {strides = array<i32>} : memref<16xi32, #tpu.memory_space<vmem>>, vector<16xi32>,
      tpu.vector_store %arg18[%swap3A_1946], %masked_cumsum3A_1941 {strides = array<i32>} : memref<16xi32, #tpu.memory_space<vmem>>, vector<16xi32>,
      %gather3A_1948 = tpu.vector_load_idx %arg18[%broadcast_in_dim3A_5] : memref<16xi32, #tpu.memory_space<vmem>>[vector<16xi32>], vector<16xi32>,
      %add3A_1949 = arith.addi %add3A_1936, %gather3A_1948 : vector<16xi32>
      %get3A_1950 = arith.constant 96 : index
      %get3A_1951 = tpu.vector_load %arg16[%get3A_1950] {strides = array<i32>} : memref<256xi32, #tpu.memory_space<vmem>>, vector<16xi32>,
      %broadcast_in_dim3A_1952 = arith.constant true
      %broadcast_in_dim3A_1953 = vector.broadcast %broadcast_in_dim3A_1952 : i1 to vector<16xi1>
      %masked_cumsum3A_1954 = tpu.scan <sum>, %get3A_1951 masked %broadcast_in_dim3A_1953 : vector<16xi32>, vector<16xi1> -> vector<16xi32>
      %sub3A_1955 = arith.subi %masked_cumsum3A_1954, %get3A_1951 : vector<16xi32>
      %add3A_1956 = arith.addi %sub3A_1955, %add3A_1949 : vector<16xi32>
      %swap3A_1957 = arith.constant 96 : index
      %swap3A_1958 = tpu.vector_load %arg16[%swap3A_1957] {strides = array<i32>} : memref<256xi32, #tpu.memory_space<vmem>>, vector<16xi32>,
      tpu.vector_store %arg16[%swap3A_1957], %add3A_1956 {strides = array<i32>} : memref<256xi32, #tpu.memory_space<vmem>>, vector<16xi32>,
      %swap3A_1959 = arith.constant 0 : index
      %swap3A_1960 = tpu.vector_load %arg18[%swap3A_1959] {strides = array<i32>} : memref<16xi32, #tpu.memory_space<vmem>>, vector<16xi32>,
      tpu.vector_store %arg18[%swap3A_1959], %masked_cumsum3A_1954 {strides = array<i32>} : memref<16xi32, #tpu.memory_space<vmem>>, vector<16xi32>,
      %gather3A_1961 = tpu.vector_load_idx %arg18[%broadcast_in_dim3A_5] : memref<16xi32, #tpu.memory_space<vmem>>[vector<16xi32>], vector<16xi32>,
      %add3A_1962 = arith.addi %add3A_1949, %gather3A_1961 : vector<16xi32>
      %get3A_1963 = arith.constant 112 : index
      %get3A_1964 = tpu.vector_load %arg16[%get3A_1963] {strides = array<i32>} : memref<256xi32, #tpu.memory_space<vmem>>, vector<16xi32>,
      %broadcast_in_dim3A_1965 = arith.constant true
      %broadcast_in_dim3A_1966 = vector.broadcast %broadcast_in_dim3A_1965 : i1 to vector<16xi1>
      %masked_cumsum3A_1967 = tpu.scan <sum>, %get3A_1964 masked %broadcast_in_dim3A_1966 : vector<16xi32>, vector<16xi1> -> vector<16xi32>
      %sub3A_1968 = arith.subi %masked_cumsum3A_1967, %get3A_1964 : vector<16xi32>
      %add3A_1969 = arith.addi %sub3A_1968, %add3A_1962 : vector<16xi32>
      %swap3A_1970 = arith.constant 112 : index
      %swap3A_1971 = tpu.vector_load %arg16[%swap3A_1970] {strides = array<i32>} : memref<256xi32, #tpu.memory_space<vmem>>, vector<16xi32>,
      tpu.vector_store %arg16[%swap3A_1970], %add3A_1969 {strides = array<i32>} : memref<256xi32, #tpu.memory_space<vmem>>, vector<16xi32>,
      %swap3A_1972 = arith.constant 0 : index
      %swap3A_1973 = tpu.vector_load %arg18[%swap3A_1972] {strides = array<i32>} : memref<16xi32, #tpu.memory_space<vmem>>, vector<16xi32>,
      tpu.vector_store %arg18[%swap3A_1972], %masked_cumsum3A_1967 {strides = array<i32>} : memref<16xi32, #tpu.memory_space<vmem>>, vector<16xi32>,
      %gather3A_1974 = tpu.vector_load_idx %arg18[%broadcast_in_dim3A_5] : memref<16xi32, #tpu.memory_space<vmem>>[vector<16xi32>], vector<16xi32>,
      %add3A_1975 = arith.addi %add3A_1962, %gather3A_1974 : vector<16xi32>
      %get3A_1976 = arith.constant 128 : index
      %get3A_1977 = tpu.vector_load %arg16[%get3A_1976] {strides = array<i32>} : memref<256xi32, #tpu.memory_space<vmem>>, vector<16xi32>,
      %broadcast_in_dim3A_1978 = arith.constant true
      %broadcast_in_dim3A_1979 = vector.broadcast %broadcast_in_dim3A_1978 : i1 to vector<16xi1>
      %masked_cumsum3A_1980 = tpu.scan <sum>, %get3A_1977 masked %broadcast_in_dim3A_1979 : vector<16xi32>, vector<16xi1> -> vector<16xi32>
      %sub3A_1981 = arith.subi %masked_cumsum3A_1980, %get3A_1977 : vector<16xi32>
      %add3A_1982 = arith.addi %sub3A_1981, %add3A_1975 : vector<16xi32>
      %swap3A_1983 = arith.constant 128 : index
      %swap3A_1984 = tpu.vector_load %arg16[%swap3A_1983] {strides = array<i32>} : memref<256xi32, #tpu.memory_space<vmem>>, vector<16xi32>,
      tpu.vector_store %arg16[%swap3A_1983], %add3A_1982 {strides = array<i32>} : memref<256xi32, #tpu.memory_space<vmem>>, vector<16xi32>,
      %swap3A_1985 = arith.constant 0 : index
      %swap3A_1986 = tpu.vector_load %arg18[%swap3A_1985] {strides = array<i32>} : memref<16xi32, #tpu.memory_space<vmem>>, vector<16xi32>,
      tpu.vector_store %arg18[%swap3A_1985], %masked_cumsum3A_1980 {strides = array<i32>} : memref<16xi32, #tpu.memory_space<vmem>>, vector<16xi32>,
      %gather3A_1987 = tpu.vector_load_idx %arg18[%broadcast_in_dim3A_5] : memref<16xi32, #tpu.memory_space<vmem>>[vector<16xi32>], vector<16xi32>,
      %add3A_1988 = arith.addi %add3A_1975, %gather3A_1987 : vector<16xi32>
      %get3A_1989 = arith.constant 144 : index
      %get3A_1990 = tpu.vector_load %arg16[%get3A_1989] {strides = array<i32>} : memref<256xi32, #tpu.memory_space<vmem>>, vector<16xi32>,
      %broadcast_in_dim3A_1991 = arith.constant true
      %broadcast_in_dim3A_1992 = vector.broadcast %broadcast_in_dim3A_1991 : i1 to vector<16xi1>
      %masked_cumsum3A_1993 = tpu.scan <sum>, %get3A_1990 masked %broadcast_in_dim3A_1992 : vector<16xi32>, vector<16xi1> -> vector<16xi32>
      %sub3A_1994 = arith.subi %masked_cumsum3A_1993, %get3A_1990 : vector<16xi32>
      %add3A_1995 = arith.addi %sub3A_1994, %add3A_1988 : vector<16xi32>
      %swap3A_1996 = arith.constant 144 : index
      %swap3A_1997 = tpu.vector_load %arg16[%swap3A_1996] {strides = array<i32>} : memref<256xi32, #tpu.memory_space<vmem>>, vector<16xi32>,
      tpu.vector_store %arg16[%swap3A_1996], %add3A_1995 {strides = array<i32>} : memref<256xi32, #tpu.memory_space<vmem>>, vector<16xi32>,
      %swap3A_1998 = arith.constant 0 : index
      %swap3A_1999 = tpu.vector_load %arg18[%swap3A_1998] {strides = array<i32>} : memref<16xi32, #tpu.memory_space<vmem>>, vector<16xi32>,
      tpu.vector_store %arg18[%swap3A_1998], %masked_cumsum3A_1993 {strides = array<i32>} : memref<16xi32, #tpu.memory_space<vmem>>, vector<16xi32>,
      %gather3A_2000 = tpu.vector_load_idx %arg18[%broadcast_in_dim3A_5] : memref<16xi32, #tpu.memory_space<vmem>>[vector<16xi32>], vector<16xi32>,
      %add3A_2001 = arith.addi %add3A_1988, %gather3A_2000 : vector<16xi32>
      %get3A_2002 = arith.constant 160 : index
      %get3A_2003 = tpu.vector_load %arg16[%get3A_2002] {strides = array<i32>} : memref<256xi32, #tpu.memory_space<vmem>>, vector<16xi32>,
      %broadcast_in_dim3A_2004 = arith.constant true
      %broadcast_in_dim3A_2005 = vector.broadcast %broadcast_in_dim3A_2004 : i1 to vector<16xi1>
      %masked_cumsum3A_2006 = tpu.scan <sum>, %get3A_2003 masked %broadcast_in_dim3A_2005 : vector<16xi32>, vector<16xi1> -> vector<16xi32>
      %sub3A_2007 = arith.subi %masked_cumsum3A_2006, %get3A_2003 : vector<16xi32>
      %add3A_2008 = arith.addi %sub3A_2007, %add3A_2001 : vector<16xi32>
      %swap3A_2009 = arith.constant 160 : index
      %swap3A_2010 = tpu.vector_load %arg16[%swap3A_2009] {strides = array<i32>} : memref<256xi32, #tpu.memory_space<vmem>>, vector<16xi32>,
      tpu.vector_store %arg16[%swap3A_2009], %add3A_2008 {strides = array<i32>} : memref<256xi32, #tpu.memory_space<vmem>>, vector<16xi32>,
      %swap3A_2011 = arith.constant 0 : index
      %swap3A_2012 = tpu.vector_load %arg18[%swap3A_2011] {strides = array<i32>} : memref<16xi32, #tpu.memory_space<vmem>>, vector<16xi32>,
      tpu.vector_store %arg18[%swap3A_2011], %masked_cumsum3A_2006 {strides = array<i32>} : memref<16xi32, #tpu.memory_space<vmem>>, vector<16xi32>,
      %gather3A_2013 = tpu.vector_load_idx %arg18[%broadcast_in_dim3A_5] : memref<16xi32, #tpu.memory_space<vmem>>[vector<16xi32>], vector<16xi32>,
      %add3A_2014 = arith.addi %add3A_2001, %gather3A_2013 : vector<16xi32>
      %get3A_2015 = arith.constant 176 : index
      %get3A_2016 = tpu.vector_load %arg16[%get3A_2015] {strides = array<i32>} : memref<256xi32, #tpu.memory_space<vmem>>, vector<16xi32>,
      %broadcast_in_dim3A_2017 = arith.constant true
      %broadcast_in_dim3A_2018 = vector.broadcast %broadcast_in_dim3A_2017 : i1 to vector<16xi1>
      %masked_cumsum3A_2019 = tpu.scan <sum>, %get3A_2016 masked %broadcast_in_dim3A_2018 : vector<16xi32>, vector<16xi1> -> vector<16xi32>
      %sub3A_2020 = arith.subi %masked_cumsum3A_2019, %get3A_2016 : vector<16xi32>
      %add3A_2021 = arith.addi %sub3A_2020, %add3A_2014 : vector<16xi32>
      %swap3A_2022 = arith.constant 176 : index
      %swap3A_2023 = tpu.vector_load %arg16[%swap3A_2022] {strides = array<i32>} : memref<256xi32, #tpu.memory_space<vmem>>, vector<16xi32>,
      tpu.vector_store %arg16[%swap3A_2022], %add3A_2021 {strides = array<i32>} : memref<256xi32, #tpu.memory_space<vmem>>, vector<16xi32>,
      %swap3A_2024 = arith.constant 0 : index
      %swap3A_2025 = tpu.vector_load %arg18[%swap3A_2024] {strides = array<i32>} : memref<16xi32, #tpu.memory_space<vmem>>, vector<16xi32>,
      tpu.vector_store %arg18[%swap3A_2024], %masked_cumsum3A_2019 {strides = array<i32>} : memref<16xi32, #tpu.memory_space<vmem>>, vector<16xi32>,
      %gather3A_2026 = tpu.vector_load_idx %arg18[%broadcast_in_dim3A_5] : memref<16xi32, #tpu.memory_space<vmem>>[vector<16xi32>], vector<16xi32>,
      %add3A_2027 = arith.addi %add3A_2014, %gather3A_2026 : vector<16xi32>
      %get3A_2028 = arith.constant 192 : index
      %get3A_2029 = tpu.vector_load %arg16[%get3A_2028] {strides = array<i32>} : memref<256xi32, #tpu.memory_space<vmem>>, vector<16xi32>,
      %broadcast_in_dim3A_2030 = arith.constant true
      %broadcast_in_dim3A_2031 = vector.broadcast %broadcast_in_dim3A_2030 : i1 to vector<16xi1>
      %masked_cumsum3A_2032 = tpu.scan <sum>, %get3A_2029 masked %broadcast_in_dim3A_2031 : vector<16xi32>, vector<16xi1> -> vector<16xi32>
      %sub3A_2033 = arith.subi %masked_cumsum3A_2032, %get3A_2029 : vector<16xi32>
      %add3A_2034 = arith.addi %sub3A_2033, %add3A_2027 : vector<16xi32>
      %swap3A_2035 = arith.constant 192 : index
      %swap3A_2036 = tpu.vector_load %arg16[%swap3A_2035] {strides = array<i32>} : memref<256xi32, #tpu.memory_space<vmem>>, vector<16xi32>,
      tpu.vector_store %arg16[%swap3A_2035], %add3A_2034 {strides = array<i32>} : memref<256xi32, #tpu.memory_space<vmem>>, vector<16xi32>,
      %swap3A_2037 = arith.constant 0 : index
      %swap3A_2038 = tpu.vector_load %arg18[%swap3A_2037] {strides = array<i32>} : memref<16xi32, #tpu.memory_space<vmem>>, vector<16xi32>,
      tpu.vector_store %arg18[%swap3A_2037], %masked_cumsum3A_2032 {strides = array<i32>} : memref<16xi32, #tpu.memory_space<vmem>>, vector<16xi32>,
      %gather3A_2039 = tpu.vector_load_idx %arg18[%broadcast_in_dim3A_5] : memref<16xi32, #tpu.memory_space<vmem>>[vector<16xi32>], vector<16xi32>,
      %add3A_2040 = arith.addi %add3A_2027, %gather3A_2039 : vector<16xi32>
      %get3A_2041 = arith.constant 208 : index
      %get3A_2042 = tpu.vector_load %arg16[%get3A_2041] {strides = array<i32>} : memref<256xi32, #tpu.memory_space<vmem>>, vector<16xi32>,
      %broadcast_in_dim3A_2043 = arith.constant true
      %broadcast_in_dim3A_2044 = vector.broadcast %broadcast_in_dim3A_2043 : i1 to vector<16xi1>
      %masked_cumsum3A_2045 = tpu.scan <sum>, %get3A_2042 masked %broadcast_in_dim3A_2044 : vector<16xi32>, vector<16xi1> -> vector<16xi32>
      %sub3A_2046 = arith.subi %masked_cumsum3A_2045, %get3A_2042 : vector<16xi32>
      %add3A_2047 = arith.addi %sub3A_2046, %add3A_2040 : vector<16xi32>
      %swap3A_2048 = arith.constant 208 : index
      %swap3A_2049 = tpu.vector_load %arg16[%swap3A_2048] {strides = array<i32>} : memref<256xi32, #tpu.memory_space<vmem>>, vector<16xi32>,
      tpu.vector_store %arg16[%swap3A_2048], %add3A_2047 {strides = array<i32>} : memref<256xi32, #tpu.memory_space<vmem>>, vector<16xi32>,
      %swap3A_2050 = arith.constant 0 : index
      %swap3A_2051 = tpu.vector_load %arg18[%swap3A_2050] {strides = array<i32>} : memref<16xi32, #tpu.memory_space<vmem>>, vector<16xi32>,
      tpu.vector_store %arg18[%swap3A_2050], %masked_cumsum3A_2045 {strides = array<i32>} : memref<16xi32, #tpu.memory_space<vmem>>, vector<16xi32>,
      %gather3A_2052 = tpu.vector_load_idx %arg18[%broadcast_in_dim3A_5] : memref<16xi32, #tpu.memory_space<vmem>>[vector<16xi32>], vector<16xi32>,
      %add3A_2053 = arith.addi %add3A_2040, %gather3A_2052 : vector<16xi32>
      %get3A_2054 = arith.constant 224 : index
      %get3A_2055 = tpu.vector_load %arg16[%get3A_2054] {strides = array<i32>} : memref<256xi32, #tpu.memory_space<vmem>>, vector<16xi32>,
      %broadcast_in_dim3A_2056 = arith.constant true
      %broadcast_in_dim3A_2057 = vector.broadcast %broadcast_in_dim3A_2056 : i1 to vector<16xi1>
      %masked_cumsum3A_2058 = tpu.scan <sum>, %get3A_2055 masked %broadcast_in_dim3A_2057 : vector<16xi32>, vector<16xi1> -> vector<16xi32>
      %sub3A_2059 = arith.subi %masked_cumsum3A_2058, %get3A_2055 : vector<16xi32>
      %add3A_2060 = arith.addi %sub3A_2059, %add3A_2053 : vector<16xi32>
      %swap3A_2061 = arith.constant 224 : index
      %swap3A_2062 = tpu.vector_load %arg16[%swap3A_2061] {strides = array<i32>} : memref<256xi32, #tpu.memory_space<vmem>>, vector<16xi32>,
      tpu.vector_store %arg16[%swap3A_2061], %add3A_2060 {strides = array<i32>} : memref<256xi32, #tpu.memory_space<vmem>>, vector<16xi32>,
      %swap3A_2063 = arith.constant 0 : index
      %swap3A_2064 = tpu.vector_load %arg18[%swap3A_2063] {strides = array<i32>} : memref<16xi32, #tpu.memory_space<vmem>>, vector<16xi32>,
      tpu.vector_store %arg18[%swap3A_2063], %masked_cumsum3A_2058 {strides = array<i32>} : memref<16xi32, #tpu.memory_space<vmem>>, vector<16xi32>,
      %gather3A_2065 = tpu.vector_load_idx %arg18[%broadcast_in_dim3A_5] : memref<16xi32, #tpu.memory_space<vmem>>[vector<16xi32>], vector<16xi32>,
      %add3A_2066 = arith.addi %add3A_2053, %gather3A_2065 : vector<16xi32>
      %get3A_2067 = arith.constant 240 : index
      %get3A_2068 = tpu.vector_load %arg16[%get3A_2067] {strides = array<i32>} : memref<256xi32, #tpu.memory_space<vmem>>, vector<16xi32>,
      %broadcast_in_dim3A_2069 = arith.constant true
      %broadcast_in_dim3A_2070 = vector.broadcast %broadcast_in_dim3A_2069 : i1 to vector<16xi1>
      %masked_cumsum3A_2071 = tpu.scan <sum>, %get3A_2068 masked %broadcast_in_dim3A_2070 : vector<16xi32>, vector<16xi1> -> vector<16xi32>
      %sub3A_2072 = arith.subi %masked_cumsum3A_2071, %get3A_2068 : vector<16xi32>
      %add3A_2073 = arith.addi %sub3A_2072, %add3A_2066 : vector<16xi32>
      %swap3A_2074 = arith.constant 240 : index
      %swap3A_2075 = tpu.vector_load %arg16[%swap3A_2074] {strides = array<i32>} : memref<256xi32, #tpu.memory_space<vmem>>, vector<16xi32>,
      tpu.vector_store %arg16[%swap3A_2074], %add3A_2073 {strides = array<i32>} : memref<256xi32, #tpu.memory_space<vmem>>, vector<16xi32>,
      %swap3A_2076 = arith.constant 0 : index
      %swap3A_2077 = tpu.vector_load %arg18[%swap3A_2076] {strides = array<i32>} : memref<16xi32, #tpu.memory_space<vmem>>, vector<16xi32>,
      tpu.vector_store %arg18[%swap3A_2076], %masked_cumsum3A_2071 {strides = array<i32>} : memref<16xi32, #tpu.memory_space<vmem>>, vector<16xi32>,
      %gather3A_2078 = tpu.vector_load_idx %arg18[%broadcast_in_dim3A_5] : memref<16xi32, #tpu.memory_space<vmem>>[vector<16xi32>], vector<16xi32>,
      %add3A_2079 = arith.addi %add3A_2066, %gather3A_2078 : vector<16xi32>
      %while3A_2080 = arith.constant 24 : i32
      %while3A_2081 = arith.constant 0 : i32
      %while3A_2082 = arith.constant 0 : i32
      %while3A_2083 = arith.subi %shift_right_logical3A_1069, %while3A_2081 : i32
      %while3A_2084 = arith.addi %while3A_2081, %while3A_2083 : i32
      %while3A_2085 = arith.constant 1 : i32
      %while3A_2086 = arith.divsi %while3A_2083, %while3A_2085 : i32
      %while3A_2087 = arith.muli %while3A_2086, %while3A_2085 : i32
      %while3A_2088 = arith.addi %while3A_2081, %while3A_2087 : i32
      %while3A_2089 = arith.constant 1 : i32
      %while3A_2090 = scf.for %while3A_2096 = %while3A_2081 to %while3A_2088 step %while3A_2089 iter_args(%while3A_2097 = %while3A_2082) -> (i32)  : i32 {
        %mul3A_2098 = arith.constant 16 : i32
        %mul3A_2099 = arith.muli %while3A_2096, %mul3A_2098 : i32
        %multiple_of3A = tpu.assume_multiple %mul3A_2099, 16 : i32
        %get3A_2100 = arith.index_cast %multiple_of3A : i32 to index
        %get3A_2101 = tpu.vector_load %arg11[%get3A_2100] {strides = array<i32>} : memref<8208xi32, #tpu.memory_space<vmem>>, vector<16xi32>,
        %get3A_2102 = arith.index_cast %multiple_of3A : i32 to index
        %get3A_2103 = tpu.vector_load %arg13[%get3A_2102] {strides = array<i32>} : memref<8208xi32, #tpu.memory_space<vmem>>, vector<16xi32>,
        %shift_right_logical3A_2104 = vector.broadcast %while3A_2080 : i32 to vector<16xi32>
        %shift_right_logical3A_2105 = arith.shrui %get3A_2101, %shift_right_logical3A_2104 : vector<16xi32>
        %and3A_2106 = arith.constant 255 : i32
        %and3A_2107 = vector.broadcast %and3A_2106 : i32 to vector<16xi32>
        %and3A_2108 = arith.andi %shift_right_logical3A_2105, %and3A_2107 : vector<16xi32>
        %broadcast_in_dim3A_2109 = arith.constant true
        %broadcast_in_dim3A_2110 = vector.broadcast %broadcast_in_dim3A_2109 : i1 to vector<16xi1>
        %unique3A, %unique3A_2111 = tpu.scan_count mask(%broadcast_in_dim3A_2110 : vector<16xi1>) value(%and3A_2108 : vector<16xi32>) : vector<16xi1>, vector<16xi32>
        %gather3A_2112 = tpu.vector_load_idx %arg16[%and3A_2108] : memref<256xi32, #tpu.memory_space<vmem>>[vector<16xi32>], vector<16xi32>,
        %add3A_2113 = arith.addi %gather3A_2112, %unique3A_2111 : vector<16xi32>
        %sub3A_2114 = arith.constant 1 : i32
        %sub3A_2115 = vector.broadcast %sub3A_2114 : i32 to vector<16xi32>
        %sub3A_2116 = arith.subi %add3A_2113, %sub3A_2115 : vector<16xi32>
        tpu.vector_store_idx %arg12[%sub3A_2116], %get3A_2101 : memref<8208xi32, #tpu.memory_space<vmem>>[vector<16xi32>], vector<16xi32>,
        tpu.vector_store_idx %arg14[%sub3A_2116], %get3A_2103 : memref<8208xi32, #tpu.memory_space<vmem>>[vector<16xi32>], vector<16xi32>,
        tpu.vector_store_idx %arg16[%and3A_2108], %unique3A_2111 masked %unique3A {add = true} : memref<256xi32, #tpu.memory_space<vmem>>[vector<16xi32>], vector<16xi32>, vector<16xi1>
        %while3A_2117 = arith.constant 0 : i32
        scf.yield %while3A_2117 : i32
      }
      %while3A_2091 = arith.constant 1 : i32
      %while3A_2092 = scf.for %while3A_2096 = %while3A_2088 to %while3A_2084 step %while3A_2091 iter_args(%while3A_2097 = %while3A_2090) -> (i32)  : i32 {
        %mul3A_2098 = arith.constant 16 : i32
        %mul3A_2099 = arith.muli %while3A_2096, %mul3A_2098 : i32
        %multiple_of3A = tpu.assume_multiple %mul3A_2099, 16 : i32
        %get3A_2100 = arith.index_cast %multiple_of3A : i32 to index
        %get3A_2101 = tpu.vector_load %arg11[%get3A_2100] {strides = array<i32>} : memref<8208xi32, #tpu.memory_space<vmem>>, vector<16xi32>,
        %get3A_2102 = arith.index_cast %multiple_of3A : i32 to index
        %get3A_2103 = tpu.vector_load %arg13[%get3A_2102] {strides = array<i32>} : memref<8208xi32, #tpu.memory_space<vmem>>, vector<16xi32>,
        %shift_right_logical3A_2104 = vector.broadcast %while3A_2080 : i32 to vector<16xi32>
        %shift_right_logical3A_2105 = arith.shrui %get3A_2101, %shift_right_logical3A_2104 : vector<16xi32>
        %and3A_2106 = arith.constant 255 : i32
        %and3A_2107 = vector.broadcast %and3A_2106 : i32 to vector<16xi32>
        %and3A_2108 = arith.andi %shift_right_logical3A_2105, %and3A_2107 : vector<16xi32>
        %broadcast_in_dim3A_2109 = arith.constant true
        %broadcast_in_dim3A_2110 = vector.broadcast %broadcast_in_dim3A_2109 : i1 to vector<16xi1>
        %unique3A, %unique3A_2111 = tpu.scan_count mask(%broadcast_in_dim3A_2110 : vector<16xi1>) value(%and3A_2108 : vector<16xi32>) : vector<16xi1>, vector<16xi32>
        %gather3A_2112 = tpu.vector_load_idx %arg16[%and3A_2108] : memref<256xi32, #tpu.memory_space<vmem>>[vector<16xi32>], vector<16xi32>,
        %add3A_2113 = arith.addi %gather3A_2112, %unique3A_2111 : vector<16xi32>
        %sub3A_2114 = arith.constant 1 : i32
        %sub3A_2115 = vector.broadcast %sub3A_2114 : i32 to vector<16xi32>
        %sub3A_2116 = arith.subi %add3A_2113, %sub3A_2115 : vector<16xi32>
        tpu.vector_store_idx %arg12[%sub3A_2116], %get3A_2101 : memref<8208xi32, #tpu.memory_space<vmem>>[vector<16xi32>], vector<16xi32>,
        tpu.vector_store_idx %arg14[%sub3A_2116], %get3A_2103 : memref<8208xi32, #tpu.memory_space<vmem>>[vector<16xi32>], vector<16xi32>,
        tpu.vector_store_idx %arg16[%and3A_2108], %unique3A_2111 masked %unique3A {add = true} : memref<256xi32, #tpu.memory_space<vmem>>[vector<16xi32>], vector<16xi32>, vector<16xi1>
        %while3A_2117 = arith.constant 0 : i32
        scf.yield %while3A_2117 : i32
      }
      %parallel_loop3A_2093 = arith.constant 0 : i32
      %parallel_loop3A_2094 = arith.constant 128 : i32
      %parallel_loop3A_2095 = arith.constant 1 : i32
      scf.for %parallel_loop3A_2096 = %parallel_loop3A_2093 to %parallel_loop3A_2094 step %parallel_loop3A_2095  : i32 {
        %parallel_loop3A_2097 = arith.constant 16 : i32
        %parallel_loop3A_2098 = arith.muli %parallel_loop3A_2096, %parallel_loop3A_2097 : i32
        %parallel_loop3A_2099 = tpu.assume_multiple %parallel_loop3A_2098, 16 : i32
        %parallel_loop3A_2100 = arith.index_cast %parallel_loop3A_2099 : i32 to index
        %parallel_loop3A_2101 = tpu.vector_load %arg14[%parallel_loop3A_2100] {strides = array<i32>} : memref<8208xi32, #tpu.memory_space<vmem>>, vector<16xi32>,
        %parallel_loop3A_2102 = tpu.vector_load_idx %arg9[%parallel_loop3A_2101] : memref<8192xf32, #tpu.memory_space<vmem>>[vector<16xi32>], vector<16xf32>,
        %parallel_loop3A_2103 = arith.index_cast %parallel_loop3A_2099 : i32 to index
        %parallel_loop3A_2104 = tpu.vector_load %arg15[%parallel_loop3A_2103] {strides = array<i32>} : memref<2048xf32, #tpu.memory_space<vmem>>, vector<16xf32>,
        tpu.vector_store %arg15[%parallel_loop3A_2103], %parallel_loop3A_2102 {strides = array<i32>} : memref<2048xf32, #tpu.memory_space<vmem>>, vector<16xf32>,
      } {sc.loop_unroll_factor = 4 : i64, sc.parallel_access}
      "tpu.region"() ({
        %run_scoped3A = tpu.sem_alloc : memref<!tpu.dma_semaphore, #tpu.memory_space<semaphore_mem>>
        %dma_start3A = arith.constant 0 : i32
        %dma_start3A_2096 = tpu.memref_slice %arg7[%add3A, %dma_start3A] : memref<32x2048xf32, #tpu.memory_space<hbm>> -> memref<1x2048xf32, #tpu.memory_space<hbm>>
        %dma_start3A_2097 = tpu.memref_squeeze %dma_start3A_2096 : memref<1x2048xf32, #tpu.memory_space<hbm>> -> memref<2048xf32, #tpu.memory_space<hbm>>
        %dma_start3A_2098 = arith.constant 0 : i32
        %dma_start3A_2099 = tpu.memref_slice %arg7[%add3A, %dma_start3A_2098] : memref<32x2048xf32, #tpu.memory_space<hbm>> -> memref<1x2048xf32, #tpu.memory_space<hbm>>
        %dma_start3A_2100 = tpu.memref_squeeze %dma_start3A_2099 : memref<1x2048xf32, #tpu.memory_space<hbm>> -> memref<2048xf32, #tpu.memory_space<hbm>>
        tpu.enqueue_dma source(%arg15 : memref<2048xf32, #tpu.memory_space<vmem>>) target(%dma_start3A_2100 : memref<2048xf32, #tpu.memory_space<hbm>>) target_semaphore(%run_scoped3A : memref<!tpu.dma_semaphore, #tpu.memory_space<semaphore_mem>>)
        %dma_wait3A = arith.constant 0 : i32
        %dma_wait3A_2101 = tpu.memref_slice %arg7[%add3A, %dma_wait3A] : memref<32x2048xf32, #tpu.memory_space<hbm>> -> memref<1x2048xf32, #tpu.memory_space<hbm>>
        %dma_wait3A_2102 = tpu.memref_squeeze %dma_wait3A_2101 : memref<1x2048xf32, #tpu.memory_space<hbm>> -> memref<2048xf32, #tpu.memory_space<hbm>>
        %dma_wait3A_2103 = arith.constant 0 : i32
        %dma_wait3A_2104 = tpu.memref_slice %arg7[%add3A, %dma_wait3A_2103] : memref<32x2048xf32, #tpu.memory_space<hbm>> -> memref<1x2048xf32, #tpu.memory_space<hbm>>
        %dma_wait3A_2105 = tpu.memref_squeeze %dma_wait3A_2104 : memref<1x2048xf32, #tpu.memory_space<hbm>> -> memref<2048xf32, #tpu.memory_space<hbm>>
        tpu.wait_dma2 semaphore(%run_scoped3A : memref<!tpu.dma_semaphore, #tpu.memory_space<semaphore_mem>>) src(%arg15 : memref<2048xf32, #tpu.memory_space<vmem>>) dst(%dma_wait3A_2105 : memref<2048xf32, #tpu.memory_space<hbm>>)
        tpu.yield
      }) : () -> ()
      "tpu.region"() ({
        %run_scoped3A = tpu.sem_alloc : memref<!tpu.dma_semaphore, #tpu.memory_space<semaphore_mem>>
        %dma_start3A = arith.constant 0 : i32
        %dma_start3A_2096 = tpu.memref_slice %arg14[%dma_start3A] : memref<8208xi32, #tpu.memory_space<vmem>> -> memref<2048xi32, #tpu.memory_space<vmem>>
        %dma_start3A_2097 = arith.constant 0 : i32
        %dma_start3A_2098 = tpu.memref_slice %arg8[%add3A, %dma_start3A_2097] : memref<32x2048xi32, #tpu.memory_space<hbm>> -> memref<1x2048xi32, #tpu.memory_space<hbm>>
        %dma_start3A_2099 = tpu.memref_squeeze %dma_start3A_2098 : memref<1x2048xi32, #tpu.memory_space<hbm>> -> memref<2048xi32, #tpu.memory_space<hbm>>
        %dma_start3A_2100 = arith.constant 0 : i32
        %dma_start3A_2101 = tpu.memref_slice %arg8[%add3A, %dma_start3A_2100] : memref<32x2048xi32, #tpu.memory_space<hbm>> -> memref<1x2048xi32, #tpu.memory_space<hbm>>
        %dma_start3A_2102 = tpu.memref_squeeze %dma_start3A_2101 : memref<1x2048xi32, #tpu.memory_space<hbm>> -> memref<2048xi32, #tpu.memory_space<hbm>>
        %dma_start3A_2103 = arith.constant 0 : i32
        %dma_start3A_2104 = tpu.memref_slice %arg14[%dma_start3A_2103] : memref<8208xi32, #tpu.memory_space<vmem>> -> memref<2048xi32, #tpu.memory_space<vmem>>
        tpu.enqueue_dma source(%dma_start3A_2104 : memref<2048xi32, #tpu.memory_space<vmem>>) target(%dma_start3A_2102 : memref<2048xi32, #tpu.memory_space<hbm>>) target_semaphore(%run_scoped3A : memref<!tpu.dma_semaphore, #tpu.memory_space<semaphore_mem>>)
        %dma_wait3A = arith.constant 0 : i32
        %dma_wait3A_2105 = tpu.memref_slice %arg14[%dma_wait3A] : memref<8208xi32, #tpu.memory_space<vmem>> -> memref<2048xi32, #tpu.memory_space<vmem>>
        %dma_wait3A_2106 = arith.constant 0 : i32
        %dma_wait3A_2107 = tpu.memref_slice %arg8[%add3A, %dma_wait3A_2106] : memref<32x2048xi32, #tpu.memory_space<hbm>> -> memref<1x2048xi32, #tpu.memory_space<hbm>>
        %dma_wait3A_2108 = tpu.memref_squeeze %dma_wait3A_2107 : memref<1x2048xi32, #tpu.memory_space<hbm>> -> memref<2048xi32, #tpu.memory_space<hbm>>
        %dma_wait3A_2109 = arith.constant 0 : i32
        %dma_wait3A_2110 = tpu.memref_slice %arg8[%add3A, %dma_wait3A_2109] : memref<32x2048xi32, #tpu.memory_space<hbm>> -> memref<1x2048xi32, #tpu.memory_space<hbm>>
        %dma_wait3A_2111 = tpu.memref_squeeze %dma_wait3A_2110 : memref<1x2048xi32, #tpu.memory_space<hbm>> -> memref<2048xi32, #tpu.memory_space<hbm>>
        %dma_wait3A_2112 = arith.constant 0 : i32
        %dma_wait3A_2113 = tpu.memref_slice %arg14[%dma_wait3A_2112] : memref<8208xi32, #tpu.memory_space<vmem>> -> memref<2048xi32, #tpu.memory_space<vmem>>
        tpu.wait_dma2 semaphore(%run_scoped3A : memref<!tpu.dma_semaphore, #tpu.memory_space<semaphore_mem>>) src(%dma_wait3A_2113 : memref<2048xi32, #tpu.memory_space<vmem>>) dst(%dma_wait3A_2111 : memref<2048xi32, #tpu.memory_space<hbm>>)
        tpu.yield
      }) : () -> ()
    } else {
    }
    return
  }
}

module attributes {stable_mosaic.version = 14 : i64} {
  func.func @_prologue_body(%arg0: memref<32x1536xf32, #tpu.memory_space<vmem>>, %arg1: memref<1536x4096xf32, #tpu.memory_space<vmem>>, %arg2: memref<32x2048xf32, #tpu.memory_space<vmem>>, %arg3: memref<2048x128xf32, #tpu.memory_space<vmem>>, %arg4: memref<1x128xf32, #tpu.memory_space<vmem>>, %arg5: memref<1x128xf32, #tpu.memory_space<vmem>>, %arg6: memref<2048x32xf32, #tpu.memory_space<vmem>>, %arg7: memref<1x32xf32, #tpu.memory_space<vmem>>, %arg8: memref<32x4096xf32, #tpu.memory_space<vmem>>, %arg9: memref<32x4096xf32, #tpu.memory_space<vmem>>, %arg10: memref<32x128xf32, #tpu.memory_space<vmem>>, %arg11: memref<32x128xf32, #tpu.memory_space<vmem>>, %arg12: memref<32x32xf32, #tpu.memory_space<vmem>>, %arg13: memref<4096x32xf32, #tpu.memory_space<vmem>>, %arg14: memref<32x4096xf32, #tpu.memory_space<vmem>>, %arg15: memref<32x128xf32, #tpu.memory_space<vmem>>, %arg16: memref<32x32xf32, #tpu.memory_space<vmem>>, %arg17: memref<32x1xf32, #tpu.memory_space<vmem>>) attributes {dimension_semantics = [], scalar_prefetch = 0 : i64, scratch_operands = 0 : i64, tpu.core_type = #tpu.core_type<tc>} {
    %get3A = arith.constant 0 : index
    %get3A_0 = arith.constant 0 : index
    %get3A_1 = vector.load %arg0[%get3A, %get3A_0] : memref<32x1536xf32, #tpu.memory_space<vmem>>, vector<32x1536xf32>
    %get3A_2 = arith.constant 0 : index
    %get3A_3 = arith.constant 0 : index
    %get3A_4 = vector.load %arg1[%get3A_2, %get3A_3] : memref<1536x4096xf32, #tpu.memory_space<vmem>>, vector<1536x4096xf32>
    %dot_general3A = arith.constant dense<0.000000e+00> : vector<32x4096xf32>
    %dot_general3A_5 = tpu.matmul %get3A_1, %get3A_4, %dot_general3A {dimension_numbers = #tpu.dot_dimension_numbers<[1], [0], [0], [1], [0, 0, 1, 1], [], []>, transpose_lhs_hint = false} : vector<32x1536xf32>, vector<1536x4096xf32>, vector<32x4096xf32> -> vector<32x4096xf32>
    %iota3A = tpu.iota {dimensions = array<i32: 1>} : vector<32x4096xi32>
    %jit3A = arith.constant 128 : i32
    %eq3A = arith.constant 0 : i32
    %eq3A_6 = arith.cmpi eq, %jit3A, %eq3A : i32
    %jit3A_7 = arith.constant 1 : i32
    %select_n3A = arith.select %eq3A_6, %jit3A_7, %jit3A : i32
    %rem3A = vector.broadcast %select_n3A : i32 to vector<32x4096xi32>
    %rem3A_8 = arith.remsi %iota3A, %rem3A : vector<32x4096xi32>
    %ne3A = arith.constant 0 : i32
    %ne3A_9 = vector.broadcast %ne3A : i32 to vector<32x4096xi32>
    %ne3A_10 = arith.cmpi ne, %rem3A_8, %ne3A_9 : vector<32x4096xi32>
    %lt3A = arith.constant 0 : i32
    %lt3A_11 = vector.broadcast %lt3A : i32 to vector<32x4096xi32>
    %lt3A_12 = arith.cmpi slt, %rem3A_8, %lt3A_11 : vector<32x4096xi32>
    %lt3A_13 = arith.constant 0 : i32
    %lt3A_14 = arith.cmpi slt, %select_n3A, %lt3A_13 : i32
    %ne3A_15 = vector.broadcast %lt3A_14 : i1 to vector<32x4096xi1>
    %ne3A_16 = vector.broadcast %ne3A_15 : vector<32x4096xi1> to vector<32x4096xi1>
    %ne3A_17 = arith.xori %lt3A_12, %ne3A_16 : vector<32x4096xi1>
    %and3A = arith.andi %ne3A_17, %ne3A_10 : vector<32x4096xi1>
    %add3A = vector.broadcast %select_n3A : i32 to vector<32x4096xi32>
    %add3A_18 = arith.addi %rem3A_8, %add3A : vector<32x4096xi32>
    %select_n3A_19 = arith.select %and3A, %add3A_18, %rem3A_8 : vector<32x4096xi1>, vector<32x4096xi32>
    %lt3A_20 = arith.constant 32 : i32
    %lt3A_21 = vector.broadcast %lt3A_20 : i32 to vector<32x4096xi32>
    %lt3A_22 = arith.cmpi slt, %select_n3A_19, %lt3A_21 : vector<32x4096xi32>
    %roll3A = arith.constant 4064 : i32
    %roll3A_23 = tpu.dynamic_rotate %dot_general3A_5 by %roll3A dim 1 : vector<32x4096xf32>, i32 -> vector<32x4096xf32>
    %neg3A = arith.constant 0.000000e+00 : f32
    %neg3A_24 = vector.broadcast %neg3A : f32 to vector<32x4096xf32>
    %neg3A_25 = arith.subf %neg3A_24, %roll3A_23 : vector<32x4096xf32>
    %roll3A_26 = arith.constant 32 : i32
    %roll3A_27 = tpu.dynamic_rotate %dot_general3A_5 by %roll3A_26 dim 1 : vector<32x4096xf32>, i32 -> vector<32x4096xf32>
    %select_n3A_28 = arith.select %lt3A_22, %neg3A_25, %roll3A_27 : vector<32x4096xi1>, vector<32x4096xf32>
    %get3A_29 = arith.constant 0 : index
    %get3A_30 = arith.constant 0 : index
    %get3A_31 = vector.load %arg8[%get3A_29, %get3A_30] : memref<32x4096xf32, #tpu.memory_space<vmem>>, vector<32x4096xf32>
    %mul3A = arith.mulf %dot_general3A_5, %get3A_31 : vector<32x4096xf32>
    %get3A_32 = arith.constant 0 : index
    %get3A_33 = arith.constant 0 : index
    %get3A_34 = vector.load %arg9[%get3A_32, %get3A_33] : memref<32x4096xf32, #tpu.memory_space<vmem>>, vector<32x4096xf32>
    %mul3A_35 = arith.mulf %select_n3A_28, %get3A_34 : vector<32x4096xf32>
    %add3A_36 = arith.addf %mul3A, %mul3A_35 : vector<32x4096xf32>
    %swap3A = arith.constant 0 : index
    %swap3A_37 = arith.constant 0 : index
    %swap3A_38 = vector.load %arg14[%swap3A, %swap3A_37] : memref<32x4096xf32, #tpu.memory_space<vmem>>, vector<32x4096xf32>
    tpu.vector_store %arg14[%swap3A, %swap3A_37], %add3A_36 {strides = array<i32>} : memref<32x4096xf32, #tpu.memory_space<vmem>>, vector<32x4096xf32>,
    %get3A_39 = arith.constant 0 : index
    %get3A_40 = arith.constant 0 : index
    %get3A_41 = vector.load %arg2[%get3A_39, %get3A_40] : memref<32x2048xf32, #tpu.memory_space<vmem>>, vector<32x2048xf32>
    %get3A_42 = arith.constant 0 : index
    %get3A_43 = arith.constant 0 : index
    %get3A_44 = vector.load %arg3[%get3A_42, %get3A_43] : memref<2048x128xf32, #tpu.memory_space<vmem>>, vector<2048x128xf32>
    %dot_general3A_45 = arith.constant dense<0.000000e+00> : vector<32x128xf32>
    %dot_general3A_46 = tpu.matmul %get3A_41, %get3A_44, %dot_general3A_45 {dimension_numbers = #tpu.dot_dimension_numbers<[1], [0], [0], [1], [0, 0, 1, 1], [], []>, transpose_lhs_hint = false} : vector<32x2048xf32>, vector<2048x128xf32>, vector<32x128xf32> -> vector<32x128xf32>
    %reduce_sum3A = arith.constant dense<0.000000e+00> : vector<32xf32>
    %reduce_sum3A_47 = vector.multi_reduction <add>, %dot_general3A_46, %reduce_sum3A [1] : vector<32x128xf32> to vector<32xf32>
    %broadcast_in_dim3A = vector.shape_cast %reduce_sum3A_47 : vector<32xf32> to vector<32x1xf32>
    %div3A = arith.constant 1.280000e+02 : f32
    %div3A_48 = vector.broadcast %div3A : f32 to vector<32x1xf32>
    %div3A_49 = arith.divf %broadcast_in_dim3A, %div3A_48 : vector<32x1xf32>
    %sub3A = vector.broadcast %div3A_49 : vector<32x1xf32> to vector<32x128xf32>
    %sub3A_50 = arith.subf %dot_general3A_46, %sub3A : vector<32x128xf32>
    %integer_pow3A = arith.mulf %sub3A_50, %sub3A_50 : vector<32x128xf32>
    %reduce_sum3A_51 = arith.constant dense<0.000000e+00> : vector<32xf32>
    %reduce_sum3A_52 = vector.multi_reduction <add>, %integer_pow3A, %reduce_sum3A_51 [1] : vector<32x128xf32> to vector<32xf32>
    %broadcast_in_dim3A_53 = vector.shape_cast %reduce_sum3A_52 : vector<32xf32> to vector<32x1xf32>
    %div3A_54 = arith.constant 1.280000e+02 : f32
    %div3A_55 = vector.broadcast %div3A_54 : f32 to vector<32x1xf32>
    %div3A_56 = arith.divf %broadcast_in_dim3A_53, %div3A_55 : vector<32x1xf32>
    %sub3A_57 = vector.broadcast %div3A_49 : vector<32x1xf32> to vector<32x128xf32>
    %sub3A_58 = arith.subf %dot_general3A_46, %sub3A_57 : vector<32x128xf32>
    %add3A_59 = arith.constant 9.99999997E-7 : f32
    %add3A_60 = vector.broadcast %add3A_59 : f32 to vector<32x1xf32>
    %add3A_61 = arith.addf %div3A_56, %add3A_60 : vector<32x1xf32>
    %sqrt3A = math.sqrt %add3A_61 : vector<32x1xf32>
    %div3A_62 = vector.broadcast %sqrt3A : vector<32x1xf32> to vector<32x128xf32>
    %div3A_63 = arith.divf %sub3A_58, %div3A_62 : vector<32x128xf32>
    %get3A_64 = arith.constant 0 : index
    %get3A_65 = arith.constant 0 : index
    %get3A_66 = vector.load %arg4[%get3A_64, %get3A_65] : memref<1x128xf32, #tpu.memory_space<vmem>>, vector<1x128xf32>
    %mul3A_67 = vector.broadcast %get3A_66 : vector<1x128xf32> to vector<32x128xf32>
    %mul3A_68 = arith.mulf %div3A_63, %mul3A_67 : vector<32x128xf32>
    %get3A_69 = arith.constant 0 : index
    %get3A_70 = arith.constant 0 : index
    %get3A_71 = vector.load %arg5[%get3A_69, %get3A_70] : memref<1x128xf32, #tpu.memory_space<vmem>>, vector<1x128xf32>
    %add3A_72 = vector.broadcast %get3A_71 : vector<1x128xf32> to vector<32x128xf32>
    %add3A_73 = arith.addf %mul3A_68, %add3A_72 : vector<32x128xf32>
    %iota3A_74 = tpu.iota {dimensions = array<i32: 1>} : vector<32x128xi32>
    %lt3A_75 = arith.constant 32 : i32
    %lt3A_76 = vector.broadcast %lt3A_75 : i32 to vector<32x128xi32>
    %lt3A_77 = arith.cmpi slt, %iota3A_74, %lt3A_76 : vector<32x128xi32>
    %roll3A_78 = arith.constant 96 : i32
    %roll3A_79 = tpu.dynamic_rotate %add3A_73 by %roll3A_78 dim 1 : vector<32x128xf32>, i32 -> vector<32x128xf32>
    %neg3A_80 = arith.constant 0.000000e+00 : f32
    %neg3A_81 = vector.broadcast %neg3A_80 : f32 to vector<32x128xf32>
    %neg3A_82 = arith.subf %neg3A_81, %roll3A_79 : vector<32x128xf32>
    %roll3A_83 = arith.constant 32 : i32
    %roll3A_84 = tpu.dynamic_rotate %add3A_73 by %roll3A_83 dim 1 : vector<32x128xf32>, i32 -> vector<32x128xf32>
    %select_n3A_85 = arith.select %lt3A_77, %neg3A_82, %roll3A_84 : vector<32x128xi1>, vector<32x128xf32>
    %get3A_86 = arith.constant 0 : index
    %get3A_87 = arith.constant 0 : index
    %get3A_88 = vector.load %arg10[%get3A_86, %get3A_87] : memref<32x128xf32, #tpu.memory_space<vmem>>, vector<32x128xf32>
    %mul3A_89 = arith.mulf %add3A_73, %get3A_88 : vector<32x128xf32>
    %get3A_90 = arith.constant 0 : index
    %get3A_91 = arith.constant 0 : index
    %get3A_92 = vector.load %arg11[%get3A_90, %get3A_91] : memref<32x128xf32, #tpu.memory_space<vmem>>, vector<32x128xf32>
    %mul3A_93 = arith.mulf %select_n3A_85, %get3A_92 : vector<32x128xf32>
    %add3A_94 = arith.addf %mul3A_89, %mul3A_93 : vector<32x128xf32>
    %swap3A_95 = arith.constant 0 : index
    %swap3A_96 = arith.constant 0 : index
    %swap3A_97 = vector.load %arg15[%swap3A_95, %swap3A_96] : memref<32x128xf32, #tpu.memory_space<vmem>>, vector<32x128xf32>
    tpu.vector_store %arg15[%swap3A_95, %swap3A_96], %add3A_94 {strides = array<i32>} : memref<32x128xf32, #tpu.memory_space<vmem>>, vector<32x128xf32>,
    %get3A_98 = arith.constant 0 : index
    %get3A_99 = arith.constant 0 : index
    %get3A_100 = vector.load %arg2[%get3A_98, %get3A_99] : memref<32x2048xf32, #tpu.memory_space<vmem>>, vector<32x2048xf32>
    %get3A_101 = arith.constant 0 : index
    %get3A_102 = arith.constant 0 : index
    %get3A_103 = vector.load %arg6[%get3A_101, %get3A_102] : memref<2048x32xf32, #tpu.memory_space<vmem>>, vector<2048x32xf32>
    %dot_general3A_104 = arith.constant dense<0.000000e+00> : vector<32x32xf32>
    %dot_general3A_105 = tpu.matmul %get3A_100, %get3A_103, %dot_general3A_104 {dimension_numbers = #tpu.dot_dimension_numbers<[1], [0], [0], [1], [0, 0, 1, 1], [], []>, transpose_lhs_hint = false} : vector<32x2048xf32>, vector<2048x32xf32>, vector<32x32xf32> -> vector<32x32xf32>
    %get3A_106 = arith.constant 0 : index
    %get3A_107 = arith.constant 0 : index
    %get3A_108 = vector.load %arg7[%get3A_106, %get3A_107] : memref<1x32xf32, #tpu.memory_space<vmem>>, vector<1x32xf32>
    %add3A_109 = vector.broadcast %get3A_108 : vector<1x32xf32> to vector<32x32xf32>
    %add3A_110 = arith.addf %dot_general3A_105, %add3A_109 : vector<32x32xf32>
    %swap3A_111 = arith.constant 0 : index
    %swap3A_112 = arith.constant 0 : index
    %swap3A_113 = vector.load %arg16[%swap3A_111, %swap3A_112] : memref<32x32xf32, #tpu.memory_space<vmem>>, vector<32x32xf32>
    tpu.vector_store %arg16[%swap3A_111, %swap3A_112], %add3A_110 {strides = array<i32>} : memref<32x32xf32, #tpu.memory_space<vmem>>, vector<32x32xf32>,
    %get3A_114 = arith.constant 0 : index
    %get3A_115 = arith.constant 0 : index
    %get3A_116 = vector.load %arg12[%get3A_114, %get3A_115] : memref<32x32xf32, #tpu.memory_space<vmem>>, vector<32x32xf32>
    %dot_general3A_117 = arith.constant dense<0.000000e+00> : vector<32x4096xf32>
    %dot_general3A_118 = tpu.matmul %get3A_116, %add3A_36, %dot_general3A_117 {dimension_numbers = #tpu.dot_dimension_numbers<[1], [0], [0], [1], [0, 0, 1, 1], [], []>, transpose_lhs_hint = false} : vector<32x32xf32>, vector<32x4096xf32>, vector<32x4096xf32> -> vector<32x4096xf32>
    %convert_element_type3A = arith.truncf %add3A_94 : vector<32x128xf32> to vector<32x128xbf16>
    %convert_element_type3A_119 = arith.extf %convert_element_type3A : vector<32x128xbf16> to vector<32x128xf32>
    %tile3A = tpu.concatenate %convert_element_type3A_119, %convert_element_type3A_119, %convert_element_type3A_119, %convert_element_type3A_119, %convert_element_type3A_119, %convert_element_type3A_119, %convert_element_type3A_119, %convert_element_type3A_119, %convert_element_type3A_119, %convert_element_type3A_119, %convert_element_type3A_119, %convert_element_type3A_119, %convert_element_type3A_119, %convert_element_type3A_119, %convert_element_type3A_119, %convert_element_type3A_119, %convert_element_type3A_119, %convert_element_type3A_119, %convert_element_type3A_119, %convert_element_type3A_119, %convert_element_type3A_119, %convert_element_type3A_119, %convert_element_type3A_119, %convert_element_type3A_119, %convert_element_type3A_119, %convert_element_type3A_119, %convert_element_type3A_119, %convert_element_type3A_119, %convert_element_type3A_119, %convert_element_type3A_119, %convert_element_type3A_119, %convert_element_type3A_119 in 1 : vector<32x128xf32>, vector<32x128xf32>, vector<32x128xf32>, vector<32x128xf32>, vector<32x128xf32>, vector<32x128xf32>, vector<32x128xf32>, vector<32x128xf32>, vector<32x128xf32>, vector<32x128xf32>, vector<32x128xf32>, vector<32x128xf32>, vector<32x128xf32>, vector<32x128xf32>, vector<32x128xf32>, vector<32x128xf32>, vector<32x128xf32>, vector<32x128xf32>, vector<32x128xf32>, vector<32x128xf32>, vector<32x128xf32>, vector<32x128xf32>, vector<32x128xf32>, vector<32x128xf32>, vector<32x128xf32>, vector<32x128xf32>, vector<32x128xf32>, vector<32x128xf32>, vector<32x128xf32>, vector<32x128xf32>, vector<32x128xf32>, vector<32x128xf32> -> vector<32x4096xf32>
    %mul3A_120 = arith.mulf %dot_general3A_118, %tile3A : vector<32x4096xf32>
    %get3A_121 = arith.constant 0 : index
    %get3A_122 = arith.constant 0 : index
    %get3A_123 = vector.load %arg13[%get3A_121, %get3A_122] : memref<4096x32xf32, #tpu.memory_space<vmem>>, vector<4096x32xf32>
    %dot_general3A_124 = arith.constant dense<0.000000e+00> : vector<32x32xf32>
    %dot_general3A_125 = tpu.matmul %mul3A_120, %get3A_123, %dot_general3A_124 {dimension_numbers = #tpu.dot_dimension_numbers<[1], [0], [0], [1], [0, 0, 1, 1], [], []>, precision = #tpu.contract_precision<fp32>, transpose_lhs_hint = false} : vector<32x4096xf32>, vector<4096x32xf32>, vector<32x32xf32> -> vector<32x32xf32>
    %mul3A_126 = arith.constant 0.0883883461 : f32
    %mul3A_127 = vector.broadcast %mul3A_126 : f32 to vector<32x32xf32>
    %mul3A_128 = arith.mulf %dot_general3A_125, %mul3A_127 : vector<32x32xf32>
    %get3A_129 = arith.constant 0 : index
    %get3A_130 = arith.constant 0 : index
    %get3A_131 = vector.load %arg12[%get3A_129, %get3A_130] : memref<32x32xf32, #tpu.memory_space<vmem>>, vector<32x32xf32>
    %dot_general3A_132 = arith.constant dense<0.000000e+00> : vector<32x32xf32>
    %dot_general3A_133 = tpu.matmul %get3A_131, %add3A_110, %dot_general3A_132 {dimension_numbers = #tpu.dot_dimension_numbers<[1], [0], [0], [1], [0, 0, 1, 1], [], []>, transpose_lhs_hint = false} : vector<32x32xf32>, vector<32x32xf32>, vector<32x32xf32> -> vector<32x32xf32>
    %max3A = arith.constant 0.000000e+00 : f32
    %max3A_134 = vector.broadcast %max3A : f32 to vector<32x32xf32>
    %max3A_135 = arith.maximumf %mul3A_128, %max3A_134 : vector<32x32xf32>
    %convert_element_type3A_136 = arith.truncf %max3A_135 : vector<32x32xf32> to vector<32x32xbf16>
    %convert_element_type3A_137 = arith.extf %convert_element_type3A_136 : vector<32x32xbf16> to vector<32x32xf32>
    %mul3A_138 = arith.mulf %dot_general3A_133, %convert_element_type3A_137 : vector<32x32xf32>
    %reduce_sum3A_139 = arith.constant dense<0.000000e+00> : vector<32xf32>
    %reduce_sum3A_140 = vector.multi_reduction <add>, %mul3A_138, %reduce_sum3A_139 [1] : vector<32x32xf32> to vector<32xf32>
    %broadcast_in_dim3A_141 = vector.shape_cast %reduce_sum3A_140 : vector<32xf32> to vector<32x1xf32>
    %swap3A_142 = arith.constant 0 : index
    %swap3A_143 = arith.constant 0 : index
    %swap3A_144 = vector.load %arg17[%swap3A_142, %swap3A_143] : memref<32x1xf32, #tpu.memory_space<vmem>>, vector<32x1xf32>
    tpu.vector_store %arg17[%swap3A_142, %swap3A_143], %broadcast_in_dim3A_141 {strides = array<i32>} : memref<32x1xf32, #tpu.memory_space<vmem>>, vector<32x1xf32>,
    return
  }
}

module attributes {stable_mosaic.version = 14 : i64} {
  func.func @_score_body_off(%arg0: i32, %arg1: i32, %arg2: memref<32x128xf32, #tpu.memory_space<vmem>>, %arg3: memref<8192x128xf32, #tpu.memory_space<vmem>>, %arg4: memref<1x1x32xf32, #tpu.memory_space<vmem>>, %arg5: memref<32xi32, #tpu.memory_space<smem>>, %arg6: memref<1x1x8192xf32, #tpu.memory_space<vmem>>) attributes {dimension_semantics = [#tpu.dimension_semantics<arbitrary>, #tpu.dimension_semantics<arbitrary>], iteration_bounds = array<i64: 32, 1>, scalar_prefetch = 0 : i64, scratch_operands = 0 : i64, tpu.core_type = #tpu.core_type<tc>, window_params = [{transform_indices = @transform_0, window_bounds = array<i64: 32, 128>}, {transform_indices = @transform_1, window_bounds = array<i64: 8192, 128>}, {transform_indices = @transform_2, window_bounds = array<i64: 1, 1, 32>}, {transform_indices = @transform_3, window_bounds = array<i64: 32>}, {transform_indices = @transform_4, window_bounds = array<i64: 1, 1, 8192>}]} {
    %get3A = arith.constant 0 : index
    %get3A_0 = arith.constant 0 : index
    %get3A_1 = vector.load %arg2[%get3A, %get3A_0] : memref<32x128xf32, #tpu.memory_space<vmem>>, vector<32x128xf32>
    %get3A_2 = arith.constant 0 : index
    %get3A_3 = arith.constant 0 : index
    %get3A_4 = vector.load %arg3[%get3A_2, %get3A_3] : memref<8192x128xf32, #tpu.memory_space<vmem>>, vector<8192x128xf32>
    %dot_general3A = arith.constant dense<0.000000e+00> : vector<32x8192xf32>
    %dot_general3A_5 = tpu.matmul %get3A_1, %get3A_4, %dot_general3A {dimension_numbers = #tpu.dot_dimension_numbers<[1], [1], [0], [0], [0, 0, 1, 0], [], []>, transpose_lhs_hint = false} : vector<32x128xf32>, vector<8192x128xf32>, vector<32x8192xf32> -> vector<32x8192xf32>
    %mul3A = arith.constant 0.0883883461 : f32
    %mul3A_6 = vector.broadcast %mul3A : f32 to vector<32x8192xf32>
    %mul3A_7 = arith.mulf %dot_general3A_5, %mul3A_6 : vector<32x8192xf32>
    %max3A = arith.constant 0.000000e+00 : f32
    %max3A_8 = vector.broadcast %max3A : f32 to vector<32x8192xf32>
    %max3A_9 = arith.maximumf %mul3A_7, %max3A_8 : vector<32x8192xf32>
    %get3A_10 = arith.constant 0 : index
    %get3A_11 = arith.constant 0 : index
    %get3A_12 = arith.constant 0 : index
    %get3A_13 = vector.load %arg4[%get3A_10, %get3A_11, %get3A_12] : memref<1x1x32xf32, #tpu.memory_space<vmem>>, vector<1x1x32xf32>
    %get3A_14 = vector.shape_cast %get3A_13 : vector<1x1x32xf32> to vector<1x32xf32>
    %dot_general3A_15 = arith.constant dense<0.000000e+00> : vector<1x8192xf32>
    %dot_general3A_16 = tpu.matmul %get3A_14, %max3A_9, %dot_general3A_15 {dimension_numbers = #tpu.dot_dimension_numbers<[1], [0], [0], [1], [0, 0, 1, 1], [], []>, transpose_lhs_hint = false} : vector<1x32xf32>, vector<32x8192xf32>, vector<1x8192xf32> -> vector<1x8192xf32>
    %mul3A_17 = arith.constant 8192 : i32
    %mul3A_18 = arith.muli %arg1, %mul3A_17 : i32
    %iota3A = tpu.iota {dimensions = array<i32: 1>} : vector<1x8192xi32>
    %add3A = vector.broadcast %mul3A_18 : i32 to vector<1x8192xi32>
    %add3A_19 = arith.addi %add3A, %iota3A : vector<1x8192xi32>
    %add3A_20 = arith.constant 0 : i32
    %add3A_21 = arith.addi %add3A_20, %arg0 : i32
    %get3A_22 = arith.index_cast %add3A_21 : i32 to index
    %get3A_23 = memref.load %arg5[%get3A_22] : memref<32xi32, #tpu.memory_space<smem>>
    %lt3A = vector.broadcast %get3A_23 : i32 to vector<1x8192xi32>
    %lt3A_24 = arith.cmpi slt, %add3A_19, %lt3A : vector<1x8192xi32>
    %jit3A = arith.constant -1.000000e+30 : f32
    %broadcast_in_dim3A = vector.broadcast %jit3A : f32 to vector<1x8192xf32>
    %select_n3A = arith.select %lt3A_24, %dot_general3A_16, %broadcast_in_dim3A : vector<1x8192xi1>, vector<1x8192xf32>
    %swap3A = arith.constant 0 : index
    %swap3A_25 = arith.constant 0 : index
    %swap3A_26 = arith.constant 0 : index
    %swap3A_27 = vector.load %arg6[%swap3A, %swap3A_25, %swap3A_26] : memref<1x1x8192xf32, #tpu.memory_space<vmem>>, vector<1x1x8192xf32>
    %swap3A_28 = vector.shape_cast %swap3A_27 : vector<1x1x8192xf32> to vector<1x8192xf32>
    %swap3A_29 = vector.shape_cast %select_n3A : vector<1x8192xf32> to vector<1x1x8192xf32>
    tpu.vector_store %arg6[%swap3A, %swap3A_25, %swap3A_26], %swap3A_29 {strides = array<i32>} : memref<1x1x8192xf32, #tpu.memory_space<vmem>>, vector<1x1x8192xf32>,
    return
  }
  func.func @transform_0(%arg0: i32, %arg1: i32) -> (i32, i32) {
    %add3A = arith.constant 0 : i32
    %add3A_0 = arith.addi %add3A, %arg0 : i32
    %c0_i32 = arith.constant 0 : i32
    %c0_i32_1 = arith.constant 0 : i32
    return %add3A_0, %c0_i32 : i32, i32
  }
  func.func @transform_1(%arg0: i32, %arg1: i32) -> (i32, i32) {
    %add3A = arith.constant 0 : i32
    %add3A_0 = arith.addi %add3A, %arg0 : i32
    %mul3A = arith.constant 1 : i32
    %mul3A_1 = arith.muli %add3A_0, %mul3A : i32
    %add3A_2 = arith.addi %mul3A_1, %arg1 : i32
    %c0_i32 = arith.constant 0 : i32
    %c0_i32_3 = arith.constant 0 : i32
    return %add3A_2, %c0_i32 : i32, i32
  }
  func.func @transform_2(%arg0: i32, %arg1: i32) -> (i32, i32, i32) {
    %add3A = arith.constant 0 : i32
    %add3A_0 = arith.addi %add3A, %arg0 : i32
    %c0_i32 = arith.constant 0 : i32
    %c0_i32_1 = arith.constant 0 : i32
    %c0_i32_2 = arith.constant 0 : i32
    return %add3A_0, %c0_i32, %c0_i32_1 : i32, i32, i32
  }
  func.func @transform_3(%arg0: i32, %arg1: i32) -> i32 {
    %c0_i32 = arith.constant 0 : i32
    %c0_i32_0 = arith.constant 0 : i32
    return %c0_i32 : i32
  }
  func.func @transform_4(%arg0: i32, %arg1: i32) -> (i32, i32, i32) {
    %mul3A = arith.constant 1 : i32
    %mul3A_0 = arith.muli %arg0, %mul3A : i32
    %add3A = arith.addi %mul3A_0, %arg1 : i32
    %c0_i32 = arith.constant 0 : i32
    %c0_i32_1 = arith.constant 0 : i32
    %c0_i32_2 = arith.constant 0 : i32
    return %add3A, %c0_i32, %c0_i32_1 : i32, i32, i32
  }
}

</mosaic_0001>

<sc_bundles>
// kernel: kernel.5.cloned.1.call-start
scs
__scs_entry_jumppad:
0x0: {  	(pc) =	sbr.rel $0x88, $3  }
0x1: {  	(tag) =	ssettag $0x0;
	lr =	simm.s32 $0x1  }
0x2: {  	[smem:$0x3F94] =	sst lr;
	_ =	strace $0xD0000000  }
0x3: {  	_ = 	snop  }
0x4: {  	_ = 	snop  }
0x5: {  	_ = 	snop  }
0x6: {  	_ = 	snop  }
0x7: {  	_ = 	snop  }
__scs_overlays_trampoline_lowered:
0x8: {  	[smem:$0x3FA3] =	sst s0  }
0x9: {  	[smem:$0x3FA4] =	sst s1  }
0xa: {  	[smem:$0x3FA5] =	sst s2  }
0xb: {  	[smem:$0x3FA6] =	sst s3  }
0xc: {  	[smem:$0x3FA7] =	sst s4  }
0xd: {  	[smem:$0x3FA8] =	sst s5  }
0xe: {  	[smem:$0x3FA9] =	sst s6  }
0xf: {  	[smem:$0x3FAA] =	sst s7  }
0x10: {  	[smem:$0x3FAB] =	sst s8  }
0x11: {  	[smem:$0x3FAC] =	sst s9;
	s0 =	simm.s32 @!p0 $0x0  }
0x12: {  	s1 =	sld [smem:$0x3F92];
	s0 =	simm.s32 @p0 $0x1  }
0x13: {  	[smem:$0x3FAD] =	sst s0;
	s0 =	simm.s32 @!p1 $0x0  }
0x14: {  	s2 =	sld [smem:$0x3F91];
	s0 =	simm.s32 @p1 $0x1  }
0x15: {  	[smem:$0x3FAE] =	sst s0;
	s0 =	simm.s32 @!p2 $0x0  }
0x16: {  	s3 =	sld [smem:$0x3FDB];
	s0 =	simm.s32 @p2 $0x1  }
0x17: {  	s4 =	simm.s32 $0x1BF5;
	[smem:$0x3FB0] =	sst s0  }
0x18: {  	s0 =	sld [smem:$0x3F93];
	_ =	swait.ge [sflag:s4], $0x0  }
0x19: {  	s7 =	sld [smem:$0x3F94]  }
0x1a: {  	s8 =	sadd.s32 $0xFFFFE003, lr  }
0x1b: {  	s9 =	sadd.s32 $0xFFFFFEF7, lr;
	s5 =	simm.s32 $0xFFFFFFFF;
	p2 =	slt.u32 s8, $0xFFFFF086  }
0x1c: {  	p1 =	slt.u32 s9, $0xF7A;
	s5 =	simm.s32 @!p2 $0x0  }
0x1d: {  	s5 =	simm.s32 @p1 $0x1;
	p0 =	seq.s32 s7, s2  }
0x1e: {  	s7 =	smul.u32 @!p0 $0xF7A, s2;
	p2 =	seq.s32 @!p0 s5, $0x0  }
0x1f: {  	s9 =	smul.u32 $0xF7A, s1;
	s8 =	simm.s32 @!p0 $0x1BF5;
	p2 =	por !p2, p0  }
0x20: {  	[sflag:s8] =	ssyncset.s32 @!p0 $0xFFFFF086;
	s6 =	sadd.s32 @!p0 s3, s7;
	s7 =	simm.s32 @!p0 $0x108  }
0x21: {  	s3 =	sadd.s32 s3, s9;
	s6 =	sadd.s32 @!p0 $0x88, s6;
	s7 =	simm.s32 @p2 $0x1082  }
0x22: {  	[simem:s7], [sflag:s8] =	dma.local @!p0 [hbm:s6], $0xF7A  }
0x23: {  	s9 =	sor.u32 $0xD0000000, s2;
	s6 =	simm.s32 $0x108;
	_ =	swait.ge @!p0 [sflag:s8], $0x0  }
0x24: {  	s3 =	sadd.s32 $0x88, s3;
	s6 =	simm.s32 @!p1 $0x1082;
	[sflag:s4] =	ssyncset.s32 $0xFFFFF086  }
0x25: {  	[simem:s6], [sflag:s4] =	dma.local [hbm:s3], $0xF7A  }
0x26: {  	[smem:$0x3F94] =	sst s1;
	(tag) =	ssettag s2;
	_ =	strace s9  }
0x27: {  	s1 =	sld [smem:$0x3FA4]  }
0x28: {  	s2 =	sld [smem:$0x3FA5]  }
0x29: {  	s4 =	sld [smem:$0x3FA7]  }
0x2a: {  	p0 =	seq.s32 s5, $0x0;
	s5 =	sld [smem:$0x3FA8]  }
0x2b: {  	s6 =	sld [smem:$0x3FA9]  }
0x2c: {  	s7 =	sld [smem:$0x3FAA]  }
0x2d: {  	s3 =	simm.s32 $0x108;
	s8 =	sld [smem:$0x3FAB]  }
0x2e: {  	s3 =	simm.s32 @!p0 $0x1082;
	s9 =	sld [smem:$0x3FAC]  }
0x2f: {  	lr =	sadd.s32 s0, s3;
	s0 =	sld [smem:$0x3FA3]  }
0x30: {  	s3 =	sld [smem:$0x3FA6]  }
0x31: {  	[smem:$0x3FAF] =	sst s10  }
0x32: {  	s10 =	sld [smem:$0x3FAD];
	_ =	sdelay $0x3  }
0x33: {  	p0 =	seq.s32 s10, $0x1;
	s10 =	sld [smem:$0x3FAF];
	_ =	sdelay $0x3  }
0x34: {  	[smem:$0x3FAF] =	sst s10  }
0x35: {  	s10 =	sld [smem:$0x3FAE];
	_ =	sdelay $0x3  }
0x36: {  	p1 =	seq.s32 s10, $0x1;
	s10 =	sld [smem:$0x3FAF];
	_ =	sdelay $0x3  }
0x37: {  	[smem:$0x3FAF] =	sst s10  }
0x38: {  	s10 =	sld [smem:$0x3FB0]  }
0x39: {  	_ = 	snop;
	(pc) =	sbr.ind lr, $3  }
0x3a: {  	_ = 	snop  }
0x3b: {  	_ = 	snop  }
0x3c: {  	p2 =	seq.s32 s10, $0x1;
	s10 =	sld [smem:$0x3FAF]  }
0x3d: {  	_ =	shalt  }
0x3e: {  	_ =	shalt  }
0x3f: {  	_ =	shalt  }
0x40: {  	_ =	shalt  }
0x41: {  	_ =	shalt  }
0x42: {  	_ =	shalt  }
0x43: {  	_ =	shalt  }
0x44: {  	_ =	shalt  }
0x45: {  	_ =	shalt  }
0x46: {  	_ =	shalt  }
0x47: {  	_ =	shalt  }
0x48: {  	_ =	shalt  }
0x49: {  	_ =	shalt  }
0x4a: {  	_ =	shalt  }
0x4b: {  	_ =	shalt  }
0x4c: {  	_ =	shalt  }
0x4d: {  	_ =	shalt  }
0x4e: {  	_ =	shalt  }
0x4f: {  	_ =	shalt  }
0x50: {  	_ =	shalt  }
0x51: {  	_ =	shalt  }
0x52: {  	_ =	shalt  }
0x53: {  	_ =	shalt  }
0x54: {  	_ =	shalt  }
0x55: {  	_ =	shalt  }
0x56: {  	_ =	shalt  }
0x57: {  	_ =	shalt  }
0x58: {  	_ =	shalt  }
0x59: {  	_ =	shalt  }
0x5a: {  	_ =	shalt  }
0x5b: {  	_ =	shalt  }
0x5c: {  	_ =	shalt  }
0x5d: {  	_ =	shalt  }
0x5e: {  	_ =	shalt  }
0x5f: {  	_ =	shalt  }
0x60: {  	_ =	shalt  }
0x61: {  	_ =	shalt  }
0x62: {  	_ =	shalt  }
0x63: {  	_ =	shalt  }
0x64: {  	_ =	shalt  }
0x65: {  	_ =	shalt  }
0x66: {  	_ =	shalt  }
0x67: {  	_ =	shalt  }
0x68: {  	_ =	shalt  }
0x69: {  	_ =	shalt  }
0x6a: {  	_ =	shalt  }
0x6b: {  	_ =	shalt  }
0x6c: {  	_ =	shalt  }
0x6d: {  	_ =	shalt  }
0x6e: {  	_ =	shalt  }
0x6f: {  	_ =	shalt  }
0x70: {  	_ =	shalt  }
0x71: {  	_ =	shalt  }
0x72: {  	_ =	shalt  }
0x73: {  	_ =	shalt  }
0x74: {  	_ =	shalt  }
0x75: {  	_ =	shalt  }
0x76: {  	_ =	shalt  }
0x77: {  	_ =	shalt  }
0x78: {  	_ =	shalt  }
0x79: {  	_ =	shalt  }
0x7a: {  	_ =	shalt  }
0x7b: {  	_ =	shalt  }
0x7c: {  	_ =	shalt  }
0x7d: {  	_ =	shalt  }
0x7e: {  	_ =	shalt  }
0x7f: {  	_ =	shalt  }
0x80: {  	_ =	shalt  }
0x81: {  	_ =	shalt  }
0x82: {  	_ =	shalt  }
0x83: {  	_ =	shalt  }
0x84: {  	_ =	shalt  }
0x85: {  	_ =	shalt  }
0x86: {  	_ =	shalt  }
0x87: {  	_ =	shalt  }
.Lfunc_end0:
.L_simem_size_0:
called_computation_lowered:
.L_overlay_start_0:
0x88: {  	s2 =	sld [smem:$0x3FD9]  }
0x89: {  	s3 =	sld [smem:$0x3FFE];
	_ =	sdelay $0x1  }
0x8a: {  	s1 =	srdreg.scid  }
0x8b: {  	s0 =	sand.u32 $0x1, s1  }
0x8c: {  	s14 =	sshll.u32 s0, $0xA;
	s2 =	sadd.s32 s3, s2  }
0x8d: {  	s2 =	sadd.s32 s2, s14  }
0x8e: {  	[smem:$0x3FBB] =	sst s2  }
0x8f: {  	_ = 	snop  }
0x90: {  	s2 =	sld [smem:$0x3FD0];
	_ =	sdelay $0x2  }
0x91: {  	s4 =	simm.s32 $0xA;
	s5 =	simm.s32 $0x10;
	s15 =	sld [smem:$0x3FC3]  }
0x92: {  	[smem:s5], [sflag:s4] =	dma.local [hbm:s2], $0x1  }
0x93: {  	_ =	swait.eq [sflag:s4], $0x1  }
0x94: {  	[sflag:s4] =	ssyncset.done $0x0  }
0x95: {  	s16 =	sld [smem:$0x10];
	[sflag:s4] =	ssyncadd.s32 $0xFFFFFFFF  }
0x96: {  	s17 =	sld [smem:$0x11];
	(tm) =	ssettm $0x1  }
0x97: {  	s18 =	sld [smem:$0x3FFB];
	_ =	sdelay $0x3  }
0x98: {  	_ =	strace s18  }
0x99: {  	s5 =	sld [smem:$0x3FFC];
	_ =	sdelay $0x3  }
0x9a: {  	_ =	strace s5  }
0x9b: {  	s5 =	sld [smem:$0x3FFD];
	_ =	sdelay $0x3  }
0x9c: {  	_ =	strace s5  }
0x9d: {  	_ =	strace $0x8FFFFFFF  }
0x9e: {  	s19 =	sld [smem:$0x3FDB];
	_ =	sdelay $0x1  }
0x9f: {  	s6 =	simm.s32 $_scs_section_size  }
0xa0: {  	s7 =	simm.s32 $_size__tile_overlayer_lowered;
	s8 =	simm.s32 $_tile_overlayer_lowered  }
0xa1: {  	s22 =	simm.s32 $0x1BFF;
	s21 =	sshll.u32 s8, $0x1;
	s5 =	sadd.s32 s6, s19  }
0xa2: {  	s9 =	simm.s32 $0x0;
	s20 =	sshll.u32 s7, $0x1;
	s7 =	sadd.s32 s21, s5  }
0xa3: {  	[timem:s9], [sflag:s22] =	dma.local [hbm:s7], s20  }
0xa4: {  	_ =	swait.ge [sflag:s22], s20  }
0xa5: {  	s6 =	ssub.s32 $0x0, s20;
	[sflag:s22] =	ssyncset.done $0x0  }
0xa6: {  	[sflag:s22] =	ssyncadd.s32 s6;
	_ =	sdelay $0x1  }
0xa7: {  	s23 =	simm.s32 $0x1B8B  }
0xa8: {  	_ =	swait.ge [sflag:s23], $0x1  }
0xa9: {  	[sflag:s23] =	ssyncset.done $0x0  }
0xaa: {  	s25 =	simm.s32 $0x1B8E;
	s24 =	sld [smem:$0x3FFE];
	[sflag:s23] =	ssyncadd.s32 $0xFFFFFFFF  }
0xab: {  	s26 =	simm.s32 $execute0_lowered;
	[smem:$0x3FD2] =	sst s25  }
0xac: {  	s7 =	sshll.u32 s26, $0x1;
	_ =	strace $0x80000046;
	[dreg:$0x1] =	wrdreg $0xFFFFFFFF  }
0xad: {  	s28 =	simm.s32 $_size_execute0_lowered;
	s5 =	sadd.s32 s5, s7;
	[dreg:$0x0] =	wrdreg $0x0  }
0xae: {  	s7 =	sshll.u32 s28, $0x1;
	[dreg:$0x2] =	wrdreg s5  }
0xaf: {  	[dreg:$0x3] =	wrdreg s7  }
0xb0: {  	[dreg:$0x4] =	wrdreg $0xC0  }
0xb1: {  	_ =	task [dreg:s9], $0x5FFFF  }
0xb2: {  	[dreg:$0x1] =	wrdreg $0xFFFFFFFF  }
0xb3: {  	[dreg:$0x0] =	wrdreg $0x60  }
0xb4: {  	[dreg:$0x2] =	wrdreg s24  }
0xb5: {  	[dreg:$0x3] =	wrdreg s15  }
0xb6: {  	[dreg:$0x4] =	wrdreg s16  }
0xb7: {  	[dreg:$0x5] =	wrdreg s17  }
0xb8: {  	[dreg:$0x6] =	wrdreg $0x9  }
0xb9: {  	_ =	task.clear_ibuf [dreg:s9], $0x7FFFF;
	_ =	strace $0x90000046  }
0xba: {  	s29 =	simm.s32 $0x9;
	_ =	strace $0x80000048  }
0xbb: {  	_ =	swait.ge [sflag:s29], $0x1  }
0xbc: {  	[sflag:s29] =	ssyncadd.s32 $0xFFFFFFFF  }
0xbd: {  	_ =	strace $0x90000048  }
0xbe: {  	_ =	sfence  }
0xbf: {  	s30 =	sld [smem:$0x0];
	_ =	sdelay $0x2  }
0xc0: {  	s31 =	sshll.u32 s1, $0xD;
	s1 =	sshrl.u32 s1, $0x2  }
0xc1: {  	s3 =	sand.u32 $0x4000, s31;
	s1 =	sadd.s32 s1, s30  }
0xc2: {  	s0 =	sor.u32 s3, s0;
	s1 =	sshll.u32 s1, $0x11  }
0xc3: {  	s0 =	sor.u32 s1, s0  }
0xc4: {  	s0 =	sadd.s32 $0x8F2B, s0  }
0xc5: {  	[sflag:s0] =	ssyncadd.remote.s32 $0x1  }
0xc6: {  	_ =	sfence.sel $0xFFFF  }
0xc7: {  	[dreg:$0x0] =	wrdreg $0xFFFFFFFF;
	(pc) =	sbr.abs _section_cstart, $3  }
0xc8: {  	[dreg:$0x1] =	wrdreg $0xFFFFFFFF  }
0xc9: {  	_ =	task.clear_ibuf [dreg:s9], $0x2FFFF;
	_ =	strace $0x9FFFFFFF  }
0xca: {  	(tm) =	ssettm $0x7FFFFFFF  }
0xcb: {  	_ =	shalt  }
tec
execute0_lowered:
.L_overlay_start_1:
0x0: {  	(tag) =	ssettag $0x1  }
0x1: {  	s2 =	rddreg [dreg:$0x0]  }
0x2: {  	s1 =	rddreg [dreg:$0x1]  }
0x3: {  	s0 =	srdreg.scid;
	s14 =	rddreg [dreg:$0x2]  }
0x4: {  	s4 =	stileid.u32;
	s15 =	rddreg [dreg:$0x3]  }
0x5: {  	s10 =	simm.s32 $0xCD00;
	s11 =	simm.s32 $0xCD80;
	s12 =	simm.s32 $0xCE00  }
0x6: {  	s13 =	simm.s32 $0xCA00;
	s17 =	simm.s32 $0x80;
	s19 =	simm.s32 $0xCC00  }
0x7: {  	s20 =	simm.s32 $0xCB00;
	s21 =	simm.s32 $0x6080;
	s22 =	simm.s32 $0xA180  }
0x8: {  	s23 =	simm.s32 $0xC200;
	s24 =	simm.s32 $0x4000;
	s25 =	simm.s32 $0x8100  }
0x9: {  	s26 =	simm.s32 $0x0;
	s0 =	sand.u32 $0x1, s0;
	s3 =	sshll.u32 s4, $0x1  }
0xa: {  	v0 =	vlaneseq.u32;
	s7 =	sshrl.u32 s4, $0x2;
	s5 =	sadd.s32 $0x1E00, s2;
	s6 =	sadd.s32 $0xA200, s2  }
0xb: {  	v2 =	vor.u32 $0x80000010, v0;
	s18 =	sor.u32 s0, s3;
	s4 =	sshll.u32 s7, $0x10;
	s0 =	ssub.s32 $0x2, s0  }
0xc: {  	v3 =	vor.u32 $0x80000020, v0;
	v4 =	vor.u32 $0x80000030, v0;
	s31 =	sshll.u32 s7, $0xE;
	s3 =	sshll.u32 s18, $0x7;
	s16 =	sshrl.u32 s0, $0x1  }
0xd: {  	v5 =	vor.u32 $0x80000040, v0;
	v6 =	vor.u32 $0x80000050, v0;
	v12 =	vmov s18;
	s18 =	simm.s32 $0x1;
	s8 =	sand.u32 $0x380, s3;
	s3 =	simm.s32 $0x0  }
0xe: {  	v1 =	vimm.s32 $0xF;
	v7 =	vor.u32 $0x80000060, v0;
	v8 =	vor.u32 $0x80000070, v0;
	s0 =	ssub.s32 s0, s16;
	s4 =	sor.u32 s4, s8;
	[smem:$0x7FF] =	sst s3  }
0xf: {  	v9 =	vor.u32 $0x80000080, v0;
	v10 =	vor.u32 $0x80000090, v0;
	s16 =	smax.u32 s0, $0x1;
	s4 =	sshrl.u32 s4, $0x3;
	_ =	strace $0x80000047  }
0x10: {  	v15 =	vimm.s32 $0x0;
	v11 =	vor.u32 $0x800000A0, v0;
	v13 =	vor.u32 $0x800000B0, v0;
	s9 =	sadd.s32 s4, s2;
	s4 =	sadd.s32 $0x2000, s2;
	s2 =	sor.u32 s31, s8  }
0x11: {  	v20 =	vimm.s32 $0xFFFFFFFF;
	v14 =	vor.u32 $0x800000C0, v0;
	v17 =	vor.u32 $0x800000D0, v0;
	s8 =	simm.s32 $0x400;
	s7 =	sadd.s32 $0x2200, s9;
	s2 =	sshrl.u32 s2, $0x3  }
0x12: {  	v16 =	vor.u32 $0x80000000, v0;
	v18 =	vor.u32 $0x800000E0, v0;
	v19 =	vor.u32 $0x800000F0, v0;
	s9 =	simm.s32 $0xCC80;
	s14 =	sadd.s32 s14, s2;
	s15 =	sadd.s32 s15, s2  }
.LBB2_1:
0x13: {  	[tilespmem:s3], [sflag:$0x1] =	stream.strided.gather [hbm4b:s7+s17], $0x2000, s8, s17, $0x38;
	[tilespmem:$0xCE80] =	vst v63  }
0x14: {  	_ =	swait.ge [sflag:s18], $0x2000  }
0x15: {  	[sflag:s18] =	ssyncset.done $0x0  }
0x16: {  	[sflag:s18] =	ssyncadd.s32 $0xFFFFE000  }
0x17: {  	[tilespmem:s9], [sflag:$0x1] =	stream.linear.gather [hbm4b:s4+s3], $0x80, $0x38;
	[tilespmem:$0xCE80] =	vst v63  }
0x18: {  	_ =	swait.ge [sflag:s18], $0x80  }
0x19: {  	[sflag:s18] =	ssyncset.done $0x0  }
0x1a: {  	[sflag:s18] =	ssyncadd.s32 $0xFFFFFF80  }
0x1b: {  	[tilespmem:s10], [sflag:$0x1] =	stream.linear.gather [hbm4b:s5+s3], $0x80, $0x38;
	[tilespmem:$0xCE80] =	vst v63  }
0x1c: {  	_ =	swait.ge [sflag:s18], $0x80  }
0x1d: {  	[sflag:s18] =	ssyncset.done $0x0  }
0x1e: {  	[sflag:s18] =	ssyncadd.s32 $0xFFFFFF80  }
0x1f: {  	[tilespmem:s11], [sflag:$0x1] =	stream.linear.gather [hbm4b:s6+s3], $0x80, $0x38;
	[tilespmem:$0xCE80] =	vst v63  }
0x20: {  	_ =	swait.ge [sflag:s18], $0x80  }
0x21: {  	[sflag:s18] =	ssyncset.done $0x0  }
0x22: {  	[sflag:s18] =	ssyncadd.s32 $0xFFFFFF80  }
0x23: {  	[tilespmem:s12], [sflag:$0x1] =	stream.linear.gather [hbm4b:s1+s3], $0x80, $0x38;
	[tilespmem:$0xCE80] =	vst v63  }
0x24: {  	_ =	swait.ge [sflag:s18], $0x80  }
0x25: {  	[sflag:s18] =	ssyncset.done $0x0  }
0x26: {  	[sflag:s18] =	ssyncadd.s32 $0xFFFFFF80  }
0x27: {  	v21 =	vld.idx.msk [tilespmem:v12+s12+$0x0], $0xffff  }
0x28: {  	v22 =	vld [tilespmem:$0xCD00]  }
0x29: {  	v23 =	vld [tilespmem:$0xCC80];
	_ =	sdelay $0x4  }
0x2a: {  	vm0 =	veq.s32 v23, v12;
	vm1 =	vlt.s32 v22, v21  }
0x2b: {  	vm0 =	vmand vm1, vm0  }
0x2c: {  	v23 =	vld [tilespmem:$0xCD80];
	_ =	sdelay $0x4  }
0x2d: {  	[tilespmem:v22+s3+$0x0] =	vst.idx.msk vm0, v23  }
0x2e: {  	v22 =	vld [tilespmem:$0xCD10]  }
0x2f: {  	v23 =	vld [tilespmem:$0xCC90];
	_ =	sdelay $0x4  }
0x30: {  	vm0 =	veq.s32 v23, v12;
	vm1 =	vlt.s32 v22, v21  }
0x31: {  	vm0 =	vmand vm1, vm0  }
0x32: {  	v21 =	vld [tilespmem:$0xCD90];
	_ =	sdelay $0x4  }
0x33: {  	[tilespmem:v22+s3+$0x0] =	vst.idx.msk vm0, v21  }
0x34: {  	[tilespmem:$0xCA00] =	vst v15  }
0x35: {  	[tilespmem:$0xCA10] =	vst v15  }
0x36: {  	[tilespmem:$0xCA20] =	vst v15  }
0x37: {  	[tilespmem:$0xCA30] =	vst v15  }
0x38: {  	[tilespmem:$0xCA40] =	vst v15  }
0x39: {  	[tilespmem:$0xCA50] =	vst v15  }
0x3a: {  	[tilespmem:$0xCA60] =	vst v15  }
0x3b: {  	[tilespmem:$0xCA70] =	vst v15  }
0x3c: {  	[tilespmem:$0xCA80] =	vst v15  }
0x3d: {  	[tilespmem:$0xCA90] =	vst v15  }
0x3e: {  	[tilespmem:$0xCAA0] =	vst v15  }
0x3f: {  	[tilespmem:$0xCAB0] =	vst v15  }
0x40: {  	[tilespmem:$0xCAC0] =	vst v15  }
0x41: {  	[tilespmem:$0xCAD0] =	vst v15  }
0x42: {  	[tilespmem:$0xCAE0] =	vst v15  }
0x43: {  	s0 =	simm.s32 $0x20;
	[tilespmem:$0xCAF0] =	vst v15  }
0x44: {  	v21 =	vld [tilespmem:s0+$0x10]  }
0x45: {  	v22 =	vld [tilespmem:s0+$0xFFFFFFF0];
	_ =	sdelay $0x1  }
0x46: {  	v25 =	vld [tilespmem:s0+$0xFFFFFFE0];
	_ =	sdelay $0x1  }
0x47: {  	v23 =	vandn.u32 $0x7FFFFFFF, v21;
	vm0 =	vlt.s32 v21, $0x0  }
0x48: {  	v26 =	vandn.u32 $0x7FFFFFFF, v22;
	v23 =	vsel vm0, v21, v23;
	vm0 =	vlt.s32 v22, $0x0  }
0x49: {  	s2 =	simm.s32 $0x60;
	v24 =	vld [tilespmem:s0+$0x0];
	v27 =	vshrl.u32 v23, $0x18;
	v28 =	vsel vm0, v22, v26  }
0x4a: {  	v30 =	vld [tilespmem:s2+$0x0];
	v31 =	vandn.u32 $0x7FFFFFFF, v25;
	vm1 =	vlt.s32 v25, $0x0;
	(xrf1) =	vunique.msk.u32 $0xffff, v27;
	v34 =	vshrl.u32 v28, $0x18  }
0x4b: {  	v37 =	vsel vm1, v25, v31;
	(xrf1) =	vunique.msk.u32 $0xffff, v34  }
0x4c: {  	v29 =	vld [tilespmem:s2+$0xFFFFFFF0];
	v35 =	vshrl.u32 v21, $0x18;
	v21 =	vshrl.u32 v37, $0x18  }
0x4d: {  	v32 =	vld [tilespmem:s2+$0x10];
	(xrf1) =	vunique.msk.u32 $0xffff, v21  }
0x4e: {  	v36 =	vshrl.u32 v24, $0x18;
	v26 =	vandn.u32 $0x7FFFFFFF, v24;
	vm0 =	vlt.s32 v24, $0x0  }
0x4f: {  	v33 =	vshrl.u32 v25, $0x18;
	vm1 =	vlt.s32 v30, $0x0;
	v24 =	vsel vm0, v24, v26  }
0x50: {  	v56 =	vand.u32 $0x80, v35;
	v39 =	vand.u32 $0x7F, v27;
	v38 =	vshrl.u32 v24, $0x18  }
0x51: {  	s0 =	simm.s32 $0x2020;
	v25 =	vld [tilespmem:s2+$0xFFFFFFE0];
	v27 =	vandn.u32 $0x7FFFFFFF, v29;
	vm0 =	vlt.s32 v29, $0x0;
	v40 =	vand.u32 $0x7F, v21;
	(xrf1) =	vunique.msk.u32 $0xffff, v38  }
0x52: {  	[tilespmem:s0+$0x10] =	vst v23;
	v31 =	vsel vm0, v29, v27;
	vm0 =	vlt.s32 v32, $0x0;
	v21 =	vandn.u32 $0x7FFFFFFF, v32  }
0x53: {  	s28 =	simm.s32 $0x2060;
	s2 =	simm.s32 $0xA0;
	v58 =	vand.u32 $0x80, v33;
	v47 =	vand.u32 $0x80, v36;
	[tilespmem:s0+$0x0] =	vst v24;
	v24 =	vsel vm0, v32, v21  }
0x54: {  	v22 =	vshrl.u32 v22, $0x18;
	v23 =	vandn.u32 $0x7FFFFFFF, v30;
	[tilespmem:s28+$0x10] =	vst v24;
	v42 =	vshrl.u32 v24, $0x18;
	v24 =	vld [tilespmem:s2+$0xFFFFFFF0]  }
0x55: {  	v26 =	vshrl.u32 v30, $0x18;
	v41 =	vsel vm1, v30, v23;
	v30 =	vshrl.u32 v29, $0x18;
	v29 =	vld [tilespmem:s2+$0x10]  }
0x56: {  	v59 =	vand.u32 $0x80, v22;
	v27 =	vandn.u32 $0x7FFFFFFF, v25;
	vm2 =	vlt.s32 v25, $0x0;
	(xrf1) =	vunique.msk.u32 $0xffff, v42  }
0x57: {  	v23 =	vshrl.u32 v41, $0x18;
	[tilespmem:s28+$0xFFFFFFF0] =	vst v31;
	v31 =	vshrl.u32 v31, $0x18;
	v21 =	vsel vm2, v25, v27  }
0x58: {  	v43 =	vld [tilespmem:s2+$0x0];
	v39 =	vor.u32 v56, v39;
	v35 =	vor.u32 v58, v40;
	v57 =	vshrl.u32 v21, $0x18;
	_, v44, vm0 =	vpop (xrf1);
	(xrf1) =	vunique.msk.u32 $0xffff, v31  }
0x59: {  	v33 =	vld [tilespmem:s2+$0xFFFFFFE0];
	v34 =	vand.u32 $0x7F, v34;
	v60 =	vandn.u32 $0x7FFFFFFF, v24;
	vm1 =	vlt.s32 v24, $0x0;
	_, v45, vm2 =	vpop (xrf1);
	(xrf1) =	vunique.msk.u32 $0xffff, v57  }
0x5a: {  	v61 =	vandn.u32 $0x7FFFFFFF, v29;
	v36 =	vsel vm1, v24, v60;
	vm1 =	vlt.s32 v29, $0x0;
	(xrf1) =	vunique.msk.u32 $0xffff, v23  }
0x5b: {  	[tilespmem:s0+$0xFFFFFFF0] =	vst v28;
	v46 =	vor.u32 v59, v34;
	v28 =	vand.u32 $0x7F, v42;
	v42 =	vsel vm1, v29, v61;
	_, v40, vm1 =	vpop (xrf1)  }
0x5c: {  	[tilespmem:s0+$0xFFFFFFE0] =	vst v37;
	v48 =	vand.u32 $0x7F, v38  }
0x5d: {  	s29 =	simm.s32 $0x20A0;
	[tilespmem:s28+$0x0] =	vst v41;
	v25 =	vshrl.u32 v25, $0x18;
	v27 =	vshrl.u32 v32, $0x18;
	v62 =	vandn.u32 $0x7FFFFFFF, v43  }
0x5e: {  	vm3 =	vlt.s32 v43, $0x0;
	v63 =	vandn.u32 $0x7FFFFFFF, v33;
	vm4 =	vlt.s32 v33, $0x0;
	[tilespmem:s29+$0x10] =	vst v42  }
0x5f: {  	v22 =	vshrl.u32 v43, $0x18;
	v41 =	vsel vm3, v43, v62;
	v38 =	vsel vm4, v33, v63;
	[tilespmem:v39+s13+$0x0] =	vst.idx.add.s32.msk vm0, v44;
	_, v34, vm0 =	vpop (xrf1)  }
0x60: {  	s30 =	simm.s32 $0x8;
	s31 =	simm.s32 $0xE0;
	v32 =	vand.u32 $0x7F, v57;
	v37 =	vshrl.u32 v41, $0x18;
	v39 =	vor.u32 v47, v48;
	[tilespmem:v46+s13+$0x0] =	vst.idx.add.s32.msk vm2, v45  }
.LBB2_2:
0x61: {  	s30 =	sadd.s32 $0x4, s30;
	v33 =	vshrl.u32 v33, $0x18;
	v45 =	vshrl.u32 v42, $0x18;
	v29 =	vshrl.u32 v29, $0x18;
	[tilespmem:v35+s13+$0x0] =	vst.idx.add.s32.msk vm1, v40;
	v43 =	vmovc v21;
	v21 =	vmovc v38  }
0x62: {  	v44 =	vshrl.u32 v24, $0x18;
	v42 =	vmovc v23;
	v38 =	vld [tilespmem:s31+$0x0];
	p0 =	slt.u32 s30, $0x1FC;
	[tilespmem:s29+$0xFFFFFFF0] =	vst v36;
	v35 =	vand.u32 $0x7F, v45;
	(xrf1) =	vunique.msk.u32 $0xffff, v45  }
0x63: {  	v23 =	vmovc v37;
	v45 =	vshrl.u32 v36, $0x18;
	v36 =	vand.u32 $0x80, v27;
	v27 =	vmov v29;
	v24 =	vld [tilespmem:s31+$0xFFFFFFF0];
	[tilespmem:s29+$0x0] =	vst v41  }
0x64: {  	v37 =	vshrl.u32 v21, $0x18;
	v41 =	vor.u32 v36, v28;
	v28 =	vmov v35;
	v29 =	vld [tilespmem:s31+$0x10];
	(xrf1) =	vunique.msk.u32 $0xffff, v45;
	_, v46, vm2 =	vpop (xrf1)  }
0x65: {  	v47 =	vand.u32 $0x7F, v37;
	v35 =	vand.u32 $0x80, v25;
	v25 =	vmovc v33;
	(xrf1) =	vunique.msk.u32 $0xffff, v37;
	[tilespmem:v39+s13+$0x0] =	vst.idx.add.s32.msk vm0, v34  }
0x66: {  	v31 =	vand.u32 $0x7F, v31;
	v30 =	vand.u32 $0x80, v30;
	v35 =	vor.u32 v35, v32;
	v33 =	vld [tilespmem:s31+$0xFFFFFFE0];
	(xrf1) =	vunique.msk.u32 $0xffff, v23;
	_, v39, vm3 =	vpop (xrf1)  }
0x67: {  	v49 =	vand.u32 $0x80, v26;
	v48 =	vor.u32 v30, v31;
	v37 =	vshrl.u32 v38, $0x18;
	_, v40, vm1 =	vpop (xrf1)  }
.Ltmp0:
0x68: {  	v50 =	vand.u32 $0x7F, v42;
	v26 =	vandn.u32 $0x7FFFFFFF, v24;
	vm4 =	vlt.s32 v24, $0x0;
	_, v34, vm0 =	vpop (xrf1);
	(pc) =	sbr.rel @p0 .LBB2_2-.Ltmp0, $4  }
0x69: {  	v30 =	vmovc v44;
	v31 =	vmovc v45;
	v36 =	vsel vm4, v24, v26;
	v51 =	vandn.u32 $0x7FFFFFFF, v29;
	vm4 =	vlt.s32 v29, $0x0;
	[tilespmem:s28+$0xFFFFFFE0] =	vst v43;
	s28 =	smov.u32 s29  }
0x6a: {  	v32 =	vmovc v47;
	vm5 =	vlt.s32 v38, $0x0;
	v43 =	vandn.u32 $0x7FFFFFFF, v38;
	s29 =	sadd.s32 $0x40, s29;
	v42 =	vsel vm4, v29, v51;
	[tilespmem:v41+s13+$0x0] =	vst.idx.add.s32.msk vm2, v46  }
0x6b: {  	v41 =	vsel vm5, v38, v43;
	v44 =	vandn.u32 $0x7FFFFFFF, v33;
	vm2 =	vlt.s32 v33, $0x0;
	[tilespmem:s29+$0x10] =	vst v42;
	v26 =	vmovc v22;
	v22 =	vmovc v37  }
0x6c: {  	s31 =	sadd.s32 $0x40, s31;
	v37 =	vshrl.u32 v41, $0x18;
	v38 =	vsel vm2, v33, v44;
	[tilespmem:v48+s13+$0x0] =	vst.idx.add.s32.msk vm3, v39;
	v39 =	vor.u32 v49, v50  }
0x6d: {  	v42 =	vshrl.u32 v42, $0x18  }
0x6e: {  	v43 =	vshrl.u32 v36, $0x18;
	(xrf1) =	vunique.msk.u32 $0xffff, v42  }
0x6f: {  	v44 =	vshrl.u32 v38, $0x18;
	(xrf1) =	vunique.msk.u32 $0xffff, v43  }
0x70: {  	(xrf1) =	vunique.msk.u32 $0xffff, v44  }
0x71: {  	(xrf1) =	vunique.msk.u32 $0xffff, v37;
	_ =	sdelay $0x3  }
0x72: {  	v30 =	vand.u32 $0x80, v30  }
0x73: {  	v27 =	vand.u32 $0x80, v27;
	v25 =	vand.u32 $0x80, v25  }
0x74: {  	v26 =	vand.u32 $0x80, v26;
	v23 =	vand.u32 $0x7F, v23;
	v29 =	vshrl.u32 v29, $0x18;
	_, v45, vm2 =	vpop (xrf1)  }
0x75: {  	[tilespmem:v35+s13+$0x0] =	vst.idx.add.s32.msk vm1, v40;
	v27 =	vor.u32 v27, v28;
	v28 =	vand.u32 $0x7F, v31;
	v23 =	vor.u32 v26, v23;
	_, v31, vm1 =	vpop (xrf1)  }
0x76: {  	[tilespmem:s28+$0xFFFFFFE0] =	vst v21;
	v26 =	vand.u32 $0x7F, v42;
	v21 =	vand.u32 $0x80, v29;
	v28 =	vor.u32 v30, v28;
	_, v30, vm3 =	vpop (xrf1)  }
0x77: {  	[tilespmem:s29+$0xFFFFFFF0] =	vst v36;
	v25 =	vor.u32 v25, v32;
	v21 =	vor.u32 v21, v26;
	v26 =	vand.u32 $0x7F, v43  }
0x78: {  	[tilespmem:s29+$0x0] =	vst v41;
	_, v52, vm4 =	vpop (xrf1)  }
0x79: {  	[tilespmem:v39+s13+$0x0] =	vst.idx.add.s32.msk vm0, v34;
	v24 =	vshrl.u32 v24, $0x18;
	_, v29, vm0 =	vpop (xrf1)  }
0x7a: {  	v33 =	vshrl.u32 v33, $0x18;
	v24 =	vand.u32 $0x80, v24;
	[tilespmem:v27+s13+$0x0] =	vst.idx.add.s32.msk vm2, v45;
	_, v27, vm2 =	vpop (xrf1)  }
0x7b: {  	v53 =	vand.u32 $0x7F, v44;
	v24 =	vor.u32 v24, v26;
	[tilespmem:v28+s13+$0x0] =	vst.idx.add.s32.msk vm1, v31;
	v28 =	vand.u32 $0x80, v33;
	_, v26, vm1 =	vpop (xrf1)  }
0x7c: {  	v22 =	vand.u32 $0x80, v22;
	[tilespmem:v25+s13+$0x0] =	vst.idx.add.s32.msk vm3, v30;
	v25 =	vor.u32 v28, v53;
	v28 =	vand.u32 $0x7F, v37;
	_, v30, vm3 =	vpop (xrf1)  }
0x7d: {  	[tilespmem:s29+$0xFFFFFFE0] =	vst v38;
	v22 =	vor.u32 v22, v28  }
0x7e: {  	[tilespmem:v23+s13+$0x0] =	vst.idx.add.s32.msk vm4, v52  }
0x7f: {  	[tilespmem:v21+s13+$0x0] =	vst.idx.add.s32.msk vm0, v29  }
0x80: {  	[tilespmem:v24+s13+$0x0] =	vst.idx.add.s32.msk vm2, v27  }
0x81: {  	[tilespmem:v25+s13+$0x0] =	vst.idx.add.s32.msk vm1, v26  }
0x82: {  	[tilespmem:v22+s13+$0x0] =	vst.idx.add.s32.msk vm3, v30  }
0x83: {  	v21 =	vld [tilespmem:$0xCA00];
	_ =	sdelay $0x4  }
0x84: {  	(xrf0) =	vadd.scan.msk.s32 $0xffff, v21;
	_ =	sdelay $0x1  }
0x85: {  	v21 =	vld [tilespmem:$0xCA10];
	_ =	sdelay $0x3  }
0x86: {  	v22, _, _ =	vpop (xrf0)  }
0x87: {  	(xrf0) =	vadd.scan.msk.s32 $0xffff, v21;
	[tilespmem:$0xCB00] =	vst v22  }
0x88: {  	[tilespmem:$0xCC00] =	vst v22  }
0x89: {  	v21 =	vld.idx.msk [tilespmem:v1+s19+$0x0], $0xffff  }
0x8a: {  	v22 =	vld [tilespmem:$0xCA20];
	_ =	sdelay $0x2  }
0x8b: {  	v23, _, _ =	vpop (xrf0)  }
0x8c: {  	v21 =	vadd.s32 v21, v23  }
0x8d: {  	(xrf0) =	vadd.scan.msk.s32 $0xffff, v22;
	[tilespmem:$0xCB10] =	vst v21  }
0x8e: {  	[tilespmem:$0xCC00] =	vst v21  }
0x8f: {  	v21 =	vld.idx.msk [tilespmem:v1+s19+$0x0], $0xffff  }
0x90: {  	v22 =	vld [tilespmem:$0xCA30];
	_ =	sdelay $0x2  }
0x91: {  	v23, _, _ =	vpop (xrf0)  }
0x92: {  	v21 =	vadd.s32 v21, v23  }
0x93: {  	(xrf0) =	vadd.scan.msk.s32 $0xffff, v22;
	[tilespmem:$0xCB20] =	vst v21  }
0x94: {  	[tilespmem:$0xCC00] =	vst v21  }
0x95: {  	v21 =	vld.idx.msk [tilespmem:v1+s19+$0x0], $0xffff  }
0x96: {  	v22 =	vld [tilespmem:$0xCA40];
	_ =	sdelay $0x2  }
0x97: {  	v23, _, _ =	vpop (xrf0)  }
0x98: {  	v21 =	vadd.s32 v21, v23  }
0x99: {  	(xrf0) =	vadd.scan.msk.s32 $0xffff, v22;
	[tilespmem:$0xCB30] =	vst v21  }
0x9a: {  	[tilespmem:$0xCC00] =	vst v21  }
0x9b: {  	v21 =	vld.idx.msk [tilespmem:v1+s19+$0x0], $0xffff  }
0x9c: {  	v22 =	vld [tilespmem:$0xCA50];
	_ =	sdelay $0x2  }
0x9d: {  	v23, _, _ =	vpop (xrf0)  }
0x9e: {  	v21 =	vadd.s32 v21, v23  }
0x9f: {  	(xrf0) =	vadd.scan.msk.s32 $0xffff, v22;
	[tilespmem:$0xCB40] =	vst v21  }
0xa0: {  	[tilespmem:$0xCC00] =	vst v21  }
0xa1: {  	v21 =	vld.idx.msk [tilespmem:v1+s19+$0x0], $0xffff  }
0xa2: {  	v22 =	vld [tilespmem:$0xCA60];
	_ =	sdelay $0x2  }
0xa3: {  	v23, _, _ =	vpop (xrf0)  }
0xa4: {  	v21 =	vadd.s32 v21, v23  }
0xa5: {  	(xrf0) =	vadd.scan.msk.s32 $0xffff, v22;
	[tilespmem:$0xCB50] =	vst v21  }
0xa6: {  	[tilespmem:$0xCC00] =	vst v21  }
0xa7: {  	v21 =	vld.idx.msk [tilespmem:v1+s19+$0x0], $0xffff  }
0xa8: {  	v22 =	vld [tilespmem:$0xCA70];
	_ =	sdelay $0x2  }
0xa9: {  	v23, _, _ =	vpop (xrf0)  }
0xaa: {  	v21 =	vadd.s32 v21, v23  }
0xab: {  	(xrf0) =	vadd.scan.msk.s32 $0xffff, v22;
	[tilespmem:$0xCB60] =	vst v21  }
0xac: {  	[tilespmem:$0xCC00] =	vst v21  }
0xad: {  	v21 =	vld.idx.msk [tilespmem:v1+s19+$0x0], $0xffff  }
0xae: {  	v22 =	vld [tilespmem:$0xCA80];
	_ =	sdelay $0x2  }
0xaf: {  	v23, _, _ =	vpop (xrf0)  }
0xb0: {  	v21 =	vadd.s32 v21, v23  }
0xb1: {  	(xrf0) =	vadd.scan.msk.s32 $0xffff, v22;
	[tilespmem:$0xCB70] =	vst v21  }
0xb2: {  	[tilespmem:$0xCC00] =	vst v21  }
0xb3: {  	v21 =	vld.idx.msk [tilespmem:v1+s19+$0x0], $0xffff  }
0xb4: {  	v22 =	vld [tilespmem:$0xCA90];
	_ =	sdelay $0x2  }
0xb5: {  	v23, _, _ =	vpop (xrf0)  }
0xb6: {  	v21 =	vadd.s32 v21, v23  }
0xb7: {  	(xrf0) =	vadd.scan.msk.s32 $0xffff, v22;
	[tilespmem:$0xCB80] =	vst v21  }
0xb8: {  	[tilespmem:$0xCC00] =	vst v21  }
0xb9: {  	v21 =	vld.idx.msk [tilespmem:v1+s19+$0x0], $0xffff  }
0xba: {  	v22 =	vld [tilespmem:$0xCAA0];
	_ =	sdelay $0x2  }
0xbb: {  	v23, _, _ =	vpop (xrf0)  }
0xbc: {  	v21 =	vadd.s32 v21, v23  }
0xbd: {  	(xrf0) =	vadd.scan.msk.s32 $0xffff, v22;
	[tilespmem:$0xCB90] =	vst v21  }
0xbe: {  	[tilespmem:$0xCC00] =	vst v21  }
0xbf: {  	v21 =	vld.idx.msk [tilespmem:v1+s19+$0x0], $0xffff  }
0xc0: {  	v22 =	vld [tilespmem:$0xCAB0];
	_ =	sdelay $0x2  }
0xc1: {  	v23, _, _ =	vpop (xrf0)  }
0xc2: {  	v21 =	vadd.s32 v21, v23  }
0xc3: {  	(xrf0) =	vadd.scan.msk.s32 $0xffff, v22;
	[tilespmem:$0xCBA0] =	vst v21  }
0xc4: {  	[tilespmem:$0xCC00] =	vst v21  }
0xc5: {  	v21 =	vld.idx.msk [tilespmem:v1+s19+$0x0], $0xffff  }
0xc6: {  	v22 =	vld [tilespmem:$0xCAC0];
	_ =	sdelay $0x2  }
0xc7: {  	v23, _, _ =	vpop (xrf0)  }
0xc8: {  	v21 =	vadd.s32 v21, v23  }
0xc9: {  	(xrf0) =	vadd.scan.msk.s32 $0xffff, v22;
	[tilespmem:$0xCBB0] =	vst v21  }
0xca: {  	v24 =	vld [tilespmem:$0xCAF0];
	[tilespmem:$0xCC00] =	vst v21  }
0xcb: {  	v21 =	vld.idx.msk [tilespmem:v1+s19+$0x0], $0xffff  }
0xcc: {  	v25 =	vld [tilespmem:$0xCB00]  }
0xcd: {  	v22 =	vld [tilespmem:$0xCAD0]  }
0xce: {  	v23 =	vld [tilespmem:$0xCAE0]  }
0xcf: {  	v26 =	vld [tilespmem:$0xCB10];
	v27, _, _ =	vpop (xrf0)  }
0xd0: {  	v21 =	vadd.s32 v21, v27  }
0xd1: {  	v27 =	vld [tilespmem:$0xCB20];
	[tilespmem:$0xCBC0] =	vst v21  }
0xd2: {  	(xrf0) =	vadd.scan.msk.s32 $0xffff, v22;
	[tilespmem:$0xCC00] =	vst v21;
	v21 =	vld [tilespmem:$0xCB30]  }
0xd3: {  	vm0 =	vgt.s32 v25, $0x7FF;
	(xrf0) =	vadd.scan.msk.s32 $0xffff, v23  }
0xd4: {  	v23 =	vnsel vm0, $0x80000100, v16;
	vm0 =	vgt.s32 v26, $0x7FF;
	(xrf0) =	vadd.scan.msk.s32 $0xffff, v24;
	v22 =	vld.idx.msk [tilespmem:v1+s19+$0x0], $0xffff  }
0xd5: {  	v24 =	vld [tilespmem:$0xCB40];
	(xrf0) =	vmin.scan.msk.u32 $0xffff, v23;
	v23 =	vnsel vm0, $0x80000100, v2  }
0xd6: {  	(xrf0) =	vmin.scan.msk.u32 $0xffff, v23;
	vm0 =	vgt.s32 v27, $0x7FF  }
0xd7: {  	v25 =	vld [tilespmem:$0xCB50];
	v23 =	vnsel vm0, $0x80000100, v3;
	vm0 =	vgt.s32 v21, $0x7FF  }
0xd8: {  	v26, _, _ =	vpop (xrf0);
	(xrf0) =	vmin.scan.msk.u32 $0xffff, v23;
	v23 =	vnsel vm0, $0x80000100, v4  }
0xd9: {  	v21, _, _ =	vpop (xrf0);
	v22 =	vadd.s32 v22, v26;
	v26 =	vld [tilespmem:$0xCB60]  }
0xda: {  	v27, _, _ =	vpop (xrf0);
	vm0 =	vgt.s32 v24, $0x7FF;
	[tilespmem:$0xCBD0] =	vst v22;
	(xrf0) =	vmin.scan.msk.u32 $0xffff, v23  }
0xdb: {  	v24 =	vld [tilespmem:$0xCB70];
	[tilespmem:$0xCC00] =	vst v22;
	v22 =	vnsel vm0, $0x80000100, v5;
	v23, _, _ =	vpop (xrf0)  }
0xdc: {  	vm0 =	vgt.s32 v25, $0x7FF;
	v28 =	vld.idx.msk [tilespmem:v1+s19+$0x0], $0xffff;
	(xrf0) =	vmin.scan.msk.u32 $0xffff, v22;
	(v2sf) =	vpush v23, $0xF;
	v23, _, _ =	vpop (xrf0)  }
0xdd: {  	v22 =	vnsel vm0, $0x80000100, v6;
	(v2sf) =	vpush v23, $0xF;
	v23 =	vld [tilespmem:$0xCB80]  }
0xde: {  	vm0 =	vgt.s32 v26, $0x7FF;
	v25, _, _ =	vpop (xrf0);
	(xrf0) =	vmin.scan.msk.u32 $0xffff, v22  }
0xdf: {  	v22 =	vnsel vm0, $0x80000100, v7;
	(v2sf) =	vpush v25, $0xF;
	v25 =	vld [tilespmem:$0xCB90]  }
0xe0: {  	vm0 =	vgt.s32 v24, $0x7FF;
	v26, _, _ =	vpop (xrf0);
	(xrf0) =	vmin.scan.msk.u32 $0xffff, v22  }
0xe1: {  	v24 =	vld [tilespmem:$0xCBA0];
	v21 =	vadd.s32 v28, v21;
	v22 =	vnsel vm0, $0x80000100, v8;
	(v2sf) =	vpush v26, $0xF  }
0xe2: {  	[tilespmem:$0xCBE0] =	vst v21;
	v26, _, _ =	vpop (xrf0);
	(xrf0) =	vmin.scan.msk.u32 $0xffff, v22;
	vm0 =	vgt.s32 v23, $0x7FF  }
0xe3: {  	[tilespmem:$0xCC00] =	vst v21;
	v22 =	vld [tilespmem:$0xCBB0];
	(v2sf) =	vpush v26, $0xF;
	v21 =	vnsel vm0, $0x80000100, v9  }
0xe4: {  	v23 =	vld.idx.msk [tilespmem:v1+s19+$0x0], $0xffff;
	v26, _, _ =	vpop (xrf0);
	(xrf0) =	vmin.scan.msk.u32 $0xffff, v21;
	vm0 =	vgt.s32 v25, $0x7FF  }
0xe5: {  	v25 =	vld [tilespmem:$0xCBC0];
	(v2sf) =	vpush v26, $0xF;
	v21 =	vnsel vm0, $0x80000100, v10  }
0xe6: {  	v26, _, _ =	vpop (xrf0);
	vm0 =	vgt.s32 v24, $0x7FF;
	(xrf0) =	vmin.scan.msk.u32 $0xffff, v21  }
0xe7: {  	v24 =	vld [tilespmem:$0xCBD0];
	(v2sf) =	vpush v26, $0xF;
	v21 =	vnsel vm0, $0x80000100, v11  }
0xe8: {  	v26, _, _ =	vpop (xrf0);
	vm0 =	vgt.s32 v22, $0x7FF;
	(xrf0) =	vmin.scan.msk.u32 $0xffff, v21  }
0xe9: {  	v22 =	vadd.s32 v23, v27;
	(v2sf) =	vpush v26, $0xF;
	v21 =	vnsel vm0, $0x80000100, v13;
	v23 =	vld [tilespmem:$0xCBE0]  }
0xea: {  	[tilespmem:$0xCBF0] =	vst v22;
	vm0 =	vgt.s32 v25, $0x7FF;
	v26, _, _ =	vpop (xrf0);
	(xrf0) =	vmin.scan.msk.u32 $0xffff, v21  }
0xeb: {  	v25 =	vld [tilespmem:$0xCBF0];
	v21 =	vnsel vm0, $0x80000100, v14;
	s0 =	spop (v2sf);
	(v2sf) =	vpush v26, $0xF  }
0xec: {  	vm0 =	vgt.s32 v24, $0x7FF;
	s2 =	spop (v2sf);
	v26, _, _ =	vpop (xrf0);
	(xrf0) =	vmin.scan.msk.u32 $0xffff, v21  }
0xed: {  	s0 =	sxor.u32 $0x80000000, s0;
	v21 =	vnsel vm0, $0x80000100, v17;
	s2 =	sxor.u32 $0x80000000, s2;
	(v2sf) =	vpush v26, $0xF  }
0xee: {  	vm0 =	vgt.s32 v23, $0x7FF;
	v24, _, _ =	vpop (xrf0);
	(xrf0) =	vmin.scan.msk.u32 $0xffff, v21;
	p0 =	slt.s32 s0, s2;
	s28 =	spop (v2sf)  }
0xef: {  	v21 =	vnsel vm0, $0x80000100, v18;
	(v2sf) =	vpush v24, $0xF;
	s2 =	smov.u32 @p0 s0;
	s0 =	sxor.u32 $0x80000000, s28  }
0xf0: {  	vm0 =	vgt.s32 v25, $0x7FF;
	s28 =	spop (v2sf);
	p0 =	slt.s32 s2, s0;
	v23, _, _ =	vpop (xrf0);
	(xrf0) =	vmin.scan.msk.u32 $0xffff, v21  }
0xf1: {  	v21 =	vnsel vm0, $0x80000100, v19;
	s0 =	smov.u32 @p0 s2;
	s2 =	sxor.u32 $0x80000000, s28;
	(v2sf) =	vpush v23, $0xF  }
0xf2: {  	s28 =	spop (v2sf);
	p0 =	slt.s32 s0, s2;
	v23, _, _ =	vpop (xrf0);
	(xrf0) =	vmin.scan.msk.u32 $0xffff, v21  }
0xf3: {  	s2 =	smov.u32 @p0 s0;
	s0 =	sxor.u32 $0x80000000, s28;
	(v2sf) =	vpush v23, $0xF  }
0xf4: {  	v21, _, _ =	vpop (xrf0);
	p0 =	slt.s32 s2, s0;
	s28 =	spop (v2sf)  }
0xf5: {  	(v2sf) =	vpush v21, $0xF;
	s0 =	smov.u32 @p0 s2;
	s2 =	sxor.u32 $0x80000000, s28  }
0xf6: {  	s28 =	spop (v2sf);
	v21, _, _ =	vpop (xrf0);
	p0 =	slt.s32 s0, s2  }
0xf7: {  	s2 =	smov.u32 @p0 s0;
	s0 =	sxor.u32 $0x80000000, s28;
	(v2sf) =	vpush v21, $0xF  }
0xf8: {  	s28 =	spop (v2sf);
	p0 =	slt.s32 s2, s0;
	v21, _, _ =	vpop (xrf0)  }
0xf9: {  	s0 =	smov.u32 @p0 s2;
	s2 =	sxor.u32 $0x80000000, s28;
	(v2sf) =	vpush v21, $0xF  }
0xfa: {  	s28 =	spop (v2sf);
	p0 =	slt.s32 s0, s2  }
0xfb: {  	s2 =	smov.u32 @p0 s0;
	s0 =	sxor.u32 $0x80000000, s28  }
0xfc: {  	s28 =	spop (v2sf);
	p0 =	slt.s32 s2, s0  }
0xfd: {  	s0 =	smov.u32 @p0 s2;
	s2 =	sxor.u32 $0x80000000, s28  }
0xfe: {  	s28 =	spop (v2sf);
	p0 =	slt.s32 s0, s2  }
0xff: {  	s2 =	smov.u32 @p0 s0;
	s0 =	sxor.u32 $0x80000000, s28  }
0x100: {  	s28 =	spop (v2sf);
	p0 =	slt.s32 s2, s0  }
0x101: {  	s0 =	smov.u32 @p0 s2;
	s2 =	sxor.u32 $0x80000000, s28  }
0x102: {  	s28 =	spop (v2sf);
	p0 =	slt.s32 s0, s2  }
0x103: {  	s2 =	smov.u32 @p0 s0;
	s0 =	sxor.u32 $0x80000000, s28  }
0x104: {  	s28 =	spop (v2sf);
	p0 =	slt.s32 s2, s0  }
0x105: {  	s0 =	smov.u32 @p0 s2;
	s2 =	sxor.u32 $0x80000000, s28  }
0x106: {  	s28 =	spop (v2sf);
	p0 =	slt.s32 s0, s2  }
0x107: {  	s2 =	smov.u32 @p0 s0;
	s0 =	sxor.u32 $0x80000000, s28  }
0x108: {  	p0 =	slt.s32 s2, s0;
	s28 =	spop (v2sf)  }
0x109: {  	s0 =	smov.u32 @p0 s2;
	s2 =	sxor.u32 $0x80000000, s28  }
0x10a: {  	p0 =	slt.s32 s0, s2  }
0x10b: {  	s2 =	smov.u32 @p0 s0  }
0x10c: {  	p0 =	slt.s32 s2, $0xFF  }
0x10d: {  	s2 =	simm.s32 @!p0 $0xFF  }
0x10e: {  	v21 =	vmov s2  }
0x10f: {  	v23 =	vadd.s32 $0xFFFFFFFF, v21  }
0x110: {  	vm0 =	vgt.s32 v23, $0x0  }
0x111: {  	v23 =	vnsel vm0, $0x0, v23;
	_ =	sdelay $0x3  }
0x112: {  	[tilespmem:$0xCC00] =	vst v22  }
0x113: {  	v22 =	vld.idx.msk [tilespmem:v23+s20+$0x0], $0xffff;
	[tilespmem:$0xCA00] =	vst v15  }
0x114: {  	[tilespmem:$0xCA10] =	vst v15  }
0x115: {  	[tilespmem:$0xCA20] =	vst v15  }
0x116: {  	[tilespmem:$0xCA30] =	vst v15  }
0x117: {  	[tilespmem:$0xCA40] =	vst v15  }
0x118: {  	[tilespmem:$0xCA50] =	vst v15  }
0x119: {  	[tilespmem:$0xCA60] =	vst v15  }
0x11a: {  	[tilespmem:$0xCA70] =	vst v15  }
0x11b: {  	[tilespmem:$0xCA80] =	vst v15  }
0x11c: {  	[tilespmem:$0xCA90] =	vst v15  }
0x11d: {  	[tilespmem:$0xCAA0] =	vst v15  }
0x11e: {  	[tilespmem:$0xCAB0] =	vst v15  }
0x11f: {  	[tilespmem:$0xCAC0] =	vst v15  }
0x120: {  	[tilespmem:$0xCAD0] =	vst v15  }
0x121: {  	[tilespmem:$0xCAE0] =	vst v15  }
0x122: {  	s2 =	simm.s32 $0x2020;
	[tilespmem:$0xCAF0] =	vst v15  }
0x123: {  	v23 =	vld [tilespmem:s2+$0xFFFFFFE0];
	_ =	sdelay $0x2  }
0x124: {  	v24 =	vld [tilespmem:s2+$0x10]  }
0x125: {  	v26 =	vld [tilespmem:s2+$0x0]  }
0x126: {  	v25 =	vshrl.u32 v23, $0x18  }
0x127: {  	vm0 =	veq.s32 v25, v21;
	v25 =	vld [tilespmem:s2+$0xFFFFFFF0];
	_ =	sdelay $0x1  }
0x128: {  	s30 =	simm.s32 $0x2060;
	v23 =	vshrl.u32 v23, $0x10;
	v27 =	vshrl.u32 v24, $0x18;
	v24 =	vshrl.u32 v24, $0x10  }
0x129: {  	v28 =	vld [tilespmem:s30+$0x10];
	v54 =	vand.u32 $0xFF, v23;
	v55 =	vand.u32 $0xFF, v24;
	v23 =	vshrl.u32 v26, $0x18  }
0x12a: {  	s31 =	simm.s32 $0x20A0;
	v29 =	vld [tilespmem:s30+$0xFFFFFFF0];
	vm1 =	veq.s32 v27, v21;
	v26 =	vshrl.u32 v26, $0x10;
	(xrf1) =	vunique.msk.u32 vm0, v54;
	vm0 =	veq.s32 v23, v21  }
0x12b: {  	v32 =	vld [tilespmem:s31+$0x10];
	v23 =	vand.u32 $0xFF, v26;
	(xrf1) =	vunique.msk.u32 vm1, v55;
	v27 =	vshrl.u32 v25, $0x10;
	v25 =	vshrl.u32 v25, $0x18  }
0x12c: {  	v24 =	vld [tilespmem:s30+$0xFFFFFFE0];
	(xrf1) =	vunique.msk.u32 vm0, v23;
	vm1 =	veq.s32 v25, v21;
	v27 =	vand.u32 $0xFF, v27  }
0x12d: {  	v35 =	vld [tilespmem:s31+$0x0];
	(xrf1) =	vunique.msk.u32 vm1, v27  }
0x12e: {  	v26 =	vld [tilespmem:s30+$0x0];
	_ =	sdelay $0x1  }
0x12f: {  	v31 =	vshrl.u32 v28, $0x18;
	v56 =	vshrl.u32 v29, $0x10;
	v29 =	vshrl.u32 v29, $0x18  }
0x130: {  	v30 =	vld [tilespmem:s31+$0xFFFFFFE0];
	v59 =	vshrl.u32 v32, $0x18;
	v32 =	vshrl.u32 v32, $0x10;
	v25 =	vshrl.u32 v24, $0x18  }
0x131: {  	v61 =	vshrl.u32 v35, $0x18;
	v24 =	vshrl.u32 v24, $0x10;
	vm0 =	veq.s32 v25, v21  }
0x132: {  	v25 =	vshrl.u32 v28, $0x10;
	v24 =	vand.u32 $0xFF, v24;
	v28 =	vshrl.u32 v26, $0x18  }
0x133: {  	v26 =	vshrl.u32 v26, $0x10;
	vm1 =	veq.s32 v31, v21;
	v31 =	vld [tilespmem:s31+$0xFFFFFFF0];
	v25 =	vand.u32 $0xFF, v25;
	(xrf1) =	vunique.msk.u32 vm0, v24  }
0x134: {  	vm2 =	veq.s32 v29, v21;
	vm0 =	veq.s32 v28, v21;
	v26 =	vand.u32 $0xFF, v26;
	(xrf1) =	vunique.msk.u32 vm1, v25  }
0x135: {  	v29 =	vshrl.u32 v30, $0x18;
	v30 =	vshrl.u32 v30, $0x10;
	v28 =	vand.u32 $0xFF, v56;
	(xrf1) =	vunique.msk.u32 vm0, v26  }
0x136: {  	v63 =	vshrl.u32 v35, $0x10;
	vm0 =	veq.s32 v29, v21;
	v29 =	vand.u32 $0xFF, v30;
	(xrf1) =	vunique.msk.u32 vm2, v28  }
0x137: {  	vm1 =	veq.s32 v59, v21;
	v30 =	vand.u32 $0xFF, v32;
	v32 =	vand.u32 $0xFF, v63;
	_, v57, vm3 =	vpop (xrf1);
	(xrf1) =	vunique.msk.u32 vm0, v29  }
0x138: {  	vm2 =	veq.s32 v61, v21;
	v62 =	vshrl.u32 v31, $0x10;
	v31 =	vshrl.u32 v31, $0x18;
	_, v58, vm15 =	vpop (xrf1);
	(xrf1) =	vunique.msk.u32 vm1, v30  }
0x139: {  	s28 =	simm.s32 $0x20E0;
	vm5 =	veq.s32 v31, v21;
	v31 =	vand.u32 $0xFF, v62;
	_, v33, vm0 =	vpop (xrf1);
	(xrf1) =	vunique.msk.u32 vm2, v32  }
0x13a: {  	v60 =	vld [tilespmem:s28+$0xFFFFFFE0];
	_, v34, vm1 =	vpop (xrf1);
	(xrf1) =	vunique.msk.u32 vm5, v31  }
0x13b: {  	v37 =	vld [tilespmem:s28+$0x10]  }
0x13c: {  	v36 =	vld [tilespmem:s28+$0xFFFFFFF0]  }
0x13d: {  	v35 =	vld [tilespmem:s28+$0x0]  }
0x13e: {  	[tilespmem:v54+s13+$0x0] =	vst.idx.add.s32.msk vm3, v57  }
0x13f: {  	s29 =	simm.s32 $0xC;
	v39 =	vshrl.u32 v60, $0x18;
	v38 =	vshrl.u32 v60, $0x10;
	[tilespmem:v55+s13+$0x0] =	vst.idx.add.s32.msk vm15, v58  }
.LBB2_4:
0x140: {  	vm4 =	veq.s32 v39, v21;
	v39 =	vshrl.u32 v37, $0x18  }
0x141: {  	s29 =	sadd.s32 $0x4, s29;
	v37 =	vshrl.u32 v37, $0x10;
	_, v40, vm2 =	vpop (xrf1);
	[tilespmem:v23+s13+$0x0] =	vst.idx.add.s32.msk vm0, v33;
	v23 =	vmov v26;
	v26 =	vmov v32  }
0x142: {  	v38 =	vand.u32 $0xFF, v38;
	s28 =	sadd.s32 $0x40, s28;
	p0 =	slt.u32 s29, $0x1FC;
	v32 =	vshrl.u32 v35, $0x18;
	v41 =	vand.u32 $0xFF, v37;
	_, v42, vm3 =	vpop (xrf1);
	[tilespmem:v27+s13+$0x0] =	vst.idx.add.s32.msk vm1, v34  }
0x143: {  	v45 =	vshrl.u32 v35, $0x10;
	vm1 =	veq.s32 v39, v21;
	v43 =	vld [tilespmem:s28+$0xFFFFFFE0];
	v44 =	vshrl.u32 v36, $0x10;
	(xrf1) =	vunique.msk.u32 vm4, v38;
	_, v33, vm0 =	vpop (xrf1)  }
.Ltmp1:
0x144: {  	v36 =	vshrl.u32 v36, $0x18;
	vm4 =	veq.s32 v32, v21;
	v32 =	vand.u32 $0xFF, v45;
	v37 =	vld [tilespmem:s28+$0x10];
	(xrf1) =	vunique.msk.u32 vm1, v41;
	_, v34, vm1 =	vpop (xrf1);
	(pc) =	sbr.rel @p0 .LBB2_4-.Ltmp1, $4  }
0x145: {  	v27 =	vmovc v28;
	v28 =	vmov v31;
	vm5 =	veq.s32 v36, v21;
	v31 =	vand.u32 $0xFF, v44;
	v35 =	vld [tilespmem:s28+$0x0];
	(xrf1) =	vunique.msk.u32 vm4, v32  }
0x146: {  	v36 =	vld [tilespmem:s28+$0xFFFFFFF0];
	(xrf1) =	vunique.msk.u32 vm5, v31  }
0x147: {  	[tilespmem:v24+s13+$0x0] =	vst.idx.add.s32.msk vm2, v40;
	v24 =	vmov v29;
	v29 =	vmov v38  }
0x148: {  	v39 =	vshrl.u32 v43, $0x18;
	v38 =	vshrl.u32 v43, $0x10;
	[tilespmem:v25+s13+$0x0] =	vst.idx.add.s32.msk vm3, v42;
	v25 =	vmovc v30;
	v30 =	vmov v41  }
0x149: {  	vm2 =	veq.s32 v39, v21;
	v44 =	vshrl.u32 v37, $0x18;
	v45 =	vshrl.u32 v37, $0x10  }
0x14a: {  	v38 =	vand.u32 $0xFF, v38;
	v40 =	vshrl.u32 v35, $0x18;
	v37 =	vand.u32 $0xFF, v45  }
0x14b: {  	v46 =	vshrl.u32 v35, $0x10;
	vm3 =	veq.s32 v44, v21;
	(xrf1) =	vunique.msk.u32 vm2, v38;
	v41 =	vshrl.u32 v36, $0x10  }
0x14c: {  	v47 =	vshrl.u32 v36, $0x18;
	vm8 =	veq.s32 v40, v21;
	v35 =	vand.u32 $0xFF, v46;
	(xrf1) =	vunique.msk.u32 vm3, v37  }
0x14d: {  	vm9 =	veq.s32 v47, v21;
	v48 =	vand.u32 $0xFF, v41;
	(xrf1) =	vunique.msk.u32 vm8, v35  }
0x14e: {  	(xrf1) =	vunique.msk.u32 vm9, v48;
	_ =	sdelay $0x2  }
0x14f: {  	_, v49, vm10 =	vpop (xrf1)  }
0x150: {  	_, v50, vm11 =	vpop (xrf1)  }
0x151: {  	_, v51, vm4 =	vpop (xrf1)  }
0x152: {  	_, v42, vm5 =	vpop (xrf1)  }
0x153: {  	[tilespmem:v23+s13+$0x0] =	vst.idx.add.s32.msk vm0, v33;
	_, v23, vm0 =	vpop (xrf1)  }
0x154: {  	[tilespmem:v27+s13+$0x0] =	vst.idx.add.s32.msk vm1, v34;
	_, v27, vm1 =	vpop (xrf1)  }
0x155: {  	[tilespmem:v24+s13+$0x0] =	vst.idx.add.s32.msk vm10, v49;
	_, v24, vm2 =	vpop (xrf1)  }
0x156: {  	[tilespmem:v25+s13+$0x0] =	vst.idx.add.s32.msk vm11, v50;
	_, v25, vm3 =	vpop (xrf1)  }
0x157: {  	[tilespmem:v26+s13+$0x0] =	vst.idx.add.s32.msk vm4, v51;
	_, v26, vm4 =	vpop (xrf1)  }
0x158: {  	[tilespmem:v28+s13+$0x0] =	vst.idx.add.s32.msk vm5, v42;
	_, v28, vm5 =	vpop (xrf1)  }
0x159: {  	[tilespmem:v29+s13+$0x0] =	vst.idx.add.s32.msk vm0, v23;
	_, v23, vm0 =	vpop (xrf1)  }
0x15a: {  	[tilespmem:v30+s13+$0x0] =	vst.idx.add.s32.msk vm1, v27;
	_, v27, vm1 =	vpop (xrf1)  }
0x15b: {  	[tilespmem:v32+s13+$0x0] =	vst.idx.add.s32.msk vm2, v24  }
0x15c: {  	[tilespmem:v31+s13+$0x0] =	vst.idx.add.s32.msk vm3, v25  }
0x15d: {  	[tilespmem:v38+s13+$0x0] =	vst.idx.add.s32.msk vm4, v26  }
0x15e: {  	[tilespmem:v37+s13+$0x0] =	vst.idx.add.s32.msk vm5, v28  }
0x15f: {  	[tilespmem:v35+s13+$0x0] =	vst.idx.add.s32.msk vm0, v23  }
0x160: {  	[tilespmem:v48+s13+$0x0] =	vst.idx.add.s32.msk vm1, v27  }
0x161: {  	v23 =	vld [tilespmem:$0xCA00];
	_ =	sdelay $0x4  }
0x162: {  	(xrf0) =	vadd.scan.msk.s32 $0xffff, v23;
	_ =	sdelay $0x1  }
0x163: {  	v23 =	vld [tilespmem:$0xCA10];
	_ =	sdelay $0x3  }
0x164: {  	v24, _, _ =	vpop (xrf0)  }
0x165: {  	(xrf0) =	vadd.scan.msk.s32 $0xffff, v23;
	[tilespmem:$0xCB00] =	vst v24  }
0x166: {  	[tilespmem:$0xCC00] =	vst v24  }
0x167: {  	v23 =	vld.idx.msk [tilespmem:v1+s19+$0x0], $0xffff  }
0x168: {  	v24 =	vld [tilespmem:$0xCA20];
	_ =	sdelay $0x2  }
0x169: {  	v25, _, _ =	vpop (xrf0)  }
0x16a: {  	v23 =	vadd.s32 v23, v25  }
0x16b: {  	(xrf0) =	vadd.scan.msk.s32 $0xffff, v24;
	[tilespmem:$0xCB10] =	vst v23  }
0x16c: {  	[tilespmem:$0xCC00] =	vst v23  }
0x16d: {  	v23 =	vld.idx.msk [tilespmem:v1+s19+$0x0], $0xffff  }
0x16e: {  	v24 =	vld [tilespmem:$0xCA30];
	_ =	sdelay $0x2  }
0x16f: {  	v25, _, _ =	vpop (xrf0)  }
0x170: {  	v23 =	vadd.s32 v23, v25  }
0x171: {  	(xrf0) =	vadd.scan.msk.s32 $0xffff, v24;
	[tilespmem:$0xCB20] =	vst v23  }
0x172: {  	[tilespmem:$0xCC00] =	vst v23  }
0x173: {  	v23 =	vld.idx.msk [tilespmem:v1+s19+$0x0], $0xffff  }
0x174: {  	v24 =	vld [tilespmem:$0xCA40];
	_ =	sdelay $0x2  }
0x175: {  	v25, _, _ =	vpop (xrf0)  }
0x176: {  	v23 =	vadd.s32 v23, v25  }
0x177: {  	(xrf0) =	vadd.scan.msk.s32 $0xffff, v24;
	[tilespmem:$0xCB30] =	vst v23  }
0x178: {  	[tilespmem:$0xCC00] =	vst v23  }
0x179: {  	v23 =	vld.idx.msk [tilespmem:v1+s19+$0x0], $0xffff  }
0x17a: {  	v24 =	vld [tilespmem:$0xCA50];
	_ =	sdelay $0x2  }
0x17b: {  	v25, _, _ =	vpop (xrf0)  }
0x17c: {  	v23 =	vadd.s32 v23, v25  }
0x17d: {  	(xrf0) =	vadd.scan.msk.s32 $0xffff, v24;
	[tilespmem:$0xCB40] =	vst v23  }
0x17e: {  	[tilespmem:$0xCC00] =	vst v23  }
0x17f: {  	v23 =	vld.idx.msk [tilespmem:v1+s19+$0x0], $0xffff  }
0x180: {  	v24 =	vld [tilespmem:$0xCA60];
	_ =	sdelay $0x2  }
0x181: {  	v25, _, _ =	vpop (xrf0)  }
0x182: {  	v23 =	vadd.s32 v23, v25  }
0x183: {  	(xrf0) =	vadd.scan.msk.s32 $0xffff, v24;
	[tilespmem:$0xCB50] =	vst v23  }
0x184: {  	[tilespmem:$0xCC00] =	vst v23  }
0x185: {  	v23 =	vld.idx.msk [tilespmem:v1+s19+$0x0], $0xffff  }
0x186: {  	v24 =	vld [tilespmem:$0xCA70];
	_ =	sdelay $0x2  }
0x187: {  	v25, _, _ =	vpop (xrf0)  }
0x188: {  	v23 =	vadd.s32 v23, v25  }
0x189: {  	(xrf0) =	vadd.scan.msk.s32 $0xffff, v24;
	[tilespmem:$0xCB60] =	vst v23  }
0x18a: {  	[tilespmem:$0xCC00] =	vst v23  }
0x18b: {  	v23 =	vld.idx.msk [tilespmem:v1+s19+$0x0], $0xffff  }
0x18c: {  	v24 =	vld [tilespmem:$0xCA80];
	_ =	sdelay $0x2  }
0x18d: {  	v25, _, _ =	vpop (xrf0)  }
0x18e: {  	v23 =	vadd.s32 v23, v25  }
0x18f: {  	(xrf0) =	vadd.scan.msk.s32 $0xffff, v24;
	[tilespmem:$0xCB70] =	vst v23  }
0x190: {  	[tilespmem:$0xCC00] =	vst v23  }
0x191: {  	v23 =	vld.idx.msk [tilespmem:v1+s19+$0x0], $0xffff  }
0x192: {  	v24 =	vld [tilespmem:$0xCA90];
	_ =	sdelay $0x2  }
0x193: {  	v25, _, _ =	vpop (xrf0)  }
0x194: {  	v23 =	vadd.s32 v23, v25  }
0x195: {  	(xrf0) =	vadd.scan.msk.s32 $0xffff, v24;
	[tilespmem:$0xCB80] =	vst v23  }
0x196: {  	[tilespmem:$0xCC00] =	vst v23  }
0x197: {  	v23 =	vld.idx.msk [tilespmem:v1+s19+$0x0], $0xffff  }
0x198: {  	v24 =	vld [tilespmem:$0xCAA0];
	_ =	sdelay $0x2  }
0x199: {  	v25, _, _ =	vpop (xrf0)  }
0x19a: {  	v23 =	vadd.s32 v23, v25  }
0x19b: {  	(xrf0) =	vadd.scan.msk.s32 $0xffff, v24;
	[tilespmem:$0xCB90] =	vst v23  }
0x19c: {  	[tilespmem:$0xCC00] =	vst v23  }
0x19d: {  	v23 =	vld.idx.msk [tilespmem:v1+s19+$0x0], $0xffff  }
0x19e: {  	v24 =	vld [tilespmem:$0xCAB0];
	_ =	sdelay $0x2  }
0x19f: {  	v25, _, _ =	vpop (xrf0)  }
0x1a0: {  	v23 =	vadd.s32 v23, v25  }
0x1a1: {  	(xrf0) =	vadd.scan.msk.s32 $0xffff, v24;
	[tilespmem:$0xCBA0] =	vst v23  }
0x1a2: {  	[tilespmem:$0xCC00] =	vst v23  }
0x1a3: {  	v23 =	vld.idx.msk [tilespmem:v1+s19+$0x0], $0xffff  }
0x1a4: {  	v24 =	vld [tilespmem:$0xCAC0];
	_ =	sdelay $0x2  }
0x1a5: {  	v25, _, _ =	vpop (xrf0)  }
0x1a6: {  	v23 =	vadd.s32 v23, v25  }
0x1a7: {  	(xrf0) =	vadd.scan.msk.s32 $0xffff, v24;
	[tilespmem:$0xCBB0] =	vst v23  }
0x1a8: {  	v26 =	vld [tilespmem:$0xCAF0];
	[tilespmem:$0xCC00] =	vst v23  }
0x1a9: {  	v23 =	vld.idx.msk [tilespmem:v1+s19+$0x0], $0xffff  }
0x1aa: {  	v27 =	vld [tilespmem:$0xCB00]  }
0x1ab: {  	v24 =	vld [tilespmem:$0xCAD0]  }
0x1ac: {  	v25 =	vld [tilespmem:$0xCAE0]  }
0x1ad: {  	v28 =	vld [tilespmem:$0xCB10];
	v52, _, _ =	vpop (xrf0)  }
0x1ae: {  	v23 =	vadd.s32 v23, v52  }
0x1af: {  	vm12 =	veq.s32 v21, $0x0;
	v22 =	vsub.s32 $0x800, v22;
	v53 =	vld [tilespmem:$0xCB20];
	[tilespmem:$0xCBC0] =	vst v23  }
0x1b0: {  	v22 =	vsel vm12, $0x800, v22;
	(xrf0) =	vadd.scan.msk.s32 $0xffff, v24;
	[tilespmem:$0xCC00] =	vst v23;
	v23 =	vld [tilespmem:$0xCB30]  }
0x1b1: {  	vm0 =	vlt.s32 v27, v22;
	(xrf0) =	vadd.scan.msk.s32 $0xffff, v25  }
0x1b2: {  	vm13 =	vlt.s32 v28, v22;
	v25 =	vsel vm0, $0x80000100, v16;
	(xrf0) =	vadd.scan.msk.s32 $0xffff, v26;
	v24 =	vld.idx.msk [tilespmem:v1+s19+$0x0], $0xffff  }
0x1b3: {  	v26 =	vld [tilespmem:$0xCB40];
	(xrf0) =	vmin.scan.msk.u32 $0xffff, v25;
	v25 =	vsel vm13, $0x80000100, v2  }
0x1b4: {  	vm14 =	vlt.s32 v53, v22;
	(xrf0) =	vmin.scan.msk.u32 $0xffff, v25  }
0x1b5: {  	v27 =	vld [tilespmem:$0xCB50];
	v25 =	vsel vm14, $0x80000100, v3;
	vm15 =	vlt.s32 v23, v22  }
0x1b6: {  	v54, _, _ =	vpop (xrf0);
	(xrf0) =	vmin.scan.msk.u32 $0xffff, v25;
	v25 =	vsel vm15, $0x80000100, v4  }
0x1b7: {  	v55 =	vld [tilespmem:$0xCB60];
	v23, _, _ =	vpop (xrf0);
	v24 =	vadd.s32 v24, v54  }
0x1b8: {  	vm4 =	vlt.s32 v26, v22;
	v56, _, _ =	vpop (xrf0);
	[tilespmem:$0xCBD0] =	vst v24;
	(xrf0) =	vmin.scan.msk.u32 $0xffff, v25  }
0x1b9: {  	v26 =	vld [tilespmem:$0xCB70];
	[tilespmem:$0xCC00] =	vst v24;
	v24 =	vsel vm4, $0x80000100, v5;
	v25, _, _ =	vpop (xrf0)  }
0x1ba: {  	vm5 =	vlt.s32 v27, v22;
	v30 =	vld.idx.msk [tilespmem:v1+s19+$0x0], $0xffff;
	(xrf0) =	vmin.scan.msk.u32 $0xffff, v24;
	(v2sf) =	vpush v25, $0xF;
	v25, _, _ =	vpop (xrf0)  }
0x1bb: {  	v24 =	vsel vm5, $0x80000100, v6;
	(v2sf) =	vpush v25, $0xF;
	v25 =	vld [tilespmem:$0xCB80]  }
0x1bc: {  	vm6 =	vlt.s32 v55, v22;
	v27, _, _ =	vpop (xrf0);
	(xrf0) =	vmin.scan.msk.u32 $0xffff, v24  }
0x1bd: {  	v24 =	vsel vm6, $0x80000100, v7;
	(v2sf) =	vpush v27, $0xF;
	v27 =	vld [tilespmem:$0xCB90]  }
0x1be: {  	vm7 =	vlt.s32 v26, v22;
	v57, _, _ =	vpop (xrf0);
	(xrf0) =	vmin.scan.msk.u32 $0xffff, v24  }
0x1bf: {  	v26 =	vld [tilespmem:$0xCBA0];
	v23 =	vadd.s32 v30, v23;
	v24 =	vsel vm7, $0x80000100, v8;
	(v2sf) =	vpush v57, $0xF  }
0x1c0: {  	[tilespmem:$0xCBE0] =	vst v23;
	v58, _, _ =	vpop (xrf0);
	(xrf0) =	vmin.scan.msk.u32 $0xffff, v24;
	vm8 =	vlt.s32 v25, v22  }
0x1c1: {  	[tilespmem:$0xCC00] =	vst v23;
	v24 =	vld [tilespmem:$0xCBB0];
	(v2sf) =	vpush v58, $0xF;
	v23 =	vsel vm8, $0x80000100, v9  }
0x1c2: {  	v25 =	vld.idx.msk [tilespmem:v1+s19+$0x0], $0xffff;
	v59, _, _ =	vpop (xrf0);
	vm9 =	vlt.s32 v27, v22;
	(xrf0) =	vmin.scan.msk.u32 $0xffff, v23  }
0x1c3: {  	v27 =	vld [tilespmem:$0xCBC0];
	(v2sf) =	vpush v59, $0xF;
	v23 =	vsel vm9, $0x80000100, v10  }
0x1c4: {  	vm10 =	vlt.s32 v26, v22;
	v60, _, _ =	vpop (xrf0);
	(xrf0) =	vmin.scan.msk.u32 $0xffff, v23  }
0x1c5: {  	v26 =	vld [tilespmem:$0xCBD0];
	v23 =	vsel vm10, $0x80000100, v11;
	(v2sf) =	vpush v60, $0xF  }
0x1c6: {  	vm11 =	vlt.s32 v24, v22;
	v61, _, _ =	vpop (xrf0);
	(xrf0) =	vmin.scan.msk.u32 $0xffff, v23  }
0x1c7: {  	v24 =	vsel vm11, $0x80000100, v13;
	v23 =	vadd.s32 v25, v56;
	(v2sf) =	vpush v61, $0xF;
	v25 =	vld [tilespmem:$0xCBE0]  }
0x1c8: {  	[tilespmem:$0xCBF0] =	vst v23;
	vm12 =	vlt.s32 v27, v22;
	v62, _, _ =	vpop (xrf0);
	(xrf0) =	vmin.scan.msk.u32 $0xffff, v24  }
0x1c9: {  	v27 =	vld [tilespmem:$0xCBF0];
	v24 =	vsel vm12, $0x80000100, v14;
	s0 =	spop (v2sf);
	(v2sf) =	vpush v62, $0xF  }
0x1ca: {  	vm13 =	vlt.s32 v26, v22;
	v63, _, _ =	vpop (xrf0);
	(xrf0) =	vmin.scan.msk.u32 $0xffff, v24;
	s2 =	spop (v2sf)  }
0x1cb: {  	v24 =	vsel vm13, $0x80000100, v17;
	s0 =	sxor.u32 $0x80000000, s0;
	(v2sf) =	vpush v63, $0xF;
	s2 =	sxor.u32 $0x80000000, s2  }
0x1cc: {  	v26, _, _ =	vpop (xrf0);
	(xrf0) =	vmin.scan.msk.u32 $0xffff, v24;
	vm14 =	vlt.s32 v25, v22;
	s28 =	spop (v2sf);
	p0 =	slt.s32 s0, s2  }
0x1cd: {  	(v2sf) =	vpush v26, $0xF;
	v24 =	vsel vm14, $0x80000100, v18;
	s2 =	smov.u32 @p0 s0;
	s0 =	sxor.u32 $0x80000000, s28  }
0x1ce: {  	vm15 =	vlt.s32 v27, v22;
	s28 =	spop (v2sf);
	p0 =	slt.s32 s2, s0;
	v25, _, _ =	vpop (xrf0);
	(xrf0) =	vmin.scan.msk.u32 $0xffff, v24  }
0x1cf: {  	v22 =	vsel vm15, $0x80000100, v19;
	s0 =	smov.u32 @p0 s2;
	s2 =	sxor.u32 $0x80000000, s28;
	(v2sf) =	vpush v25, $0xF  }
0x1d0: {  	s28 =	spop (v2sf);
	v24, _, _ =	vpop (xrf0);
	(xrf0) =	vmin.scan.msk.u32 $0xffff, v22;
	p0 =	slt.s32 s0, s2  }
0x1d1: {  	(v2sf) =	vpush v24, $0xF;
	s2 =	smov.u32 @p0 s0;
	s0 =	sxor.u32 $0x80000000, s28  }
0x1d2: {  	v22, _, _ =	vpop (xrf0);
	s28 =	spop (v2sf);
	p0 =	slt.s32 s2, s0  }
0x1d3: {  	(v2sf) =	vpush v22, $0xF;
	s0 =	smov.u32 @p0 s2;
	s2 =	sxor.u32 $0x80000000, s28  }
0x1d4: {  	s28 =	spop (v2sf);
	v22, _, _ =	vpop (xrf0);
	p0 =	slt.s32 s0, s2  }
0x1d5: {  	s2 =	smov.u32 @p0 s0;
	s0 =	sxor.u32 $0x80000000, s28;
	(v2sf) =	vpush v22, $0xF  }
0x1d6: {  	s28 =	spop (v2sf);
	v22, _, _ =	vpop (xrf0);
	p0 =	slt.s32 s2, s0  }
0x1d7: {  	(v2sf) =	vpush v22, $0xF;
	s0 =	smov.u32 @p0 s2;
	s2 =	sxor.u32 $0x80000000, s28  }
0x1d8: {  	s28 =	spop (v2sf);
	p0 =	slt.s32 s0, s2  }
0x1d9: {  	s2 =	smov.u32 @p0 s0;
	s0 =	sxor.u32 $0x80000000, s28  }
0x1da: {  	s28 =	spop (v2sf);
	p0 =	slt.s32 s2, s0  }
0x1db: {  	s0 =	smov.u32 @p0 s2;
	s2 =	sxor.u32 $0x80000000, s28  }
0x1dc: {  	s28 =	spop (v2sf);
	p0 =	slt.s32 s0, s2  }
0x1dd: {  	s2 =	smov.u32 @p0 s0;
	s0 =	sxor.u32 $0x80000000, s28  }
0x1de: {  	s28 =	spop (v2sf);
	p0 =	slt.s32 s2, s0  }
0x1df: {  	s0 =	smov.u32 @p0 s2;
	s2 =	sxor.u32 $0x80000000, s28  }
0x1e0: {  	s28 =	spop (v2sf);
	p0 =	slt.s32 s0, s2  }
0x1e1: {  	s2 =	smov.u32 @p0 s0;
	s0 =	sxor.u32 $0x80000000, s28  }
0x1e2: {  	s28 =	spop (v2sf);
	p0 =	slt.s32 s2, s0  }
0x1e3: {  	s0 =	smov.u32 @p0 s2;
	s2 =	sxor.u32 $0x80000000, s28  }
0x1e4: {  	s28 =	spop (v2sf);
	p0 =	slt.s32 s0, s2  }
0x1e5: {  	s2 =	smov.u32 @p0 s0;
	s0 =	sxor.u32 $0x80000000, s28  }
0x1e6: {  	s28 =	spop (v2sf);
	p0 =	slt.s32 s2, s0  }
0x1e7: {  	s0 =	smov.u32 @p0 s2;
	s2 =	sxor.u32 $0x80000000, s28  }
0x1e8: {  	p0 =	slt.s32 s0, s2  }
0x1e9: {  	s2 =	smov.u32 @p0 s0  }
0x1ea: {  	p0 =	slt.s32 s2, $0xFF  }
0x1eb: {  	v21 =	vshll.u32 v21, $0x8;
	[tilespmem:$0xCC00] =	vst v23;
	s0 =	simm.s32 $0x2000;
	s2 =	simm.s32 @!p0 $0xFF  }
0x1ec: {  	v24 =	vadd.s32 s2, v21;
	v21 =	vld [tilespmem:s0+$0x0]  }
0x1ed: {  	v23 =	vimm.s32 $0x0;
	v22 =	vimm.s32 $0x0;
	s28 =	simm.s32 $0x0;
	s2 =	simm.s32 $0x10  }
.LBB2_6:
0x1ee: {  	p0 =	sne.s32 s2, $0x1FF0;
	_ =	sdelay $0x2  }
0x1ef: {  	v25 =	vshrl.u32 v21, $0x10  }
0x1f0: {  	vm0 =	vle.s32 v25, v24  }
0x1f1: {  	v25 =	vsel vm0, $0x1, v15;
	v26 =	vmpcnt.ones.xlane vm0  }
0x1f2: {  	(xrf0) =	vadd.scan.msk.s32 $0xffff, v25  }
0x1f3: {  	v22 =	vadd.s32 v22, v26;
	_ =	sdelay $0x4  }
0x1f4: {  	v25, _, _ =	vpop (xrf0)  }
0x1f5: {  	v25 =	vadd.s32 v25, v23;
	v23 =	vmov v22  }
0x1f6: {  	v25 =	vadd.s32 $0xFFFFFFFF, v25;
	_ =	sdelay $0x3  }
.Ltmp2:
0x1f7: {  	(pc) =	sbr.rel @p0 .LBB2_6-.Ltmp2, $4  }
0x1f8: {  	[tilespmem:v25+s21+$0x0] =	vst.idx.msk vm0, v21;
	v21 =	vor.u32 s28, v0;
	s28 =	smov.u32 s2  }
0x1f9: {  	s0 =	sadd.s32 $0x10, s0;
	[tilespmem:v25+s22+$0x0] =	vst.idx.msk vm0, v21  }
0x1fa: {  	v21 =	vld [tilespmem:s0+$0x0]  }
0x1fb: {  	s2 =	sadd.s32 $0x10, s2  }
0x1fc: {  	_ =	sdelay $0x2  }
0x1fd: {  	v25 =	vshrl.u32 v21, $0x10  }
0x1fe: {  	vm0 =	vle.s32 v25, v24  }
0x1ff: {  	v25 =	vmpcnt.ones.xlane vm0;
	_ =	sdelay $0x1  }
0x200: {  	v24 =	vsel vm0, $0x1, v15;
	v22 =	vadd.s32 v22, v25  }
0x201: {  	(xrf0) =	vadd.scan.msk.s32 $0xffff, v24;
	v61 =	vxor.u32 $0x80000000, v22  }
0x202: {  	(xrf0) =	vmax.scan.msk.u32 $0xffff, v61;
	_ =	sdelay $0x4  }
0x203: {  	v62, _, _ =	vpop (xrf0)  }
0x204: {  	v63, _, _ =	vpop (xrf0)  }
0x205: {  	v23 =	vadd.s32 v62, v23;
	(v2sf) =	vpush v63, $0xF  }
0x206: {  	v22 =	vadd.s32 v0, v22;
	v23 =	vadd.s32 $0xFFFFFFFF, v23  }
0x207: {  	vm1 =	vlt.s32 v22, $0x2010;
	_ =	sdelay $0x3  }
0x208: {  	[tilespmem:v23+s21+$0x0] =	vst.idx.msk vm0, v21;
	v21 =	vor.u32 s28, v0  }
0x209: {  	[tilespmem:v23+s22+$0x0] =	vst.idx.msk vm0, v21  }
0x20a: {  	[tilespmem:v22+s21+$0x0] =	vst.idx.msk vm1, v20  }
0x20b: {  	[tilespmem:$0xCA00] =	vst v15  }
0x20c: {  	[tilespmem:$0xCA10] =	vst v15  }
0x20d: {  	[tilespmem:$0xCA20] =	vst v15  }
0x20e: {  	[tilespmem:$0xCA30] =	vst v15  }
0x20f: {  	[tilespmem:$0xCA40] =	vst v15  }
0x210: {  	[tilespmem:$0xCA50] =	vst v15  }
0x211: {  	[tilespmem:$0xCA60] =	vst v15;
	s0 =	spop (v2sf)  }
0x212: {  	[tilespmem:$0xCA70] =	vst v15;
	s30 =	sadd.s32 $0x8000000F, s0  }
0x213: {  	[tilespmem:$0xCA80] =	vst v15;
	s28 =	sshrl.u32 s30, $0x4  }
0x214: {  	[tilespmem:$0xCA90] =	vst v15;
	s29 =	sand.u32 $0xFFFFFFC, s28  }
0x215: {  	[tilespmem:$0xCAA0] =	vst v15;
	p0 =	seq.s32 s29, $0x0  }
.Ltmp3:
0x216: {  	[tilespmem:$0xCAB0] =	vst v15;
	(pc) =	sbr.rel @p0 .LBB2_10-.Ltmp3, $4  }
0x217: {  	[tilespmem:$0xCAC0] =	vst v15  }
0x218: {  	[tilespmem:$0xCAD0] =	vst v15  }
0x219: {  	[tilespmem:$0xCAE0] =	vst v15  }
0x21a: {  	[tilespmem:$0xCAF0] =	vst v15  }
0x21b: {  	s0 =	simm.s32 $0x60A0  }
0x21c: {  	v21 =	vld [tilespmem:s0+$0x10]  }
0x21d: {  	v22 =	vld [tilespmem:s0+$0xFFFFFFF0]  }
0x21e: {  	p3 =	sgt.u32 s29, $0x4  }
.Ltmp4:
0x21f: {  	_ = 	snop;
	(pc) =	sbr.rel @!p3 .LBB2_9-.Ltmp4, $4  }
0x220: {  	_ = 	snop  }
0x221: {  	v21 =	vand.u32 $0xFF, v21  }
0x222: {  	v23 =	vld [tilespmem:s0+$0x0];
	v22 =	vand.u32 $0xFF, v22;
	(xrf1) =	vunique.msk.u32 $0xffff, v21  }
0x223: {  	p1 =	por $0x0, $0x0;
	p2 =	por $0x0, $0x0;
	v24 =	vld [tilespmem:s0+$0xFFFFFFE0];
	s0 =	simm.s32 $0x60E0;
	(xrf1) =	vunique.msk.u32 $0xffff, v22  }
0x224: {  	_ =	sdelay $0x2  }
0x225: {  	v27 =	vld [tilespmem:s0+$0x10];
	v26 =	vand.u32 $0xFF, v23  }
0x226: {  	v28 =	vld [tilespmem:s0+$0xFFFFFFF0];
	v25 =	vand.u32 $0xFF, v24;
	(xrf1) =	vunique.msk.u32 $0xffff, v26  }
0x227: {  	(xrf1) =	vunique.msk.u32 $0xffff, v25;
	_ =	sdelay $0x2  }
0x228: {  	v31 =	vand.u32 $0xFF, v27  }
0x229: {  	v30 =	vand.u32 $0xFF, v28;
	(xrf1) =	vunique.msk.u32 $0xffff, v31  }
0x22a: {  	(xrf1) =	vunique.msk.u32 $0xffff, v30;
	_ =	sdelay $0x2  }
0x22b: {  	p3 =	sgt.u32 s29, $0x8  }
.Ltmp5:
0x22c: {  	_ = 	snop;
	(pc) =	sbr.rel @!p3 .LBB2_21-.Ltmp5, $3  }
0x22d: {  	_ =	sdelay $0x1  }
0x22e: {  	v23 =	vld [tilespmem:s0+$0x0]  }
0x22f: {  	p1 =	por $0x1, $0x1;
	v24 =	vld [tilespmem:s0+$0xFFFFFFE0];
	s0 =	simm.s32 $0x6120  }
0x230: {  	v28 =	vld [tilespmem:s0+$0x10]  }
0x231: {  	v29 =	vld [tilespmem:s0+$0xFFFFFFF0];
	_ =	sdelay $0x1  }
0x232: {  	v32 =	vand.u32 $0xFF, v23  }
0x233: {  	v33 =	vand.u32 $0xFF, v24;
	(xrf1) =	vunique.msk.u32 $0xffff, v32  }
0x234: {  	(xrf1) =	vunique.msk.u32 $0xffff, v33;
	v36 =	vand.u32 $0xFF, v28  }
0x235: {  	v34 =	vand.u32 $0xFF, v29;
	(xrf1) =	vunique.msk.u32 $0xffff, v36  }
0x236: {  	(xrf1) =	vunique.msk.u32 $0xffff, v34  }
0x237: {  	p3 =	sgt.u32 s29, $0xC  }
.Ltmp6:
0x238: {  	v23 =	vld [tilespmem:s0+$0x0];
	(pc) =	sbr.rel @!p3 .LBB2_23-.Ltmp6, $3  }
0x239: {  	_, v27, vm0 =	vpop (xrf1);
	v24 =	vld [tilespmem:s0+$0xFFFFFFE0];
	_ =	sdelay $0x1  }
0x23a: {  	_, v28, vm1 =	vpop (xrf1)  }
0x23b: {  	s2 =	simm.s32 $0xC;
	s31 =	simm.s32 $0x6160;
	p2 =	por $0x1, $0x1;
	_, v29, vm2 =	vpop (xrf1)  }
.LBB2_24:
0x23c: {  	v35 =	vld [tilespmem:s31+$0x10];
	s2 =	sadd.s32 $0x4, s2;
	v37 =	vand.u32 $0xFF, v23;
	_, v38, vm3 =	vpop (xrf1)  }
0x23d: {  	v39 =	vld [tilespmem:s31+$0xFFFFFFF0];
	p3 =	slt.u32 s2, s29;
	v40 =	vand.u32 $0xFF, v24;
	(xrf1) =	vunique.msk.u32 $0xffff, v37  }
0x23e: {  	(xrf1) =	vunique.msk.u32 $0xffff, v40;
	[tilespmem:v21+s13+$0x0] =	vst.idx.add.s32.msk vm0, v27;
	v21 =	vmov v31;
	v31 =	vmov v36  }
.Ltmp7:
0x23f: {  	v23 =	vld [tilespmem:s31+$0x0];
	(pc) =	sbr.rel @p3 .LBB2_24-.Ltmp7, $4  }
0x240: {  	v24 =	vld [tilespmem:s31+$0xFFFFFFE0];
	_, v27, vm0 =	vpop (xrf1)  }
0x241: {  	v36 =	vand.u32 $0xFF, v35;
	[tilespmem:v22+s13+$0x0] =	vst.idx.add.s32.msk vm1, v28;
	_, v28, vm1 =	vpop (xrf1);
	v22 =	vmov v30;
	v30 =	vmov v34  }
0x242: {  	v34 =	vand.u32 $0xFF, v39;
	(xrf1) =	vunique.msk.u32 $0xffff, v36;
	[tilespmem:v25+s13+$0x0] =	vst.idx.add.s32.msk vm3, v38;
	v25 =	vmovc v33;
	v33 =	vmov v40  }
0x243: {  	s31 =	sadd.s32 $0x40, s31;
	(xrf1) =	vunique.msk.u32 $0xffff, v34;
	[tilespmem:v26+s13+$0x0] =	vst.idx.add.s32.msk vm2, v29;
	_, v29, vm2 =	vpop (xrf1);
	v26 =	vmov v32;
	v32 =	vmov v37  }
0x244: {  	v35 =	vmovc v21;
	v37 =	vmovc v22;
	v39 =	vmov v25;
	v40 =	vmov v26;
	v38 =	vmov v31  }
0x245: {  	v21 =	vmovc v36;
	v36 =	vmovc v30;
	v22 =	vmov v34;
	v25 =	vmov v33;
	v26 =	vmov v32  }
.LBB2_26:
0x246: {  	v23 =	vand.u32 $0xFF, v23  }
0x247: {  	v24 =	vand.u32 $0xFF, v24;
	(xrf1) =	vunique.msk.u32 $0xffff, v23  }
0x248: {  	(xrf1) =	vunique.msk.u32 $0xffff, v24;
	_ =	sdelay $0x4  }
0x249: {  	_, v30, vm3 =	vpop @p2 (xrf1);
	v34 =	vmov @p1 v36  }
0x24a: {  	_, v31, vm4 =	vpop @p1 (xrf1)  }
0x24b: {  	v32 =	vmov @p1 v38;
	_, v33, vm5 =	vpop @p1 (xrf1);
	vm4 =	vmmov @p1 vm4  }
0x24c: {  	v32 =	vpsel p1, v32, v0;
	_, v36, vm6 =	vpop @p1 (xrf1);
	vm5 =	vmmov @p1 vm5  }
0x24d: {  	[tilespmem:v35+s13+$0x0] =	vst.idx.add.s32.msk @p2 vm0, v27;
	v27 =	vpsel p1, v34, v0;
	_, v34, vm0 =	vpop @p1 (xrf1)  }
0x24e: {  	[tilespmem:v37+s13+$0x0] =	vst.idx.add.s32.msk @p2 vm1, v28;
	v25 =	vpsel p1, v25, v0;
	vm1 =	vmmov @p1 vm6  }
0x24f: {  	v26 =	vpsel p1, v26, v0;
	[tilespmem:v40+s13+$0x0] =	vst.idx.add.s32.msk @p2 vm2, v29;
	_, v62, vm14 =	vpop (xrf1)  }
0x250: {  	v29 =	vpsel p1, v31, v0;
	[tilespmem:v39+s13+$0x0] =	vst.idx.add.s32.msk @p2 vm3, v30;
	_, v30, vm3 =	vpop (xrf1)  }
0x251: {  	[tilespmem:v32+s13+$0x0] =	vst.idx.add.s32.msk @p1 vm4, v29;
	v29 =	vpsel p1, v33, v0;
	_, v63, vm15 =	vpop (xrf1)  }
0x252: {  	[tilespmem:v27+s13+$0x0] =	vst.idx.add.s32.msk @p1 vm5, v29;
	_, v32, vm4 =	vpop (xrf1)  }
0x253: {  	[tilespmem:v25+s13+$0x0] =	vst.idx.add.s32.msk @p1 vm0, v34;
	v25 =	vpsel p1, v36, v0  }
0x254: {  	[tilespmem:v26+s13+$0x0] =	vst.idx.add.s32.msk @p1 vm1, v25  }
0x255: {  	[tilespmem:v21+s13+$0x0] =	vst.idx.add.s32.msk vm14, v62  }
0x256: {  	[tilespmem:v22+s13+$0x0] =	vst.idx.add.s32.msk vm3, v30  }
0x257: {  	[tilespmem:v23+s13+$0x0] =	vst.idx.add.s32.msk vm15, v63  }
0x258: {  	[tilespmem:v24+s13+$0x0] =	vst.idx.add.s32.msk vm4, v32  }
.LBB2_10:
0x259: {  	p1 =	seq.s32 s29, s28  }
.Ltmp8:
0x25a: {  	_ = 	snop;
	(pc) =	sbr.rel @p1 .LBB2_13-.Ltmp8, $1  }
0x25b: {  	_ =	sdelay $0x3  }
0x25c: {  	s0 =	sshll.u32 s30, $0x2  }
0x25d: {  	s0 =	sshra.s32 s0, $0x2  }
0x25e: {  	s0 =	sand.u32 $0xFFFFFFC0, s0  }
0x25f: {  	s2 =	smov.u32 s29;
	s0 =	sadd.s32 $0x6080, s0  }
.LBB2_12:
0x260: {  	v21 =	vld [tilespmem:s0+$0x0];
	_ =	sdelay $0x4  }
0x261: {  	v21 =	vand.u32 $0xFF, v21  }
0x262: {  	(xrf1) =	vunique.msk.u32 $0xffff, v21;
	_ =	sdelay $0xd  }
0x263: {  	s2 =	sadd.s32 $0x1, s2;
	_, v22, vm0 =	vpop (xrf1)  }
0x264: {  	p2 =	slt.u32 s2, s28  }
.Ltmp9:
0x265: {  	_ = 	snop;
	(pc) =	sbr.rel @p2 .LBB2_12-.Ltmp9, $2  }
0x266: {  	_ =	sdelay $0x2  }
0x267: {  	s0 =	sadd.s32 $0x10, s0;
	[tilespmem:v21+s13+$0x0] =	vst.idx.add.s32.msk vm0, v22  }
.LBB2_13:
0x268: {  	v21 =	vld [tilespmem:$0xCA00];
	_ =	sdelay $0x4  }
0x269: {  	(xrf0) =	vadd.scan.msk.s32 $0xffff, v21;
	_ =	sdelay $0x2  }
0x26a: {  	v22 =	vld [tilespmem:$0xCA10];
	_ =	sdelay $0x2  }
0x26b: {  	v23, _, _ =	vpop (xrf0)  }
0x26c: {  	v21 =	vsub.s32 v23, v21;
	[tilespmem:$0xCC00] =	vst v23  }
0x26d: {  	(xrf0) =	vadd.scan.msk.s32 $0xffff, v22;
	[tilespmem:$0xCA00] =	vst v21  }
0x26e: {  	v21 =	vld.idx.msk [tilespmem:v1+s19+$0x0], $0xffff;
	_ =	sdelay $0x3  }
0x26f: {  	v23 =	vld [tilespmem:$0xCA20]  }
0x270: {  	v24, _, _ =	vpop (xrf0);
	v22 =	vsub.s32 v21, v22  }
0x271: {  	[tilespmem:$0xCC00] =	vst v24;
	v22 =	vadd.s32 v24, v22  }
0x272: {  	[tilespmem:$0xCA10] =	vst v22  }
0x273: {  	v22 =	vld.idx.msk [tilespmem:v1+s19+$0x0], $0xffff  }
0x274: {  	(xrf0) =	vadd.scan.msk.s32 $0xffff, v23;
	_ =	sdelay $0x3  }
0x275: {  	v21 =	vadd.s32 v21, v22;
	v22 =	vld [tilespmem:$0xCA30];
	_ =	sdelay $0x1  }
0x276: {  	v51, _, _ =	vpop (xrf0);
	v23 =	vsub.s32 v21, v23  }
0x277: {  	[tilespmem:$0xCC00] =	vst v51;
	v23 =	vadd.s32 v51, v23  }
0x278: {  	[tilespmem:$0xCA20] =	vst v23  }
0x279: {  	v23 =	vld.idx.msk [tilespmem:v1+s19+$0x0], $0xffff;
	(xrf0) =	vadd.scan.msk.s32 $0xffff, v22;
	_ =	sdelay $0x4  }
0x27a: {  	v21 =	vadd.s32 v21, v23;
	v23 =	vld [tilespmem:$0xCA40]  }
0x27b: {  	v22 =	vsub.s32 v21, v22;
	v52, _, _ =	vpop (xrf0)  }
0x27c: {  	v22 =	vadd.s32 v52, v22;
	[tilespmem:$0xCC00] =	vst v52  }
0x27d: {  	[tilespmem:$0xCA30] =	vst v22  }
0x27e: {  	v22 =	vld.idx.msk [tilespmem:v1+s19+$0x0], $0xffff  }
0x27f: {  	(xrf0) =	vadd.scan.msk.s32 $0xffff, v23;
	_ =	sdelay $0x3  }
0x280: {  	v21 =	vadd.s32 v21, v22;
	v22 =	vld [tilespmem:$0xCA50];
	_ =	sdelay $0x1  }
0x281: {  	v53, _, _ =	vpop (xrf0);
	v23 =	vsub.s32 v21, v23  }
0x282: {  	v23 =	vadd.s32 v53, v23;
	[tilespmem:$0xCC00] =	vst v53  }
0x283: {  	[tilespmem:$0xCA40] =	vst v23  }
0x284: {  	v23 =	vld.idx.msk [tilespmem:v1+s19+$0x0], $0xffff;
	(xrf0) =	vadd.scan.msk.s32 $0xffff, v22;
	_ =	sdelay $0x4  }
0x285: {  	v21 =	vadd.s32 v21, v23;
	v23 =	vld [tilespmem:$0xCA60]  }
0x286: {  	v22 =	vsub.s32 v21, v22;
	v54, _, _ =	vpop (xrf0)  }
0x287: {  	v22 =	vadd.s32 v54, v22;
	[tilespmem:$0xCC00] =	vst v54  }
0x288: {  	[tilespmem:$0xCA50] =	vst v22  }
0x289: {  	v22 =	vld.idx.msk [tilespmem:v1+s19+$0x0], $0xffff  }
0x28a: {  	(xrf0) =	vadd.scan.msk.s32 $0xffff, v23;
	_ =	sdelay $0x3  }
0x28b: {  	v21 =	vadd.s32 v21, v22;
	v22 =	vld [tilespmem:$0xCA70];
	_ =	sdelay $0x1  }
0x28c: {  	v55, _, _ =	vpop (xrf0);
	v23 =	vsub.s32 v21, v23  }
0x28d: {  	v23 =	vadd.s32 v55, v23;
	[tilespmem:$0xCC00] =	vst v55  }
0x28e: {  	[tilespmem:$0xCA60] =	vst v23  }
0x28f: {  	v23 =	vld.idx.msk [tilespmem:v1+s19+$0x0], $0xffff;
	(xrf0) =	vadd.scan.msk.s32 $0xffff, v22;
	_ =	sdelay $0x4  }
0x290: {  	v21 =	vadd.s32 v21, v23;
	v23 =	vld [tilespmem:$0xCA80]  }
0x291: {  	v22 =	vsub.s32 v21, v22;
	v56, _, _ =	vpop (xrf0)  }
0x292: {  	v22 =	vadd.s32 v56, v22;
	[tilespmem:$0xCC00] =	vst v56  }
0x293: {  	[tilespmem:$0xCA70] =	vst v22  }
0x294: {  	v22 =	vld.idx.msk [tilespmem:v1+s19+$0x0], $0xffff  }
0x295: {  	(xrf0) =	vadd.scan.msk.s32 $0xffff, v23;
	_ =	sdelay $0x3  }
0x296: {  	v21 =	vadd.s32 v21, v22;
	v22 =	vld [tilespmem:$0xCA90];
	_ =	sdelay $0x1  }
0x297: {  	v57, _, _ =	vpop (xrf0);
	v23 =	vsub.s32 v21, v23  }
0x298: {  	v23 =	vadd.s32 v57, v23;
	[tilespmem:$0xCC00] =	vst v57  }
0x299: {  	[tilespmem:$0xCA80] =	vst v23  }
0x29a: {  	v23 =	vld.idx.msk [tilespmem:v1+s19+$0x0], $0xffff;
	(xrf0) =	vadd.scan.msk.s32 $0xffff, v22;
	_ =	sdelay $0x4  }
0x29b: {  	v21 =	vadd.s32 v21, v23;
	v23 =	vld [tilespmem:$0xCAA0]  }
0x29c: {  	v22 =	vsub.s32 v21, v22;
	v58, _, _ =	vpop (xrf0)  }
0x29d: {  	v22 =	vadd.s32 v58, v22;
	[tilespmem:$0xCC00] =	vst v58  }
0x29e: {  	[tilespmem:$0xCA90] =	vst v22  }
0x29f: {  	v22 =	vld.idx.msk [tilespmem:v1+s19+$0x0], $0xffff  }
0x2a0: {  	(xrf0) =	vadd.scan.msk.s32 $0xffff, v23;
	_ =	sdelay $0x3  }
0x2a1: {  	v21 =	vadd.s32 v21, v22;
	v22 =	vld [tilespmem:$0xCAB0];
	_ =	sdelay $0x1  }
0x2a2: {  	v59, _, _ =	vpop (xrf0);
	v23 =	vsub.s32 v21, v23  }
0x2a3: {  	v23 =	vadd.s32 v59, v23;
	[tilespmem:$0xCC00] =	vst v59  }
0x2a4: {  	[tilespmem:$0xCAA0] =	vst v23  }
0x2a5: {  	v23 =	vld.idx.msk [tilespmem:v1+s19+$0x0], $0xffff;
	(xrf0) =	vadd.scan.msk.s32 $0xffff, v22;
	_ =	sdelay $0x4  }
0x2a6: {  	v21 =	vadd.s32 v21, v23;
	v23 =	vld [tilespmem:$0xCAC0]  }
0x2a7: {  	v22 =	vsub.s32 v21, v22;
	v60, _, _ =	vpop (xrf0)  }
0x2a8: {  	v22 =	vadd.s32 v60, v22;
	[tilespmem:$0xCC00] =	vst v60  }
0x2a9: {  	[tilespmem:$0xCAB0] =	vst v22  }
0x2aa: {  	v22 =	vld.idx.msk [tilespmem:v1+s19+$0x0], $0xffff  }
0x2ab: {  	(xrf0) =	vadd.scan.msk.s32 $0xffff, v23;
	_ =	sdelay $0x3  }
0x2ac: {  	v21 =	vadd.s32 v21, v22;
	v22 =	vld [tilespmem:$0xCAD0];
	_ =	sdelay $0x1  }
0x2ad: {  	v61, _, _ =	vpop (xrf0);
	v23 =	vsub.s32 v21, v23  }
0x2ae: {  	v23 =	vadd.s32 v61, v23;
	[tilespmem:$0xCC00] =	vst v61  }
0x2af: {  	[tilespmem:$0xCAC0] =	vst v23  }
0x2b0: {  	v23 =	vld.idx.msk [tilespmem:v1+s19+$0x0], $0xffff;
	(xrf0) =	vadd.scan.msk.s32 $0xffff, v22;
	_ =	sdelay $0x4  }
0x2b1: {  	v21 =	vadd.s32 v21, v23;
	v23 =	vld [tilespmem:$0xCAE0]  }
0x2b2: {  	v22 =	vsub.s32 v21, v22;
	v62, _, _ =	vpop (xrf0)  }
0x2b3: {  	v22 =	vadd.s32 v62, v22;
	[tilespmem:$0xCC00] =	vst v62  }
0x2b4: {  	[tilespmem:$0xCAD0] =	vst v22  }
0x2b5: {  	v22 =	vld.idx.msk [tilespmem:v1+s19+$0x0], $0xffff  }
0x2b6: {  	(xrf0) =	vadd.scan.msk.s32 $0xffff, v23;
	_ =	sdelay $0x3  }
0x2b7: {  	v21 =	vadd.s32 v21, v22;
	v22 =	vld [tilespmem:$0xCAF0];
	_ =	sdelay $0x1  }
0x2b8: {  	v63, _, _ =	vpop (xrf0);
	v23 =	vsub.s32 v21, v23  }
0x2b9: {  	v23 =	vadd.s32 v63, v23;
	[tilespmem:$0xCC00] =	vst v63  }
0x2ba: {  	[tilespmem:$0xCAE0] =	vst v23  }
0x2bb: {  	v23 =	vld.idx.msk [tilespmem:v1+s19+$0x0], $0xffff;
	(xrf0) =	vadd.scan.msk.s32 $0xffff, v22;
	_ =	sdelay $0x2  }
0x2bc: {  	p2 =	seq.s32 s28, $0x0  }
.Ltmp10:
0x2bd: {  	_ = 	snop;
	(pc) =	sbr.rel @p2 .LBB2_17-.Ltmp10, $4  }
0x2be: {  	v21 =	vadd.s32 v21, v23  }
0x2bf: {  	v21 =	vsub.s32 v21, v22;
	v23, _, _ =	vpop (xrf0)  }
0x2c0: {  	v21 =	vadd.s32 v23, v21;
	[tilespmem:$0xCC00] =	vst v23  }
0x2c1: {  	[tilespmem:$0xCAF0] =	vst v21  }
0x2c2: {  	p3 =	sne.s32 s28, $0x1  }
.Ltmp11:
0x2c3: {  	_ = 	snop;
	(pc) =	sbr.rel @!p3 .LBB2_16-.Ltmp11, $4  }
0x2c4: {  	s2 =	simm.s32 $0x6080  }
0x2c5: {  	v21 =	vld [tilespmem:s2+$0x0]  }
0x2c6: {  	s31 =	simm.s32 $0xA180  }
0x2c7: {  	s0 =	sadd.s32 $0xFFFFFFFF, s28;
	v22 =	vld [tilespmem:s31+$0x0]  }
.LBB2_15:
0x2c8: {  	p3 =	sne.s32 s0, $0x1;
	_ =	sdelay $0x1  }
0x2c9: {  	v23 =	vand.u32 $0xFF, v21  }
0x2ca: {  	(xrf1) =	vunique.msk.u32 $0xffff, v23;
	_ =	sdelay $0x8  }
0x2cb: {  	v24 =	vld.idx.msk [tilespmem:v23+s13+$0x0], $0xffff;
	_ =	sdelay $0x4  }
0x2cc: {  	_, v25, vm0 =	vpop (xrf1)  }
0x2cd: {  	v24 =	vadd.s32 v25, v24  }
0x2ce: {  	v24 =	vadd.s32 $0xFFFFFFFF, v24;
	_ =	sdelay $0x4  }
0x2cf: {  	[tilespmem:v24+s24+$0x0] =	vst.idx.msk $0xffff, v21  }
.Ltmp12:
0x2d0: {  	[tilespmem:v24+s25+$0x0] =	vst.idx.msk $0xffff, v22;
	(pc) =	sbr.rel @p3 .LBB2_15-.Ltmp12, $4  }
0x2d1: {  	s2 =	sadd.s32 $0x10, s2;
	[tilespmem:v23+s13+$0x0] =	vst.idx.add.s32.msk vm0, v25  }
0x2d2: {  	s31 =	sadd.s32 $0x10, s31;
	v21 =	vld [tilespmem:s2+$0x0]  }
0x2d3: {  	v22 =	vld [tilespmem:s31+$0x0]  }
0x2d4: {  	s0 =	sadd.s32 $0xFFFFFFFF, s0  }
.LBB2_16:
0x2d5: {  	_ =	sdelay $0x1  }
0x2d6: {  	v23 =	vand.u32 $0xFF, v21  }
0x2d7: {  	(xrf1) =	vunique.msk.u32 $0xffff, v23;
	_ =	sdelay $0x9  }
0x2d8: {  	v24 =	vld.idx.msk [tilespmem:v23+s13+$0x0], $0xffff;
	_ =	sdelay $0x3  }
0x2d9: {  	_, v25, vm0 =	vpop (xrf1)  }
0x2da: {  	v24 =	vadd.s32 v25, v24  }
0x2db: {  	v24 =	vadd.s32 $0xFFFFFFFF, v24;
	_ =	sdelay $0x4  }
0x2dc: {  	[tilespmem:v24+s24+$0x0] =	vst.idx.msk $0xffff, v21  }
0x2dd: {  	[tilespmem:v24+s25+$0x0] =	vst.idx.msk $0xffff, v22  }
0x2de: {  	[tilespmem:v23+s13+$0x0] =	vst.idx.add.s32.msk vm0, v25  }
.LBB2_17:
0x2df: {  	[tilespmem:$0xCA00] =	vst v15  }
0x2e0: {  	[tilespmem:$0xCA10] =	vst v15  }
0x2e1: {  	[tilespmem:$0xCA20] =	vst v15  }
0x2e2: {  	[tilespmem:$0xCA30] =	vst v15  }
0x2e3: {  	[tilespmem:$0xCA40] =	vst v15  }
0x2e4: {  	[tilespmem:$0xCA50] =	vst v15  }
0x2e5: {  	[tilespmem:$0xCA60] =	vst v15  }
0x2e6: {  	[tilespmem:$0xCA70] =	vst v15  }
0x2e7: {  	[tilespmem:$0xCA80] =	vst v15  }
0x2e8: {  	[tilespmem:$0xCA90] =	vst v15  }
0x2e9: {  	[tilespmem:$0xCAA0] =	vst v15  }
.Ltmp13:
0x2ea: {  	[tilespmem:$0xCAB0] =	vst v15;
	(pc) =	sbr.rel @p0 .LBB2_27-.Ltmp13, $4  }
0x2eb: {  	[tilespmem:$0xCAC0] =	vst v15  }
0x2ec: {  	[tilespmem:$0xCAD0] =	vst v15  }
0x2ed: {  	[tilespmem:$0xCAE0] =	vst v15  }
0x2ee: {  	[tilespmem:$0xCAF0] =	vst v15  }
0x2ef: {  	s0 =	simm.s32 $0x4020  }
0x2f0: {  	v21 =	vld [tilespmem:s0+$0x10]  }
0x2f1: {  	v22 =	vld [tilespmem:s0+$0xFFFFFFF0]  }
0x2f2: {  	p5 =	sgt.u32 s29, $0x4;
	v24 =	vld [tilespmem:s0+$0x0]  }
.Ltmp14:
0x2f3: {  	_ = 	snop;
	(pc) =	sbr.rel @!p5 .LBB2_19-.Ltmp14, $4  }
0x2f4: {  	_ = 	snop  }
0x2f5: {  	v21 =	vshrl.u32 v21, $0x8  }
0x2f6: {  	v22 =	vshrl.u32 v22, $0x8;
	v21 =	vand.u32 $0xFF, v21  }
0x2f7: {  	p3 =	por $0x0, $0x0;
	p4 =	por $0x0, $0x0;
	v26 =	vld [tilespmem:s0+$0xFFFFFFE0];
	s0 =	simm.s32 $0x4060;
	v30 =	vshrl.u32 v24, $0x8;
	v23 =	vand.u32 $0xFF, v22;
	(xrf1) =	vunique.msk.u32 $0xffff, v21  }
0x2f8: {  	_ =	sdelay $0x2  }
0x2f9: {  	v24 =	vld [tilespmem:s0+$0x10]  }
0x2fa: {  	v25 =	vand.u32 $0xFF, v30;
	(xrf1) =	vunique.msk.u32 $0xffff, v23;
	v22 =	vshrl.u32 v26, $0x8  }
0x2fb: {  	(xrf1) =	vunique.msk.u32 $0xffff, v25;
	v22 =	vand.u32 $0xFF, v22  }
0x2fc: {  	(xrf1) =	vunique.msk.u32 $0xffff, v22;
	_ =	sdelay $0x1  }
0x2fd: {  	v24 =	vshrl.u32 v24, $0x8  }
0x2fe: {  	v32 =	vand.u32 $0xFF, v24  }
0x2ff: {  	(xrf1) =	vunique.msk.u32 $0xffff, v32;
	_ =	sdelay $0x1  }
0x300: {  	v27 =	vld [tilespmem:s0+$0xFFFFFFF0]  }
0x301: {  	v28 =	vld [tilespmem:s0+$0x0];
	p5 =	sgt.u32 s29, $0x8  }
.Ltmp15:
0x302: {  	_ = 	snop;
	(pc) =	sbr.rel @!p5 .LBB2_38-.Ltmp15, $3  }
0x303: {  	_ =	sdelay $0x1  }
0x304: {  	v27 =	vshrl.u32 v27, $0x8  }
0x305: {  	p3 =	por $0x1, $0x1;
	v26 =	vld [tilespmem:s0+$0xFFFFFFE0];
	s0 =	simm.s32 $0x40A0;
	v30 =	vshrl.u32 v28, $0x8;
	v33 =	vand.u32 $0xFF, v27  }
0x306: {  	v24 =	vld [tilespmem:s0+$0x10];
	_ =	sdelay $0x3  }
0x307: {  	v27 =	vand.u32 $0xFF, v30;
	(xrf1) =	vunique.msk.u32 $0xffff, v33;
	v26 =	vshrl.u32 v26, $0x8  }
0x308: {  	(xrf1) =	vunique.msk.u32 $0xffff, v27;
	v34 =	vand.u32 $0xFF, v26;
	v24 =	vshrl.u32 v24, $0x8  }
0x309: {  	(xrf1) =	vunique.msk.u32 $0xffff, v34;
	v36 =	vand.u32 $0xFF, v24  }
0x30a: {  	v29 =	vld [tilespmem:s0+$0xFFFFFFF0];
	(xrf1) =	vunique.msk.u32 $0xffff, v36  }
0x30b: {  	v31 =	vld [tilespmem:s0+$0x0];
	p5 =	sgt.u32 s29, $0xC  }
.Ltmp16:
0x30c: {  	_ = 	snop;
	(pc) =	sbr.rel @!p5 .LBB2_40-.Ltmp16, $4  }
0x30d: {  	v26 =	vld [tilespmem:s0+$0xFFFFFFE0]  }
0x30e: {  	_, v28, vm0 =	vpop (xrf1)  }
0x30f: {  	v30 =	vshrl.u32 v29, $0x8;
	_, v29, vm1 =	vpop (xrf1)  }
0x310: {  	s31 =	simm.s32 $0xC;
	s2 =	simm.s32 $0x40E0;
	p4 =	por $0x1, $0x1;
	v24 =	vand.u32 $0xFF, v30;
	v30 =	vshrl.u32 v31, $0x8;
	_, v31, vm2 =	vpop (xrf1)  }
.LBB2_41:
0x311: {  	v35 =	vld [tilespmem:s2+$0x10];
	s31 =	sadd.s32 $0x4, s31;
	(xrf1) =	vunique.msk.u32 $0xffff, v24;
	v37 =	vmovc v27;
	v27 =	vand.u32 $0xFF, v30;
	v38 =	vmov v22;
	v22 =	vmov v34  }
0x312: {  	v30 =	vld [tilespmem:s2+$0xFFFFFFF0];
	p5 =	slt.u32 s31, s29;
	v26 =	vshrl.u32 v26, $0x8;
	(xrf1) =	vunique.msk.u32 $0xffff, v27;
	_, v39, vm3 =	vpop (xrf1)  }
0x313: {  	v40 =	vld [tilespmem:s2+$0x0];
	v34 =	vand.u32 $0xFF, v26  }
.Ltmp17:
0x314: {  	(xrf1) =	vunique.msk.u32 $0xffff, v34;
	[tilespmem:v21+s13+$0x0] =	vst.idx.add.s32.msk vm0, v28;
	v21 =	vmov v32;
	v32 =	vmov v36;
	(pc) =	sbr.rel @p5 .LBB2_41-.Ltmp17, $4  }
0x315: {  	v26 =	vld [tilespmem:s2+$0xFFFFFFE0]  }
0x316: {  	v35 =	vshrl.u32 v35, $0x8;
	_, v28, vm0 =	vpop (xrf1);
	[tilespmem:v23+s13+$0x0] =	vst.idx.add.s32.msk vm1, v29;
	v23 =	vmov v33;
	v33 =	vmov v24  }
0x317: {  	v24 =	vshrl.u32 v30, $0x8;
	v36 =	vand.u32 $0xFF, v35;
	_, v29, vm1 =	vpop (xrf1);
	[tilespmem:v25+s13+$0x0] =	vst.idx.add.s32.msk vm2, v31;
	v25 =	vmov v37  }
0x318: {  	s2 =	sadd.s32 $0x40, s2;
	v24 =	vand.u32 $0xFF, v24;
	v30 =	vshrl.u32 v40, $0x8;
	(xrf1) =	vunique.msk.u32 $0xffff, v36;
	_, v31, vm2 =	vpop (xrf1);
	[tilespmem:v38+s13+$0x0] =	vst.idx.add.s32.msk vm3, v39  }
0x319: {  	v35 =	vmov v22;
	v37 =	vmov v21  }
0x31a: {  	v38 =	vmovc v23;
	v22 =	vmovc v34;
	v34 =	vmov v32;
	v21 =	vmov v36;
	v23 =	vmov v33  }
.LBB2_43:
0x31b: {  	v30 =	vand.u32 $0xFF, v30;
	(xrf1) =	vunique.msk.u32 $0xffff, v24;
	v26 =	vshrl.u32 v26, $0x8  }
0x31c: {  	(xrf1) =	vunique.msk.u32 $0xffff, v30;
	v26 =	vand.u32 $0xFF, v26  }
0x31d: {  	(xrf1) =	vunique.msk.u32 $0xffff, v26;
	_ =	sdelay $0x4  }
0x31e: {  	_, v32, vm3 =	vpop @p4 (xrf1)  }
0x31f: {  	_, v33, vm4 =	vpop @p3 (xrf1)  }
0x320: {  	_, v36, vm5 =	vpop @p3 (xrf1);
	vm4 =	vmmov @p3 vm4  }
0x321: {  	v34 =	vpsel p3, v34, v0;
	[tilespmem:v37+s13+$0x0] =	vst.idx.add.s32.msk @p4 vm0, v28;
	_, v39, vm6 =	vpop @p3 (xrf1);
	vm5 =	vmmov @p3 vm5  }
0x322: {  	v23 =	vpsel p3, v23, v0;
	[tilespmem:v38+s13+$0x0] =	vst.idx.add.s32.msk @p4 vm1, v29;
	v29 =	vpsel p3, v33, v0;
	vm0 =	vmmov @p3 vm6  }
0x323: {  	v27 =	vpsel p3, v27, v0;
	_, v28, vm1 =	vpop @p3 (xrf1)  }
0x324: {  	v22 =	vpsel p3, v22, v0;
	[tilespmem:v25+s13+$0x0] =	vst.idx.add.s32.msk @p4 vm2, v31;
	_, v25, vm2 =	vpop (xrf1)  }
0x325: {  	[tilespmem:v35+s13+$0x0] =	vst.idx.add.s32.msk @p4 vm3, v32;
	_, v63, vm15 =	vpop (xrf1)  }
0x326: {  	v32 =	vpsel p3, v36, v0;
	[tilespmem:v34+s13+$0x0] =	vst.idx.add.s32.msk @p3 vm4, v29;
	_, v29, vm4 =	vpop (xrf1)  }
0x327: {  	v33 =	vpsel p3, v39, v0;
	[tilespmem:v23+s13+$0x0] =	vst.idx.add.s32.msk @p3 vm5, v32;
	_, v23, vm5 =	vpop (xrf1)  }
0x328: {  	[tilespmem:v27+s13+$0x0] =	vst.idx.add.s32.msk @p3 vm0, v33  }
0x329: {  	[tilespmem:v22+s13+$0x0] =	vst.idx.add.s32.msk @p3 vm1, v28  }
0x32a: {  	[tilespmem:v21+s13+$0x0] =	vst.idx.add.s32.msk vm2, v25  }
0x32b: {  	[tilespmem:v24+s13+$0x0] =	vst.idx.add.s32.msk vm15, v63  }
0x32c: {  	[tilespmem:v30+s13+$0x0] =	vst.idx.add.s32.msk vm4, v29  }
0x32d: {  	[tilespmem:v26+s13+$0x0] =	vst.idx.add.s32.msk vm5, v23  }
.LBB2_27:
.Ltmp18:
0x32e: {  	(pc) =	sbr.rel @p1 .LBB2_30-.Ltmp18, $1  }
0x32f: {  	_ =	sdelay $0x3  }
0x330: {  	s0 =	sshll.u32 s30, $0x2  }
0x331: {  	s0 =	sshra.s32 s0, $0x2  }
0x332: {  	s0 =	sand.u32 $0xFFFFFFC0, s0  }
0x333: {  	s2 =	smov.u32 s29;
	s0 =	sadd.s32 $0x4000, s0  }
.LBB2_29:
0x334: {  	v21 =	vld [tilespmem:s0+$0x0];
	_ =	sdelay $0x4  }
0x335: {  	v21 =	vshrl.u32 v21, $0x8  }
0x336: {  	v21 =	vand.u32 $0xFF, v21  }
0x337: {  	(xrf1) =	vunique.msk.u32 $0xffff, v21;
	_ =	sdelay $0xd  }
0x338: {  	s2 =	sadd.s32 $0x1, s2;
	_, v22, vm0 =	vpop (xrf1)  }
0x339: {  	p3 =	slt.u32 s2, s28  }
.Ltmp19:
0x33a: {  	_ = 	snop;
	(pc) =	sbr.rel @p3 .LBB2_29-.Ltmp19, $2  }
0x33b: {  	_ =	sdelay $0x2  }
0x33c: {  	s0 =	sadd.s32 $0x10, s0;
	[tilespmem:v21+s13+$0x0] =	vst.idx.add.s32.msk vm0, v22  }
.LBB2_30:
0x33d: {  	v21 =	vld [tilespmem:$0xCA00];
	_ =	sdelay $0x4  }
0x33e: {  	(xrf0) =	vadd.scan.msk.s32 $0xffff, v21;
	_ =	sdelay $0x2  }
0x33f: {  	v22 =	vld [tilespmem:$0xCA10];
	_ =	sdelay $0x2  }
0x340: {  	v23, _, _ =	vpop (xrf0)  }
0x341: {  	v21 =	vsub.s32 v23, v21;
	[tilespmem:$0xCC00] =	vst v23  }
0x342: {  	(xrf0) =	vadd.scan.msk.s32 $0xffff, v22;
	[tilespmem:$0xCA00] =	vst v21  }
0x343: {  	v21 =	vld.idx.msk [tilespmem:v1+s19+$0x0], $0xffff;
	_ =	sdelay $0x3  }
0x344: {  	v23 =	vld [tilespmem:$0xCA20]  }
0x345: {  	v24, _, _ =	vpop (xrf0);
	v22 =	vsub.s32 v21, v22  }
0x346: {  	[tilespmem:$0xCC00] =	vst v24;
	v22 =	vadd.s32 v24, v22  }
0x347: {  	[tilespmem:$0xCA10] =	vst v22  }
0x348: {  	v22 =	vld.idx.msk [tilespmem:v1+s19+$0x0], $0xffff  }
0x349: {  	(xrf0) =	vadd.scan.msk.s32 $0xffff, v23;
	_ =	sdelay $0x3  }
0x34a: {  	v21 =	vadd.s32 v21, v22;
	v22 =	vld [tilespmem:$0xCA30];
	_ =	sdelay $0x1  }
0x34b: {  	v51, _, _ =	vpop (xrf0);
	v23 =	vsub.s32 v21, v23  }
0x34c: {  	[tilespmem:$0xCC00] =	vst v51;
	v23 =	vadd.s32 v51, v23  }
0x34d: {  	[tilespmem:$0xCA20] =	vst v23  }
0x34e: {  	v23 =	vld.idx.msk [tilespmem:v1+s19+$0x0], $0xffff;
	(xrf0) =	vadd.scan.msk.s32 $0xffff, v22;
	_ =	sdelay $0x4  }
0x34f: {  	v21 =	vadd.s32 v21, v23;
	v23 =	vld [tilespmem:$0xCA40]  }
0x350: {  	v22 =	vsub.s32 v21, v22;
	v52, _, _ =	vpop (xrf0)  }
0x351: {  	v22 =	vadd.s32 v52, v22;
	[tilespmem:$0xCC00] =	vst v52  }
0x352: {  	[tilespmem:$0xCA30] =	vst v22  }
0x353: {  	v22 =	vld.idx.msk [tilespmem:v1+s19+$0x0], $0xffff  }
0x354: {  	(xrf0) =	vadd.scan.msk.s32 $0xffff, v23;
	_ =	sdelay $0x3  }
0x355: {  	v21 =	vadd.s32 v21, v22;
	v22 =	vld [tilespmem:$0xCA50];
	_ =	sdelay $0x1  }
0x356: {  	v53, _, _ =	vpop (xrf0);
	v23 =	vsub.s32 v21, v23  }
0x357: {  	v23 =	vadd.s32 v53, v23;
	[tilespmem:$0xCC00] =	vst v53  }
0x358: {  	[tilespmem:$0xCA40] =	vst v23  }
0x359: {  	v23 =	vld.idx.msk [tilespmem:v1+s19+$0x0], $0xffff;
	(xrf0) =	vadd.scan.msk.s32 $0xffff, v22;
	_ =	sdelay $0x4  }
0x35a: {  	v21 =	vadd.s32 v21, v23;
	v23 =	vld [tilespmem:$0xCA60]  }
0x35b: {  	v22 =	vsub.s32 v21, v22;
	v54, _, _ =	vpop (xrf0)  }
0x35c: {  	v22 =	vadd.s32 v54, v22;
	[tilespmem:$0xCC00] =	vst v54  }
0x35d: {  	[tilespmem:$0xCA50] =	vst v22  }
0x35e: {  	v22 =	vld.idx.msk [tilespmem:v1+s19+$0x0], $0xffff  }
0x35f: {  	(xrf0) =	vadd.scan.msk.s32 $0xffff, v23;
	_ =	sdelay $0x3  }
0x360: {  	v21 =	vadd.s32 v21, v22;
	v22 =	vld [tilespmem:$0xCA70];
	_ =	sdelay $0x1  }
0x361: {  	v55, _, _ =	vpop (xrf0);
	v23 =	vsub.s32 v21, v23  }
0x362: {  	v23 =	vadd.s32 v55, v23;
	[tilespmem:$0xCC00] =	vst v55  }
0x363: {  	[tilespmem:$0xCA60] =	vst v23  }
0x364: {  	v23 =	vld.idx.msk [tilespmem:v1+s19+$0x0], $0xffff;
	(xrf0) =	vadd.scan.msk.s32 $0xffff, v22;
	_ =	sdelay $0x4  }
0x365: {  	v21 =	vadd.s32 v21, v23;
	v23 =	vld [tilespmem:$0xCA80]  }
0x366: {  	v22 =	vsub.s32 v21, v22;
	v56, _, _ =	vpop (xrf0)  }
0x367: {  	v22 =	vadd.s32 v56, v22;
	[tilespmem:$0xCC00] =	vst v56  }
0x368: {  	[tilespmem:$0xCA70] =	vst v22  }
0x369: {  	v22 =	vld.idx.msk [tilespmem:v1+s19+$0x0], $0xffff  }
0x36a: {  	(xrf0) =	vadd.scan.msk.s32 $0xffff, v23;
	_ =	sdelay $0x3  }
0x36b: {  	v21 =	vadd.s32 v21, v22;
	v22 =	vld [tilespmem:$0xCA90];
	_ =	sdelay $0x1  }
0x36c: {  	v57, _, _ =	vpop (xrf0);
	v23 =	vsub.s32 v21, v23  }
0x36d: {  	v23 =	vadd.s32 v57, v23;
	[tilespmem:$0xCC00] =	vst v57  }
0x36e: {  	[tilespmem:$0xCA80] =	vst v23  }
0x36f: {  	v23 =	vld.idx.msk [tilespmem:v1+s19+$0x0], $0xffff;
	(xrf0) =	vadd.scan.msk.s32 $0xffff, v22;
	_ =	sdelay $0x4  }
0x370: {  	v21 =	vadd.s32 v21, v23;
	v23 =	vld [tilespmem:$0xCAA0]  }
0x371: {  	v22 =	vsub.s32 v21, v22;
	v58, _, _ =	vpop (xrf0)  }
0x372: {  	v22 =	vadd.s32 v58, v22;
	[tilespmem:$0xCC00] =	vst v58  }
0x373: {  	[tilespmem:$0xCA90] =	vst v22  }
0x374: {  	v22 =	vld.idx.msk [tilespmem:v1+s19+$0x0], $0xffff  }
0x375: {  	(xrf0) =	vadd.scan.msk.s32 $0xffff, v23;
	_ =	sdelay $0x3  }
0x376: {  	v21 =	vadd.s32 v21, v22;
	v22 =	vld [tilespmem:$0xCAB0];
	_ =	sdelay $0x1  }
0x377: {  	v59, _, _ =	vpop (xrf0);
	v23 =	vsub.s32 v21, v23  }
0x378: {  	v23 =	vadd.s32 v59, v23;
	[tilespmem:$0xCC00] =	vst v59  }
0x379: {  	[tilespmem:$0xCAA0] =	vst v23  }
0x37a: {  	v23 =	vld.idx.msk [tilespmem:v1+s19+$0x0], $0xffff;
	(xrf0) =	vadd.scan.msk.s32 $0xffff, v22;
	_ =	sdelay $0x4  }
0x37b: {  	v21 =	vadd.s32 v21, v23;
	v23 =	vld [tilespmem:$0xCAC0]  }
0x37c: {  	v22 =	vsub.s32 v21, v22;
	v60, _, _ =	vpop (xrf0)  }
0x37d: {  	v22 =	vadd.s32 v60, v22;
	[tilespmem:$0xCC00] =	vst v60  }
0x37e: {  	[tilespmem:$0xCAB0] =	vst v22  }
0x37f: {  	v22 =	vld.idx.msk [tilespmem:v1+s19+$0x0], $0xffff  }
0x380: {  	(xrf0) =	vadd.scan.msk.s32 $0xffff, v23;
	_ =	sdelay $0x3  }
0x381: {  	v21 =	vadd.s32 v21, v22;
	v22 =	vld [tilespmem:$0xCAD0];
	_ =	sdelay $0x1  }
0x382: {  	v61, _, _ =	vpop (xrf0);
	v23 =	vsub.s32 v21, v23  }
0x383: {  	v23 =	vadd.s32 v61, v23;
	[tilespmem:$0xCC00] =	vst v61  }
0x384: {  	[tilespmem:$0xCAC0] =	vst v23  }
0x385: {  	v23 =	vld.idx.msk [tilespmem:v1+s19+$0x0], $0xffff;
	(xrf0) =	vadd.scan.msk.s32 $0xffff, v22;
	_ =	sdelay $0x4  }
0x386: {  	v21 =	vadd.s32 v21, v23;
	v23 =	vld [tilespmem:$0xCAE0]  }
0x387: {  	v22 =	vsub.s32 v21, v22;
	v62, _, _ =	vpop (xrf0)  }
0x388: {  	v22 =	vadd.s32 v62, v22;
	[tilespmem:$0xCC00] =	vst v62  }
0x389: {  	[tilespmem:$0xCAD0] =	vst v22  }
0x38a: {  	v22 =	vld.idx.msk [tilespmem:v1+s19+$0x0], $0xffff  }
0x38b: {  	(xrf0) =	vadd.scan.msk.s32 $0xffff, v23;
	_ =	sdelay $0x3  }
0x38c: {  	v21 =	vadd.s32 v21, v22;
	v22 =	vld [tilespmem:$0xCAF0];
	_ =	sdelay $0x1  }
0x38d: {  	v63, _, _ =	vpop (xrf0);
	v23 =	vsub.s32 v21, v23  }
0x38e: {  	v23 =	vadd.s32 v63, v23;
	[tilespmem:$0xCC00] =	vst v63  }
0x38f: {  	[tilespmem:$0xCAE0] =	vst v23  }
0x390: {  	v23 =	vld.idx.msk [tilespmem:v1+s19+$0x0], $0xffff;
	(xrf0) =	vadd.scan.msk.s32 $0xffff, v22;
	_ =	sdelay $0x3  }
.Ltmp20:
0x391: {  	_ = 	snop;
	(pc) =	sbr.rel @p2 .LBB2_34-.Ltmp20, $4  }
0x392: {  	v21 =	vadd.s32 v21, v23  }
0x393: {  	v21 =	vsub.s32 v21, v22;
	v23, _, _ =	vpop (xrf0)  }
0x394: {  	v21 =	vadd.s32 v23, v21;
	[tilespmem:$0xCC00] =	vst v23  }
0x395: {  	[tilespmem:$0xCAF0] =	vst v21  }
0x396: {  	p3 =	sne.s32 s28, $0x1  }
.Ltmp21:
0x397: {  	_ = 	snop;
	(pc) =	sbr.rel @!p3 .LBB2_33-.Ltmp21, $4  }
0x398: {  	s31 =	simm.s32 $0x4000  }
0x399: {  	v21 =	vld [tilespmem:s31+$0x0]  }
0x39a: {  	s2 =	simm.s32 $0x8100  }
0x39b: {  	s0 =	sadd.s32 $0xFFFFFFFF, s28;
	v22 =	vld [tilespmem:s2+$0x0]  }
.LBB2_32:
0x39c: {  	p3 =	sne.s32 s0, $0x1;
	_ =	sdelay $0x1  }
0x39d: {  	v23 =	vshrl.u32 v21, $0x8  }
0x39e: {  	v23 =	vand.u32 $0xFF, v23  }
0x39f: {  	(xrf1) =	vunique.msk.u32 $0xffff, v23;
	_ =	sdelay $0x8  }
0x3a0: {  	v24 =	vld.idx.msk [tilespmem:v23+s13+$0x0], $0xffff;
	_ =	sdelay $0x4  }
0x3a1: {  	_, v25, vm0 =	vpop (xrf1)  }
0x3a2: {  	v24 =	vadd.s32 v25, v24  }
0x3a3: {  	v24 =	vadd.s32 $0xFFFFFFFF, v24;
	_ =	sdelay $0x4  }
0x3a4: {  	[tilespmem:v24+s21+$0x0] =	vst.idx.msk $0xffff, v21  }
.Ltmp22:
0x3a5: {  	[tilespmem:v24+s22+$0x0] =	vst.idx.msk $0xffff, v22;
	(pc) =	sbr.rel @p3 .LBB2_32-.Ltmp22, $4  }
0x3a6: {  	s31 =	sadd.s32 $0x10, s31;
	[tilespmem:v23+s13+$0x0] =	vst.idx.add.s32.msk vm0, v25  }
0x3a7: {  	s2 =	sadd.s32 $0x10, s2;
	v21 =	vld [tilespmem:s31+$0x0]  }
0x3a8: {  	v22 =	vld [tilespmem:s2+$0x0]  }
0x3a9: {  	s0 =	sadd.s32 $0xFFFFFFFF, s0  }
.LBB2_33:
0x3aa: {  	_ =	sdelay $0x1  }
0x3ab: {  	v23 =	vshrl.u32 v21, $0x8  }
0x3ac: {  	v23 =	vand.u32 $0xFF, v23  }
0x3ad: {  	(xrf1) =	vunique.msk.u32 $0xffff, v23;
	_ =	sdelay $0x9  }
0x3ae: {  	v24 =	vld.idx.msk [tilespmem:v23+s13+$0x0], $0xffff;
	_ =	sdelay $0x3  }
0x3af: {  	_, v25, vm0 =	vpop (xrf1)  }
0x3b0: {  	v24 =	vadd.s32 v25, v24  }
0x3b1: {  	v24 =	vadd.s32 $0xFFFFFFFF, v24;
	_ =	sdelay $0x4  }
0x3b2: {  	[tilespmem:v24+s21+$0x0] =	vst.idx.msk $0xffff, v21  }
0x3b3: {  	[tilespmem:v24+s22+$0x0] =	vst.idx.msk $0xffff, v22  }
0x3b4: {  	[tilespmem:v23+s13+$0x0] =	vst.idx.add.s32.msk vm0, v25  }
.LBB2_34:
0x3b5: {  	[tilespmem:$0xCA00] =	vst v15  }
0x3b6: {  	[tilespmem:$0xCA10] =	vst v15  }
0x3b7: {  	[tilespmem:$0xCA20] =	vst v15  }
0x3b8: {  	[tilespmem:$0xCA30] =	vst v15  }
0x3b9: {  	[tilespmem:$0xCA40] =	vst v15  }
0x3ba: {  	[tilespmem:$0xCA50] =	vst v15  }
0x3bb: {  	[tilespmem:$0xCA60] =	vst v15  }
0x3bc: {  	[tilespmem:$0xCA70] =	vst v15  }
0x3bd: {  	[tilespmem:$0xCA80] =	vst v15  }
0x3be: {  	[tilespmem:$0xCA90] =	vst v15  }
0x3bf: {  	[tilespmem:$0xCAA0] =	vst v15  }
.Ltmp23:
0x3c0: {  	[tilespmem:$0xCAB0] =	vst v15;
	(pc) =	sbr.rel @p0 .LBB2_44-.Ltmp23, $4  }
0x3c1: {  	[tilespmem:$0xCAC0] =	vst v15  }
0x3c2: {  	[tilespmem:$0xCAD0] =	vst v15  }
0x3c3: {  	[tilespmem:$0xCAE0] =	vst v15  }
0x3c4: {  	[tilespmem:$0xCAF0] =	vst v15  }
0x3c5: {  	s0 =	simm.s32 $0x60A0  }
0x3c6: {  	v21 =	vld [tilespmem:s0+$0x10]  }
0x3c7: {  	v22 =	vld [tilespmem:s0+$0xFFFFFFF0]  }
0x3c8: {  	p5 =	sgt.u32 s29, $0x4;
	v24 =	vld [tilespmem:s0+$0x0]  }
.Ltmp24:
0x3c9: {  	_ = 	snop;
	(pc) =	sbr.rel @!p5 .LBB2_36-.Ltmp24, $4  }
0x3ca: {  	_ = 	snop  }
0x3cb: {  	v21 =	vshrl.u32 v21, $0x10  }
0x3cc: {  	v22 =	vshrl.u32 v22, $0x10;
	v21 =	vand.u32 $0xFF, v21  }
0x3cd: {  	p3 =	por $0x0, $0x0;
	p4 =	por $0x0, $0x0;
	v26 =	vld [tilespmem:s0+$0xFFFFFFE0];
	s0 =	simm.s32 $0x60E0;
	v30 =	vshrl.u32 v24, $0x10;
	v23 =	vand.u32 $0xFF, v22;
	(xrf1) =	vunique.msk.u32 $0xffff, v21  }
0x3ce: {  	_ =	sdelay $0x2  }
0x3cf: {  	v24 =	vld [tilespmem:s0+$0x10]  }
0x3d0: {  	v25 =	vand.u32 $0xFF, v30;
	(xrf1) =	vunique.msk.u32 $0xffff, v23;
	v22 =	vshrl.u32 v26, $0x10  }
0x3d1: {  	(xrf1) =	vunique.msk.u32 $0xffff, v25;
	v22 =	vand.u32 $0xFF, v22  }
0x3d2: {  	(xrf1) =	vunique.msk.u32 $0xffff, v22;
	_ =	sdelay $0x1  }
0x3d3: {  	v24 =	vshrl.u32 v24, $0x10  }
0x3d4: {  	v32 =	vand.u32 $0xFF, v24  }
0x3d5: {  	(xrf1) =	vunique.msk.u32 $0xffff, v32;
	_ =	sdelay $0x1  }
0x3d6: {  	v27 =	vld [tilespmem:s0+$0xFFFFFFF0]  }
0x3d7: {  	v28 =	vld [tilespmem:s0+$0x0];
	p5 =	sgt.u32 s29, $0x8  }
.Ltmp25:
0x3d8: {  	_ = 	snop;
	(pc) =	sbr.rel @!p5 .LBB2_55-.Ltmp25, $3  }
0x3d9: {  	_ =	sdelay $0x1  }
0x3da: {  	v27 =	vshrl.u32 v27, $0x10  }
0x3db: {  	p3 =	por $0x1, $0x1;
	v26 =	vld [tilespmem:s0+$0xFFFFFFE0];
	s0 =	simm.s32 $0x6120;
	v30 =	vshrl.u32 v28, $0x10;
	v33 =	vand.u32 $0xFF, v27  }
0x3dc: {  	v24 =	vld [tilespmem:s0+$0x10];
	_ =	sdelay $0x3  }
0x3dd: {  	v27 =	vand.u32 $0xFF, v30;
	(xrf1) =	vunique.msk.u32 $0xffff, v33;
	v26 =	vshrl.u32 v26, $0x10  }
0x3de: {  	(xrf1) =	vunique.msk.u32 $0xffff, v27;
	v34 =	vand.u32 $0xFF, v26;
	v24 =	vshrl.u32 v24, $0x10  }
0x3df: {  	(xrf1) =	vunique.msk.u32 $0xffff, v34;
	v36 =	vand.u32 $0xFF, v24  }
0x3e0: {  	v29 =	vld [tilespmem:s0+$0xFFFFFFF0];
	(xrf1) =	vunique.msk.u32 $0xffff, v36  }
0x3e1: {  	v31 =	vld [tilespmem:s0+$0x0];
	p5 =	sgt.u32 s29, $0xC  }
.Ltmp26:
0x3e2: {  	_ = 	snop;
	(pc) =	sbr.rel @!p5 .LBB2_57-.Ltmp26, $4  }
0x3e3: {  	v26 =	vld [tilespmem:s0+$0xFFFFFFE0]  }
0x3e4: {  	_, v28, vm0 =	vpop (xrf1)  }
0x3e5: {  	v30 =	vshrl.u32 v29, $0x10;
	_, v29, vm1 =	vpop (xrf1)  }
0x3e6: {  	s31 =	simm.s32 $0xC;
	s2 =	simm.s32 $0x6160;
	p4 =	por $0x1, $0x1;
	v24 =	vand.u32 $0xFF, v30;
	v30 =	vshrl.u32 v31, $0x10;
	_, v31, vm2 =	vpop (xrf1)  }
.LBB2_58:
0x3e7: {  	v35 =	vld [tilespmem:s2+$0x10];
	s31 =	sadd.s32 $0x4, s31;
	(xrf1) =	vunique.msk.u32 $0xffff, v24;
	v37 =	vmovc v27;
	v27 =	vand.u32 $0xFF, v30;
	v38 =	vmov v22;
	v22 =	vmov v34  }
0x3e8: {  	v30 =	vld [tilespmem:s2+$0xFFFFFFF0];
	p5 =	slt.u32 s31, s29;
	v26 =	vshrl.u32 v26, $0x10;
	(xrf1) =	vunique.msk.u32 $0xffff, v27;
	_, v39, vm3 =	vpop (xrf1)  }
0x3e9: {  	v40 =	vld [tilespmem:s2+$0x0];
	v34 =	vand.u32 $0xFF, v26  }
.Ltmp27:
0x3ea: {  	(xrf1) =	vunique.msk.u32 $0xffff, v34;
	[tilespmem:v21+s13+$0x0] =	vst.idx.add.s32.msk vm0, v28;
	v21 =	vmov v32;
	v32 =	vmov v36;
	(pc) =	sbr.rel @p5 .LBB2_58-.Ltmp27, $4  }
0x3eb: {  	v26 =	vld [tilespmem:s2+$0xFFFFFFE0]  }
0x3ec: {  	v35 =	vshrl.u32 v35, $0x10;
	_, v28, vm0 =	vpop (xrf1);
	[tilespmem:v23+s13+$0x0] =	vst.idx.add.s32.msk vm1, v29;
	v23 =	vmov v33;
	v33 =	vmov v24  }
0x3ed: {  	v24 =	vshrl.u32 v30, $0x10;
	v36 =	vand.u32 $0xFF, v35;
	_, v29, vm1 =	vpop (xrf1);
	[tilespmem:v25+s13+$0x0] =	vst.idx.add.s32.msk vm2, v31;
	v25 =	vmov v37  }
0x3ee: {  	s2 =	sadd.s32 $0x40, s2;
	v24 =	vand.u32 $0xFF, v24;
	v30 =	vshrl.u32 v40, $0x10;
	(xrf1) =	vunique.msk.u32 $0xffff, v36;
	_, v31, vm2 =	vpop (xrf1);
	[tilespmem:v38+s13+$0x0] =	vst.idx.add.s32.msk vm3, v39  }
0x3ef: {  	v35 =	vmov v22;
	v37 =	vmov v21  }
0x3f0: {  	v38 =	vmovc v23;
	v22 =	vmovc v34;
	v34 =	vmov v32;
	v21 =	vmov v36;
	v23 =	vmov v33  }
.LBB2_60:
0x3f1: {  	v30 =	vand.u32 $0xFF, v30;
	(xrf1) =	vunique.msk.u32 $0xffff, v24;
	v26 =	vshrl.u32 v26, $0x10  }
0x3f2: {  	(xrf1) =	vunique.msk.u32 $0xffff, v30;
	v26 =	vand.u32 $0xFF, v26  }
0x3f3: {  	(xrf1) =	vunique.msk.u32 $0xffff, v26;
	_ =	sdelay $0x4  }
0x3f4: {  	_, v32, vm3 =	vpop @p4 (xrf1)  }
0x3f5: {  	_, v33, vm4 =	vpop @p3 (xrf1)  }
0x3f6: {  	_, v36, vm5 =	vpop @p3 (xrf1);
	vm4 =	vmmov @p3 vm4  }
0x3f7: {  	v34 =	vpsel p3, v34, v0;
	[tilespmem:v37+s13+$0x0] =	vst.idx.add.s32.msk @p4 vm0, v28;
	_, v39, vm6 =	vpop @p3 (xrf1);
	vm5 =	vmmov @p3 vm5  }
0x3f8: {  	v23 =	vpsel p3, v23, v0;
	[tilespmem:v38+s13+$0x0] =	vst.idx.add.s32.msk @p4 vm1, v29;
	v29 =	vpsel p3, v33, v0;
	vm0 =	vmmov @p3 vm6  }
0x3f9: {  	v27 =	vpsel p3, v27, v0;
	_, v28, vm1 =	vpop @p3 (xrf1)  }
0x3fa: {  	v22 =	vpsel p3, v22, v0;
	[tilespmem:v25+s13+$0x0] =	vst.idx.add.s32.msk @p4 vm2, v31;
	_, v25, vm2 =	vpop (xrf1)  }
0x3fb: {  	[tilespmem:v35+s13+$0x0] =	vst.idx.add.s32.msk @p4 vm3, v32;
	_, v63, vm15 =	vpop (xrf1)  }
0x3fc: {  	v32 =	vpsel p3, v36, v0;
	[tilespmem:v34+s13+$0x0] =	vst.idx.add.s32.msk @p3 vm4, v29;
	_, v29, vm4 =	vpop (xrf1)  }
0x3fd: {  	v33 =	vpsel p3, v39, v0;
	[tilespmem:v23+s13+$0x0] =	vst.idx.add.s32.msk @p3 vm5, v32;
	_, v23, vm5 =	vpop (xrf1)  }
0x3fe: {  	[tilespmem:v27+s13+$0x0] =	vst.idx.add.s32.msk @p3 vm0, v33  }
0x3ff: {  	[tilespmem:v22+s13+$0x0] =	vst.idx.add.s32.msk @p3 vm1, v28  }
0x400: {  	[tilespmem:v21+s13+$0x0] =	vst.idx.add.s32.msk vm2, v25  }
0x401: {  	[tilespmem:v24+s13+$0x0] =	vst.idx.add.s32.msk vm15, v63  }
0x402: {  	[tilespmem:v30+s13+$0x0] =	vst.idx.add.s32.msk vm4, v29  }
0x403: {  	[tilespmem:v26+s13+$0x0] =	vst.idx.add.s32.msk vm5, v23  }
.LBB2_44:
.Ltmp28:
0x404: {  	(pc) =	sbr.rel @p1 .LBB2_47-.Ltmp28, $1  }
0x405: {  	_ =	sdelay $0x3  }
0x406: {  	s0 =	sshll.u32 s30, $0x2  }
0x407: {  	s0 =	sshra.s32 s0, $0x2  }
0x408: {  	s0 =	sand.u32 $0xFFFFFFC0, s0  }
0x409: {  	s2 =	smov.u32 s29;
	s0 =	sadd.s32 $0x6080, s0  }
.LBB2_46:
0x40a: {  	v21 =	vld [tilespmem:s0+$0x0];
	_ =	sdelay $0x4  }
0x40b: {  	v21 =	vshrl.u32 v21, $0x10  }
0x40c: {  	v21 =	vand.u32 $0xFF, v21  }
0x40d: {  	(xrf1) =	vunique.msk.u32 $0xffff, v21;
	_ =	sdelay $0xd  }
0x40e: {  	s2 =	sadd.s32 $0x1, s2;
	_, v22, vm0 =	vpop (xrf1)  }
0x40f: {  	p3 =	slt.u32 s2, s28  }
.Ltmp29:
0x410: {  	_ = 	snop;
	(pc) =	sbr.rel @p3 .LBB2_46-.Ltmp29, $2  }
0x411: {  	_ =	sdelay $0x2  }
0x412: {  	s0 =	sadd.s32 $0x10, s0;
	[tilespmem:v21+s13+$0x0] =	vst.idx.add.s32.msk vm0, v22  }
.LBB2_47:
0x413: {  	v21 =	vld [tilespmem:$0xCA00];
	_ =	sdelay $0x4  }
0x414: {  	(xrf0) =	vadd.scan.msk.s32 $0xffff, v21;
	_ =	sdelay $0x2  }
0x415: {  	v22 =	vld [tilespmem:$0xCA10];
	_ =	sdelay $0x2  }
0x416: {  	v23, _, _ =	vpop (xrf0)  }
0x417: {  	v21 =	vsub.s32 v23, v21;
	[tilespmem:$0xCC00] =	vst v23  }
0x418: {  	(xrf0) =	vadd.scan.msk.s32 $0xffff, v22;
	[tilespmem:$0xCA00] =	vst v21  }
0x419: {  	v21 =	vld.idx.msk [tilespmem:v1+s19+$0x0], $0xffff;
	_ =	sdelay $0x3  }
0x41a: {  	v23 =	vld [tilespmem:$0xCA20]  }
0x41b: {  	v24, _, _ =	vpop (xrf0);
	v22 =	vsub.s32 v21, v22  }
0x41c: {  	[tilespmem:$0xCC00] =	vst v24;
	v22 =	vadd.s32 v24, v22  }
0x41d: {  	[tilespmem:$0xCA10] =	vst v22  }
0x41e: {  	v22 =	vld.idx.msk [tilespmem:v1+s19+$0x0], $0xffff  }
0x41f: {  	(xrf0) =	vadd.scan.msk.s32 $0xffff, v23;
	_ =	sdelay $0x3  }
0x420: {  	v21 =	vadd.s32 v21, v22;
	v22 =	vld [tilespmem:$0xCA30];
	_ =	sdelay $0x1  }
0x421: {  	v51, _, _ =	vpop (xrf0);
	v23 =	vsub.s32 v21, v23  }
0x422: {  	[tilespmem:$0xCC00] =	vst v51;
	v23 =	vadd.s32 v51, v23  }
0x423: {  	[tilespmem:$0xCA20] =	vst v23  }
0x424: {  	v23 =	vld.idx.msk [tilespmem:v1+s19+$0x0], $0xffff;
	(xrf0) =	vadd.scan.msk.s32 $0xffff, v22;
	_ =	sdelay $0x4  }
0x425: {  	v21 =	vadd.s32 v21, v23;
	v23 =	vld [tilespmem:$0xCA40]  }
0x426: {  	v22 =	vsub.s32 v21, v22;
	v52, _, _ =	vpop (xrf0)  }
0x427: {  	v22 =	vadd.s32 v52, v22;
	[tilespmem:$0xCC00] =	vst v52  }
0x428: {  	[tilespmem:$0xCA30] =	vst v22  }
0x429: {  	v22 =	vld.idx.msk [tilespmem:v1+s19+$0x0], $0xffff  }
0x42a: {  	(xrf0) =	vadd.scan.msk.s32 $0xffff, v23;
	_ =	sdelay $0x3  }
0x42b: {  	v21 =	vadd.s32 v21, v22;
	v22 =	vld [tilespmem:$0xCA50];
	_ =	sdelay $0x1  }
0x42c: {  	v53, _, _ =	vpop (xrf0);
	v23 =	vsub.s32 v21, v23  }
0x42d: {  	v23 =	vadd.s32 v53, v23;
	[tilespmem:$0xCC00] =	vst v53  }
0x42e: {  	[tilespmem:$0xCA40] =	vst v23  }
0x42f: {  	v23 =	vld.idx.msk [tilespmem:v1+s19+$0x0], $0xffff;
	(xrf0) =	vadd.scan.msk.s32 $0xffff, v22;
	_ =	sdelay $0x4  }
0x430: {  	v21 =	vadd.s32 v21, v23;
	v23 =	vld [tilespmem:$0xCA60]  }
0x431: {  	v22 =	vsub.s32 v21, v22;
	v54, _, _ =	vpop (xrf0)  }
0x432: {  	v22 =	vadd.s32 v54, v22;
	[tilespmem:$0xCC00] =	vst v54  }
0x433: {  	[tilespmem:$0xCA50] =	vst v22  }
0x434: {  	v22 =	vld.idx.msk [tilespmem:v1+s19+$0x0], $0xffff  }
0x435: {  	(xrf0) =	vadd.scan.msk.s32 $0xffff, v23;
	_ =	sdelay $0x3  }
0x436: {  	v21 =	vadd.s32 v21, v22;
	v22 =	vld [tilespmem:$0xCA70];
	_ =	sdelay $0x1  }
0x437: {  	v55, _, _ =	vpop (xrf0);
	v23 =	vsub.s32 v21, v23  }
0x438: {  	v23 =	vadd.s32 v55, v23;
	[tilespmem:$0xCC00] =	vst v55  }
0x439: {  	[tilespmem:$0xCA60] =	vst v23  }
0x43a: {  	v23 =	vld.idx.msk [tilespmem:v1+s19+$0x0], $0xffff;
	(xrf0) =	vadd.scan.msk.s32 $0xffff, v22;
	_ =	sdelay $0x4  }
0x43b: {  	v21 =	vadd.s32 v21, v23;
	v23 =	vld [tilespmem:$0xCA80]  }
0x43c: {  	v22 =	vsub.s32 v21, v22;
	v56, _, _ =	vpop (xrf0)  }
0x43d: {  	v22 =	vadd.s32 v56, v22;
	[tilespmem:$0xCC00] =	vst v56  }
0x43e: {  	[tilespmem:$0xCA70] =	vst v22  }
0x43f: {  	v22 =	vld.idx.msk [tilespmem:v1+s19+$0x0], $0xffff  }
0x440: {  	(xrf0) =	vadd.scan.msk.s32 $0xffff, v23;
	_ =	sdelay $0x3  }
0x441: {  	v21 =	vadd.s32 v21, v22;
	v22 =	vld [tilespmem:$0xCA90];
	_ =	sdelay $0x1  }
0x442: {  	v57, _, _ =	vpop (xrf0);
	v23 =	vsub.s32 v21, v23  }
0x443: {  	v23 =	vadd.s32 v57, v23;
	[tilespmem:$0xCC00] =	vst v57  }
0x444: {  	[tilespmem:$0xCA80] =	vst v23  }
0x445: {  	v23 =	vld.idx.msk [tilespmem:v1+s19+$0x0], $0xffff;
	(xrf0) =	vadd.scan.msk.s32 $0xffff, v22;
	_ =	sdelay $0x4  }
0x446: {  	v21 =	vadd.s32 v21, v23;
	v23 =	vld [tilespmem:$0xCAA0]  }
0x447: {  	v22 =	vsub.s32 v21, v22;
	v58, _, _ =	vpop (xrf0)  }
0x448: {  	v22 =	vadd.s32 v58, v22;
	[tilespmem:$0xCC00] =	vst v58  }
0x449: {  	[tilespmem:$0xCA90] =	vst v22  }
0x44a: {  	v22 =	vld.idx.msk [tilespmem:v1+s19+$0x0], $0xffff  }
0x44b: {  	(xrf0) =	vadd.scan.msk.s32 $0xffff, v23;
	_ =	sdelay $0x3  }
0x44c: {  	v21 =	vadd.s32 v21, v22;
	v22 =	vld [tilespmem:$0xCAB0];
	_ =	sdelay $0x1  }
0x44d: {  	v59, _, _ =	vpop (xrf0);
	v23 =	vsub.s32 v21, v23  }
0x44e: {  	v23 =	vadd.s32 v59, v23;
	[tilespmem:$0xCC00] =	vst v59  }
0x44f: {  	[tilespmem:$0xCAA0] =	vst v23  }
0x450: {  	v23 =	vld.idx.msk [tilespmem:v1+s19+$0x0], $0xffff;
	(xrf0) =	vadd.scan.msk.s32 $0xffff, v22;
	_ =	sdelay $0x4  }
0x451: {  	v21 =	vadd.s32 v21, v23;
	v23 =	vld [tilespmem:$0xCAC0]  }
0x452: {  	v22 =	vsub.s32 v21, v22;
	v60, _, _ =	vpop (xrf0)  }
0x453: {  	v22 =	vadd.s32 v60, v22;
	[tilespmem:$0xCC00] =	vst v60  }
0x454: {  	[tilespmem:$0xCAB0] =	vst v22  }
0x455: {  	v22 =	vld.idx.msk [tilespmem:v1+s19+$0x0], $0xffff  }
0x456: {  	(xrf0) =	vadd.scan.msk.s32 $0xffff, v23;
	_ =	sdelay $0x3  }
0x457: {  	v21 =	vadd.s32 v21, v22;
	v22 =	vld [tilespmem:$0xCAD0];
	_ =	sdelay $0x1  }
0x458: {  	v61, _, _ =	vpop (xrf0);
	v23 =	vsub.s32 v21, v23  }
0x459: {  	v23 =	vadd.s32 v61, v23;
	[tilespmem:$0xCC00] =	vst v61  }
0x45a: {  	[tilespmem:$0xCAC0] =	vst v23  }
0x45b: {  	v23 =	vld.idx.msk [tilespmem:v1+s19+$0x0], $0xffff;
	(xrf0) =	vadd.scan.msk.s32 $0xffff, v22;
	_ =	sdelay $0x4  }
0x45c: {  	v21 =	vadd.s32 v21, v23;
	v23 =	vld [tilespmem:$0xCAE0]  }
0x45d: {  	v22 =	vsub.s32 v21, v22;
	v62, _, _ =	vpop (xrf0)  }
0x45e: {  	v22 =	vadd.s32 v62, v22;
	[tilespmem:$0xCC00] =	vst v62  }
0x45f: {  	[tilespmem:$0xCAD0] =	vst v22  }
0x460: {  	v22 =	vld.idx.msk [tilespmem:v1+s19+$0x0], $0xffff  }
0x461: {  	(xrf0) =	vadd.scan.msk.s32 $0xffff, v23;
	_ =	sdelay $0x3  }
0x462: {  	v21 =	vadd.s32 v21, v22;
	v22 =	vld [tilespmem:$0xCAF0];
	_ =	sdelay $0x1  }
0x463: {  	v63, _, _ =	vpop (xrf0);
	v23 =	vsub.s32 v21, v23  }
0x464: {  	v23 =	vadd.s32 v63, v23;
	[tilespmem:$0xCC00] =	vst v63  }
0x465: {  	[tilespmem:$0xCAE0] =	vst v23  }
0x466: {  	v23 =	vld.idx.msk [tilespmem:v1+s19+$0x0], $0xffff;
	(xrf0) =	vadd.scan.msk.s32 $0xffff, v22;
	_ =	sdelay $0x3  }
.Ltmp30:
0x467: {  	_ = 	snop;
	(pc) =	sbr.rel @p2 .LBB2_51-.Ltmp30, $4  }
0x468: {  	v21 =	vadd.s32 v21, v23  }
0x469: {  	v21 =	vsub.s32 v21, v22;
	v23, _, _ =	vpop (xrf0)  }
0x46a: {  	v21 =	vadd.s32 v23, v21;
	[tilespmem:$0xCC00] =	vst v23  }
0x46b: {  	[tilespmem:$0xCAF0] =	vst v21  }
0x46c: {  	p3 =	sne.s32 s28, $0x1  }
.Ltmp31:
0x46d: {  	_ = 	snop;
	(pc) =	sbr.rel @!p3 .LBB2_50-.Ltmp31, $4  }
0x46e: {  	s31 =	simm.s32 $0x6080  }
0x46f: {  	v21 =	vld [tilespmem:s31+$0x0]  }
0x470: {  	s2 =	simm.s32 $0xA180  }
0x471: {  	s0 =	sadd.s32 $0xFFFFFFFF, s28;
	v22 =	vld [tilespmem:s2+$0x0]  }
.LBB2_49:
0x472: {  	p3 =	sne.s32 s0, $0x1;
	_ =	sdelay $0x1  }
0x473: {  	v23 =	vshrl.u32 v21, $0x10  }
0x474: {  	v23 =	vand.u32 $0xFF, v23  }
0x475: {  	(xrf1) =	vunique.msk.u32 $0xffff, v23;
	_ =	sdelay $0x8  }
0x476: {  	v24 =	vld.idx.msk [tilespmem:v23+s13+$0x0], $0xffff;
	_ =	sdelay $0x4  }
0x477: {  	_, v25, vm0 =	vpop (xrf1)  }
0x478: {  	v24 =	vadd.s32 v25, v24  }
0x479: {  	v24 =	vadd.s32 $0xFFFFFFFF, v24;
	_ =	sdelay $0x4  }
0x47a: {  	[tilespmem:v24+s24+$0x0] =	vst.idx.msk $0xffff, v21  }
.Ltmp32:
0x47b: {  	[tilespmem:v24+s25+$0x0] =	vst.idx.msk $0xffff, v22;
	(pc) =	sbr.rel @p3 .LBB2_49-.Ltmp32, $4  }
0x47c: {  	s31 =	sadd.s32 $0x10, s31;
	[tilespmem:v23+s13+$0x0] =	vst.idx.add.s32.msk vm0, v25  }
0x47d: {  	s2 =	sadd.s32 $0x10, s2;
	v21 =	vld [tilespmem:s31+$0x0]  }
0x47e: {  	v22 =	vld [tilespmem:s2+$0x0]  }
0x47f: {  	s0 =	sadd.s32 $0xFFFFFFFF, s0  }
.LBB2_50:
0x480: {  	_ =	sdelay $0x1  }
0x481: {  	v23 =	vshrl.u32 v21, $0x10  }
0x482: {  	v23 =	vand.u32 $0xFF, v23  }
0x483: {  	(xrf1) =	vunique.msk.u32 $0xffff, v23;
	_ =	sdelay $0x9  }
0x484: {  	v24 =	vld.idx.msk [tilespmem:v23+s13+$0x0], $0xffff;
	_ =	sdelay $0x3  }
0x485: {  	_, v25, vm0 =	vpop (xrf1)  }
0x486: {  	v24 =	vadd.s32 v25, v24  }
0x487: {  	v24 =	vadd.s32 $0xFFFFFFFF, v24;
	_ =	sdelay $0x4  }
0x488: {  	[tilespmem:v24+s24+$0x0] =	vst.idx.msk $0xffff, v21  }
0x489: {  	[tilespmem:v24+s25+$0x0] =	vst.idx.msk $0xffff, v22  }
0x48a: {  	[tilespmem:v23+s13+$0x0] =	vst.idx.add.s32.msk vm0, v25  }
.LBB2_51:
0x48b: {  	[tilespmem:$0xCA00] =	vst v15  }
0x48c: {  	[tilespmem:$0xCA10] =	vst v15  }
0x48d: {  	[tilespmem:$0xCA20] =	vst v15  }
0x48e: {  	[tilespmem:$0xCA30] =	vst v15  }
0x48f: {  	[tilespmem:$0xCA40] =	vst v15  }
0x490: {  	[tilespmem:$0xCA50] =	vst v15  }
0x491: {  	[tilespmem:$0xCA60] =	vst v15  }
0x492: {  	[tilespmem:$0xCA70] =	vst v15  }
0x493: {  	[tilespmem:$0xCA80] =	vst v15  }
0x494: {  	[tilespmem:$0xCA90] =	vst v15  }
0x495: {  	[tilespmem:$0xCAA0] =	vst v15  }
.Ltmp33:
0x496: {  	[tilespmem:$0xCAB0] =	vst v15;
	(pc) =	sbr.rel @p0 .LBB2_61-.Ltmp33, $4  }
0x497: {  	[tilespmem:$0xCAC0] =	vst v15  }
0x498: {  	[tilespmem:$0xCAD0] =	vst v15  }
0x499: {  	[tilespmem:$0xCAE0] =	vst v15  }
0x49a: {  	[tilespmem:$0xCAF0] =	vst v15  }
0x49b: {  	s0 =	simm.s32 $0x4020  }
0x49c: {  	v21 =	vld [tilespmem:s0+$0x10]  }
0x49d: {  	v22 =	vld [tilespmem:s0+$0xFFFFFFF0]  }
0x49e: {  	p4 =	sgt.u32 s29, $0x4  }
.Ltmp34:
0x49f: {  	_ = 	snop;
	(pc) =	sbr.rel @!p4 .LBB2_53-.Ltmp34, $4  }
0x4a0: {  	_ = 	snop  }
0x4a1: {  	v21 =	vshrl.u32 v21, $0x18  }
0x4a2: {  	v23 =	vld [tilespmem:s0+$0x0];
	v22 =	vshrl.u32 v22, $0x18;
	(xrf1) =	vunique.msk.u32 $0xffff, v21  }
0x4a3: {  	p0 =	por $0x0, $0x0;
	p3 =	por $0x0, $0x0;
	v24 =	vld [tilespmem:s0+$0xFFFFFFE0];
	s0 =	simm.s32 $0x4060;
	(xrf1) =	vunique.msk.u32 $0xffff, v22  }
0x4a4: {  	_ =	sdelay $0x2  }
0x4a5: {  	v27 =	vld [tilespmem:s0+$0x10];
	v26 =	vshrl.u32 v23, $0x18  }
0x4a6: {  	v28 =	vld [tilespmem:s0+$0xFFFFFFF0];
	v25 =	vshrl.u32 v24, $0x18;
	(xrf1) =	vunique.msk.u32 $0xffff, v26  }
0x4a7: {  	(xrf1) =	vunique.msk.u32 $0xffff, v25;
	_ =	sdelay $0x2  }
0x4a8: {  	v31 =	vshrl.u32 v27, $0x18  }
0x4a9: {  	v30 =	vshrl.u32 v28, $0x18;
	(xrf1) =	vunique.msk.u32 $0xffff, v31  }
0x4aa: {  	(xrf1) =	vunique.msk.u32 $0xffff, v30;
	_ =	sdelay $0x2  }
0x4ab: {  	p4 =	sgt.u32 s29, $0x8  }
.Ltmp35:
0x4ac: {  	_ = 	snop;
	(pc) =	sbr.rel @!p4 .LBB2_73-.Ltmp35, $3  }
0x4ad: {  	_ =	sdelay $0x1  }
0x4ae: {  	v23 =	vld [tilespmem:s0+$0x0]  }
0x4af: {  	p0 =	por $0x1, $0x1;
	v24 =	vld [tilespmem:s0+$0xFFFFFFE0];
	s0 =	simm.s32 $0x40A0  }
0x4b0: {  	v28 =	vld [tilespmem:s0+$0x10]  }
0x4b1: {  	v29 =	vld [tilespmem:s0+$0xFFFFFFF0];
	_ =	sdelay $0x1  }
0x4b2: {  	v32 =	vshrl.u32 v23, $0x18  }
0x4b3: {  	v33 =	vshrl.u32 v24, $0x18;
	(xrf1) =	vunique.msk.u32 $0xffff, v32  }
0x4b4: {  	(xrf1) =	vunique.msk.u32 $0xffff, v33;
	v36 =	vshrl.u32 v28, $0x18  }
0x4b5: {  	v34 =	vshrl.u32 v29, $0x18;
	(xrf1) =	vunique.msk.u32 $0xffff, v36  }
0x4b6: {  	(xrf1) =	vunique.msk.u32 $0xffff, v34  }
0x4b7: {  	p4 =	sgt.u32 s29, $0xC  }
.Ltmp36:
0x4b8: {  	v23 =	vld [tilespmem:s0+$0x0];
	(pc) =	sbr.rel @!p4 .LBB2_75-.Ltmp36, $3  }
0x4b9: {  	_, v27, vm0 =	vpop (xrf1);
	v24 =	vld [tilespmem:s0+$0xFFFFFFE0];
	_ =	sdelay $0x1  }
0x4ba: {  	_, v28, vm1 =	vpop (xrf1)  }
0x4bb: {  	s2 =	simm.s32 $0xC;
	p3 =	por $0x1, $0x1;
	s0 =	simm.s32 $0x40E0;
	_, v29, vm2 =	vpop (xrf1)  }
.LBB2_76:
0x4bc: {  	v35 =	vld [tilespmem:s0+$0x10];
	s2 =	sadd.s32 $0x4, s2;
	v37 =	vshrl.u32 v23, $0x18;
	_, v38, vm3 =	vpop (xrf1)  }
0x4bd: {  	v39 =	vld [tilespmem:s0+$0xFFFFFFF0];
	p4 =	slt.u32 s2, s29;
	v40 =	vshrl.u32 v24, $0x18;
	(xrf1) =	vunique.msk.u32 $0xffff, v37  }
0x4be: {  	(xrf1) =	vunique.msk.u32 $0xffff, v40;
	[tilespmem:v21+s13+$0x0] =	vst.idx.add.s32.msk vm0, v27;
	v21 =	vmov v31;
	v31 =	vmov v36  }
.Ltmp37:
0x4bf: {  	v23 =	vld [tilespmem:s0+$0x0];
	(pc) =	sbr.rel @p4 .LBB2_76-.Ltmp37, $4  }
0x4c0: {  	v24 =	vld [tilespmem:s0+$0xFFFFFFE0];
	_, v27, vm0 =	vpop (xrf1)  }
0x4c1: {  	v36 =	vshrl.u32 v35, $0x18;
	[tilespmem:v22+s13+$0x0] =	vst.idx.add.s32.msk vm1, v28;
	_, v28, vm1 =	vpop (xrf1);
	v22 =	vmov v30;
	v30 =	vmov v34  }
0x4c2: {  	v34 =	vshrl.u32 v39, $0x18;
	(xrf1) =	vunique.msk.u32 $0xffff, v36;
	[tilespmem:v25+s13+$0x0] =	vst.idx.add.s32.msk vm3, v38;
	v25 =	vmovc v33;
	v33 =	vmov v40  }
0x4c3: {  	s0 =	sadd.s32 $0x40, s0;
	(xrf1) =	vunique.msk.u32 $0xffff, v34;
	[tilespmem:v26+s13+$0x0] =	vst.idx.add.s32.msk vm2, v29;
	_, v29, vm2 =	vpop (xrf1);
	v26 =	vmov v32;
	v32 =	vmov v37  }
0x4c4: {  	v35 =	vmovc v21;
	v37 =	vmovc v22;
	v39 =	vmov v25;
	v40 =	vmov v26;
	v38 =	vmov v31  }
0x4c5: {  	v21 =	vmovc v36;
	v36 =	vmovc v30;
	v22 =	vmov v34;
	v25 =	vmov v33;
	v26 =	vmov v32  }
.LBB2_78:
0x4c6: {  	v23 =	vshrl.u32 v23, $0x18  }
0x4c7: {  	v24 =	vshrl.u32 v24, $0x18;
	(xrf1) =	vunique.msk.u32 $0xffff, v23  }
0x4c8: {  	(xrf1) =	vunique.msk.u32 $0xffff, v24;
	_ =	sdelay $0x4  }
0x4c9: {  	_, v30, vm3 =	vpop @p3 (xrf1);
	v34 =	vmov @p0 v36  }
0x4ca: {  	_, v31, vm4 =	vpop @p0 (xrf1)  }
0x4cb: {  	v32 =	vmov @p0 v38;
	_, v33, vm5 =	vpop @p0 (xrf1);
	vm4 =	vmmov @p0 vm4  }
0x4cc: {  	v32 =	vpsel p0, v32, v0;
	_, v36, vm6 =	vpop @p0 (xrf1);
	vm5 =	vmmov @p0 vm5  }
0x4cd: {  	[tilespmem:v35+s13+$0x0] =	vst.idx.add.s32.msk @p3 vm0, v27;
	v27 =	vpsel p0, v34, v0;
	_, v34, vm0 =	vpop @p0 (xrf1)  }
0x4ce: {  	[tilespmem:v37+s13+$0x0] =	vst.idx.add.s32.msk @p3 vm1, v28;
	v25 =	vpsel p0, v25, v0;
	vm1 =	vmmov @p0 vm6  }
0x4cf: {  	v26 =	vpsel p0, v26, v0;
	[tilespmem:v40+s13+$0x0] =	vst.idx.add.s32.msk @p3 vm2, v29;
	_, v62, vm14 =	vpop (xrf1)  }
0x4d0: {  	v29 =	vpsel p0, v31, v0;
	[tilespmem:v39+s13+$0x0] =	vst.idx.add.s32.msk @p3 vm3, v30;
	_, v30, vm3 =	vpop (xrf1)  }
0x4d1: {  	[tilespmem:v32+s13+$0x0] =	vst.idx.add.s32.msk @p0 vm4, v29;
	v29 =	vpsel p0, v33, v0;
	_, v63, vm15 =	vpop (xrf1)  }
0x4d2: {  	[tilespmem:v27+s13+$0x0] =	vst.idx.add.s32.msk @p0 vm5, v29;
	_, v32, vm4 =	vpop (xrf1)  }
0x4d3: {  	[tilespmem:v25+s13+$0x0] =	vst.idx.add.s32.msk @p0 vm0, v34;
	v25 =	vpsel p0, v36, v0  }
0x4d4: {  	[tilespmem:v26+s13+$0x0] =	vst.idx.add.s32.msk @p0 vm1, v25  }
0x4d5: {  	[tilespmem:v21+s13+$0x0] =	vst.idx.add.s32.msk vm14, v62  }
0x4d6: {  	[tilespmem:v22+s13+$0x0] =	vst.idx.add.s32.msk vm3, v30  }
0x4d7: {  	[tilespmem:v23+s13+$0x0] =	vst.idx.add.s32.msk vm15, v63  }
0x4d8: {  	[tilespmem:v24+s13+$0x0] =	vst.idx.add.s32.msk vm4, v32  }
.LBB2_61:
.Ltmp38:
0x4d9: {  	(pc) =	sbr.rel @p1 .LBB2_64-.Ltmp38, $1  }
0x4da: {  	_ =	sdelay $0x3  }
0x4db: {  	s0 =	sshll.u32 s30, $0x2  }
0x4dc: {  	s0 =	sshra.s32 s0, $0x2  }
0x4dd: {  	s0 =	sand.u32 $0xFFFFFFC0, s0  }
0x4de: {  	s0 =	sadd.s32 $0x4000, s0  }
.LBB2_63:
0x4df: {  	v21 =	vld [tilespmem:s0+$0x0];
	_ =	sdelay $0x4  }
0x4e0: {  	v21 =	vshrl.u32 v21, $0x18  }
0x4e1: {  	(xrf1) =	vunique.msk.u32 $0xffff, v21;
	_ =	sdelay $0xd  }
0x4e2: {  	s29 =	sadd.s32 $0x1, s29;
	_, v22, vm0 =	vpop (xrf1)  }
0x4e3: {  	p0 =	slt.u32 s29, s28  }
.Ltmp39:
0x4e4: {  	_ = 	snop;
	(pc) =	sbr.rel @p0 .LBB2_63-.Ltmp39, $2  }
0x4e5: {  	_ =	sdelay $0x2  }
0x4e6: {  	s0 =	sadd.s32 $0x10, s0;
	[tilespmem:v21+s13+$0x0] =	vst.idx.add.s32.msk vm0, v22  }
.LBB2_64:
0x4e7: {  	v21 =	vld [tilespmem:$0xCA00];
	_ =	sdelay $0x4  }
0x4e8: {  	(xrf0) =	vadd.scan.msk.s32 $0xffff, v21;
	_ =	sdelay $0x2  }
0x4e9: {  	v22 =	vld [tilespmem:$0xCA10];
	_ =	sdelay $0x2  }
0x4ea: {  	v23, _, _ =	vpop (xrf0)  }
0x4eb: {  	v21 =	vsub.s32 v23, v21;
	[tilespmem:$0xCC00] =	vst v23  }
0x4ec: {  	(xrf0) =	vadd.scan.msk.s32 $0xffff, v22;
	[tilespmem:$0xCA00] =	vst v21  }
0x4ed: {  	v21 =	vld.idx.msk [tilespmem:v1+s19+$0x0], $0xffff;
	_ =	sdelay $0x3  }
0x4ee: {  	v23 =	vld [tilespmem:$0xCA20]  }
0x4ef: {  	v24, _, _ =	vpop (xrf0);
	v22 =	vsub.s32 v21, v22  }
0x4f0: {  	[tilespmem:$0xCC00] =	vst v24;
	v22 =	vadd.s32 v24, v22  }
0x4f1: {  	[tilespmem:$0xCA10] =	vst v22  }
0x4f2: {  	v22 =	vld.idx.msk [tilespmem:v1+s19+$0x0], $0xffff  }
0x4f3: {  	(xrf0) =	vadd.scan.msk.s32 $0xffff, v23;
	_ =	sdelay $0x3  }
0x4f4: {  	v21 =	vadd.s32 v21, v22;
	v22 =	vld [tilespmem:$0xCA30];
	_ =	sdelay $0x1  }
0x4f5: {  	v51, _, _ =	vpop (xrf0);
	v23 =	vsub.s32 v21, v23  }
0x4f6: {  	[tilespmem:$0xCC00] =	vst v51;
	v23 =	vadd.s32 v51, v23  }
0x4f7: {  	[tilespmem:$0xCA20] =	vst v23  }
0x4f8: {  	v23 =	vld.idx.msk [tilespmem:v1+s19+$0x0], $0xffff;
	(xrf0) =	vadd.scan.msk.s32 $0xffff, v22;
	_ =	sdelay $0x4  }
0x4f9: {  	v21 =	vadd.s32 v21, v23;
	v23 =	vld [tilespmem:$0xCA40]  }
0x4fa: {  	v22 =	vsub.s32 v21, v22;
	v52, _, _ =	vpop (xrf0)  }
0x4fb: {  	v22 =	vadd.s32 v52, v22;
	[tilespmem:$0xCC00] =	vst v52  }
0x4fc: {  	[tilespmem:$0xCA30] =	vst v22  }
0x4fd: {  	v22 =	vld.idx.msk [tilespmem:v1+s19+$0x0], $0xffff  }
0x4fe: {  	(xrf0) =	vadd.scan.msk.s32 $0xffff, v23;
	_ =	sdelay $0x3  }
0x4ff: {  	v21 =	vadd.s32 v21, v22;
	v22 =	vld [tilespmem:$0xCA50];
	_ =	sdelay $0x1  }
0x500: {  	v53, _, _ =	vpop (xrf0);
	v23 =	vsub.s32 v21, v23  }
0x501: {  	v23 =	vadd.s32 v53, v23;
	[tilespmem:$0xCC00] =	vst v53  }
0x502: {  	[tilespmem:$0xCA40] =	vst v23  }
0x503: {  	v23 =	vld.idx.msk [tilespmem:v1+s19+$0x0], $0xffff;
	(xrf0) =	vadd.scan.msk.s32 $0xffff, v22;
	_ =	sdelay $0x4  }
0x504: {  	v21 =	vadd.s32 v21, v23;
	v23 =	vld [tilespmem:$0xCA60]  }
0x505: {  	v22 =	vsub.s32 v21, v22;
	v54, _, _ =	vpop (xrf0)  }
0x506: {  	v22 =	vadd.s32 v54, v22;
	[tilespmem:$0xCC00] =	vst v54  }
0x507: {  	[tilespmem:$0xCA50] =	vst v22  }
0x508: {  	v22 =	vld.idx.msk [tilespmem:v1+s19+$0x0], $0xffff  }
0x509: {  	(xrf0) =	vadd.scan.msk.s32 $0xffff, v23;
	_ =	sdelay $0x3  }
0x50a: {  	v21 =	vadd.s32 v21, v22;
	v22 =	vld [tilespmem:$0xCA70];
	_ =	sdelay $0x1  }
0x50b: {  	v55, _, _ =	vpop (xrf0);
	v23 =	vsub.s32 v21, v23  }
0x50c: {  	v23 =	vadd.s32 v55, v23;
	[tilespmem:$0xCC00] =	vst v55  }
0x50d: {  	[tilespmem:$0xCA60] =	vst v23  }
0x50e: {  	v23 =	vld.idx.msk [tilespmem:v1+s19+$0x0], $0xffff;
	(xrf0) =	vadd.scan.msk.s32 $0xffff, v22;
	_ =	sdelay $0x4  }
0x50f: {  	v21 =	vadd.s32 v21, v23;
	v23 =	vld [tilespmem:$0xCA80]  }
0x510: {  	v22 =	vsub.s32 v21, v22;
	v56, _, _ =	vpop (xrf0)  }
0x511: {  	v22 =	vadd.s32 v56, v22;
	[tilespmem:$0xCC00] =	vst v56  }
0x512: {  	[tilespmem:$0xCA70] =	vst v22  }
0x513: {  	v22 =	vld.idx.msk [tilespmem:v1+s19+$0x0], $0xffff  }
0x514: {  	(xrf0) =	vadd.scan.msk.s32 $0xffff, v23;
	_ =	sdelay $0x3  }
0x515: {  	v21 =	vadd.s32 v21, v22;
	v22 =	vld [tilespmem:$0xCA90];
	_ =	sdelay $0x1  }
0x516: {  	v57, _, _ =	vpop (xrf0);
	v23 =	vsub.s32 v21, v23  }
0x517: {  	v23 =	vadd.s32 v57, v23;
	[tilespmem:$0xCC00] =	vst v57  }
0x518: {  	[tilespmem:$0xCA80] =	vst v23  }
0x519: {  	v23 =	vld.idx.msk [tilespmem:v1+s19+$0x0], $0xffff;
	(xrf0) =	vadd.scan.msk.s32 $0xffff, v22;
	_ =	sdelay $0x4  }
0x51a: {  	v21 =	vadd.s32 v21, v23;
	v23 =	vld [tilespmem:$0xCAA0]  }
0x51b: {  	v22 =	vsub.s32 v21, v22;
	v58, _, _ =	vpop (xrf0)  }
0x51c: {  	v22 =	vadd.s32 v58, v22;
	[tilespmem:$0xCC00] =	vst v58  }
0x51d: {  	[tilespmem:$0xCA90] =	vst v22  }
0x51e: {  	v22 =	vld.idx.msk [tilespmem:v1+s19+$0x0], $0xffff  }
0x51f: {  	(xrf0) =	vadd.scan.msk.s32 $0xffff, v23;
	_ =	sdelay $0x3  }
0x520: {  	v21 =	vadd.s32 v21, v22;
	v22 =	vld [tilespmem:$0xCAB0];
	_ =	sdelay $0x1  }
0x521: {  	v59, _, _ =	vpop (xrf0);
	v23 =	vsub.s32 v21, v23  }
0x522: {  	v23 =	vadd.s32 v59, v23;
	[tilespmem:$0xCC00] =	vst v59  }
0x523: {  	[tilespmem:$0xCAA0] =	vst v23  }
0x524: {  	v23 =	vld.idx.msk [tilespmem:v1+s19+$0x0], $0xffff;
	(xrf0) =	vadd.scan.msk.s32 $0xffff, v22;
	_ =	sdelay $0x4  }
0x525: {  	v21 =	vadd.s32 v21, v23;
	v23 =	vld [tilespmem:$0xCAC0]  }
0x526: {  	v22 =	vsub.s32 v21, v22;
	v60, _, _ =	vpop (xrf0)  }
0x527: {  	v22 =	vadd.s32 v60, v22;
	[tilespmem:$0xCC00] =	vst v60  }
0x528: {  	[tilespmem:$0xCAB0] =	vst v22  }
0x529: {  	v22 =	vld.idx.msk [tilespmem:v1+s19+$0x0], $0xffff  }
0x52a: {  	(xrf0) =	vadd.scan.msk.s32 $0xffff, v23;
	_ =	sdelay $0x3  }
0x52b: {  	v21 =	vadd.s32 v21, v22;
	v22 =	vld [tilespmem:$0xCAD0];
	_ =	sdelay $0x1  }
0x52c: {  	v61, _, _ =	vpop (xrf0);
	v23 =	vsub.s32 v21, v23  }
0x52d: {  	v23 =	vadd.s32 v61, v23;
	[tilespmem:$0xCC00] =	vst v61  }
0x52e: {  	[tilespmem:$0xCAC0] =	vst v23  }
0x52f: {  	v23 =	vld.idx.msk [tilespmem:v1+s19+$0x0], $0xffff;
	(xrf0) =	vadd.scan.msk.s32 $0xffff, v22;
	_ =	sdelay $0x4  }
0x530: {  	v21 =	vadd.s32 v21, v23;
	v23 =	vld [tilespmem:$0xCAE0]  }
0x531: {  	v22 =	vsub.s32 v21, v22;
	v62, _, _ =	vpop (xrf0)  }
0x532: {  	v22 =	vadd.s32 v62, v22;
	[tilespmem:$0xCC00] =	vst v62  }
0x533: {  	[tilespmem:$0xCAD0] =	vst v22  }
0x534: {  	v22 =	vld.idx.msk [tilespmem:v1+s19+$0x0], $0xffff  }
0x535: {  	(xrf0) =	vadd.scan.msk.s32 $0xffff, v23;
	_ =	sdelay $0x3  }
0x536: {  	v21 =	vadd.s32 v21, v22;
	v22 =	vld [tilespmem:$0xCAF0];
	_ =	sdelay $0x1  }
0x537: {  	v63, _, _ =	vpop (xrf0);
	v23 =	vsub.s32 v21, v23  }
0x538: {  	v23 =	vadd.s32 v63, v23;
	[tilespmem:$0xCC00] =	vst v63  }
0x539: {  	[tilespmem:$0xCAE0] =	vst v23  }
0x53a: {  	v23 =	vld.idx.msk [tilespmem:v1+s19+$0x0], $0xffff;
	(xrf0) =	vadd.scan.msk.s32 $0xffff, v22;
	_ =	sdelay $0x3  }
.Ltmp40:
0x53b: {  	_ = 	snop;
	(pc) =	sbr.rel @p2 .LBB2_68-.Ltmp40, $4  }
0x53c: {  	v21 =	vadd.s32 v21, v23  }
0x53d: {  	v21 =	vsub.s32 v21, v22;
	v23, _, _ =	vpop (xrf0)  }
0x53e: {  	v21 =	vadd.s32 v23, v21;
	[tilespmem:$0xCC00] =	vst v23  }
0x53f: {  	[tilespmem:$0xCAF0] =	vst v21  }
0x540: {  	p0 =	sne.s32 s28, $0x1  }
.Ltmp41:
0x541: {  	_ = 	snop;
	(pc) =	sbr.rel @!p0 .LBB2_67-.Ltmp41, $4  }
0x542: {  	s2 =	simm.s32 $0x4000  }
0x543: {  	v21 =	vld [tilespmem:s2+$0x0]  }
0x544: {  	s29 =	simm.s32 $0x8100  }
0x545: {  	s0 =	sadd.s32 $0xFFFFFFFF, s28;
	v22 =	vld [tilespmem:s29+$0x0]  }
.LBB2_66:
0x546: {  	p0 =	sne.s32 s0, $0x1;
	_ =	sdelay $0x1  }
0x547: {  	v23 =	vshrl.u32 v21, $0x18  }
0x548: {  	(xrf1) =	vunique.msk.u32 $0xffff, v23;
	_ =	sdelay $0x8  }
0x549: {  	v24 =	vld.idx.msk [tilespmem:v23+s13+$0x0], $0xffff;
	_ =	sdelay $0x4  }
0x54a: {  	_, v25, vm0 =	vpop (xrf1)  }
0x54b: {  	v24 =	vadd.s32 v25, v24  }
0x54c: {  	v24 =	vadd.s32 $0xFFFFFFFF, v24;
	_ =	sdelay $0x4  }
0x54d: {  	[tilespmem:v24+s21+$0x0] =	vst.idx.msk $0xffff, v21  }
.Ltmp42:
0x54e: {  	[tilespmem:v24+s22+$0x0] =	vst.idx.msk $0xffff, v22;
	(pc) =	sbr.rel @p0 .LBB2_66-.Ltmp42, $4  }
0x54f: {  	s2 =	sadd.s32 $0x10, s2;
	[tilespmem:v23+s13+$0x0] =	vst.idx.add.s32.msk vm0, v25  }
0x550: {  	s29 =	sadd.s32 $0x10, s29;
	v21 =	vld [tilespmem:s2+$0x0]  }
0x551: {  	v22 =	vld [tilespmem:s29+$0x0]  }
0x552: {  	s0 =	sadd.s32 $0xFFFFFFFF, s0  }
.LBB2_67:
0x553: {  	_ =	sdelay $0x1  }
0x554: {  	v23 =	vshrl.u32 v21, $0x18  }
0x555: {  	(xrf1) =	vunique.msk.u32 $0xffff, v23;
	_ =	sdelay $0x9  }
0x556: {  	v24 =	vld.idx.msk [tilespmem:v23+s13+$0x0], $0xffff;
	_ =	sdelay $0x3  }
0x557: {  	_, v25, vm0 =	vpop (xrf1)  }
0x558: {  	v24 =	vadd.s32 v25, v24  }
0x559: {  	v24 =	vadd.s32 $0xFFFFFFFF, v24;
	_ =	sdelay $0x4  }
0x55a: {  	[tilespmem:v24+s21+$0x0] =	vst.idx.msk $0xffff, v21  }
0x55b: {  	[tilespmem:v24+s22+$0x0] =	vst.idx.msk $0xffff, v22  }
0x55c: {  	[tilespmem:v23+s13+$0x0] =	vst.idx.add.s32.msk vm0, v25  }
.LBB2_68:
0x55d: {  	s0 =	simm.s32 $0xA1A0  }
0x55e: {  	v21 =	vld [tilespmem:s0+$0x10];
	_ =	sdelay $0x1  }
0x55f: {  	v23 =	vld [tilespmem:s0+$0xFFFFFFE0]  }
0x560: {  	v24 =	vld [tilespmem:s0+$0xFFFFFFF0]  }
0x561: {  	s31 =	simm.s32 $0xA1E0;
	v25 =	vld [tilespmem:s0+$0x0]  }
0x562: {  	v28 =	vld [tilespmem:s31+$0x10]  }
0x563: {  	v22 =	vld [tilespmem:s31+$0xFFFFFFF0]  }
0x564: {  	v27 =	vld [tilespmem:s31+$0xFFFFFFE0]  }
0x565: {  	v29 =	vld.idx.msk [tilespmem:v21+s3+$0x0], $0xffff  }
0x566: {  	v21 =	vld [tilespmem:s31+$0x0]  }
0x567: {  	v26 =	vld.idx.msk [tilespmem:v23+s3+$0x0], $0xffff  }
0x568: {  	v23 =	vld.idx.msk [tilespmem:v24+s3+$0x0], $0xffff  }
0x569: {  	s0 =	simm.s32 $0xC220;
	v24 =	vld.idx.msk [tilespmem:v25+s3+$0x0], $0xffff  }
0x56a: {  	s2 =	simm.s32 $0x4;
	s28 =	simm.s32 $0xA220;
	v25 =	vld.idx.msk [tilespmem:v28+s3+$0x0], $0xffff;
	[tilespmem:s0+$0x10] =	vst v29  }
.LBB2_69:
0x56b: {  	v28 =	vld [tilespmem:s28+$0x10];
	s2 =	sadd.s32 $0x4, s2  }
0x56c: {  	v29 =	vld [tilespmem:s28+$0xFFFFFFF0];
	p0 =	slt.u32 s2, $0x7C;
	[tilespmem:s0+$0xFFFFFFE0] =	vst v26  }
0x56d: {  	v30 =	vld [tilespmem:s28+$0x0];
	[tilespmem:s0+$0xFFFFFFF0] =	vst v23  }
0x56e: {  	v31 =	vld [tilespmem:s28+$0xFFFFFFE0];
	[tilespmem:s0+$0x0] =	vst v24  }
.Ltmp43:
0x56f: {  	s0 =	sadd.s32 $0x40, s0;
	v26 =	vld.idx.msk [tilespmem:v27+s3+$0x0], $0xffff;
	(pc) =	sbr.rel @p0 .LBB2_69-.Ltmp43, $4  }
0x570: {  	v23 =	vld.idx.msk [tilespmem:v22+s3+$0x0], $0xffff;
	[tilespmem:s0+$0x10] =	vst v25  }
0x571: {  	v24 =	vld.idx.msk [tilespmem:v21+s3+$0x0], $0xffff;
	v22 =	vmov v29  }
0x572: {  	v21 =	vmov v30  }
0x573: {  	s28 =	sadd.s32 $0x40, s28;
	v25 =	vld.idx.msk [tilespmem:v28+s3+$0x0], $0xffff;
	v27 =	vmov v31  }
0x574: {  	_ =	sdelay $0x3  }
0x575: {  	v27 =	vld.idx.msk [tilespmem:v27+s3+$0x0], $0xffff  }
0x576: {  	[tilespmem:s0+$0xFFFFFFE0] =	vst v26;
	v22 =	vld.idx.msk [tilespmem:v22+s3+$0x0], $0xffff  }
0x577: {  	v21 =	vld.idx.msk [tilespmem:v21+s3+$0x0], $0xffff;
	[tilespmem:s0+$0xFFFFFFF0] =	vst v23  }
0x578: {  	s31 =	sadd.s32 $0x40, s0;
	[tilespmem:s0+$0x0] =	vst v24  }
0x579: {  	[tilespmem:s31+$0x10] =	vst v25  }
0x57a: {  	[tilespmem:s31+$0xFFFFFFE0] =	vst v27  }
0x57b: {  	[tilespmem:s31+$0xFFFFFFF0] =	vst v22  }
0x57c: {  	[tilespmem:s31+$0x0] =	vst v21  }
0x57d: {  	[hbm4b:s14+s17] =	stream.strided.scatter [tilespmem:s23], [sflag:$0x1], $0x800, s8, s17, $0x38;
	[tilespmem:$0xCE80] =	vst v63  }
0x57e: {  	_ =	swait.ge [sflag:s18], $0x800  }
0x57f: {  	s26 =	sadd.s32 $0x1, s26;
	[sflag:s18] =	ssyncset.done $0x0  }
0x580: {  	p0 =	sne.s32 s26, s16;
	[sflag:s18] =	ssyncadd.s32 $0xFFFFF800  }
0x581: {  	[hbm4b:s15+s17] =	stream.strided.scatter [tilespmem:s22], [sflag:$0x1], $0x800, s8, s17, $0x38;
	[tilespmem:$0xCE80] =	vst v63  }
.Ltmp44:
0x582: {  	_ = 	snop;
	(pc) =	sbr.rel @p0 .LBB2_1-.Ltmp44, $4  }
.Ltmp45:
0x583: {  	_ = 	snop;
	(pc) =	sbr.rel @!p0 .LBB2_71-.Ltmp45, $4  }
0x584: {  	_ =	swait.ge [sflag:s18], $0x800  }
0x585: {  	[sflag:s18] =	ssyncset.done $0x0  }
0x586: {  	[sflag:s18] =	ssyncadd.s32 $0xFFFFF800  }
0x587: {  	_ = 	snop  }
.LBB2_9:
.Ltmp46:
0x588: {  	(pc) =	sbr.rel .LBB2_26-.Ltmp46, $2  }
0x589: {  	_ =	sdelay $0x2  }
0x58a: {  	_ = 	snop  }
.LBB2_19:
.Ltmp47:
0x58b: {  	(pc) =	sbr.rel .LBB2_43-.Ltmp47, $2  }
0x58c: {  	_ =	sdelay $0x2  }
0x58d: {  	v24 =	vmov v23  }
.LBB2_36:
.Ltmp48:
0x58e: {  	(pc) =	sbr.rel .LBB2_60-.Ltmp48, $2  }
0x58f: {  	_ =	sdelay $0x2  }
0x590: {  	v24 =	vmov v23  }
.LBB2_53:
.Ltmp49:
0x591: {  	(pc) =	sbr.rel .LBB2_78-.Ltmp49, $2  }
0x592: {  	_ =	sdelay $0x2  }
0x593: {  	_ = 	snop  }
.LBB2_21:
.Ltmp50:
0x594: {  	(pc) =	sbr.rel .LBB2_26-.Ltmp50, $2  }
0x595: {  	_ =	sdelay $0x2  }
0x596: {  	v38 =	vmovc v21;
	v36 =	vmov v22;
	v21 =	vmov v31;
	v22 =	vmov v30  }
.LBB2_38:
.Ltmp51:
0x597: {  	(pc) =	sbr.rel .LBB2_43-.Ltmp51, $2  }
0x598: {  	_ =	sdelay $0x2  }
0x599: {  	v27 =	vmovc v25;
	v34 =	vmov v21;
	v24 =	vmov v33;
	v21 =	vmov v32  }
.LBB2_55:
.Ltmp52:
0x59a: {  	(pc) =	sbr.rel .LBB2_60-.Ltmp52, $2  }
0x59b: {  	_ =	sdelay $0x2  }
0x59c: {  	v27 =	vmovc v25;
	v34 =	vmov v21;
	v24 =	vmov v33;
	v21 =	vmov v32  }
.LBB2_73:
.Ltmp53:
0x59d: {  	(pc) =	sbr.rel .LBB2_78-.Ltmp53, $2  }
0x59e: {  	_ =	sdelay $0x2  }
0x59f: {  	v38 =	vmovc v21;
	v36 =	vmov v22;
	v21 =	vmov v31;
	v22 =	vmov v30  }
.LBB2_23:
.Ltmp54:
0x5a0: {  	(pc) =	sbr.rel .LBB2_26-.Ltmp54, $3  }
0x5a1: {  	_ =	sdelay $0x1  }
0x5a2: {  	v35 =	vmovc v21;
	v37 =	vmovc v22;
	v39 =	vmov v25;
	v40 =	vmov v26;
	v38 =	vmov v31  }
0x5a3: {  	v21 =	vmovc v36;
	v36 =	vmovc v30;
	v22 =	vmov v34;
	v25 =	vmov v33;
	v26 =	vmov v32  }
.LBB2_40:
.Ltmp55:
0x5a4: {  	(pc) =	sbr.rel .LBB2_43-.Ltmp55, $3  }
0x5a5: {  	_ =	sdelay $0x1  }
0x5a6: {  	v35 =	vmov v22;
	v37 =	vmov v21  }
0x5a7: {  	v38 =	vmovc v23;
	v22 =	vmovc v34;
	v34 =	vmov v32;
	v21 =	vmov v36;
	v23 =	vmov v33  }
.LBB2_57:
.Ltmp56:
0x5a8: {  	(pc) =	sbr.rel .LBB2_60-.Ltmp56, $3  }
0x5a9: {  	_ =	sdelay $0x1  }
0x5aa: {  	v35 =	vmov v22;
	v37 =	vmov v21  }
0x5ab: {  	v38 =	vmovc v23;
	v22 =	vmovc v34;
	v34 =	vmov v32;
	v21 =	vmov v36;
	v23 =	vmov v33  }
.LBB2_75:
.Ltmp57:
0x5ac: {  	(pc) =	sbr.rel .LBB2_78-.Ltmp57, $3  }
0x5ad: {  	_ =	sdelay $0x1  }
0x5ae: {  	v35 =	vmovc v21;
	v37 =	vmovc v22;
	v39 =	vmov v25;
	v40 =	vmov v26;
	v38 =	vmov v31  }
0x5af: {  	v21 =	vmovc v36;
	v36 =	vmovc v30;
	v22 =	vmov v34;
	v25 =	vmov v33;
	v26 =	vmov v32  }
.LBB2_71:
0x5b0: {  	_ =	sfence.sel $0x180000  }
0x5b1: {  	[bflag:$0x0] =	sbarrier.arrive $0xFFFF  }
0x5b2: {  	_ =	strace $0x90000047  }
0x5b3: {  	s0 =	stileid.u32;
	[bflag:$0x2] =	sbarrier.arrive $0xFFFF  }
0x5b4: {  	p0 =	sne.s32 s0, $0x0;
	s0 =	rddreg [dreg:$0x4]  }
0x5b5: {  	s0 =	sadd.s32 @!p0 $0x100000, s0  }
0x5b6: {  	[sflag:s0] =	ssyncadd.tile.s32 @!p0 $0x1;
	_ =	shalt  }
.Lfunc_end2:
_tile_overlayer_lowered:
.L_overlay_start_2:
0x5b7: {  	(tag) =	ssettag $0x2  }
0x5b8: {  	s0 =	rddreg [dreg:$0x0];
	s2 =	stileid.u32  }
0x5b9: {  	s1 =	rddreg [dreg:$0x1];
	p0 =	sne.s32 s2, $0x0  }
0x5ba: {  	s3 =	rddreg [dreg:$0x2];
	[bflag:$0x3] =	sbarrier.arrive $0xFFFF;
	s2 =	simm.s32 @!p0 $0x1C01  }
0x5bb: {  	[timem:s3], [sflag:s2] =	dma.local @!p0 [hbm:s0], s1  }
0x5bc: {  	s0 =	simm.s32 @!p0 $0x1  }
0x5bd: {  	_ =	swait.ge @!p0 [sflag:s0], s1  }
0x5be: {  	s1 =	ssub.s32 @!p0 $0x0, s1;
	[sflag:s0] =	ssyncset.done @!p0 $0x0  }
0x5bf: {  	[sflag:s0] =	ssyncadd.s32 @!p0 s1  }
0x5c0: {  	[bflag:$0x3] =	sbarrier.arrive $0xFFFF  }
0x5c1: {  	_ =	shalt  }

</sc_bundles>
